<compile_context>
chip_gen: v7x
topology: tpu7x:2x2x1
jax: 0.10.2.dev20260603
libtpu: 0.0.44.dev20260713+nightly
codegen_flags: <defaults>
</compile_context>

<pallas_src>
import functools

import jax
import jax.numpy as jnp
from jax import lax
from jax.experimental import pallas as pl
from jax.experimental.pallas import tpu as pltpu
from jax.experimental.pallas import tpu_sc as plsc

N = 10000
E = 320000
NCL = 3

NC = 2
NS = 16
NW = NC * NS
CH = 128
NCH = 80
EPW = NCH * CH
HCH = NCH // 2
NP = 10240
RPT = NP // NS
ZR = 640

_mesh = plsc.VectorSubcoreMesh(core_axis_name="c", subcore_axis_name="s")


def _sc_worker_ids():
    cid = lax.axis_index("c")
    sid = lax.axis_index("s")
    wid = sid * NC + cid
    return cid, sid, wid


@functools.partial(
    pl.kernel,
    mesh=_mesh,
    out_type=jax.ShapeDtypeStruct((2 * NC * NP,), jnp.float32),
    scratch_types=[
        pltpu.VMEM_SHARED((NP,), jnp.float32),
        pltpu.VMEM((NCH, CH), jnp.int32),
        pltpu.VMEM((CH,), jnp.float32),
        pltpu.VMEM((RPT,), jnp.float32),
    ],
)
def _deg_kernel(dst1, dst2, out, acc, dall, ones_v, zeros_v):
    cid, sid, wid = _sc_worker_ids()
    rbase = sid * RPT
    for j in range(CH // 16):
        ones_v[pl.ds(j * 16, 16)] = jnp.full((16,), 1.0, jnp.float32)
    for j in range(RPT // 16):
        zeros_v[pl.ds(j * 16, 16)] = jnp.zeros((16,), jnp.float32)
    for v, dref in ((0, dst1), (1, dst2)):
        pltpu.sync_copy(zeros_v, acc.at[pl.ds(rbase, RPT)])
        pltpu.sync_copy(dref.at[wid], dall)
        plsc.subcore_barrier()

        def chunk(i, carry):
            pltpu.sync_copy(ones_v, acc.at[dall.at[i]], add=True)
            return carry

        lax.fori_loop(0, NCH, chunk, 0)
        plsc.subcore_barrier()
        pltpu.sync_copy(acc.at[pl.ds(rbase, RPT)],
                        out.at[pl.ds((v * NC + cid) * NP + rbase, RPT)])
        plsc.subcore_barrier()


def _make_seg_kernel(n_pass, view_of_pass):

    def body(*refs):
        ys = refs[:n_pass]
        srcs = refs[n_pass:n_pass + 2]
        dsts = refs[n_pass + 2:n_pass + 4]
        zeros_h = refs[n_pass + 4]
        out = refs[n_pass + 5]
        acc, sall, dall, rows0, rows1, sem0, sem1 = refs[n_pass + 6:]
        cid, sid, wid = _sc_worker_ids()
        rbase = sid * RPT
        pltpu.sync_copy(zeros_h, acc.at[pl.ds(rbase, RPT)])
        plsc.subcore_barrier()
        for p in range(n_pass):
            v = view_of_pass[p]
            yref = ys[p]

            for half in range(2):
                cbase = half * HCH
                pltpu.sync_copy(srcs[v].at[wid, pl.ds(cbase, HCH)], sall)
                pltpu.sync_copy(dsts[v].at[wid, pl.ds(cbase, HCH)], dall)

                pltpu.async_copy(yref.at[sall.at[0]], rows0, sem0)

                def pair(t, carry, yref=yref):
                    c0 = 2 * t
                    pltpu.async_copy(yref.at[sall.at[c0 + 1]], rows1, sem1)
                    pltpu.make_async_copy(yref.at[sall.at[c0]], rows0,
                                          sem0).wait()
                    pltpu.sync_copy(rows0, acc.at[dall.at[c0]], add=True)
                    pltpu.async_copy(yref.at[sall.at[c0 + 2]], rows0, sem0)
                    pltpu.make_async_copy(yref.at[sall.at[c0 + 1]], rows1,
                                          sem1).wait()
                    pltpu.sync_copy(rows1, acc.at[dall.at[c0 + 1]], add=True)
                    return carry

                lax.fori_loop(0, HCH // 2 - 1, pair, 0)
                cl = HCH - 2
                pltpu.async_copy(yref.at[sall.at[cl + 1]], rows1, sem1)
                pltpu.make_async_copy(yref.at[sall.at[cl]], rows0, sem0).wait()
                pltpu.sync_copy(rows0, acc.at[dall.at[cl]], add=True)
                pltpu.make_async_copy(yref.at[sall.at[cl + 1]], rows1,
                                      sem1).wait()
                pltpu.sync_copy(rows1, acc.at[dall.at[cl + 1]], add=True)

            plsc.subcore_barrier()
            pltpu.sync_copy(acc.at[pl.ds(rbase, RPT)],
                            out.at[p, cid, pl.ds(rbase, RPT)])
            if p < n_pass - 1:
                pltpu.sync_copy(zeros_h, acc.at[pl.ds(rbase, RPT)])
            plsc.subcore_barrier()

    return pl.kernel(
        body,
        mesh=_mesh,
        out_type=jax.ShapeDtypeStruct((n_pass, NC, NP, 128), jnp.float32),
        scratch_types=[
            pltpu.VMEM_SHARED((NP, 128), jnp.float32),
            pltpu.VMEM((HCH, CH), jnp.int32),
            pltpu.VMEM((HCH, CH), jnp.int32),
            pltpu.VMEM((CH, 128), jnp.float32),
            pltpu.VMEM((CH, 128), jnp.float32),
            pltpu.SemaphoreType.DMA,
            pltpu.SemaphoreType.DMA,
        ],
    )


_segL1 = _make_seg_kernel(2, (0, 0))
_segL2 = _make_seg_kernel(1, (0,))

BN = 2000
NB = N // BN


BNP = 1024


def _dinv_body(dp_ref, dinv_ref):
    deg = dp_ref[0, 0] + dp_ref[0, 1] + 1.0
    dinv_ref[0] = lax.rsqrt(deg)


def _tc_dinv(degpart):
    return pl.pallas_call(
        _dinv_body,
        grid=(2, NP // BNP),
        in_specs=[pl.BlockSpec((1, 2, BNP, 1), lambda v, i: (v, 0, i, 0))],
        out_specs=pl.BlockSpec((1, BNP, 1), lambda v, i: (v, i, 0)),
        out_shape=jax.ShapeDtypeStruct((2, NP, 1), jnp.float32),
    )(degpart)


def _k2_body(x_ref, dv_ref, w0_ref, y_ref):
    dinv = dv_ref[0]
    xw = jnp.dot(x_ref[0], w0_ref[...], preferred_element_type=jnp.float32)
    y = xw * dinv
    y_ref[0, 0] = y[:, :128]
    y_ref[0, 1] = y[:, 128:]


def _k4_body(seg_ref, y_ref, dv_ref, w1_ref, b0_ref, y2_ref):
    dinv = dv_ref[0]
    hs = []
    for h in range(2):
        s = seg_ref[h, 0] + seg_ref[h, 1] + y_ref[0, h]
        hs.append(jnp.maximum(dinv * s + b0_ref[h], 0.0))
    hcat = jnp.concatenate(hs, axis=1)
    y2 = jnp.dot(hcat, w1_ref[...], preferred_element_type=jnp.float32)
    y2_ref[0] = y2 * dinv


def _k6_body(seg_ref, y2_ref, dv_ref, b1_ref, wi1_ref, bi1_ref, wi2_ref,
             bi2_ref, wc1_ref, bc1_ref, wc2_ref, bc2_ref, zi_ref, cp_ref):
    dinv = dv_ref[0]
    s = seg_ref[0, 0] + seg_ref[0, 1] + y2_ref[0]
    z = jnp.maximum(dinv * s + b1_ref[...], 0.0)
    hi = jnp.maximum(
        jnp.dot(z, wi1_ref[...], preferred_element_type=jnp.float32)
        + bi1_ref[...], 0.0)
    zi = (jnp.dot(hi, wi2_ref[...], preferred_element_type=jnp.float32)
          + bi2_ref[...])
    nrm = jnp.sqrt(jnp.sum(zi * zi, axis=1, keepdims=True))
    zi_ref[0] = zi / jnp.maximum(nrm, 1e-12)
    hc = jnp.maximum(
        jnp.dot(z, wc1_ref[...], preferred_element_type=jnp.float32)
        + bc1_ref[...], 0.0)
    lg = (jnp.dot(hc, wc2_ref[...], preferred_element_type=jnp.float32)
          + bc2_ref[...])
    col = lax.broadcasted_iota(jnp.int32, lg.shape, 1)
    lg = jnp.where(col < NCL, lg, -1e30)
    m = jnp.max(lg, axis=1, keepdims=True)
    e = jnp.exp(lg - m)
    cp_ref[0] = e / jnp.sum(e, axis=1, keepdims=True)


def _tc_scale_matmul(x, dinv, W0):
    nv = x.shape[0]
    return pl.pallas_call(
        _k2_body,
        grid=(nv, NB),
        in_specs=[
            pl.BlockSpec((1, BN, 128), lambda v, i: (v, i, 0)),
            pl.BlockSpec((1, BN, 1), lambda v, i: (v, i, 0)),
            pl.BlockSpec((128, 256), lambda v, i: (0, 0)),
        ],
        out_specs=pl.BlockSpec((1, 2, BN, 128), lambda v, i: (v, 0, i, 0)),
        out_shape=jax.ShapeDtypeStruct((nv, 2, N, 128), jnp.float32),
    )(x, dinv, W0)


def _tc_layer2_in(seg1, y1, dinv, W1, b0r):
    nv = y1.shape[0]
    return pl.pallas_call(
        _k4_body,
        grid=(nv, NB),
        in_specs=[
            pl.BlockSpec((2, 2, BN, 128), lambda v, i: (v, 0, i, 0)),
            pl.BlockSpec((1, 2, BN, 128), lambda v, i: (v, 0, i, 0)),
            pl.BlockSpec((1, BN, 1), lambda v, i: (v, i, 0)),
            pl.BlockSpec((256, 128), lambda v, i: (0, 0)),
            pl.BlockSpec((2, 128), lambda v, i: (0, 0)),
        ],
        out_specs=pl.BlockSpec((1, BN, 128), lambda v, i: (v, i, 0)),
        out_shape=jax.ShapeDtypeStruct((nv, N, 128), jnp.float32),
    )(seg1, y1, dinv, W1, b0r)


def _tc_heads(seg2, y2, dinv, b1, Wi1, bi1, Wi2, bi2, Wc1, bc1, Wc2p, bc2p):
    nv = y2.shape[0]
    wspec = pl.BlockSpec((128, 128), lambda v, i: (0, 0))
    bspec = pl.BlockSpec((128,), lambda v, i: (0,))
    return pl.pallas_call(
        _k6_body,
        grid=(nv, NB),
        in_specs=[
            pl.BlockSpec((1, 2, BN, 128), lambda v, i: (v, 0, i, 0)),
            pl.BlockSpec((1, BN, 128), lambda v, i: (v, i, 0)),
            pl.BlockSpec((1, BN, 1), lambda v, i: (v, i, 0)),
            bspec, wspec, bspec, wspec, bspec, wspec, bspec, wspec, bspec,
        ],
        out_specs=[
            pl.BlockSpec((1, BN, 128), lambda v, i: (v, i, 0)),
            pl.BlockSpec((1, BN, 128), lambda v, i: (v, i, 0)),
        ],
        out_shape=[
            jax.ShapeDtypeStruct((nv, N, 128), jnp.float32),
            jax.ShapeDtypeStruct((nv, N, 128), jnp.float32),
        ],
    )(seg2, y2, dinv, b1, Wi1, bi1, Wi2, bi2, Wc1, bc1, Wc2p, bc2p)


def _prep_edges(edge_index):
    pad = NW * EPW - E
    pad_idx = jnp.arange(pad, dtype=jnp.int32)
    srcp = jnp.concatenate(
        [edge_index[0], pad_idx % N]).reshape(NW, NCH, CH)
    dstp = jnp.concatenate(
        [edge_index[1], N + pad_idx % (NP - N)]).reshape(NW, NCH, CH)
    return srcp, dstp


def kernel(x1, edge_index1, x2, edge_index2, W0, b0, W1, b1,
           Wi1, bi1, Wi2, bi2, Wc1, bc1, Wc2, bc2):
    src1, dst1 = _prep_edges(edge_index1)
    src2, dst2 = _prep_edges(edge_index2)
    zeros128 = jnp.zeros((ZR, 128), jnp.float32)

    degpart = _deg_kernel(dst1, dst2).reshape(2, NC, NP, 1)
    dinv = _tc_dinv(degpart)

    b0r = b0.reshape(2, 128)
    Wc2p = jnp.pad(Wc2, ((0, 0), (0, 128 - NCL)))
    bc2p = jnp.pad(bc2, (0, 128 - NCL))

    outs = []
    for v, (xv, sv, dv) in enumerate(((x1, src1, dst1), (x2, src2, dst2))):
        y1 = _tc_scale_matmul(xv[None], dinv[v:v + 1], W0)
        s1 = _segL1(y1[0, 0], y1[0, 1], sv, sv, dv, dv, zeros128)
        y2 = _tc_layer2_in(s1, y1, dinv[v:v + 1], W1, b0r)
        s2 = _segL2(y2[0], sv, sv, dv, dv, zeros128)
        zi, cp = _tc_heads(s2, y2, dinv[v:v + 1], b1, Wi1, bi1, Wi2, bi2,
                           Wc1, bc1, Wc2p, bc2p)
        outs.append((zi[0], cp[0, :, :NCL]))

    return (outs[0][0], outs[1][0], outs[0][1], outs[1][1])

# --- scband reference (transcript-rebuilt; emitter-appended) ---
"""Pipeline reference for scband-grace-50105088475331 (READ-ONLY COPY).

The authoritative reference and input builder live on the scoring server;
editing this copy changes nothing except your own understanding.
"""

import jax, jax.numpy as jnp
import numpy as np

N = 10000
E = 320000
D_IN = 128
D_HID = 256  # 2 * out_channels for first GCN layer
D_OUT = 128  # num_hidden
D_PROJ = 128  # num_proj_hidden
N_CLUSTER = 3


def setup_inputs(seed: int = 0) -> dict:
    key = jax.random.key(seed)
    ks = jax.random.split(key, 20)
    x1 = jax.random.normal(ks[0], (N, D_IN), dtype=jnp.float32)
    x2 = jax.random.normal(ks[1], (N, D_IN), dtype=jnp.float32)
    edge_index1 = jax.random.randint(ks[2], (2, E), 0, N, dtype=jnp.int32)
    edge_index2 = jax.random.randint(ks[3], (2, E), 0, N, dtype=jnp.int32)
    def lin(k, fin, fout):
        s = 1.0 / np.sqrt(fin)
        kw, kb = jax.random.split(k)
        W = jax.random.uniform(kw, (fin, fout), jnp.float32, -s, s)
        b = jax.random.uniform(kb, (fout,), jnp.float32, -s, s)
        return W, b
    W0, b0 = lin(ks[4], D_IN, D_HID)       # GCNConv(in, 2*out)
    W1, b1 = lin(ks[5], D_HID, D_OUT)      # GCNConv(2*out, out)
    Wi1, bi1 = lin(ks[6], D_OUT, D_OUT)    # instance_projector layer 1
    Wi2, bi2 = lin(ks[7], D_OUT, D_PROJ)   # instance_projector layer 2
    Wc1, bc1 = lin(ks[8], D_OUT, D_OUT)    # cluster_projector layer 1
    Wc2, bc2 = lin(ks[9], D_OUT, N_CLUSTER)  # cluster_projector layer 2
    return {
        'x1': x1, 'edge_index1': edge_index1,
        'x2': x2, 'edge_index2': edge_index2,
        'W0': W0, 'b0': b0, 'W1': W1, 'b1': b1,
        'Wi1': Wi1, 'bi1': bi1, 'Wi2': Wi2, 'bi2': bi2,
        'Wc1': Wc1, 'bc1': bc1, 'Wc2': Wc2, 'bc2': bc2,
    }


def gcn_conv(x, edge_index, W, b):
    # GCNConv with self-loops and symmetric normalization
    src = edge_index[0]
    dst = edge_index[1]
    sl = jnp.arange(N, dtype=src.dtype)
    src = jnp.concatenate([src, sl])
    dst = jnp.concatenate([dst, sl])
    deg = jnp.zeros((N,), x.dtype).at[dst].add(1.0)
    dinv = jnp.where(deg > 0, jax.lax.rsqrt(jnp.maximum(deg, 1e-12)), 0.0)
    norm = dinv[src] * dinv[dst]
    xw = x @ W
    msg = xw[src] * norm[:, None]
    out = jnp.zeros((N, W.shape[1]), x.dtype).at[dst].add(msg)
    return out + b


def encoder(x, edge_index, W0, b0, W1, b1):
    h = jax.nn.relu(gcn_conv(x, edge_index, W0, b0))
    h = jax.nn.relu(gcn_conv(h, edge_index, W1, b1))
    return h


def l2_normalize(v):
    n = jnp.linalg.norm(v, axis=1, keepdims=True)
    return v / jnp.maximum(n, 1e-12)


def reference(x1, edge_index1, x2, edge_index2, W0, b0, W1, b1,
              Wi1, bi1, Wi2, bi2, Wc1, bc1, Wc2, bc2):
    z1 = encoder(x1, edge_index1, W0, b0, W1, b1)
    z2 = encoder(x2, edge_index2, W0, b0, W1, b1)
    def inst(z):
        h = jax.nn.relu(z @ Wi1 + bi1)
        return h @ Wi2 + bi2
    def clus(z):
        h = jax.nn.relu(z @ Wc1 + bc1)
        return jax.nn.softmax(h @ Wc2 + bc2, axis=1)
    z_i = l2_normalize(inst(z1))
    z_j = l2_normalize(inst(z2))
    c_i = clus(z1)
    c_j = clus(z2)
    return (z_i, z_j, c_i, c_j)

if __name__ == "__main__":
    import jax
    _d = setup_inputs()
    print(jax.jit(kernel)(*tuple(_d.values())))

</pallas_src>

<mosaic_0001>
#map = affine_map<(d0, d1) -> (0, 0)>
#map1 = affine_map<(d0, d1) -> (0, 0, 0)>
#map2 = affine_map<(d0, d1) -> (0, 0, 0, 0)>
module attributes {stable_mosaic.version = 14 : i64} {
  func.func @body(%arg0: i32, %arg1: i32, %arg2: memref<10000x128xf32, #tpu.memory_space<hbm>>, %arg3: memref<10000x128xf32, #tpu.memory_space<hbm>>, %arg4: memref<32x80x128xi32, #tpu.memory_space<hbm>>, %arg5: memref<32x80x128xi32, #tpu.memory_space<hbm>>, %arg6: memref<32x80x128xi32, #tpu.memory_space<hbm>>, %arg7: memref<32x80x128xi32, #tpu.memory_space<hbm>>, %arg8: memref<640x128xf32, #tpu.memory_space<hbm>>, %arg9: memref<2x2x10240x128xf32, #tpu.memory_space<hbm>>, %arg10: memref<10240x128xf32, #tpu.memory_space<vmem_shared>>, %arg11: memref<40x128xi32, #tpu.memory_space<vmem>>, %arg12: memref<40x128xi32, #tpu.memory_space<vmem>>, %arg13: memref<128x128xf32, #tpu.memory_space<vmem>>, %arg14: memref<128x128xf32, #tpu.memory_space<vmem>>, %arg15: memref<!tpu.dma_semaphore, #tpu.memory_space<semaphore_mem>>, %arg16: memref<!tpu.dma_semaphore, #tpu.memory_space<semaphore_mem>>) attributes {dimension_semantics = [#tpu.dimension_semantics<core_parallel>, #tpu.dimension_semantics<subcore_parallel>], iteration_bounds = array<i64: 2, 16>, scalar_prefetch = 0 : i64, scratch_operands = 7 : i64, tpu.core_type = #tpu.core_type<sc_vector_subcore>, window_params = [{transform_indices = #map}, {transform_indices = #map}, {transform_indices = #map1}, {transform_indices = #map1}, {transform_indices = #map1}, {transform_indices = #map1}, {transform_indices = #map}, {transform_indices = #map2}]} {
    %mul3A = arith.constant 2 : i32
    %mul3A_0 = arith.muli %arg1, %mul3A : i32
    %add3A = arith.addi %mul3A_0, %arg0 : i32
    %mul3A_1 = arith.constant 640 : i32
    %mul3A_2 = arith.muli %arg1, %mul3A_1 : i32
    "tpu.region"() ({
      %run_scoped3A_149 = tpu.sem_alloc : memref<!tpu.dma_semaphore, #tpu.memory_space<semaphore_mem>>
      %dma_start3A_150 = arith.constant 0 : i32
      %dma_start3A_151 = tpu.memref_slice %arg10[%mul3A_2, %dma_start3A_150] : memref<10240x128xf32, #tpu.memory_space<vmem_shared>> -> memref<640x128xf32, #tpu.memory_space<vmem_shared>>
      tpu.enqueue_dma source(%arg8 : memref<640x128xf32, #tpu.memory_space<hbm>>) target(%dma_start3A_151 : memref<640x128xf32, #tpu.memory_space<vmem_shared>>) target_semaphore(%run_scoped3A_149 : memref<!tpu.dma_semaphore, #tpu.memory_space<semaphore_mem>>)
      %dma_wait3A_152 = arith.constant 0 : i32
      %dma_wait3A_153 = tpu.memref_slice %arg10[%mul3A_2, %dma_wait3A_152] : memref<10240x128xf32, #tpu.memory_space<vmem_shared>> -> memref<640x128xf32, #tpu.memory_space<vmem_shared>>
      tpu.wait_dma2 semaphore(%run_scoped3A_149 : memref<!tpu.dma_semaphore, #tpu.memory_space<semaphore_mem>>) src(%arg8 : memref<640x128xf32, #tpu.memory_space<hbm>>) dst(%dma_wait3A_153 : memref<640x128xf32, #tpu.memory_space<vmem_shared>>)
      tpu.yield
    }) : () -> ()
    %barrier3A = arith.constant 0 : index
    tpu.barrier barrier_id(%barrier3A)
    "tpu.region"() ({
      %run_scoped3A_149 = tpu.sem_alloc : memref<!tpu.dma_semaphore, #tpu.memory_space<semaphore_mem>>
      %dma_start3A_150 = arith.constant 0 : i32
      %dma_start3A_151 = arith.constant 0 : i32
      %dma_start3A_152 = tpu.memref_slice %arg4[%add3A, %dma_start3A_150, %dma_start3A_151] : memref<32x80x128xi32, #tpu.memory_space<hbm>> -> memref<1x40x128xi32, #tpu.memory_space<hbm>>
      %dma_start3A_153 = tpu.memref_squeeze %dma_start3A_152 : memref<1x40x128xi32, #tpu.memory_space<hbm>> -> memref<40x128xi32, #tpu.memory_space<hbm>>
      %dma_start3A_154 = arith.constant 0 : i32
      %dma_start3A_155 = arith.constant 0 : i32
      %dma_start3A_156 = tpu.memref_slice %arg4[%add3A, %dma_start3A_154, %dma_start3A_155] : memref<32x80x128xi32, #tpu.memory_space<hbm>> -> memref<1x40x128xi32, #tpu.memory_space<hbm>>
      %dma_start3A_157 = tpu.memref_squeeze %dma_start3A_156 : memref<1x40x128xi32, #tpu.memory_space<hbm>> -> memref<40x128xi32, #tpu.memory_space<hbm>>
      tpu.enqueue_dma source(%dma_start3A_157 : memref<40x128xi32, #tpu.memory_space<hbm>>) target(%arg11 : memref<40x128xi32, #tpu.memory_space<vmem>>) target_semaphore(%run_scoped3A_149 : memref<!tpu.dma_semaphore, #tpu.memory_space<semaphore_mem>>)
      %dma_wait3A_158 = arith.constant 0 : i32
      %dma_wait3A_159 = arith.constant 0 : i32
      %dma_wait3A_160 = tpu.memref_slice %arg4[%add3A, %dma_wait3A_158, %dma_wait3A_159] : memref<32x80x128xi32, #tpu.memory_space<hbm>> -> memref<1x40x128xi32, #tpu.memory_space<hbm>>
      %dma_wait3A_161 = tpu.memref_squeeze %dma_wait3A_160 : memref<1x40x128xi32, #tpu.memory_space<hbm>> -> memref<40x128xi32, #tpu.memory_space<hbm>>
      %dma_wait3A_162 = arith.constant 0 : i32
      %dma_wait3A_163 = arith.constant 0 : i32
      %dma_wait3A_164 = tpu.memref_slice %arg4[%add3A, %dma_wait3A_162, %dma_wait3A_163] : memref<32x80x128xi32, #tpu.memory_space<hbm>> -> memref<1x40x128xi32, #tpu.memory_space<hbm>>
      %dma_wait3A_165 = tpu.memref_squeeze %dma_wait3A_164 : memref<1x40x128xi32, #tpu.memory_space<hbm>> -> memref<40x128xi32, #tpu.memory_space<hbm>>
      tpu.wait_dma2 semaphore(%run_scoped3A_149 : memref<!tpu.dma_semaphore, #tpu.memory_space<semaphore_mem>>) src(%dma_wait3A_165 : memref<40x128xi32, #tpu.memory_space<hbm>>) dst(%arg11 : memref<40x128xi32, #tpu.memory_space<vmem>>)
      tpu.yield
    }) : () -> ()
    "tpu.region"() ({
      %run_scoped3A_149 = tpu.sem_alloc : memref<!tpu.dma_semaphore, #tpu.memory_space<semaphore_mem>>
      %dma_start3A_150 = arith.constant 0 : i32
      %dma_start3A_151 = arith.constant 0 : i32
      %dma_start3A_152 = tpu.memref_slice %arg6[%add3A, %dma_start3A_150, %dma_start3A_151] : memref<32x80x128xi32, #tpu.memory_space<hbm>> -> memref<1x40x128xi32, #tpu.memory_space<hbm>>
      %dma_start3A_153 = tpu.memref_squeeze %dma_start3A_152 : memref<1x40x128xi32, #tpu.memory_space<hbm>> -> memref<40x128xi32, #tpu.memory_space<hbm>>
      %dma_start3A_154 = arith.constant 0 : i32
      %dma_start3A_155 = arith.constant 0 : i32
      %dma_start3A_156 = tpu.memref_slice %arg6[%add3A, %dma_start3A_154, %dma_start3A_155] : memref<32x80x128xi32, #tpu.memory_space<hbm>> -> memref<1x40x128xi32, #tpu.memory_space<hbm>>
      %dma_start3A_157 = tpu.memref_squeeze %dma_start3A_156 : memref<1x40x128xi32, #tpu.memory_space<hbm>> -> memref<40x128xi32, #tpu.memory_space<hbm>>
      tpu.enqueue_dma source(%dma_start3A_157 : memref<40x128xi32, #tpu.memory_space<hbm>>) target(%arg12 : memref<40x128xi32, #tpu.memory_space<vmem>>) target_semaphore(%run_scoped3A_149 : memref<!tpu.dma_semaphore, #tpu.memory_space<semaphore_mem>>)
      %dma_wait3A_158 = arith.constant 0 : i32
      %dma_wait3A_159 = arith.constant 0 : i32
      %dma_wait3A_160 = tpu.memref_slice %arg6[%add3A, %dma_wait3A_158, %dma_wait3A_159] : memref<32x80x128xi32, #tpu.memory_space<hbm>> -> memref<1x40x128xi32, #tpu.memory_space<hbm>>
      %dma_wait3A_161 = tpu.memref_squeeze %dma_wait3A_160 : memref<1x40x128xi32, #tpu.memory_space<hbm>> -> memref<40x128xi32, #tpu.memory_space<hbm>>
      %dma_wait3A_162 = arith.constant 0 : i32
      %dma_wait3A_163 = arith.constant 0 : i32
      %dma_wait3A_164 = tpu.memref_slice %arg6[%add3A, %dma_wait3A_162, %dma_wait3A_163] : memref<32x80x128xi32, #tpu.memory_space<hbm>> -> memref<1x40x128xi32, #tpu.memory_space<hbm>>
      %dma_wait3A_165 = tpu.memref_squeeze %dma_wait3A_164 : memref<1x40x128xi32, #tpu.memory_space<hbm>> -> memref<40x128xi32, #tpu.memory_space<hbm>>
      tpu.wait_dma2 semaphore(%run_scoped3A_149 : memref<!tpu.dma_semaphore, #tpu.memory_space<semaphore_mem>>) src(%dma_wait3A_165 : memref<40x128xi32, #tpu.memory_space<hbm>>) dst(%arg12 : memref<40x128xi32, #tpu.memory_space<vmem>>)
      tpu.yield
    }) : () -> ()
    %dma_start3A = arith.constant 0 : i32
    %dma_start3A_3 = arith.constant 0 : i32
    %dma_start3A_4 = tpu.memref_slice %arg11[%dma_start3A, %dma_start3A_3] : memref<40x128xi32, #tpu.memory_space<vmem>> -> memref<1x128xi32, #tpu.memory_space<vmem>>
    %dma_start3A_5 = tpu.memref_squeeze %dma_start3A_4 : memref<1x128xi32, #tpu.memory_space<vmem>> -> memref<128xi32, #tpu.memory_space<vmem>>
    %dma_start3A_6 = arith.constant 0 : i32
    %dma_start3A_7 = arith.constant 0 : i32
    %dma_start3A_8 = tpu.memref_slice %arg2[%dma_start3A_6, %dma_start3A_7] : memref<10000x128xf32, #tpu.memory_space<hbm>> -> memref<10000x128xf32, #tpu.memory_space<hbm>>
    tpu.enqueue_indirect_dma source(%dma_start3A_8 : memref<10000x128xf32, #tpu.memory_space<hbm>>) target(%arg13 : memref<128x128xf32, #tpu.memory_space<vmem>>) offsets(%dma_start3A_5 : memref<128xi32, #tpu.memory_space<vmem>>) semaphore(%arg15 : memref<!tpu.dma_semaphore, #tpu.memory_space<semaphore_mem>>)
    %scan3A = arith.constant 0 : i32
    %scan3A_9 = arith.constant 0 : i32
    %scan3A_10 = arith.constant 19 : i32
    %scan3A_11 = arith.addi %scan3A_9, %scan3A_10 : i32
    %scan3A_12 = arith.constant 1 : i32
    scf.for %scan3A_149 = %scan3A_9 to %scan3A_11 step %scan3A_12  : i32 {
      %mul3A_150 = arith.constant 2 : i32
      %mul3A_151 = arith.muli %mul3A_150, %scan3A_149 : i32
      %add3A_152 = arith.constant 1 : i32
      %add3A_153 = arith.addi %mul3A_151, %add3A_152 : i32
      %dma_start3A_154 = arith.constant 0 : i32
      %dma_start3A_155 = tpu.memref_slice %arg11[%add3A_153, %dma_start3A_154] : memref<40x128xi32, #tpu.memory_space<vmem>> -> memref<1x128xi32, #tpu.memory_space<vmem>>
      %dma_start3A_156 = tpu.memref_squeeze %dma_start3A_155 : memref<1x128xi32, #tpu.memory_space<vmem>> -> memref<128xi32, #tpu.memory_space<vmem>>
      %dma_start3A_157 = arith.constant 0 : i32
      %dma_start3A_158 = arith.constant 0 : i32
      %dma_start3A_159 = tpu.memref_slice %arg2[%dma_start3A_157, %dma_start3A_158] : memref<10000x128xf32, #tpu.memory_space<hbm>> -> memref<10000x128xf32, #tpu.memory_space<hbm>>
      tpu.enqueue_indirect_dma source(%dma_start3A_159 : memref<10000x128xf32, #tpu.memory_space<hbm>>) target(%arg14 : memref<128x128xf32, #tpu.memory_space<vmem>>) offsets(%dma_start3A_156 : memref<128xi32, #tpu.memory_space<vmem>>) semaphore(%arg16 : memref<!tpu.dma_semaphore, #tpu.memory_space<semaphore_mem>>)
      %dma_wait3A_160 = arith.constant 0 : i32
      %dma_wait3A_161 = tpu.memref_slice %arg11[%mul3A_151, %dma_wait3A_160] : memref<40x128xi32, #tpu.memory_space<vmem>> -> memref<1x128xi32, #tpu.memory_space<vmem>>
      %dma_wait3A_162 = tpu.memref_squeeze %dma_wait3A_161 : memref<1x128xi32, #tpu.memory_space<vmem>> -> memref<128xi32, #tpu.memory_space<vmem>>
      %dma_wait3A_163 = arith.constant 0 : i32
      %dma_wait3A_164 = arith.constant 0 : i32
      %dma_wait3A_165 = tpu.memref_slice %arg2[%dma_wait3A_163, %dma_wait3A_164] : memref<10000x128xf32, #tpu.memory_space<hbm>> -> memref<10000x128xf32, #tpu.memory_space<hbm>>
      tpu.wait_indirect_dma semaphore(%arg15 : memref<!tpu.dma_semaphore, #tpu.memory_space<semaphore_mem>>) src(%dma_wait3A_165 : memref<10000x128xf32, #tpu.memory_space<hbm>>) dst(%arg13 : memref<128x128xf32, #tpu.memory_space<vmem>>)
      "tpu.region"() ({
        %run_scoped3A_184 = tpu.sem_alloc : memref<!tpu.dma_semaphore, #tpu.memory_space<semaphore_mem>>
        %dma_start3A_185 = arith.constant 0 : i32
        %dma_start3A_186 = tpu.memref_slice %arg12[%mul3A_151, %dma_start3A_185] : memref<40x128xi32, #tpu.memory_space<vmem>> -> memref<1x128xi32, #tpu.memory_space<vmem>>
        %dma_start3A_187 = tpu.memref_squeeze %dma_start3A_186 : memref<1x128xi32, #tpu.memory_space<vmem>> -> memref<128xi32, #tpu.memory_space<vmem>>
        %dma_start3A_188 = arith.constant 0 : i32
        %dma_start3A_189 = arith.constant 0 : i32
        %dma_start3A_190 = tpu.memref_slice %arg10[%dma_start3A_188, %dma_start3A_189] : memref<10240x128xf32, #tpu.memory_space<vmem_shared>> -> memref<10240x128xf32, #tpu.memory_space<vmem_shared>>
        tpu.enqueue_indirect_dma source(%arg13 : memref<128x128xf32, #tpu.memory_space<vmem>>) target(%dma_start3A_190 : memref<10240x128xf32, #tpu.memory_space<vmem_shared>>) offsets(%dma_start3A_187 : memref<128xi32, #tpu.memory_space<vmem>>) semaphore(%run_scoped3A_184 : memref<!tpu.dma_semaphore, #tpu.memory_space<semaphore_mem>>) {add = true}
        %dma_wait3A_191 = arith.constant 0 : i32
        %dma_wait3A_192 = tpu.memref_slice %arg12[%mul3A_151, %dma_wait3A_191] : memref<40x128xi32, #tpu.memory_space<vmem>> -> memref<1x128xi32, #tpu.memory_space<vmem>>
        %dma_wait3A_193 = tpu.memref_squeeze %dma_wait3A_192 : memref<1x128xi32, #tpu.memory_space<vmem>> -> memref<128xi32, #tpu.memory_space<vmem>>
        %dma_wait3A_194 = arith.constant 0 : i32
        %dma_wait3A_195 = arith.constant 0 : i32
        %dma_wait3A_196 = tpu.memref_slice %arg10[%dma_wait3A_194, %dma_wait3A_195] : memref<10240x128xf32, #tpu.memory_space<vmem_shared>> -> memref<10240x128xf32, #tpu.memory_space<vmem_shared>>
        tpu.wait_indirect_dma semaphore(%run_scoped3A_184 : memref<!tpu.dma_semaphore, #tpu.memory_space<semaphore_mem>>) src(%arg13 : memref<128x128xf32, #tpu.memory_space<vmem>>) dst(%dma_wait3A_196 : memref<10240x128xf32, #tpu.memory_space<vmem_shared>>)
        tpu.yield
      }) : () -> ()
      %add3A_166 = arith.constant 2 : i32
      %add3A_167 = arith.addi %mul3A_151, %add3A_166 : i32
      %dma_start3A_168 = arith.constant 0 : i32
      %dma_start3A_169 = tpu.memref_slice %arg11[%add3A_167, %dma_start3A_168] : memref<40x128xi32, #tpu.memory_space<vmem>> -> memref<1x128xi32, #tpu.memory_space<vmem>>
      %dma_start3A_170 = tpu.memref_squeeze %dma_start3A_169 : memref<1x128xi32, #tpu.memory_space<vmem>> -> memref<128xi32, #tpu.memory_space<vmem>>
      %dma_start3A_171 = arith.constant 0 : i32
      %dma_start3A_172 = arith.constant 0 : i32
      %dma_start3A_173 = tpu.memref_slice %arg2[%dma_start3A_171, %dma_start3A_172] : memref<10000x128xf32, #tpu.memory_space<hbm>> -> memref<10000x128xf32, #tpu.memory_space<hbm>>
      tpu.enqueue_indirect_dma source(%dma_start3A_173 : memref<10000x128xf32, #tpu.memory_space<hbm>>) target(%arg13 : memref<128x128xf32, #tpu.memory_space<vmem>>) offsets(%dma_start3A_170 : memref<128xi32, #tpu.memory_space<vmem>>) semaphore(%arg15 : memref<!tpu.dma_semaphore, #tpu.memory_space<semaphore_mem>>)
      %add3A_174 = arith.constant 1 : i32
      %add3A_175 = arith.addi %mul3A_151, %add3A_174 : i32
      %dma_wait3A_176 = arith.constant 0 : i32
      %dma_wait3A_177 = tpu.memref_slice %arg11[%add3A_175, %dma_wait3A_176] : memref<40x128xi32, #tpu.memory_space<vmem>> -> memref<1x128xi32, #tpu.memory_space<vmem>>
      %dma_wait3A_178 = tpu.memref_squeeze %dma_wait3A_177 : memref<1x128xi32, #tpu.memory_space<vmem>> -> memref<128xi32, #tpu.memory_space<vmem>>
      %dma_wait3A_179 = arith.constant 0 : i32
      %dma_wait3A_180 = arith.constant 0 : i32
      %dma_wait3A_181 = tpu.memref_slice %arg2[%dma_wait3A_179, %dma_wait3A_180] : memref<10000x128xf32, #tpu.memory_space<hbm>> -> memref<10000x128xf32, #tpu.memory_space<hbm>>
      tpu.wait_indirect_dma semaphore(%arg16 : memref<!tpu.dma_semaphore, #tpu.memory_space<semaphore_mem>>) src(%dma_wait3A_181 : memref<10000x128xf32, #tpu.memory_space<hbm>>) dst(%arg14 : memref<128x128xf32, #tpu.memory_space<vmem>>)
      %add3A_182 = arith.constant 1 : i32
      %add3A_183 = arith.addi %mul3A_151, %add3A_182 : i32
      "tpu.region"() ({
        %run_scoped3A_184 = tpu.sem_alloc : memref<!tpu.dma_semaphore, #tpu.memory_space<semaphore_mem>>
        %dma_start3A_185 = arith.constant 0 : i32
        %dma_start3A_186 = tpu.memref_slice %arg12[%add3A_183, %dma_start3A_185] : memref<40x128xi32, #tpu.memory_space<vmem>> -> memref<1x128xi32, #tpu.memory_space<vmem>>
        %dma_start3A_187 = tpu.memref_squeeze %dma_start3A_186 : memref<1x128xi32, #tpu.memory_space<vmem>> -> memref<128xi32, #tpu.memory_space<vmem>>
        %dma_start3A_188 = arith.constant 0 : i32
        %dma_start3A_189 = arith.constant 0 : i32
        %dma_start3A_190 = tpu.memref_slice %arg10[%dma_start3A_188, %dma_start3A_189] : memref<10240x128xf32, #tpu.memory_space<vmem_shared>> -> memref<10240x128xf32, #tpu.memory_space<vmem_shared>>
        tpu.enqueue_indirect_dma source(%arg14 : memref<128x128xf32, #tpu.memory_space<vmem>>) target(%dma_start3A_190 : memref<10240x128xf32, #tpu.memory_space<vmem_shared>>) offsets(%dma_start3A_187 : memref<128xi32, #tpu.memory_space<vmem>>) semaphore(%run_scoped3A_184 : memref<!tpu.dma_semaphore, #tpu.memory_space<semaphore_mem>>) {add = true}
        %dma_wait3A_191 = arith.constant 0 : i32
        %dma_wait3A_192 = tpu.memref_slice %arg12[%add3A_183, %dma_wait3A_191] : memref<40x128xi32, #tpu.memory_space<vmem>> -> memref<1x128xi32, #tpu.memory_space<vmem>>
        %dma_wait3A_193 = tpu.memref_squeeze %dma_wait3A_192 : memref<1x128xi32, #tpu.memory_space<vmem>> -> memref<128xi32, #tpu.memory_space<vmem>>
        %dma_wait3A_194 = arith.constant 0 : i32
        %dma_wait3A_195 = arith.constant 0 : i32
        %dma_wait3A_196 = tpu.memref_slice %arg10[%dma_wait3A_194, %dma_wait3A_195] : memref<10240x128xf32, #tpu.memory_space<vmem_shared>> -> memref<10240x128xf32, #tpu.memory_space<vmem_shared>>
        tpu.wait_indirect_dma semaphore(%run_scoped3A_184 : memref<!tpu.dma_semaphore, #tpu.memory_space<semaphore_mem>>) src(%arg14 : memref<128x128xf32, #tpu.memory_space<vmem>>) dst(%dma_wait3A_196 : memref<10240x128xf32, #tpu.memory_space<vmem_shared>>)
        tpu.yield
      }) : () -> ()
    }
    %scan3A_13 = arith.constant 19 : i32
    %dma_start3A_14 = arith.constant 39 : i32
    %dma_start3A_15 = arith.constant 0 : i32
    %dma_start3A_16 = tpu.memref_slice %arg11[%dma_start3A_14, %dma_start3A_15] : memref<40x128xi32, #tpu.memory_space<vmem>> -> memref<1x128xi32, #tpu.memory_space<vmem>>
    %dma_start3A_17 = tpu.memref_squeeze %dma_start3A_16 : memref<1x128xi32, #tpu.memory_space<vmem>> -> memref<128xi32, #tpu.memory_space<vmem>>
    %dma_start3A_18 = arith.constant 0 : i32
    %dma_start3A_19 = arith.constant 0 : i32
    %dma_start3A_20 = tpu.memref_slice %arg2[%dma_start3A_18, %dma_start3A_19] : memref<10000x128xf32, #tpu.memory_space<hbm>> -> memref<10000x128xf32, #tpu.memory_space<hbm>>
    tpu.enqueue_indirect_dma source(%dma_start3A_20 : memref<10000x128xf32, #tpu.memory_space<hbm>>) target(%arg14 : memref<128x128xf32, #tpu.memory_space<vmem>>) offsets(%dma_start3A_17 : memref<128xi32, #tpu.memory_space<vmem>>) semaphore(%arg16 : memref<!tpu.dma_semaphore, #tpu.memory_space<semaphore_mem>>)
    %dma_wait3A = arith.constant 38 : i32
    %dma_wait3A_21 = arith.constant 0 : i32
    %dma_wait3A_22 = tpu.memref_slice %arg11[%dma_wait3A, %dma_wait3A_21] : memref<40x128xi32, #tpu.memory_space<vmem>> -> memref<1x128xi32, #tpu.memory_space<vmem>>
    %dma_wait3A_23 = tpu.memref_squeeze %dma_wait3A_22 : memref<1x128xi32, #tpu.memory_space<vmem>> -> memref<128xi32, #tpu.memory_space<vmem>>
    %dma_wait3A_24 = arith.constant 0 : i32
    %dma_wait3A_25 = arith.constant 0 : i32
    %dma_wait3A_26 = tpu.memref_slice %arg2[%dma_wait3A_24, %dma_wait3A_25] : memref<10000x128xf32, #tpu.memory_space<hbm>> -> memref<10000x128xf32, #tpu.memory_space<hbm>>
    tpu.wait_indirect_dma semaphore(%arg15 : memref<!tpu.dma_semaphore, #tpu.memory_space<semaphore_mem>>) src(%dma_wait3A_26 : memref<10000x128xf32, #tpu.memory_space<hbm>>) dst(%arg13 : memref<128x128xf32, #tpu.memory_space<vmem>>)
    %run_scoped3A = arith.constant 38 : i32
    "tpu.region"() ({
      %run_scoped3A_149 = tpu.sem_alloc : memref<!tpu.dma_semaphore, #tpu.memory_space<semaphore_mem>>
      %dma_start3A_150 = arith.constant 0 : i32
      %dma_start3A_151 = tpu.memref_slice %arg12[%run_scoped3A, %dma_start3A_150] : memref<40x128xi32, #tpu.memory_space<vmem>> -> memref<1x128xi32, #tpu.memory_space<vmem>>
      %dma_start3A_152 = tpu.memref_squeeze %dma_start3A_151 : memref<1x128xi32, #tpu.memory_space<vmem>> -> memref<128xi32, #tpu.memory_space<vmem>>
      %dma_start3A_153 = arith.constant 0 : i32
      %dma_start3A_154 = arith.constant 0 : i32
      %dma_start3A_155 = tpu.memref_slice %arg10[%dma_start3A_153, %dma_start3A_154] : memref<10240x128xf32, #tpu.memory_space<vmem_shared>> -> memref<10240x128xf32, #tpu.memory_space<vmem_shared>>
      tpu.enqueue_indirect_dma source(%arg13 : memref<128x128xf32, #tpu.memory_space<vmem>>) target(%dma_start3A_155 : memref<10240x128xf32, #tpu.memory_space<vmem_shared>>) offsets(%dma_start3A_152 : memref<128xi32, #tpu.memory_space<vmem>>) semaphore(%run_scoped3A_149 : memref<!tpu.dma_semaphore, #tpu.memory_space<semaphore_mem>>) {add = true}
      %dma_wait3A_156 = arith.constant 0 : i32
      %dma_wait3A_157 = tpu.memref_slice %arg12[%run_scoped3A, %dma_wait3A_156] : memref<40x128xi32, #tpu.memory_space<vmem>> -> memref<1x128xi32, #tpu.memory_space<vmem>>
      %dma_wait3A_158 = tpu.memref_squeeze %dma_wait3A_157 : memref<1x128xi32, #tpu.memory_space<vmem>> -> memref<128xi32, #tpu.memory_space<vmem>>
      %dma_wait3A_159 = arith.constant 0 : i32
      %dma_wait3A_160 = arith.constant 0 : i32
      %dma_wait3A_161 = tpu.memref_slice %arg10[%dma_wait3A_159, %dma_wait3A_160] : memref<10240x128xf32, #tpu.memory_space<vmem_shared>> -> memref<10240x128xf32, #tpu.memory_space<vmem_shared>>
      tpu.wait_indirect_dma semaphore(%run_scoped3A_149 : memref<!tpu.dma_semaphore, #tpu.memory_space<semaphore_mem>>) src(%arg13 : memref<128x128xf32, #tpu.memory_space<vmem>>) dst(%dma_wait3A_161 : memref<10240x128xf32, #tpu.memory_space<vmem_shared>>)
      tpu.yield
    }) : () -> ()
    %dma_wait3A_27 = arith.constant 39 : i32
    %dma_wait3A_28 = arith.constant 0 : i32
    %dma_wait3A_29 = tpu.memref_slice %arg11[%dma_wait3A_27, %dma_wait3A_28] : memref<40x128xi32, #tpu.memory_space<vmem>> -> memref<1x128xi32, #tpu.memory_space<vmem>>
    %dma_wait3A_30 = tpu.memref_squeeze %dma_wait3A_29 : memref<1x128xi32, #tpu.memory_space<vmem>> -> memref<128xi32, #tpu.memory_space<vmem>>
    %dma_wait3A_31 = arith.constant 0 : i32
    %dma_wait3A_32 = arith.constant 0 : i32
    %dma_wait3A_33 = tpu.memref_slice %arg2[%dma_wait3A_31, %dma_wait3A_32] : memref<10000x128xf32, #tpu.memory_space<hbm>> -> memref<10000x128xf32, #tpu.memory_space<hbm>>
    tpu.wait_indirect_dma semaphore(%arg16 : memref<!tpu.dma_semaphore, #tpu.memory_space<semaphore_mem>>) src(%dma_wait3A_33 : memref<10000x128xf32, #tpu.memory_space<hbm>>) dst(%arg14 : memref<128x128xf32, #tpu.memory_space<vmem>>)
    %run_scoped3A_34 = arith.constant 39 : i32
    "tpu.region"() ({
      %run_scoped3A_149 = tpu.sem_alloc : memref<!tpu.dma_semaphore, #tpu.memory_space<semaphore_mem>>
      %dma_start3A_150 = arith.constant 0 : i32
      %dma_start3A_151 = tpu.memref_slice %arg12[%run_scoped3A_34, %dma_start3A_150] : memref<40x128xi32, #tpu.memory_space<vmem>> -> memref<1x128xi32, #tpu.memory_space<vmem>>
      %dma_start3A_152 = tpu.memref_squeeze %dma_start3A_151 : memref<1x128xi32, #tpu.memory_space<vmem>> -> memref<128xi32, #tpu.memory_space<vmem>>
      %dma_start3A_153 = arith.constant 0 : i32
      %dma_start3A_154 = arith.constant 0 : i32
      %dma_start3A_155 = tpu.memref_slice %arg10[%dma_start3A_153, %dma_start3A_154] : memref<10240x128xf32, #tpu.memory_space<vmem_shared>> -> memref<10240x128xf32, #tpu.memory_space<vmem_shared>>
      tpu.enqueue_indirect_dma source(%arg14 : memref<128x128xf32, #tpu.memory_space<vmem>>) target(%dma_start3A_155 : memref<10240x128xf32, #tpu.memory_space<vmem_shared>>) offsets(%dma_start3A_152 : memref<128xi32, #tpu.memory_space<vmem>>) semaphore(%run_scoped3A_149 : memref<!tpu.dma_semaphore, #tpu.memory_space<semaphore_mem>>) {add = true}
      %dma_wait3A_156 = arith.constant 0 : i32
      %dma_wait3A_157 = tpu.memref_slice %arg12[%run_scoped3A_34, %dma_wait3A_156] : memref<40x128xi32, #tpu.memory_space<vmem>> -> memref<1x128xi32, #tpu.memory_space<vmem>>
      %dma_wait3A_158 = tpu.memref_squeeze %dma_wait3A_157 : memref<1x128xi32, #tpu.memory_space<vmem>> -> memref<128xi32, #tpu.memory_space<vmem>>
      %dma_wait3A_159 = arith.constant 0 : i32
      %dma_wait3A_160 = arith.constant 0 : i32
      %dma_wait3A_161 = tpu.memref_slice %arg10[%dma_wait3A_159, %dma_wait3A_160] : memref<10240x128xf32, #tpu.memory_space<vmem_shared>> -> memref<10240x128xf32, #tpu.memory_space<vmem_shared>>
      tpu.wait_indirect_dma semaphore(%run_scoped3A_149 : memref<!tpu.dma_semaphore, #tpu.memory_space<semaphore_mem>>) src(%arg14 : memref<128x128xf32, #tpu.memory_space<vmem>>) dst(%dma_wait3A_161 : memref<10240x128xf32, #tpu.memory_space<vmem_shared>>)
      tpu.yield
    }) : () -> ()
    "tpu.region"() ({
      %run_scoped3A_149 = tpu.sem_alloc : memref<!tpu.dma_semaphore, #tpu.memory_space<semaphore_mem>>
      %dma_start3A_150 = arith.constant 40 : i32
      %dma_start3A_151 = arith.constant 0 : i32
      %dma_start3A_152 = tpu.memref_slice %arg4[%add3A, %dma_start3A_150, %dma_start3A_151] : memref<32x80x128xi32, #tpu.memory_space<hbm>> -> memref<1x40x128xi32, #tpu.memory_space<hbm>>
      %dma_start3A_153 = tpu.memref_squeeze %dma_start3A_152 : memref<1x40x128xi32, #tpu.memory_space<hbm>> -> memref<40x128xi32, #tpu.memory_space<hbm>>
      %dma_start3A_154 = arith.constant 40 : i32
      %dma_start3A_155 = arith.constant 0 : i32
      %dma_start3A_156 = tpu.memref_slice %arg4[%add3A, %dma_start3A_154, %dma_start3A_155] : memref<32x80x128xi32, #tpu.memory_space<hbm>> -> memref<1x40x128xi32, #tpu.memory_space<hbm>>
      %dma_start3A_157 = tpu.memref_squeeze %dma_start3A_156 : memref<1x40x128xi32, #tpu.memory_space<hbm>> -> memref<40x128xi32, #tpu.memory_space<hbm>>
      tpu.enqueue_dma source(%dma_start3A_157 : memref<40x128xi32, #tpu.memory_space<hbm>>) target(%arg11 : memref<40x128xi32, #tpu.memory_space<vmem>>) target_semaphore(%run_scoped3A_149 : memref<!tpu.dma_semaphore, #tpu.memory_space<semaphore_mem>>)
      %dma_wait3A_158 = arith.constant 40 : i32
      %dma_wait3A_159 = arith.constant 0 : i32
      %dma_wait3A_160 = tpu.memref_slice %arg4[%add3A, %dma_wait3A_158, %dma_wait3A_159] : memref<32x80x128xi32, #tpu.memory_space<hbm>> -> memref<1x40x128xi32, #tpu.memory_space<hbm>>
      %dma_wait3A_161 = tpu.memref_squeeze %dma_wait3A_160 : memref<1x40x128xi32, #tpu.memory_space<hbm>> -> memref<40x128xi32, #tpu.memory_space<hbm>>
      %dma_wait3A_162 = arith.constant 40 : i32
      %dma_wait3A_163 = arith.constant 0 : i32
      %dma_wait3A_164 = tpu.memref_slice %arg4[%add3A, %dma_wait3A_162, %dma_wait3A_163] : memref<32x80x128xi32, #tpu.memory_space<hbm>> -> memref<1x40x128xi32, #tpu.memory_space<hbm>>
      %dma_wait3A_165 = tpu.memref_squeeze %dma_wait3A_164 : memref<1x40x128xi32, #tpu.memory_space<hbm>> -> memref<40x128xi32, #tpu.memory_space<hbm>>
      tpu.wait_dma2 semaphore(%run_scoped3A_149 : memref<!tpu.dma_semaphore, #tpu.memory_space<semaphore_mem>>) src(%dma_wait3A_165 : memref<40x128xi32, #tpu.memory_space<hbm>>) dst(%arg11 : memref<40x128xi32, #tpu.memory_space<vmem>>)
      tpu.yield
    }) : () -> ()
    "tpu.region"() ({
      %run_scoped3A_149 = tpu.sem_alloc : memref<!tpu.dma_semaphore, #tpu.memory_space<semaphore_mem>>
      %dma_start3A_150 = arith.constant 40 : i32
      %dma_start3A_151 = arith.constant 0 : i32
      %dma_start3A_152 = tpu.memref_slice %arg6[%add3A, %dma_start3A_150, %dma_start3A_151] : memref<32x80x128xi32, #tpu.memory_space<hbm>> -> memref<1x40x128xi32, #tpu.memory_space<hbm>>
      %dma_start3A_153 = tpu.memref_squeeze %dma_start3A_152 : memref<1x40x128xi32, #tpu.memory_space<hbm>> -> memref<40x128xi32, #tpu.memory_space<hbm>>
      %dma_start3A_154 = arith.constant 40 : i32
      %dma_start3A_155 = arith.constant 0 : i32
      %dma_start3A_156 = tpu.memref_slice %arg6[%add3A, %dma_start3A_154, %dma_start3A_155] : memref<32x80x128xi32, #tpu.memory_space<hbm>> -> memref<1x40x128xi32, #tpu.memory_space<hbm>>
      %dma_start3A_157 = tpu.memref_squeeze %dma_start3A_156 : memref<1x40x128xi32, #tpu.memory_space<hbm>> -> memref<40x128xi32, #tpu.memory_space<hbm>>
      tpu.enqueue_dma source(%dma_start3A_157 : memref<40x128xi32, #tpu.memory_space<hbm>>) target(%arg12 : memref<40x128xi32, #tpu.memory_space<vmem>>) target_semaphore(%run_scoped3A_149 : memref<!tpu.dma_semaphore, #tpu.memory_space<semaphore_mem>>)
      %dma_wait3A_158 = arith.constant 40 : i32
      %dma_wait3A_159 = arith.constant 0 : i32
      %dma_wait3A_160 = tpu.memref_slice %arg6[%add3A, %dma_wait3A_158, %dma_wait3A_159] : memref<32x80x128xi32, #tpu.memory_space<hbm>> -> memref<1x40x128xi32, #tpu.memory_space<hbm>>
      %dma_wait3A_161 = tpu.memref_squeeze %dma_wait3A_160 : memref<1x40x128xi32, #tpu.memory_space<hbm>> -> memref<40x128xi32, #tpu.memory_space<hbm>>
      %dma_wait3A_162 = arith.constant 40 : i32
      %dma_wait3A_163 = arith.constant 0 : i32
      %dma_wait3A_164 = tpu.memref_slice %arg6[%add3A, %dma_wait3A_162, %dma_wait3A_163] : memref<32x80x128xi32, #tpu.memory_space<hbm>> -> memref<1x40x128xi32, #tpu.memory_space<hbm>>
      %dma_wait3A_165 = tpu.memref_squeeze %dma_wait3A_164 : memref<1x40x128xi32, #tpu.memory_space<hbm>> -> memref<40x128xi32, #tpu.memory_space<hbm>>
      tpu.wait_dma2 semaphore(%run_scoped3A_149 : memref<!tpu.dma_semaphore, #tpu.memory_space<semaphore_mem>>) src(%dma_wait3A_165 : memref<40x128xi32, #tpu.memory_space<hbm>>) dst(%arg12 : memref<40x128xi32, #tpu.memory_space<vmem>>)
      tpu.yield
    }) : () -> ()
    %dma_start3A_35 = arith.constant 0 : i32
    %dma_start3A_36 = arith.constant 0 : i32
    %dma_start3A_37 = tpu.memref_slice %arg11[%dma_start3A_35, %dma_start3A_36] : memref<40x128xi32, #tpu.memory_space<vmem>> -> memref<1x128xi32, #tpu.memory_space<vmem>>
    %dma_start3A_38 = tpu.memref_squeeze %dma_start3A_37 : memref<1x128xi32, #tpu.memory_space<vmem>> -> memref<128xi32, #tpu.memory_space<vmem>>
    %dma_start3A_39 = arith.constant 0 : i32
    %dma_start3A_40 = arith.constant 0 : i32
    %dma_start3A_41 = tpu.memref_slice %arg2[%dma_start3A_39, %dma_start3A_40] : memref<10000x128xf32, #tpu.memory_space<hbm>> -> memref<10000x128xf32, #tpu.memory_space<hbm>>
    tpu.enqueue_indirect_dma source(%dma_start3A_41 : memref<10000x128xf32, #tpu.memory_space<hbm>>) target(%arg13 : memref<128x128xf32, #tpu.memory_space<vmem>>) offsets(%dma_start3A_38 : memref<128xi32, #tpu.memory_space<vmem>>) semaphore(%arg15 : memref<!tpu.dma_semaphore, #tpu.memory_space<semaphore_mem>>)
    %scan3A_42 = arith.constant 0 : i32
    %scan3A_43 = arith.constant 0 : i32
    %scan3A_44 = arith.constant 19 : i32
    %scan3A_45 = arith.addi %scan3A_43, %scan3A_44 : i32
    %scan3A_46 = arith.constant 1 : i32
    scf.for %scan3A_149 = %scan3A_43 to %scan3A_45 step %scan3A_46  : i32 {
      %mul3A_150 = arith.constant 2 : i32
      %mul3A_151 = arith.muli %mul3A_150, %scan3A_149 : i32
      %add3A_152 = arith.constant 1 : i32
      %add3A_153 = arith.addi %mul3A_151, %add3A_152 : i32
      %dma_start3A_154 = arith.constant 0 : i32
      %dma_start3A_155 = tpu.memref_slice %arg11[%add3A_153, %dma_start3A_154] : memref<40x128xi32, #tpu.memory_space<vmem>> -> memref<1x128xi32, #tpu.memory_space<vmem>>
      %dma_start3A_156 = tpu.memref_squeeze %dma_start3A_155 : memref<1x128xi32, #tpu.memory_space<vmem>> -> memref<128xi32, #tpu.memory_space<vmem>>
      %dma_start3A_157 = arith.constant 0 : i32
      %dma_start3A_158 = arith.constant 0 : i32
      %dma_start3A_159 = tpu.memref_slice %arg2[%dma_start3A_157, %dma_start3A_158] : memref<10000x128xf32, #tpu.memory_space<hbm>> -> memref<10000x128xf32, #tpu.memory_space<hbm>>
      tpu.enqueue_indirect_dma source(%dma_start3A_159 : memref<10000x128xf32, #tpu.memory_space<hbm>>) target(%arg14 : memref<128x128xf32, #tpu.memory_space<vmem>>) offsets(%dma_start3A_156 : memref<128xi32, #tpu.memory_space<vmem>>) semaphore(%arg16 : memref<!tpu.dma_semaphore, #tpu.memory_space<semaphore_mem>>)
      %dma_wait3A_160 = arith.constant 0 : i32
      %dma_wait3A_161 = tpu.memref_slice %arg11[%mul3A_151, %dma_wait3A_160] : memref<40x128xi32, #tpu.memory_space<vmem>> -> memref<1x128xi32, #tpu.memory_space<vmem>>
      %dma_wait3A_162 = tpu.memref_squeeze %dma_wait3A_161 : memref<1x128xi32, #tpu.memory_space<vmem>> -> memref<128xi32, #tpu.memory_space<vmem>>
      %dma_wait3A_163 = arith.constant 0 : i32
      %dma_wait3A_164 = arith.constant 0 : i32
      %dma_wait3A_165 = tpu.memref_slice %arg2[%dma_wait3A_163, %dma_wait3A_164] : memref<10000x128xf32, #tpu.memory_space<hbm>> -> memref<10000x128xf32, #tpu.memory_space<hbm>>
      tpu.wait_indirect_dma semaphore(%arg15 : memref<!tpu.dma_semaphore, #tpu.memory_space<semaphore_mem>>) src(%dma_wait3A_165 : memref<10000x128xf32, #tpu.memory_space<hbm>>) dst(%arg13 : memref<128x128xf32, #tpu.memory_space<vmem>>)
      "tpu.region"() ({
        %run_scoped3A_184 = tpu.sem_alloc : memref<!tpu.dma_semaphore, #tpu.memory_space<semaphore_mem>>
        %dma_start3A_185 = arith.constant 0 : i32
        %dma_start3A_186 = tpu.memref_slice %arg12[%mul3A_151, %dma_start3A_185] : memref<40x128xi32, #tpu.memory_space<vmem>> -> memref<1x128xi32, #tpu.memory_space<vmem>>
        %dma_start3A_187 = tpu.memref_squeeze %dma_start3A_186 : memref<1x128xi32, #tpu.memory_space<vmem>> -> memref<128xi32, #tpu.memory_space<vmem>>
        %dma_start3A_188 = arith.constant 0 : i32
        %dma_start3A_189 = arith.constant 0 : i32
        %dma_start3A_190 = tpu.memref_slice %arg10[%dma_start3A_188, %dma_start3A_189] : memref<10240x128xf32, #tpu.memory_space<vmem_shared>> -> memref<10240x128xf32, #tpu.memory_space<vmem_shared>>
        tpu.enqueue_indirect_dma source(%arg13 : memref<128x128xf32, #tpu.memory_space<vmem>>) target(%dma_start3A_190 : memref<10240x128xf32, #tpu.memory_space<vmem_shared>>) offsets(%dma_start3A_187 : memref<128xi32, #tpu.memory_space<vmem>>) semaphore(%run_scoped3A_184 : memref<!tpu.dma_semaphore, #tpu.memory_space<semaphore_mem>>) {add = true}
        %dma_wait3A_191 = arith.constant 0 : i32
        %dma_wait3A_192 = tpu.memref_slice %arg12[%mul3A_151, %dma_wait3A_191] : memref<40x128xi32, #tpu.memory_space<vmem>> -> memref<1x128xi32, #tpu.memory_space<vmem>>
        %dma_wait3A_193 = tpu.memref_squeeze %dma_wait3A_192 : memref<1x128xi32, #tpu.memory_space<vmem>> -> memref<128xi32, #tpu.memory_space<vmem>>
        %dma_wait3A_194 = arith.constant 0 : i32
        %dma_wait3A_195 = arith.constant 0 : i32
        %dma_wait3A_196 = tpu.memref_slice %arg10[%dma_wait3A_194, %dma_wait3A_195] : memref<10240x128xf32, #tpu.memory_space<vmem_shared>> -> memref<10240x128xf32, #tpu.memory_space<vmem_shared>>
        tpu.wait_indirect_dma semaphore(%run_scoped3A_184 : memref<!tpu.dma_semaphore, #tpu.memory_space<semaphore_mem>>) src(%arg13 : memref<128x128xf32, #tpu.memory_space<vmem>>) dst(%dma_wait3A_196 : memref<10240x128xf32, #tpu.memory_space<vmem_shared>>)
        tpu.yield
      }) : () -> ()
      %add3A_166 = arith.constant 2 : i32
      %add3A_167 = arith.addi %mul3A_151, %add3A_166 : i32
      %dma_start3A_168 = arith.constant 0 : i32
      %dma_start3A_169 = tpu.memref_slice %arg11[%add3A_167, %dma_start3A_168] : memref<40x128xi32, #tpu.memory_space<vmem>> -> memref<1x128xi32, #tpu.memory_space<vmem>>
      %dma_start3A_170 = tpu.memref_squeeze %dma_start3A_169 : memref<1x128xi32, #tpu.memory_space<vmem>> -> memref<128xi32, #tpu.memory_space<vmem>>
      %dma_start3A_171 = arith.constant 0 : i32
      %dma_start3A_172 = arith.constant 0 : i32
      %dma_start3A_173 = tpu.memref_slice %arg2[%dma_start3A_171, %dma_start3A_172] : memref<10000x128xf32, #tpu.memory_space<hbm>> -> memref<10000x128xf32, #tpu.memory_space<hbm>>
      tpu.enqueue_indirect_dma source(%dma_start3A_173 : memref<10000x128xf32, #tpu.memory_space<hbm>>) target(%arg13 : memref<128x128xf32, #tpu.memory_space<vmem>>) offsets(%dma_start3A_170 : memref<128xi32, #tpu.memory_space<vmem>>) semaphore(%arg15 : memref<!tpu.dma_semaphore, #tpu.memory_space<semaphore_mem>>)
      %add3A_174 = arith.constant 1 : i32
      %add3A_175 = arith.addi %mul3A_151, %add3A_174 : i32
      %dma_wait3A_176 = arith.constant 0 : i32
      %dma_wait3A_177 = tpu.memref_slice %arg11[%add3A_175, %dma_wait3A_176] : memref<40x128xi32, #tpu.memory_space<vmem>> -> memref<1x128xi32, #tpu.memory_space<vmem>>
      %dma_wait3A_178 = tpu.memref_squeeze %dma_wait3A_177 : memref<1x128xi32, #tpu.memory_space<vmem>> -> memref<128xi32, #tpu.memory_space<vmem>>
      %dma_wait3A_179 = arith.constant 0 : i32
      %dma_wait3A_180 = arith.constant 0 : i32
      %dma_wait3A_181 = tpu.memref_slice %arg2[%dma_wait3A_179, %dma_wait3A_180] : memref<10000x128xf32, #tpu.memory_space<hbm>> -> memref<10000x128xf32, #tpu.memory_space<hbm>>
      tpu.wait_indirect_dma semaphore(%arg16 : memref<!tpu.dma_semaphore, #tpu.memory_space<semaphore_mem>>) src(%dma_wait3A_181 : memref<10000x128xf32, #tpu.memory_space<hbm>>) dst(%arg14 : memref<128x128xf32, #tpu.memory_space<vmem>>)
      %add3A_182 = arith.constant 1 : i32
      %add3A_183 = arith.addi %mul3A_151, %add3A_182 : i32
      "tpu.region"() ({
        %run_scoped3A_184 = tpu.sem_alloc : memref<!tpu.dma_semaphore, #tpu.memory_space<semaphore_mem>>
        %dma_start3A_185 = arith.constant 0 : i32
        %dma_start3A_186 = tpu.memref_slice %arg12[%add3A_183, %dma_start3A_185] : memref<40x128xi32, #tpu.memory_space<vmem>> -> memref<1x128xi32, #tpu.memory_space<vmem>>
        %dma_start3A_187 = tpu.memref_squeeze %dma_start3A_186 : memref<1x128xi32, #tpu.memory_space<vmem>> -> memref<128xi32, #tpu.memory_space<vmem>>
        %dma_start3A_188 = arith.constant 0 : i32
        %dma_start3A_189 = arith.constant 0 : i32
        %dma_start3A_190 = tpu.memref_slice %arg10[%dma_start3A_188, %dma_start3A_189] : memref<10240x128xf32, #tpu.memory_space<vmem_shared>> -> memref<10240x128xf32, #tpu.memory_space<vmem_shared>>
        tpu.enqueue_indirect_dma source(%arg14 : memref<128x128xf32, #tpu.memory_space<vmem>>) target(%dma_start3A_190 : memref<10240x128xf32, #tpu.memory_space<vmem_shared>>) offsets(%dma_start3A_187 : memref<128xi32, #tpu.memory_space<vmem>>) semaphore(%run_scoped3A_184 : memref<!tpu.dma_semaphore, #tpu.memory_space<semaphore_mem>>) {add = true}
        %dma_wait3A_191 = arith.constant 0 : i32
        %dma_wait3A_192 = tpu.memref_slice %arg12[%add3A_183, %dma_wait3A_191] : memref<40x128xi32, #tpu.memory_space<vmem>> -> memref<1x128xi32, #tpu.memory_space<vmem>>
        %dma_wait3A_193 = tpu.memref_squeeze %dma_wait3A_192 : memref<1x128xi32, #tpu.memory_space<vmem>> -> memref<128xi32, #tpu.memory_space<vmem>>
        %dma_wait3A_194 = arith.constant 0 : i32
        %dma_wait3A_195 = arith.constant 0 : i32
        %dma_wait3A_196 = tpu.memref_slice %arg10[%dma_wait3A_194, %dma_wait3A_195] : memref<10240x128xf32, #tpu.memory_space<vmem_shared>> -> memref<10240x128xf32, #tpu.memory_space<vmem_shared>>
        tpu.wait_indirect_dma semaphore(%run_scoped3A_184 : memref<!tpu.dma_semaphore, #tpu.memory_space<semaphore_mem>>) src(%arg14 : memref<128x128xf32, #tpu.memory_space<vmem>>) dst(%dma_wait3A_196 : memref<10240x128xf32, #tpu.memory_space<vmem_shared>>)
        tpu.yield
      }) : () -> ()
    }
    %scan3A_47 = arith.constant 19 : i32
    %dma_start3A_48 = arith.constant 39 : i32
    %dma_start3A_49 = arith.constant 0 : i32
    %dma_start3A_50 = tpu.memref_slice %arg11[%dma_start3A_48, %dma_start3A_49] : memref<40x128xi32, #tpu.memory_space<vmem>> -> memref<1x128xi32, #tpu.memory_space<vmem>>
    %dma_start3A_51 = tpu.memref_squeeze %dma_start3A_50 : memref<1x128xi32, #tpu.memory_space<vmem>> -> memref<128xi32, #tpu.memory_space<vmem>>
    %dma_start3A_52 = arith.constant 0 : i32
    %dma_start3A_53 = arith.constant 0 : i32
    %dma_start3A_54 = tpu.memref_slice %arg2[%dma_start3A_52, %dma_start3A_53] : memref<10000x128xf32, #tpu.memory_space<hbm>> -> memref<10000x128xf32, #tpu.memory_space<hbm>>
    tpu.enqueue_indirect_dma source(%dma_start3A_54 : memref<10000x128xf32, #tpu.memory_space<hbm>>) target(%arg14 : memref<128x128xf32, #tpu.memory_space<vmem>>) offsets(%dma_start3A_51 : memref<128xi32, #tpu.memory_space<vmem>>) semaphore(%arg16 : memref<!tpu.dma_semaphore, #tpu.memory_space<semaphore_mem>>)
    %dma_wait3A_55 = arith.constant 38 : i32
    %dma_wait3A_56 = arith.constant 0 : i32
    %dma_wait3A_57 = tpu.memref_slice %arg11[%dma_wait3A_55, %dma_wait3A_56] : memref<40x128xi32, #tpu.memory_space<vmem>> -> memref<1x128xi32, #tpu.memory_space<vmem>>
    %dma_wait3A_58 = tpu.memref_squeeze %dma_wait3A_57 : memref<1x128xi32, #tpu.memory_space<vmem>> -> memref<128xi32, #tpu.memory_space<vmem>>
    %dma_wait3A_59 = arith.constant 0 : i32
    %dma_wait3A_60 = arith.constant 0 : i32
    %dma_wait3A_61 = tpu.memref_slice %arg2[%dma_wait3A_59, %dma_wait3A_60] : memref<10000x128xf32, #tpu.memory_space<hbm>> -> memref<10000x128xf32, #tpu.memory_space<hbm>>
    tpu.wait_indirect_dma semaphore(%arg15 : memref<!tpu.dma_semaphore, #tpu.memory_space<semaphore_mem>>) src(%dma_wait3A_61 : memref<10000x128xf32, #tpu.memory_space<hbm>>) dst(%arg13 : memref<128x128xf32, #tpu.memory_space<vmem>>)
    %run_scoped3A_62 = arith.constant 38 : i32
    "tpu.region"() ({
      %run_scoped3A_149 = tpu.sem_alloc : memref<!tpu.dma_semaphore, #tpu.memory_space<semaphore_mem>>
      %dma_start3A_150 = arith.constant 0 : i32
      %dma_start3A_151 = tpu.memref_slice %arg12[%run_scoped3A_62, %dma_start3A_150] : memref<40x128xi32, #tpu.memory_space<vmem>> -> memref<1x128xi32, #tpu.memory_space<vmem>>
      %dma_start3A_152 = tpu.memref_squeeze %dma_start3A_151 : memref<1x128xi32, #tpu.memory_space<vmem>> -> memref<128xi32, #tpu.memory_space<vmem>>
      %dma_start3A_153 = arith.constant 0 : i32
      %dma_start3A_154 = arith.constant 0 : i32
      %dma_start3A_155 = tpu.memref_slice %arg10[%dma_start3A_153, %dma_start3A_154] : memref<10240x128xf32, #tpu.memory_space<vmem_shared>> -> memref<10240x128xf32, #tpu.memory_space<vmem_shared>>
      tpu.enqueue_indirect_dma source(%arg13 : memref<128x128xf32, #tpu.memory_space<vmem>>) target(%dma_start3A_155 : memref<10240x128xf32, #tpu.memory_space<vmem_shared>>) offsets(%dma_start3A_152 : memref<128xi32, #tpu.memory_space<vmem>>) semaphore(%run_scoped3A_149 : memref<!tpu.dma_semaphore, #tpu.memory_space<semaphore_mem>>) {add = true}
      %dma_wait3A_156 = arith.constant 0 : i32
      %dma_wait3A_157 = tpu.memref_slice %arg12[%run_scoped3A_62, %dma_wait3A_156] : memref<40x128xi32, #tpu.memory_space<vmem>> -> memref<1x128xi32, #tpu.memory_space<vmem>>
      %dma_wait3A_158 = tpu.memref_squeeze %dma_wait3A_157 : memref<1x128xi32, #tpu.memory_space<vmem>> -> memref<128xi32, #tpu.memory_space<vmem>>
      %dma_wait3A_159 = arith.constant 0 : i32
      %dma_wait3A_160 = arith.constant 0 : i32
      %dma_wait3A_161 = tpu.memref_slice %arg10[%dma_wait3A_159, %dma_wait3A_160] : memref<10240x128xf32, #tpu.memory_space<vmem_shared>> -> memref<10240x128xf32, #tpu.memory_space<vmem_shared>>
      tpu.wait_indirect_dma semaphore(%run_scoped3A_149 : memref<!tpu.dma_semaphore, #tpu.memory_space<semaphore_mem>>) src(%arg13 : memref<128x128xf32, #tpu.memory_space<vmem>>) dst(%dma_wait3A_161 : memref<10240x128xf32, #tpu.memory_space<vmem_shared>>)
      tpu.yield
    }) : () -> ()
    %dma_wait3A_63 = arith.constant 39 : i32
    %dma_wait3A_64 = arith.constant 0 : i32
    %dma_wait3A_65 = tpu.memref_slice %arg11[%dma_wait3A_63, %dma_wait3A_64] : memref<40x128xi32, #tpu.memory_space<vmem>> -> memref<1x128xi32, #tpu.memory_space<vmem>>
    %dma_wait3A_66 = tpu.memref_squeeze %dma_wait3A_65 : memref<1x128xi32, #tpu.memory_space<vmem>> -> memref<128xi32, #tpu.memory_space<vmem>>
    %dma_wait3A_67 = arith.constant 0 : i32
    %dma_wait3A_68 = arith.constant 0 : i32
    %dma_wait3A_69 = tpu.memref_slice %arg2[%dma_wait3A_67, %dma_wait3A_68] : memref<10000x128xf32, #tpu.memory_space<hbm>> -> memref<10000x128xf32, #tpu.memory_space<hbm>>
    tpu.wait_indirect_dma semaphore(%arg16 : memref<!tpu.dma_semaphore, #tpu.memory_space<semaphore_mem>>) src(%dma_wait3A_69 : memref<10000x128xf32, #tpu.memory_space<hbm>>) dst(%arg14 : memref<128x128xf32, #tpu.memory_space<vmem>>)
    %run_scoped3A_70 = arith.constant 39 : i32
    "tpu.region"() ({
      %run_scoped3A_149 = tpu.sem_alloc : memref<!tpu.dma_semaphore, #tpu.memory_space<semaphore_mem>>
      %dma_start3A_150 = arith.constant 0 : i32
      %dma_start3A_151 = tpu.memref_slice %arg12[%run_scoped3A_70, %dma_start3A_150] : memref<40x128xi32, #tpu.memory_space<vmem>> -> memref<1x128xi32, #tpu.memory_space<vmem>>
      %dma_start3A_152 = tpu.memref_squeeze %dma_start3A_151 : memref<1x128xi32, #tpu.memory_space<vmem>> -> memref<128xi32, #tpu.memory_space<vmem>>
      %dma_start3A_153 = arith.constant 0 : i32
      %dma_start3A_154 = arith.constant 0 : i32
      %dma_start3A_155 = tpu.memref_slice %arg10[%dma_start3A_153, %dma_start3A_154] : memref<10240x128xf32, #tpu.memory_space<vmem_shared>> -> memref<10240x128xf32, #tpu.memory_space<vmem_shared>>
      tpu.enqueue_indirect_dma source(%arg14 : memref<128x128xf32, #tpu.memory_space<vmem>>) target(%dma_start3A_155 : memref<10240x128xf32, #tpu.memory_space<vmem_shared>>) offsets(%dma_start3A_152 : memref<128xi32, #tpu.memory_space<vmem>>) semaphore(%run_scoped3A_149 : memref<!tpu.dma_semaphore, #tpu.memory_space<semaphore_mem>>) {add = true}
      %dma_wait3A_156 = arith.constant 0 : i32
      %dma_wait3A_157 = tpu.memref_slice %arg12[%run_scoped3A_70, %dma_wait3A_156] : memref<40x128xi32, #tpu.memory_space<vmem>> -> memref<1x128xi32, #tpu.memory_space<vmem>>
      %dma_wait3A_158 = tpu.memref_squeeze %dma_wait3A_157 : memref<1x128xi32, #tpu.memory_space<vmem>> -> memref<128xi32, #tpu.memory_space<vmem>>
      %dma_wait3A_159 = arith.constant 0 : i32
      %dma_wait3A_160 = arith.constant 0 : i32
      %dma_wait3A_161 = tpu.memref_slice %arg10[%dma_wait3A_159, %dma_wait3A_160] : memref<10240x128xf32, #tpu.memory_space<vmem_shared>> -> memref<10240x128xf32, #tpu.memory_space<vmem_shared>>
      tpu.wait_indirect_dma semaphore(%run_scoped3A_149 : memref<!tpu.dma_semaphore, #tpu.memory_space<semaphore_mem>>) src(%arg14 : memref<128x128xf32, #tpu.memory_space<vmem>>) dst(%dma_wait3A_161 : memref<10240x128xf32, #tpu.memory_space<vmem_shared>>)
      tpu.yield
    }) : () -> ()
    %barrier3A_71 = arith.constant 0 : index
    tpu.barrier barrier_id(%barrier3A_71)
    %run_scoped3A_72 = arith.constant 0 : i32
    "tpu.region"() ({
      %run_scoped3A_149 = tpu.sem_alloc : memref<!tpu.dma_semaphore, #tpu.memory_space<semaphore_mem>>
      %dma_start3A_150 = arith.constant 0 : i32
      %dma_start3A_151 = tpu.memref_slice %arg9[%run_scoped3A_72, %arg0, %mul3A_2, %dma_start3A_150] : memref<2x2x10240x128xf32, #tpu.memory_space<hbm>> -> memref<1x1x640x128xf32, #tpu.memory_space<hbm>>
      %dma_start3A_152 = tpu.memref_squeeze %dma_start3A_151 : memref<1x1x640x128xf32, #tpu.memory_space<hbm>> -> memref<640x128xf32, #tpu.memory_space<hbm>>
      %dma_start3A_153 = arith.constant 0 : i32
      %dma_start3A_154 = tpu.memref_slice %arg10[%mul3A_2, %dma_start3A_153] : memref<10240x128xf32, #tpu.memory_space<vmem_shared>> -> memref<640x128xf32, #tpu.memory_space<vmem_shared>>
      tpu.enqueue_dma source(%dma_start3A_154 : memref<640x128xf32, #tpu.memory_space<vmem_shared>>) target(%dma_start3A_152 : memref<640x128xf32, #tpu.memory_space<hbm>>) target_semaphore(%run_scoped3A_149 : memref<!tpu.dma_semaphore, #tpu.memory_space<semaphore_mem>>)
      %dma_wait3A_155 = arith.constant 0 : i32
      %dma_wait3A_156 = tpu.memref_slice %arg9[%run_scoped3A_72, %arg0, %mul3A_2, %dma_wait3A_155] : memref<2x2x10240x128xf32, #tpu.memory_space<hbm>> -> memref<1x1x640x128xf32, #tpu.memory_space<hbm>>
      %dma_wait3A_157 = tpu.memref_squeeze %dma_wait3A_156 : memref<1x1x640x128xf32, #tpu.memory_space<hbm>> -> memref<640x128xf32, #tpu.memory_space<hbm>>
      %dma_wait3A_158 = arith.constant 0 : i32
      %dma_wait3A_159 = tpu.memref_slice %arg10[%mul3A_2, %dma_wait3A_158] : memref<10240x128xf32, #tpu.memory_space<vmem_shared>> -> memref<640x128xf32, #tpu.memory_space<vmem_shared>>
      tpu.wait_dma2 semaphore(%run_scoped3A_149 : memref<!tpu.dma_semaphore, #tpu.memory_space<semaphore_mem>>) src(%dma_wait3A_159 : memref<640x128xf32, #tpu.memory_space<vmem_shared>>) dst(%dma_wait3A_157 : memref<640x128xf32, #tpu.memory_space<hbm>>)
      tpu.yield
    }) : () -> ()
    "tpu.region"() ({
      %run_scoped3A_149 = tpu.sem_alloc : memref<!tpu.dma_semaphore, #tpu.memory_space<semaphore_mem>>
      %dma_start3A_150 = arith.constant 0 : i32
      %dma_start3A_151 = tpu.memref_slice %arg10[%mul3A_2, %dma_start3A_150] : memref<10240x128xf32, #tpu.memory_space<vmem_shared>> -> memref<640x128xf32, #tpu.memory_space<vmem_shared>>
      tpu.enqueue_dma source(%arg8 : memref<640x128xf32, #tpu.memory_space<hbm>>) target(%dma_start3A_151 : memref<640x128xf32, #tpu.memory_space<vmem_shared>>) target_semaphore(%run_scoped3A_149 : memref<!tpu.dma_semaphore, #tpu.memory_space<semaphore_mem>>)
      %dma_wait3A_152 = arith.constant 0 : i32
      %dma_wait3A_153 = tpu.memref_slice %arg10[%mul3A_2, %dma_wait3A_152] : memref<10240x128xf32, #tpu.memory_space<vmem_shared>> -> memref<640x128xf32, #tpu.memory_space<vmem_shared>>
      tpu.wait_dma2 semaphore(%run_scoped3A_149 : memref<!tpu.dma_semaphore, #tpu.memory_space<semaphore_mem>>) src(%arg8 : memref<640x128xf32, #tpu.memory_space<hbm>>) dst(%dma_wait3A_153 : memref<640x128xf32, #tpu.memory_space<vmem_shared>>)
      tpu.yield
    }) : () -> ()
    %barrier3A_73 = arith.constant 0 : index
    tpu.barrier barrier_id(%barrier3A_73)
    "tpu.region"() ({
      %run_scoped3A_149 = tpu.sem_alloc : memref<!tpu.dma_semaphore, #tpu.memory_space<semaphore_mem>>
      %dma_start3A_150 = arith.constant 0 : i32
      %dma_start3A_151 = arith.constant 0 : i32
      %dma_start3A_152 = tpu.memref_slice %arg4[%add3A, %dma_start3A_150, %dma_start3A_151] : memref<32x80x128xi32, #tpu.memory_space<hbm>> -> memref<1x40x128xi32, #tpu.memory_space<hbm>>
      %dma_start3A_153 = tpu.memref_squeeze %dma_start3A_152 : memref<1x40x128xi32, #tpu.memory_space<hbm>> -> memref<40x128xi32, #tpu.memory_space<hbm>>
      %dma_start3A_154 = arith.constant 0 : i32
      %dma_start3A_155 = arith.constant 0 : i32
      %dma_start3A_156 = tpu.memref_slice %arg4[%add3A, %dma_start3A_154, %dma_start3A_155] : memref<32x80x128xi32, #tpu.memory_space<hbm>> -> memref<1x40x128xi32, #tpu.memory_space<hbm>>
      %dma_start3A_157 = tpu.memref_squeeze %dma_start3A_156 : memref<1x40x128xi32, #tpu.memory_space<hbm>> -> memref<40x128xi32, #tpu.memory_space<hbm>>
      tpu.enqueue_dma source(%dma_start3A_157 : memref<40x128xi32, #tpu.memory_space<hbm>>) target(%arg11 : memref<40x128xi32, #tpu.memory_space<vmem>>) target_semaphore(%run_scoped3A_149 : memref<!tpu.dma_semaphore, #tpu.memory_space<semaphore_mem>>)
      %dma_wait3A_158 = arith.constant 0 : i32
      %dma_wait3A_159 = arith.constant 0 : i32
      %dma_wait3A_160 = tpu.memref_slice %arg4[%add3A, %dma_wait3A_158, %dma_wait3A_159] : memref<32x80x128xi32, #tpu.memory_space<hbm>> -> memref<1x40x128xi32, #tpu.memory_space<hbm>>
      %dma_wait3A_161 = tpu.memref_squeeze %dma_wait3A_160 : memref<1x40x128xi32, #tpu.memory_space<hbm>> -> memref<40x128xi32, #tpu.memory_space<hbm>>
      %dma_wait3A_162 = arith.constant 0 : i32
      %dma_wait3A_163 = arith.constant 0 : i32
      %dma_wait3A_164 = tpu.memref_slice %arg4[%add3A, %dma_wait3A_162, %dma_wait3A_163] : memref<32x80x128xi32, #tpu.memory_space<hbm>> -> memref<1x40x128xi32, #tpu.memory_space<hbm>>
      %dma_wait3A_165 = tpu.memref_squeeze %dma_wait3A_164 : memref<1x40x128xi32, #tpu.memory_space<hbm>> -> memref<40x128xi32, #tpu.memory_space<hbm>>
      tpu.wait_dma2 semaphore(%run_scoped3A_149 : memref<!tpu.dma_semaphore, #tpu.memory_space<semaphore_mem>>) src(%dma_wait3A_165 : memref<40x128xi32, #tpu.memory_space<hbm>>) dst(%arg11 : memref<40x128xi32, #tpu.memory_space<vmem>>)
      tpu.yield
    }) : () -> ()
    "tpu.region"() ({
      %run_scoped3A_149 = tpu.sem_alloc : memref<!tpu.dma_semaphore, #tpu.memory_space<semaphore_mem>>
      %dma_start3A_150 = arith.constant 0 : i32
      %dma_start3A_151 = arith.constant 0 : i32
      %dma_start3A_152 = tpu.memref_slice %arg6[%add3A, %dma_start3A_150, %dma_start3A_151] : memref<32x80x128xi32, #tpu.memory_space<hbm>> -> memref<1x40x128xi32, #tpu.memory_space<hbm>>
      %dma_start3A_153 = tpu.memref_squeeze %dma_start3A_152 : memref<1x40x128xi32, #tpu.memory_space<hbm>> -> memref<40x128xi32, #tpu.memory_space<hbm>>
      %dma_start3A_154 = arith.constant 0 : i32
      %dma_start3A_155 = arith.constant 0 : i32
      %dma_start3A_156 = tpu.memref_slice %arg6[%add3A, %dma_start3A_154, %dma_start3A_155] : memref<32x80x128xi32, #tpu.memory_space<hbm>> -> memref<1x40x128xi32, #tpu.memory_space<hbm>>
      %dma_start3A_157 = tpu.memref_squeeze %dma_start3A_156 : memref<1x40x128xi32, #tpu.memory_space<hbm>> -> memref<40x128xi32, #tpu.memory_space<hbm>>
      tpu.enqueue_dma source(%dma_start3A_157 : memref<40x128xi32, #tpu.memory_space<hbm>>) target(%arg12 : memref<40x128xi32, #tpu.memory_space<vmem>>) target_semaphore(%run_scoped3A_149 : memref<!tpu.dma_semaphore, #tpu.memory_space<semaphore_mem>>)
      %dma_wait3A_158 = arith.constant 0 : i32
      %dma_wait3A_159 = arith.constant 0 : i32
      %dma_wait3A_160 = tpu.memref_slice %arg6[%add3A, %dma_wait3A_158, %dma_wait3A_159] : memref<32x80x128xi32, #tpu.memory_space<hbm>> -> memref<1x40x128xi32, #tpu.memory_space<hbm>>
      %dma_wait3A_161 = tpu.memref_squeeze %dma_wait3A_160 : memref<1x40x128xi32, #tpu.memory_space<hbm>> -> memref<40x128xi32, #tpu.memory_space<hbm>>
      %dma_wait3A_162 = arith.constant 0 : i32
      %dma_wait3A_163 = arith.constant 0 : i32
      %dma_wait3A_164 = tpu.memref_slice %arg6[%add3A, %dma_wait3A_162, %dma_wait3A_163] : memref<32x80x128xi32, #tpu.memory_space<hbm>> -> memref<1x40x128xi32, #tpu.memory_space<hbm>>
      %dma_wait3A_165 = tpu.memref_squeeze %dma_wait3A_164 : memref<1x40x128xi32, #tpu.memory_space<hbm>> -> memref<40x128xi32, #tpu.memory_space<hbm>>
      tpu.wait_dma2 semaphore(%run_scoped3A_149 : memref<!tpu.dma_semaphore, #tpu.memory_space<semaphore_mem>>) src(%dma_wait3A_165 : memref<40x128xi32, #tpu.memory_space<hbm>>) dst(%arg12 : memref<40x128xi32, #tpu.memory_space<vmem>>)
      tpu.yield
    }) : () -> ()
    %dma_start3A_74 = arith.constant 0 : i32
    %dma_start3A_75 = arith.constant 0 : i32
    %dma_start3A_76 = tpu.memref_slice %arg11[%dma_start3A_74, %dma_start3A_75] : memref<40x128xi32, #tpu.memory_space<vmem>> -> memref<1x128xi32, #tpu.memory_space<vmem>>
    %dma_start3A_77 = tpu.memref_squeeze %dma_start3A_76 : memref<1x128xi32, #tpu.memory_space<vmem>> -> memref<128xi32, #tpu.memory_space<vmem>>
    %dma_start3A_78 = arith.constant 0 : i32
    %dma_start3A_79 = arith.constant 0 : i32
    %dma_start3A_80 = tpu.memref_slice %arg3[%dma_start3A_78, %dma_start3A_79] : memref<10000x128xf32, #tpu.memory_space<hbm>> -> memref<10000x128xf32, #tpu.memory_space<hbm>>
    tpu.enqueue_indirect_dma source(%dma_start3A_80 : memref<10000x128xf32, #tpu.memory_space<hbm>>) target(%arg13 : memref<128x128xf32, #tpu.memory_space<vmem>>) offsets(%dma_start3A_77 : memref<128xi32, #tpu.memory_space<vmem>>) semaphore(%arg15 : memref<!tpu.dma_semaphore, #tpu.memory_space<semaphore_mem>>)
    %scan3A_81 = arith.constant 0 : i32
    %scan3A_82 = arith.constant 0 : i32
    %scan3A_83 = arith.constant 19 : i32
    %scan3A_84 = arith.addi %scan3A_82, %scan3A_83 : i32
    %scan3A_85 = arith.constant 1 : i32
    scf.for %scan3A_149 = %scan3A_82 to %scan3A_84 step %scan3A_85  : i32 {
      %mul3A_150 = arith.constant 2 : i32
      %mul3A_151 = arith.muli %mul3A_150, %scan3A_149 : i32
      %add3A_152 = arith.constant 1 : i32
      %add3A_153 = arith.addi %mul3A_151, %add3A_152 : i32
      %dma_start3A_154 = arith.constant 0 : i32
      %dma_start3A_155 = tpu.memref_slice %arg11[%add3A_153, %dma_start3A_154] : memref<40x128xi32, #tpu.memory_space<vmem>> -> memref<1x128xi32, #tpu.memory_space<vmem>>
      %dma_start3A_156 = tpu.memref_squeeze %dma_start3A_155 : memref<1x128xi32, #tpu.memory_space<vmem>> -> memref<128xi32, #tpu.memory_space<vmem>>
      %dma_start3A_157 = arith.constant 0 : i32
      %dma_start3A_158 = arith.constant 0 : i32
      %dma_start3A_159 = tpu.memref_slice %arg3[%dma_start3A_157, %dma_start3A_158] : memref<10000x128xf32, #tpu.memory_space<hbm>> -> memref<10000x128xf32, #tpu.memory_space<hbm>>
      tpu.enqueue_indirect_dma source(%dma_start3A_159 : memref<10000x128xf32, #tpu.memory_space<hbm>>) target(%arg14 : memref<128x128xf32, #tpu.memory_space<vmem>>) offsets(%dma_start3A_156 : memref<128xi32, #tpu.memory_space<vmem>>) semaphore(%arg16 : memref<!tpu.dma_semaphore, #tpu.memory_space<semaphore_mem>>)
      %dma_wait3A_160 = arith.constant 0 : i32
      %dma_wait3A_161 = tpu.memref_slice %arg11[%mul3A_151, %dma_wait3A_160] : memref<40x128xi32, #tpu.memory_space<vmem>> -> memref<1x128xi32, #tpu.memory_space<vmem>>
      %dma_wait3A_162 = tpu.memref_squeeze %dma_wait3A_161 : memref<1x128xi32, #tpu.memory_space<vmem>> -> memref<128xi32, #tpu.memory_space<vmem>>
      %dma_wait3A_163 = arith.constant 0 : i32
      %dma_wait3A_164 = arith.constant 0 : i32
      %dma_wait3A_165 = tpu.memref_slice %arg3[%dma_wait3A_163, %dma_wait3A_164] : memref<10000x128xf32, #tpu.memory_space<hbm>> -> memref<10000x128xf32, #tpu.memory_space<hbm>>
      tpu.wait_indirect_dma semaphore(%arg15 : memref<!tpu.dma_semaphore, #tpu.memory_space<semaphore_mem>>) src(%dma_wait3A_165 : memref<10000x128xf32, #tpu.memory_space<hbm>>) dst(%arg13 : memref<128x128xf32, #tpu.memory_space<vmem>>)
      "tpu.region"() ({
        %run_scoped3A_184 = tpu.sem_alloc : memref<!tpu.dma_semaphore, #tpu.memory_space<semaphore_mem>>
        %dma_start3A_185 = arith.constant 0 : i32
        %dma_start3A_186 = tpu.memref_slice %arg12[%mul3A_151, %dma_start3A_185] : memref<40x128xi32, #tpu.memory_space<vmem>> -> memref<1x128xi32, #tpu.memory_space<vmem>>
        %dma_start3A_187 = tpu.memref_squeeze %dma_start3A_186 : memref<1x128xi32, #tpu.memory_space<vmem>> -> memref<128xi32, #tpu.memory_space<vmem>>
        %dma_start3A_188 = arith.constant 0 : i32
        %dma_start3A_189 = arith.constant 0 : i32
        %dma_start3A_190 = tpu.memref_slice %arg10[%dma_start3A_188, %dma_start3A_189] : memref<10240x128xf32, #tpu.memory_space<vmem_shared>> -> memref<10240x128xf32, #tpu.memory_space<vmem_shared>>
        tpu.enqueue_indirect_dma source(%arg13 : memref<128x128xf32, #tpu.memory_space<vmem>>) target(%dma_start3A_190 : memref<10240x128xf32, #tpu.memory_space<vmem_shared>>) offsets(%dma_start3A_187 : memref<128xi32, #tpu.memory_space<vmem>>) semaphore(%run_scoped3A_184 : memref<!tpu.dma_semaphore, #tpu.memory_space<semaphore_mem>>) {add = true}
        %dma_wait3A_191 = arith.constant 0 : i32
        %dma_wait3A_192 = tpu.memref_slice %arg12[%mul3A_151, %dma_wait3A_191] : memref<40x128xi32, #tpu.memory_space<vmem>> -> memref<1x128xi32, #tpu.memory_space<vmem>>
        %dma_wait3A_193 = tpu.memref_squeeze %dma_wait3A_192 : memref<1x128xi32, #tpu.memory_space<vmem>> -> memref<128xi32, #tpu.memory_space<vmem>>
        %dma_wait3A_194 = arith.constant 0 : i32
        %dma_wait3A_195 = arith.constant 0 : i32
        %dma_wait3A_196 = tpu.memref_slice %arg10[%dma_wait3A_194, %dma_wait3A_195] : memref<10240x128xf32, #tpu.memory_space<vmem_shared>> -> memref<10240x128xf32, #tpu.memory_space<vmem_shared>>
        tpu.wait_indirect_dma semaphore(%run_scoped3A_184 : memref<!tpu.dma_semaphore, #tpu.memory_space<semaphore_mem>>) src(%arg13 : memref<128x128xf32, #tpu.memory_space<vmem>>) dst(%dma_wait3A_196 : memref<10240x128xf32, #tpu.memory_space<vmem_shared>>)
        tpu.yield
      }) : () -> ()
      %add3A_166 = arith.constant 2 : i32
      %add3A_167 = arith.addi %mul3A_151, %add3A_166 : i32
      %dma_start3A_168 = arith.constant 0 : i32
      %dma_start3A_169 = tpu.memref_slice %arg11[%add3A_167, %dma_start3A_168] : memref<40x128xi32, #tpu.memory_space<vmem>> -> memref<1x128xi32, #tpu.memory_space<vmem>>
      %dma_start3A_170 = tpu.memref_squeeze %dma_start3A_169 : memref<1x128xi32, #tpu.memory_space<vmem>> -> memref<128xi32, #tpu.memory_space<vmem>>
      %dma_start3A_171 = arith.constant 0 : i32
      %dma_start3A_172 = arith.constant 0 : i32
      %dma_start3A_173 = tpu.memref_slice %arg3[%dma_start3A_171, %dma_start3A_172] : memref<10000x128xf32, #tpu.memory_space<hbm>> -> memref<10000x128xf32, #tpu.memory_space<hbm>>
      tpu.enqueue_indirect_dma source(%dma_start3A_173 : memref<10000x128xf32, #tpu.memory_space<hbm>>) target(%arg13 : memref<128x128xf32, #tpu.memory_space<vmem>>) offsets(%dma_start3A_170 : memref<128xi32, #tpu.memory_space<vmem>>) semaphore(%arg15 : memref<!tpu.dma_semaphore, #tpu.memory_space<semaphore_mem>>)
      %add3A_174 = arith.constant 1 : i32
      %add3A_175 = arith.addi %mul3A_151, %add3A_174 : i32
      %dma_wait3A_176 = arith.constant 0 : i32
      %dma_wait3A_177 = tpu.memref_slice %arg11[%add3A_175, %dma_wait3A_176] : memref<40x128xi32, #tpu.memory_space<vmem>> -> memref<1x128xi32, #tpu.memory_space<vmem>>
      %dma_wait3A_178 = tpu.memref_squeeze %dma_wait3A_177 : memref<1x128xi32, #tpu.memory_space<vmem>> -> memref<128xi32, #tpu.memory_space<vmem>>
      %dma_wait3A_179 = arith.constant 0 : i32
      %dma_wait3A_180 = arith.constant 0 : i32
      %dma_wait3A_181 = tpu.memref_slice %arg3[%dma_wait3A_179, %dma_wait3A_180] : memref<10000x128xf32, #tpu.memory_space<hbm>> -> memref<10000x128xf32, #tpu.memory_space<hbm>>
      tpu.wait_indirect_dma semaphore(%arg16 : memref<!tpu.dma_semaphore, #tpu.memory_space<semaphore_mem>>) src(%dma_wait3A_181 : memref<10000x128xf32, #tpu.memory_space<hbm>>) dst(%arg14 : memref<128x128xf32, #tpu.memory_space<vmem>>)
      %add3A_182 = arith.constant 1 : i32
      %add3A_183 = arith.addi %mul3A_151, %add3A_182 : i32
      "tpu.region"() ({
        %run_scoped3A_184 = tpu.sem_alloc : memref<!tpu.dma_semaphore, #tpu.memory_space<semaphore_mem>>
        %dma_start3A_185 = arith.constant 0 : i32
        %dma_start3A_186 = tpu.memref_slice %arg12[%add3A_183, %dma_start3A_185] : memref<40x128xi32, #tpu.memory_space<vmem>> -> memref<1x128xi32, #tpu.memory_space<vmem>>
        %dma_start3A_187 = tpu.memref_squeeze %dma_start3A_186 : memref<1x128xi32, #tpu.memory_space<vmem>> -> memref<128xi32, #tpu.memory_space<vmem>>
        %dma_start3A_188 = arith.constant 0 : i32
        %dma_start3A_189 = arith.constant 0 : i32
        %dma_start3A_190 = tpu.memref_slice %arg10[%dma_start3A_188, %dma_start3A_189] : memref<10240x128xf32, #tpu.memory_space<vmem_shared>> -> memref<10240x128xf32, #tpu.memory_space<vmem_shared>>
        tpu.enqueue_indirect_dma source(%arg14 : memref<128x128xf32, #tpu.memory_space<vmem>>) target(%dma_start3A_190 : memref<10240x128xf32, #tpu.memory_space<vmem_shared>>) offsets(%dma_start3A_187 : memref<128xi32, #tpu.memory_space<vmem>>) semaphore(%run_scoped3A_184 : memref<!tpu.dma_semaphore, #tpu.memory_space<semaphore_mem>>) {add = true}
        %dma_wait3A_191 = arith.constant 0 : i32
        %dma_wait3A_192 = tpu.memref_slice %arg12[%add3A_183, %dma_wait3A_191] : memref<40x128xi32, #tpu.memory_space<vmem>> -> memref<1x128xi32, #tpu.memory_space<vmem>>
        %dma_wait3A_193 = tpu.memref_squeeze %dma_wait3A_192 : memref<1x128xi32, #tpu.memory_space<vmem>> -> memref<128xi32, #tpu.memory_space<vmem>>
        %dma_wait3A_194 = arith.constant 0 : i32
        %dma_wait3A_195 = arith.constant 0 : i32
        %dma_wait3A_196 = tpu.memref_slice %arg10[%dma_wait3A_194, %dma_wait3A_195] : memref<10240x128xf32, #tpu.memory_space<vmem_shared>> -> memref<10240x128xf32, #tpu.memory_space<vmem_shared>>
        tpu.wait_indirect_dma semaphore(%run_scoped3A_184 : memref<!tpu.dma_semaphore, #tpu.memory_space<semaphore_mem>>) src(%arg14 : memref<128x128xf32, #tpu.memory_space<vmem>>) dst(%dma_wait3A_196 : memref<10240x128xf32, #tpu.memory_space<vmem_shared>>)
        tpu.yield
      }) : () -> ()
    }
    %scan3A_86 = arith.constant 19 : i32
    %dma_start3A_87 = arith.constant 39 : i32
    %dma_start3A_88 = arith.constant 0 : i32
    %dma_start3A_89 = tpu.memref_slice %arg11[%dma_start3A_87, %dma_start3A_88] : memref<40x128xi32, #tpu.memory_space<vmem>> -> memref<1x128xi32, #tpu.memory_space<vmem>>
    %dma_start3A_90 = tpu.memref_squeeze %dma_start3A_89 : memref<1x128xi32, #tpu.memory_space<vmem>> -> memref<128xi32, #tpu.memory_space<vmem>>
    %dma_start3A_91 = arith.constant 0 : i32
    %dma_start3A_92 = arith.constant 0 : i32
    %dma_start3A_93 = tpu.memref_slice %arg3[%dma_start3A_91, %dma_start3A_92] : memref<10000x128xf32, #tpu.memory_space<hbm>> -> memref<10000x128xf32, #tpu.memory_space<hbm>>
    tpu.enqueue_indirect_dma source(%dma_start3A_93 : memref<10000x128xf32, #tpu.memory_space<hbm>>) target(%arg14 : memref<128x128xf32, #tpu.memory_space<vmem>>) offsets(%dma_start3A_90 : memref<128xi32, #tpu.memory_space<vmem>>) semaphore(%arg16 : memref<!tpu.dma_semaphore, #tpu.memory_space<semaphore_mem>>)
    %dma_wait3A_94 = arith.constant 38 : i32
    %dma_wait3A_95 = arith.constant 0 : i32
    %dma_wait3A_96 = tpu.memref_slice %arg11[%dma_wait3A_94, %dma_wait3A_95] : memref<40x128xi32, #tpu.memory_space<vmem>> -> memref<1x128xi32, #tpu.memory_space<vmem>>
    %dma_wait3A_97 = tpu.memref_squeeze %dma_wait3A_96 : memref<1x128xi32, #tpu.memory_space<vmem>> -> memref<128xi32, #tpu.memory_space<vmem>>
    %dma_wait3A_98 = arith.constant 0 : i32
    %dma_wait3A_99 = arith.constant 0 : i32
    %dma_wait3A_100 = tpu.memref_slice %arg3[%dma_wait3A_98, %dma_wait3A_99] : memref<10000x128xf32, #tpu.memory_space<hbm>> -> memref<10000x128xf32, #tpu.memory_space<hbm>>
    tpu.wait_indirect_dma semaphore(%arg15 : memref<!tpu.dma_semaphore, #tpu.memory_space<semaphore_mem>>) src(%dma_wait3A_100 : memref<10000x128xf32, #tpu.memory_space<hbm>>) dst(%arg13 : memref<128x128xf32, #tpu.memory_space<vmem>>)
    %run_scoped3A_101 = arith.constant 38 : i32
    "tpu.region"() ({
      %run_scoped3A_149 = tpu.sem_alloc : memref<!tpu.dma_semaphore, #tpu.memory_space<semaphore_mem>>
      %dma_start3A_150 = arith.constant 0 : i32
      %dma_start3A_151 = tpu.memref_slice %arg12[%run_scoped3A_101, %dma_start3A_150] : memref<40x128xi32, #tpu.memory_space<vmem>> -> memref<1x128xi32, #tpu.memory_space<vmem>>
      %dma_start3A_152 = tpu.memref_squeeze %dma_start3A_151 : memref<1x128xi32, #tpu.memory_space<vmem>> -> memref<128xi32, #tpu.memory_space<vmem>>
      %dma_start3A_153 = arith.constant 0 : i32
      %dma_start3A_154 = arith.constant 0 : i32
      %dma_start3A_155 = tpu.memref_slice %arg10[%dma_start3A_153, %dma_start3A_154] : memref<10240x128xf32, #tpu.memory_space<vmem_shared>> -> memref<10240x128xf32, #tpu.memory_space<vmem_shared>>
      tpu.enqueue_indirect_dma source(%arg13 : memref<128x128xf32, #tpu.memory_space<vmem>>) target(%dma_start3A_155 : memref<10240x128xf32, #tpu.memory_space<vmem_shared>>) offsets(%dma_start3A_152 : memref<128xi32, #tpu.memory_space<vmem>>) semaphore(%run_scoped3A_149 : memref<!tpu.dma_semaphore, #tpu.memory_space<semaphore_mem>>) {add = true}
      %dma_wait3A_156 = arith.constant 0 : i32
      %dma_wait3A_157 = tpu.memref_slice %arg12[%run_scoped3A_101, %dma_wait3A_156] : memref<40x128xi32, #tpu.memory_space<vmem>> -> memref<1x128xi32, #tpu.memory_space<vmem>>
      %dma_wait3A_158 = tpu.memref_squeeze %dma_wait3A_157 : memref<1x128xi32, #tpu.memory_space<vmem>> -> memref<128xi32, #tpu.memory_space<vmem>>
      %dma_wait3A_159 = arith.constant 0 : i32
      %dma_wait3A_160 = arith.constant 0 : i32
      %dma_wait3A_161 = tpu.memref_slice %arg10[%dma_wait3A_159, %dma_wait3A_160] : memref<10240x128xf32, #tpu.memory_space<vmem_shared>> -> memref<10240x128xf32, #tpu.memory_space<vmem_shared>>
      tpu.wait_indirect_dma semaphore(%run_scoped3A_149 : memref<!tpu.dma_semaphore, #tpu.memory_space<semaphore_mem>>) src(%arg13 : memref<128x128xf32, #tpu.memory_space<vmem>>) dst(%dma_wait3A_161 : memref<10240x128xf32, #tpu.memory_space<vmem_shared>>)
      tpu.yield
    }) : () -> ()
    %dma_wait3A_102 = arith.constant 39 : i32
    %dma_wait3A_103 = arith.constant 0 : i32
    %dma_wait3A_104 = tpu.memref_slice %arg11[%dma_wait3A_102, %dma_wait3A_103] : memref<40x128xi32, #tpu.memory_space<vmem>> -> memref<1x128xi32, #tpu.memory_space<vmem>>
    %dma_wait3A_105 = tpu.memref_squeeze %dma_wait3A_104 : memref<1x128xi32, #tpu.memory_space<vmem>> -> memref<128xi32, #tpu.memory_space<vmem>>
    %dma_wait3A_106 = arith.constant 0 : i32
    %dma_wait3A_107 = arith.constant 0 : i32
    %dma_wait3A_108 = tpu.memref_slice %arg3[%dma_wait3A_106, %dma_wait3A_107] : memref<10000x128xf32, #tpu.memory_space<hbm>> -> memref<10000x128xf32, #tpu.memory_space<hbm>>
    tpu.wait_indirect_dma semaphore(%arg16 : memref<!tpu.dma_semaphore, #tpu.memory_space<semaphore_mem>>) src(%dma_wait3A_108 : memref<10000x128xf32, #tpu.memory_space<hbm>>) dst(%arg14 : memref<128x128xf32, #tpu.memory_space<vmem>>)
    %run_scoped3A_109 = arith.constant 39 : i32
    "tpu.region"() ({
      %run_scoped3A_149 = tpu.sem_alloc : memref<!tpu.dma_semaphore, #tpu.memory_space<semaphore_mem>>
      %dma_start3A_150 = arith.constant 0 : i32
      %dma_start3A_151 = tpu.memref_slice %arg12[%run_scoped3A_109, %dma_start3A_150] : memref<40x128xi32, #tpu.memory_space<vmem>> -> memref<1x128xi32, #tpu.memory_space<vmem>>
      %dma_start3A_152 = tpu.memref_squeeze %dma_start3A_151 : memref<1x128xi32, #tpu.memory_space<vmem>> -> memref<128xi32, #tpu.memory_space<vmem>>
      %dma_start3A_153 = arith.constant 0 : i32
      %dma_start3A_154 = arith.constant 0 : i32
      %dma_start3A_155 = tpu.memref_slice %arg10[%dma_start3A_153, %dma_start3A_154] : memref<10240x128xf32, #tpu.memory_space<vmem_shared>> -> memref<10240x128xf32, #tpu.memory_space<vmem_shared>>
      tpu.enqueue_indirect_dma source(%arg14 : memref<128x128xf32, #tpu.memory_space<vmem>>) target(%dma_start3A_155 : memref<10240x128xf32, #tpu.memory_space<vmem_shared>>) offsets(%dma_start3A_152 : memref<128xi32, #tpu.memory_space<vmem>>) semaphore(%run_scoped3A_149 : memref<!tpu.dma_semaphore, #tpu.memory_space<semaphore_mem>>) {add = true}
      %dma_wait3A_156 = arith.constant 0 : i32
      %dma_wait3A_157 = tpu.memref_slice %arg12[%run_scoped3A_109, %dma_wait3A_156] : memref<40x128xi32, #tpu.memory_space<vmem>> -> memref<1x128xi32, #tpu.memory_space<vmem>>
      %dma_wait3A_158 = tpu.memref_squeeze %dma_wait3A_157 : memref<1x128xi32, #tpu.memory_space<vmem>> -> memref<128xi32, #tpu.memory_space<vmem>>
      %dma_wait3A_159 = arith.constant 0 : i32
      %dma_wait3A_160 = arith.constant 0 : i32
      %dma_wait3A_161 = tpu.memref_slice %arg10[%dma_wait3A_159, %dma_wait3A_160] : memref<10240x128xf32, #tpu.memory_space<vmem_shared>> -> memref<10240x128xf32, #tpu.memory_space<vmem_shared>>
      tpu.wait_indirect_dma semaphore(%run_scoped3A_149 : memref<!tpu.dma_semaphore, #tpu.memory_space<semaphore_mem>>) src(%arg14 : memref<128x128xf32, #tpu.memory_space<vmem>>) dst(%dma_wait3A_161 : memref<10240x128xf32, #tpu.memory_space<vmem_shared>>)
      tpu.yield
    }) : () -> ()
    "tpu.region"() ({
      %run_scoped3A_149 = tpu.sem_alloc : memref<!tpu.dma_semaphore, #tpu.memory_space<semaphore_mem>>
      %dma_start3A_150 = arith.constant 40 : i32
      %dma_start3A_151 = arith.constant 0 : i32
      %dma_start3A_152 = tpu.memref_slice %arg4[%add3A, %dma_start3A_150, %dma_start3A_151] : memref<32x80x128xi32, #tpu.memory_space<hbm>> -> memref<1x40x128xi32, #tpu.memory_space<hbm>>
      %dma_start3A_153 = tpu.memref_squeeze %dma_start3A_152 : memref<1x40x128xi32, #tpu.memory_space<hbm>> -> memref<40x128xi32, #tpu.memory_space<hbm>>
      %dma_start3A_154 = arith.constant 40 : i32
      %dma_start3A_155 = arith.constant 0 : i32
      %dma_start3A_156 = tpu.memref_slice %arg4[%add3A, %dma_start3A_154, %dma_start3A_155] : memref<32x80x128xi32, #tpu.memory_space<hbm>> -> memref<1x40x128xi32, #tpu.memory_space<hbm>>
      %dma_start3A_157 = tpu.memref_squeeze %dma_start3A_156 : memref<1x40x128xi32, #tpu.memory_space<hbm>> -> memref<40x128xi32, #tpu.memory_space<hbm>>
      tpu.enqueue_dma source(%dma_start3A_157 : memref<40x128xi32, #tpu.memory_space<hbm>>) target(%arg11 : memref<40x128xi32, #tpu.memory_space<vmem>>) target_semaphore(%run_scoped3A_149 : memref<!tpu.dma_semaphore, #tpu.memory_space<semaphore_mem>>)
      %dma_wait3A_158 = arith.constant 40 : i32
      %dma_wait3A_159 = arith.constant 0 : i32
      %dma_wait3A_160 = tpu.memref_slice %arg4[%add3A, %dma_wait3A_158, %dma_wait3A_159] : memref<32x80x128xi32, #tpu.memory_space<hbm>> -> memref<1x40x128xi32, #tpu.memory_space<hbm>>
      %dma_wait3A_161 = tpu.memref_squeeze %dma_wait3A_160 : memref<1x40x128xi32, #tpu.memory_space<hbm>> -> memref<40x128xi32, #tpu.memory_space<hbm>>
      %dma_wait3A_162 = arith.constant 40 : i32
      %dma_wait3A_163 = arith.constant 0 : i32
      %dma_wait3A_164 = tpu.memref_slice %arg4[%add3A, %dma_wait3A_162, %dma_wait3A_163] : memref<32x80x128xi32, #tpu.memory_space<hbm>> -> memref<1x40x128xi32, #tpu.memory_space<hbm>>
      %dma_wait3A_165 = tpu.memref_squeeze %dma_wait3A_164 : memref<1x40x128xi32, #tpu.memory_space<hbm>> -> memref<40x128xi32, #tpu.memory_space<hbm>>
      tpu.wait_dma2 semaphore(%run_scoped3A_149 : memref<!tpu.dma_semaphore, #tpu.memory_space<semaphore_mem>>) src(%dma_wait3A_165 : memref<40x128xi32, #tpu.memory_space<hbm>>) dst(%arg11 : memref<40x128xi32, #tpu.memory_space<vmem>>)
      tpu.yield
    }) : () -> ()
    "tpu.region"() ({
      %run_scoped3A_149 = tpu.sem_alloc : memref<!tpu.dma_semaphore, #tpu.memory_space<semaphore_mem>>
      %dma_start3A_150 = arith.constant 40 : i32
      %dma_start3A_151 = arith.constant 0 : i32
      %dma_start3A_152 = tpu.memref_slice %arg6[%add3A, %dma_start3A_150, %dma_start3A_151] : memref<32x80x128xi32, #tpu.memory_space<hbm>> -> memref<1x40x128xi32, #tpu.memory_space<hbm>>
      %dma_start3A_153 = tpu.memref_squeeze %dma_start3A_152 : memref<1x40x128xi32, #tpu.memory_space<hbm>> -> memref<40x128xi32, #tpu.memory_space<hbm>>
      %dma_start3A_154 = arith.constant 40 : i32
      %dma_start3A_155 = arith.constant 0 : i32
      %dma_start3A_156 = tpu.memref_slice %arg6[%add3A, %dma_start3A_154, %dma_start3A_155] : memref<32x80x128xi32, #tpu.memory_space<hbm>> -> memref<1x40x128xi32, #tpu.memory_space<hbm>>
      %dma_start3A_157 = tpu.memref_squeeze %dma_start3A_156 : memref<1x40x128xi32, #tpu.memory_space<hbm>> -> memref<40x128xi32, #tpu.memory_space<hbm>>
      tpu.enqueue_dma source(%dma_start3A_157 : memref<40x128xi32, #tpu.memory_space<hbm>>) target(%arg12 : memref<40x128xi32, #tpu.memory_space<vmem>>) target_semaphore(%run_scoped3A_149 : memref<!tpu.dma_semaphore, #tpu.memory_space<semaphore_mem>>)
      %dma_wait3A_158 = arith.constant 40 : i32
      %dma_wait3A_159 = arith.constant 0 : i32
      %dma_wait3A_160 = tpu.memref_slice %arg6[%add3A, %dma_wait3A_158, %dma_wait3A_159] : memref<32x80x128xi32, #tpu.memory_space<hbm>> -> memref<1x40x128xi32, #tpu.memory_space<hbm>>
      %dma_wait3A_161 = tpu.memref_squeeze %dma_wait3A_160 : memref<1x40x128xi32, #tpu.memory_space<hbm>> -> memref<40x128xi32, #tpu.memory_space<hbm>>
      %dma_wait3A_162 = arith.constant 40 : i32
      %dma_wait3A_163 = arith.constant 0 : i32
      %dma_wait3A_164 = tpu.memref_slice %arg6[%add3A, %dma_wait3A_162, %dma_wait3A_163] : memref<32x80x128xi32, #tpu.memory_space<hbm>> -> memref<1x40x128xi32, #tpu.memory_space<hbm>>
      %dma_wait3A_165 = tpu.memref_squeeze %dma_wait3A_164 : memref<1x40x128xi32, #tpu.memory_space<hbm>> -> memref<40x128xi32, #tpu.memory_space<hbm>>
      tpu.wait_dma2 semaphore(%run_scoped3A_149 : memref<!tpu.dma_semaphore, #tpu.memory_space<semaphore_mem>>) src(%dma_wait3A_165 : memref<40x128xi32, #tpu.memory_space<hbm>>) dst(%arg12 : memref<40x128xi32, #tpu.memory_space<vmem>>)
      tpu.yield
    }) : () -> ()
    %dma_start3A_110 = arith.constant 0 : i32
    %dma_start3A_111 = arith.constant 0 : i32
    %dma_start3A_112 = tpu.memref_slice %arg11[%dma_start3A_110, %dma_start3A_111] : memref<40x128xi32, #tpu.memory_space<vmem>> -> memref<1x128xi32, #tpu.memory_space<vmem>>
    %dma_start3A_113 = tpu.memref_squeeze %dma_start3A_112 : memref<1x128xi32, #tpu.memory_space<vmem>> -> memref<128xi32, #tpu.memory_space<vmem>>
    %dma_start3A_114 = arith.constant 0 : i32
    %dma_start3A_115 = arith.constant 0 : i32
    %dma_start3A_116 = tpu.memref_slice %arg3[%dma_start3A_114, %dma_start3A_115] : memref<10000x128xf32, #tpu.memory_space<hbm>> -> memref<10000x128xf32, #tpu.memory_space<hbm>>
    tpu.enqueue_indirect_dma source(%dma_start3A_116 : memref<10000x128xf32, #tpu.memory_space<hbm>>) target(%arg13 : memref<128x128xf32, #tpu.memory_space<vmem>>) offsets(%dma_start3A_113 : memref<128xi32, #tpu.memory_space<vmem>>) semaphore(%arg15 : memref<!tpu.dma_semaphore, #tpu.memory_space<semaphore_mem>>)
    %scan3A_117 = arith.constant 0 : i32
    %scan3A_118 = arith.constant 0 : i32
    %scan3A_119 = arith.constant 19 : i32
    %scan3A_120 = arith.addi %scan3A_118, %scan3A_119 : i32
    %scan3A_121 = arith.constant 1 : i32
    scf.for %scan3A_149 = %scan3A_118 to %scan3A_120 step %scan3A_121  : i32 {
      %mul3A_150 = arith.constant 2 : i32
      %mul3A_151 = arith.muli %mul3A_150, %scan3A_149 : i32
      %add3A_152 = arith.constant 1 : i32
      %add3A_153 = arith.addi %mul3A_151, %add3A_152 : i32
      %dma_start3A_154 = arith.constant 0 : i32
      %dma_start3A_155 = tpu.memref_slice %arg11[%add3A_153, %dma_start3A_154] : memref<40x128xi32, #tpu.memory_space<vmem>> -> memref<1x128xi32, #tpu.memory_space<vmem>>
      %dma_start3A_156 = tpu.memref_squeeze %dma_start3A_155 : memref<1x128xi32, #tpu.memory_space<vmem>> -> memref<128xi32, #tpu.memory_space<vmem>>
      %dma_start3A_157 = arith.constant 0 : i32
      %dma_start3A_158 = arith.constant 0 : i32
      %dma_start3A_159 = tpu.memref_slice %arg3[%dma_start3A_157, %dma_start3A_158] : memref<10000x128xf32, #tpu.memory_space<hbm>> -> memref<10000x128xf32, #tpu.memory_space<hbm>>
      tpu.enqueue_indirect_dma source(%dma_start3A_159 : memref<10000x128xf32, #tpu.memory_space<hbm>>) target(%arg14 : memref<128x128xf32, #tpu.memory_space<vmem>>) offsets(%dma_start3A_156 : memref<128xi32, #tpu.memory_space<vmem>>) semaphore(%arg16 : memref<!tpu.dma_semaphore, #tpu.memory_space<semaphore_mem>>)
      %dma_wait3A_160 = arith.constant 0 : i32
      %dma_wait3A_161 = tpu.memref_slice %arg11[%mul3A_151, %dma_wait3A_160] : memref<40x128xi32, #tpu.memory_space<vmem>> -> memref<1x128xi32, #tpu.memory_space<vmem>>
      %dma_wait3A_162 = tpu.memref_squeeze %dma_wait3A_161 : memref<1x128xi32, #tpu.memory_space<vmem>> -> memref<128xi32, #tpu.memory_space<vmem>>
      %dma_wait3A_163 = arith.constant 0 : i32
      %dma_wait3A_164 = arith.constant 0 : i32
      %dma_wait3A_165 = tpu.memref_slice %arg3[%dma_wait3A_163, %dma_wait3A_164] : memref<10000x128xf32, #tpu.memory_space<hbm>> -> memref<10000x128xf32, #tpu.memory_space<hbm>>
      tpu.wait_indirect_dma semaphore(%arg15 : memref<!tpu.dma_semaphore, #tpu.memory_space<semaphore_mem>>) src(%dma_wait3A_165 : memref<10000x128xf32, #tpu.memory_space<hbm>>) dst(%arg13 : memref<128x128xf32, #tpu.memory_space<vmem>>)
      "tpu.region"() ({
        %run_scoped3A_184 = tpu.sem_alloc : memref<!tpu.dma_semaphore, #tpu.memory_space<semaphore_mem>>
        %dma_start3A_185 = arith.constant 0 : i32
        %dma_start3A_186 = tpu.memref_slice %arg12[%mul3A_151, %dma_start3A_185] : memref<40x128xi32, #tpu.memory_space<vmem>> -> memref<1x128xi32, #tpu.memory_space<vmem>>
        %dma_start3A_187 = tpu.memref_squeeze %dma_start3A_186 : memref<1x128xi32, #tpu.memory_space<vmem>> -> memref<128xi32, #tpu.memory_space<vmem>>
        %dma_start3A_188 = arith.constant 0 : i32
        %dma_start3A_189 = arith.constant 0 : i32
        %dma_start3A_190 = tpu.memref_slice %arg10[%dma_start3A_188, %dma_start3A_189] : memref<10240x128xf32, #tpu.memory_space<vmem_shared>> -> memref<10240x128xf32, #tpu.memory_space<vmem_shared>>
        tpu.enqueue_indirect_dma source(%arg13 : memref<128x128xf32, #tpu.memory_space<vmem>>) target(%dma_start3A_190 : memref<10240x128xf32, #tpu.memory_space<vmem_shared>>) offsets(%dma_start3A_187 : memref<128xi32, #tpu.memory_space<vmem>>) semaphore(%run_scoped3A_184 : memref<!tpu.dma_semaphore, #tpu.memory_space<semaphore_mem>>) {add = true}
        %dma_wait3A_191 = arith.constant 0 : i32
        %dma_wait3A_192 = tpu.memref_slice %arg12[%mul3A_151, %dma_wait3A_191] : memref<40x128xi32, #tpu.memory_space<vmem>> -> memref<1x128xi32, #tpu.memory_space<vmem>>
        %dma_wait3A_193 = tpu.memref_squeeze %dma_wait3A_192 : memref<1x128xi32, #tpu.memory_space<vmem>> -> memref<128xi32, #tpu.memory_space<vmem>>
        %dma_wait3A_194 = arith.constant 0 : i32
        %dma_wait3A_195 = arith.constant 0 : i32
        %dma_wait3A_196 = tpu.memref_slice %arg10[%dma_wait3A_194, %dma_wait3A_195] : memref<10240x128xf32, #tpu.memory_space<vmem_shared>> -> memref<10240x128xf32, #tpu.memory_space<vmem_shared>>
        tpu.wait_indirect_dma semaphore(%run_scoped3A_184 : memref<!tpu.dma_semaphore, #tpu.memory_space<semaphore_mem>>) src(%arg13 : memref<128x128xf32, #tpu.memory_space<vmem>>) dst(%dma_wait3A_196 : memref<10240x128xf32, #tpu.memory_space<vmem_shared>>)
        tpu.yield
      }) : () -> ()
      %add3A_166 = arith.constant 2 : i32
      %add3A_167 = arith.addi %mul3A_151, %add3A_166 : i32
      %dma_start3A_168 = arith.constant 0 : i32
      %dma_start3A_169 = tpu.memref_slice %arg11[%add3A_167, %dma_start3A_168] : memref<40x128xi32, #tpu.memory_space<vmem>> -> memref<1x128xi32, #tpu.memory_space<vmem>>
      %dma_start3A_170 = tpu.memref_squeeze %dma_start3A_169 : memref<1x128xi32, #tpu.memory_space<vmem>> -> memref<128xi32, #tpu.memory_space<vmem>>
      %dma_start3A_171 = arith.constant 0 : i32
      %dma_start3A_172 = arith.constant 0 : i32
      %dma_start3A_173 = tpu.memref_slice %arg3[%dma_start3A_171, %dma_start3A_172] : memref<10000x128xf32, #tpu.memory_space<hbm>> -> memref<10000x128xf32, #tpu.memory_space<hbm>>
      tpu.enqueue_indirect_dma source(%dma_start3A_173 : memref<10000x128xf32, #tpu.memory_space<hbm>>) target(%arg13 : memref<128x128xf32, #tpu.memory_space<vmem>>) offsets(%dma_start3A_170 : memref<128xi32, #tpu.memory_space<vmem>>) semaphore(%arg15 : memref<!tpu.dma_semaphore, #tpu.memory_space<semaphore_mem>>)
      %add3A_174 = arith.constant 1 : i32
      %add3A_175 = arith.addi %mul3A_151, %add3A_174 : i32
      %dma_wait3A_176 = arith.constant 0 : i32
      %dma_wait3A_177 = tpu.memref_slice %arg11[%add3A_175, %dma_wait3A_176] : memref<40x128xi32, #tpu.memory_space<vmem>> -> memref<1x128xi32, #tpu.memory_space<vmem>>
      %dma_wait3A_178 = tpu.memref_squeeze %dma_wait3A_177 : memref<1x128xi32, #tpu.memory_space<vmem>> -> memref<128xi32, #tpu.memory_space<vmem>>
      %dma_wait3A_179 = arith.constant 0 : i32
      %dma_wait3A_180 = arith.constant 0 : i32
      %dma_wait3A_181 = tpu.memref_slice %arg3[%dma_wait3A_179, %dma_wait3A_180] : memref<10000x128xf32, #tpu.memory_space<hbm>> -> memref<10000x128xf32, #tpu.memory_space<hbm>>
      tpu.wait_indirect_dma semaphore(%arg16 : memref<!tpu.dma_semaphore, #tpu.memory_space<semaphore_mem>>) src(%dma_wait3A_181 : memref<10000x128xf32, #tpu.memory_space<hbm>>) dst(%arg14 : memref<128x128xf32, #tpu.memory_space<vmem>>)
      %add3A_182 = arith.constant 1 : i32
      %add3A_183 = arith.addi %mul3A_151, %add3A_182 : i32
      "tpu.region"() ({
        %run_scoped3A_184 = tpu.sem_alloc : memref<!tpu.dma_semaphore, #tpu.memory_space<semaphore_mem>>
        %dma_start3A_185 = arith.constant 0 : i32
        %dma_start3A_186 = tpu.memref_slice %arg12[%add3A_183, %dma_start3A_185] : memref<40x128xi32, #tpu.memory_space<vmem>> -> memref<1x128xi32, #tpu.memory_space<vmem>>
        %dma_start3A_187 = tpu.memref_squeeze %dma_start3A_186 : memref<1x128xi32, #tpu.memory_space<vmem>> -> memref<128xi32, #tpu.memory_space<vmem>>
        %dma_start3A_188 = arith.constant 0 : i32
        %dma_start3A_189 = arith.constant 0 : i32
        %dma_start3A_190 = tpu.memref_slice %arg10[%dma_start3A_188, %dma_start3A_189] : memref<10240x128xf32, #tpu.memory_space<vmem_shared>> -> memref<10240x128xf32, #tpu.memory_space<vmem_shared>>
        tpu.enqueue_indirect_dma source(%arg14 : memref<128x128xf32, #tpu.memory_space<vmem>>) target(%dma_start3A_190 : memref<10240x128xf32, #tpu.memory_space<vmem_shared>>) offsets(%dma_start3A_187 : memref<128xi32, #tpu.memory_space<vmem>>) semaphore(%run_scoped3A_184 : memref<!tpu.dma_semaphore, #tpu.memory_space<semaphore_mem>>) {add = true}
        %dma_wait3A_191 = arith.constant 0 : i32
        %dma_wait3A_192 = tpu.memref_slice %arg12[%add3A_183, %dma_wait3A_191] : memref<40x128xi32, #tpu.memory_space<vmem>> -> memref<1x128xi32, #tpu.memory_space<vmem>>
        %dma_wait3A_193 = tpu.memref_squeeze %dma_wait3A_192 : memref<1x128xi32, #tpu.memory_space<vmem>> -> memref<128xi32, #tpu.memory_space<vmem>>
        %dma_wait3A_194 = arith.constant 0 : i32
        %dma_wait3A_195 = arith.constant 0 : i32
        %dma_wait3A_196 = tpu.memref_slice %arg10[%dma_wait3A_194, %dma_wait3A_195] : memref<10240x128xf32, #tpu.memory_space<vmem_shared>> -> memref<10240x128xf32, #tpu.memory_space<vmem_shared>>
        tpu.wait_indirect_dma semaphore(%run_scoped3A_184 : memref<!tpu.dma_semaphore, #tpu.memory_space<semaphore_mem>>) src(%arg14 : memref<128x128xf32, #tpu.memory_space<vmem>>) dst(%dma_wait3A_196 : memref<10240x128xf32, #tpu.memory_space<vmem_shared>>)
        tpu.yield
      }) : () -> ()
    }
    %scan3A_122 = arith.constant 19 : i32
    %dma_start3A_123 = arith.constant 39 : i32
    %dma_start3A_124 = arith.constant 0 : i32
    %dma_start3A_125 = tpu.memref_slice %arg11[%dma_start3A_123, %dma_start3A_124] : memref<40x128xi32, #tpu.memory_space<vmem>> -> memref<1x128xi32, #tpu.memory_space<vmem>>
    %dma_start3A_126 = tpu.memref_squeeze %dma_start3A_125 : memref<1x128xi32, #tpu.memory_space<vmem>> -> memref<128xi32, #tpu.memory_space<vmem>>
    %dma_start3A_127 = arith.constant 0 : i32
    %dma_start3A_128 = arith.constant 0 : i32
    %dma_start3A_129 = tpu.memref_slice %arg3[%dma_start3A_127, %dma_start3A_128] : memref<10000x128xf32, #tpu.memory_space<hbm>> -> memref<10000x128xf32, #tpu.memory_space<hbm>>
    tpu.enqueue_indirect_dma source(%dma_start3A_129 : memref<10000x128xf32, #tpu.memory_space<hbm>>) target(%arg14 : memref<128x128xf32, #tpu.memory_space<vmem>>) offsets(%dma_start3A_126 : memref<128xi32, #tpu.memory_space<vmem>>) semaphore(%arg16 : memref<!tpu.dma_semaphore, #tpu.memory_space<semaphore_mem>>)
    %dma_wait3A_130 = arith.constant 38 : i32
    %dma_wait3A_131 = arith.constant 0 : i32
    %dma_wait3A_132 = tpu.memref_slice %arg11[%dma_wait3A_130, %dma_wait3A_131] : memref<40x128xi32, #tpu.memory_space<vmem>> -> memref<1x128xi32, #tpu.memory_space<vmem>>
    %dma_wait3A_133 = tpu.memref_squeeze %dma_wait3A_132 : memref<1x128xi32, #tpu.memory_space<vmem>> -> memref<128xi32, #tpu.memory_space<vmem>>
    %dma_wait3A_134 = arith.constant 0 : i32
    %dma_wait3A_135 = arith.constant 0 : i32
    %dma_wait3A_136 = tpu.memref_slice %arg3[%dma_wait3A_134, %dma_wait3A_135] : memref<10000x128xf32, #tpu.memory_space<hbm>> -> memref<10000x128xf32, #tpu.memory_space<hbm>>
    tpu.wait_indirect_dma semaphore(%arg15 : memref<!tpu.dma_semaphore, #tpu.memory_space<semaphore_mem>>) src(%dma_wait3A_136 : memref<10000x128xf32, #tpu.memory_space<hbm>>) dst(%arg13 : memref<128x128xf32, #tpu.memory_space<vmem>>)
    %run_scoped3A_137 = arith.constant 38 : i32
    "tpu.region"() ({
      %run_scoped3A_149 = tpu.sem_alloc : memref<!tpu.dma_semaphore, #tpu.memory_space<semaphore_mem>>
      %dma_start3A_150 = arith.constant 0 : i32
      %dma_start3A_151 = tpu.memref_slice %arg12[%run_scoped3A_137, %dma_start3A_150] : memref<40x128xi32, #tpu.memory_space<vmem>> -> memref<1x128xi32, #tpu.memory_space<vmem>>
      %dma_start3A_152 = tpu.memref_squeeze %dma_start3A_151 : memref<1x128xi32, #tpu.memory_space<vmem>> -> memref<128xi32, #tpu.memory_space<vmem>>
      %dma_start3A_153 = arith.constant 0 : i32
      %dma_start3A_154 = arith.constant 0 : i32
      %dma_start3A_155 = tpu.memref_slice %arg10[%dma_start3A_153, %dma_start3A_154] : memref<10240x128xf32, #tpu.memory_space<vmem_shared>> -> memref<10240x128xf32, #tpu.memory_space<vmem_shared>>
      tpu.enqueue_indirect_dma source(%arg13 : memref<128x128xf32, #tpu.memory_space<vmem>>) target(%dma_start3A_155 : memref<10240x128xf32, #tpu.memory_space<vmem_shared>>) offsets(%dma_start3A_152 : memref<128xi32, #tpu.memory_space<vmem>>) semaphore(%run_scoped3A_149 : memref<!tpu.dma_semaphore, #tpu.memory_space<semaphore_mem>>) {add = true}
      %dma_wait3A_156 = arith.constant 0 : i32
      %dma_wait3A_157 = tpu.memref_slice %arg12[%run_scoped3A_137, %dma_wait3A_156] : memref<40x128xi32, #tpu.memory_space<vmem>> -> memref<1x128xi32, #tpu.memory_space<vmem>>
      %dma_wait3A_158 = tpu.memref_squeeze %dma_wait3A_157 : memref<1x128xi32, #tpu.memory_space<vmem>> -> memref<128xi32, #tpu.memory_space<vmem>>
      %dma_wait3A_159 = arith.constant 0 : i32
      %dma_wait3A_160 = arith.constant 0 : i32
      %dma_wait3A_161 = tpu.memref_slice %arg10[%dma_wait3A_159, %dma_wait3A_160] : memref<10240x128xf32, #tpu.memory_space<vmem_shared>> -> memref<10240x128xf32, #tpu.memory_space<vmem_shared>>
      tpu.wait_indirect_dma semaphore(%run_scoped3A_149 : memref<!tpu.dma_semaphore, #tpu.memory_space<semaphore_mem>>) src(%arg13 : memref<128x128xf32, #tpu.memory_space<vmem>>) dst(%dma_wait3A_161 : memref<10240x128xf32, #tpu.memory_space<vmem_shared>>)
      tpu.yield
    }) : () -> ()
    %dma_wait3A_138 = arith.constant 39 : i32
    %dma_wait3A_139 = arith.constant 0 : i32
    %dma_wait3A_140 = tpu.memref_slice %arg11[%dma_wait3A_138, %dma_wait3A_139] : memref<40x128xi32, #tpu.memory_space<vmem>> -> memref<1x128xi32, #tpu.memory_space<vmem>>
    %dma_wait3A_141 = tpu.memref_squeeze %dma_wait3A_140 : memref<1x128xi32, #tpu.memory_space<vmem>> -> memref<128xi32, #tpu.memory_space<vmem>>
    %dma_wait3A_142 = arith.constant 0 : i32
    %dma_wait3A_143 = arith.constant 0 : i32
    %dma_wait3A_144 = tpu.memref_slice %arg3[%dma_wait3A_142, %dma_wait3A_143] : memref<10000x128xf32, #tpu.memory_space<hbm>> -> memref<10000x128xf32, #tpu.memory_space<hbm>>
    tpu.wait_indirect_dma semaphore(%arg16 : memref<!tpu.dma_semaphore, #tpu.memory_space<semaphore_mem>>) src(%dma_wait3A_144 : memref<10000x128xf32, #tpu.memory_space<hbm>>) dst(%arg14 : memref<128x128xf32, #tpu.memory_space<vmem>>)
    %run_scoped3A_145 = arith.constant 39 : i32
    "tpu.region"() ({
      %run_scoped3A_149 = tpu.sem_alloc : memref<!tpu.dma_semaphore, #tpu.memory_space<semaphore_mem>>
      %dma_start3A_150 = arith.constant 0 : i32
      %dma_start3A_151 = tpu.memref_slice %arg12[%run_scoped3A_145, %dma_start3A_150] : memref<40x128xi32, #tpu.memory_space<vmem>> -> memref<1x128xi32, #tpu.memory_space<vmem>>
      %dma_start3A_152 = tpu.memref_squeeze %dma_start3A_151 : memref<1x128xi32, #tpu.memory_space<vmem>> -> memref<128xi32, #tpu.memory_space<vmem>>
      %dma_start3A_153 = arith.constant 0 : i32
      %dma_start3A_154 = arith.constant 0 : i32
      %dma_start3A_155 = tpu.memref_slice %arg10[%dma_start3A_153, %dma_start3A_154] : memref<10240x128xf32, #tpu.memory_space<vmem_shared>> -> memref<10240x128xf32, #tpu.memory_space<vmem_shared>>
      tpu.enqueue_indirect_dma source(%arg14 : memref<128x128xf32, #tpu.memory_space<vmem>>) target(%dma_start3A_155 : memref<10240x128xf32, #tpu.memory_space<vmem_shared>>) offsets(%dma_start3A_152 : memref<128xi32, #tpu.memory_space<vmem>>) semaphore(%run_scoped3A_149 : memref<!tpu.dma_semaphore, #tpu.memory_space<semaphore_mem>>) {add = true}
      %dma_wait3A_156 = arith.constant 0 : i32
      %dma_wait3A_157 = tpu.memref_slice %arg12[%run_scoped3A_145, %dma_wait3A_156] : memref<40x128xi32, #tpu.memory_space<vmem>> -> memref<1x128xi32, #tpu.memory_space<vmem>>
      %dma_wait3A_158 = tpu.memref_squeeze %dma_wait3A_157 : memref<1x128xi32, #tpu.memory_space<vmem>> -> memref<128xi32, #tpu.memory_space<vmem>>
      %dma_wait3A_159 = arith.constant 0 : i32
      %dma_wait3A_160 = arith.constant 0 : i32
      %dma_wait3A_161 = tpu.memref_slice %arg10[%dma_wait3A_159, %dma_wait3A_160] : memref<10240x128xf32, #tpu.memory_space<vmem_shared>> -> memref<10240x128xf32, #tpu.memory_space<vmem_shared>>
      tpu.wait_indirect_dma semaphore(%run_scoped3A_149 : memref<!tpu.dma_semaphore, #tpu.memory_space<semaphore_mem>>) src(%arg14 : memref<128x128xf32, #tpu.memory_space<vmem>>) dst(%dma_wait3A_161 : memref<10240x128xf32, #tpu.memory_space<vmem_shared>>)
      tpu.yield
    }) : () -> ()
    %barrier3A_146 = arith.constant 0 : index
    tpu.barrier barrier_id(%barrier3A_146)
    %run_scoped3A_147 = arith.constant 1 : i32
    "tpu.region"() ({
      %run_scoped3A_149 = tpu.sem_alloc : memref<!tpu.dma_semaphore, #tpu.memory_space<semaphore_mem>>
      %dma_start3A_150 = arith.constant 0 : i32
      %dma_start3A_151 = tpu.memref_slice %arg9[%run_scoped3A_147, %arg0, %mul3A_2, %dma_start3A_150] : memref<2x2x10240x128xf32, #tpu.memory_space<hbm>> -> memref<1x1x640x128xf32, #tpu.memory_space<hbm>>
      %dma_start3A_152 = tpu.memref_squeeze %dma_start3A_151 : memref<1x1x640x128xf32, #tpu.memory_space<hbm>> -> memref<640x128xf32, #tpu.memory_space<hbm>>
      %dma_start3A_153 = arith.constant 0 : i32
      %dma_start3A_154 = tpu.memref_slice %arg10[%mul3A_2, %dma_start3A_153] : memref<10240x128xf32, #tpu.memory_space<vmem_shared>> -> memref<640x128xf32, #tpu.memory_space<vmem_shared>>
      tpu.enqueue_dma source(%dma_start3A_154 : memref<640x128xf32, #tpu.memory_space<vmem_shared>>) target(%dma_start3A_152 : memref<640x128xf32, #tpu.memory_space<hbm>>) target_semaphore(%run_scoped3A_149 : memref<!tpu.dma_semaphore, #tpu.memory_space<semaphore_mem>>)
      %dma_wait3A_155 = arith.constant 0 : i32
      %dma_wait3A_156 = tpu.memref_slice %arg9[%run_scoped3A_147, %arg0, %mul3A_2, %dma_wait3A_155] : memref<2x2x10240x128xf32, #tpu.memory_space<hbm>> -> memref<1x1x640x128xf32, #tpu.memory_space<hbm>>
      %dma_wait3A_157 = tpu.memref_squeeze %dma_wait3A_156 : memref<1x1x640x128xf32, #tpu.memory_space<hbm>> -> memref<640x128xf32, #tpu.memory_space<hbm>>
      %dma_wait3A_158 = arith.constant 0 : i32
      %dma_wait3A_159 = tpu.memref_slice %arg10[%mul3A_2, %dma_wait3A_158] : memref<10240x128xf32, #tpu.memory_space<vmem_shared>> -> memref<640x128xf32, #tpu.memory_space<vmem_shared>>
      tpu.wait_dma2 semaphore(%run_scoped3A_149 : memref<!tpu.dma_semaphore, #tpu.memory_space<semaphore_mem>>) src(%dma_wait3A_159 : memref<640x128xf32, #tpu.memory_space<vmem_shared>>) dst(%dma_wait3A_157 : memref<640x128xf32, #tpu.memory_space<hbm>>)
      tpu.yield
    }) : () -> ()
    %barrier3A_148 = arith.constant 0 : index
    tpu.barrier barrier_id(%barrier3A_148)
    return
  }
}

#map = affine_map<(d0, d1) -> (0, 0, 0)>
#map1 = affine_map<(d0, d1) -> (0)>
module attributes {stable_mosaic.version = 14 : i64} {
  func.func @_deg_kernel(%arg0: i32, %arg1: i32, %arg2: memref<32x80x128xi32, #tpu.memory_space<hbm>>, %arg3: memref<32x80x128xi32, #tpu.memory_space<hbm>>, %arg4: memref<40960xf32, #tpu.memory_space<hbm>>, %arg5: memref<10240xf32, #tpu.memory_space<vmem_shared>>, %arg6: memref<80x128xi32, #tpu.memory_space<vmem>>, %arg7: memref<128xf32, #tpu.memory_space<vmem>>, %arg8: memref<640xf32, #tpu.memory_space<vmem>>) attributes {dimension_semantics = [#tpu.dimension_semantics<core_parallel>, #tpu.dimension_semantics<subcore_parallel>], iteration_bounds = array<i64: 2, 16>, scalar_prefetch = 0 : i64, scratch_operands = 4 : i64, tpu.core_type = #tpu.core_type<sc_vector_subcore>, window_params = [{transform_indices = #map}, {transform_indices = #map}, {transform_indices = #map1}]} {
    %mul3A = arith.constant 2 : i32
    %mul3A_0 = arith.muli %arg1, %mul3A : i32
    %add3A = arith.addi %mul3A_0, %arg0 : i32
    %mul3A_1 = arith.constant 640 : i32
    %mul3A_2 = arith.muli %arg1, %mul3A_1 : i32
    %broadcast_in_dim3A = arith.constant 1.000000e+00 : f32
    %broadcast_in_dim3A_3 = vector.broadcast %broadcast_in_dim3A : f32 to vector<16xf32>
    %swap3A = arith.constant 0 : index
    %swap3A_4 = tpu.vector_load %arg7[%swap3A] {strides = array<i32>} : memref<128xf32, #tpu.memory_space<vmem>>, vector<16xf32>,
    %swap3A_5 = vector.shape_cast %swap3A_4 : vector<16xf32> to vector<16xf32>
    %swap3A_6 = vector.shape_cast %broadcast_in_dim3A_3 : vector<16xf32> to vector<16xf32>
    tpu.vector_store %arg7[%swap3A], %swap3A_6 {strides = array<i32>} : memref<128xf32, #tpu.memory_space<vmem>>, vector<16xf32>,
    %broadcast_in_dim3A_7 = arith.constant 1.000000e+00 : f32
    %broadcast_in_dim3A_8 = vector.broadcast %broadcast_in_dim3A_7 : f32 to vector<16xf32>
    %swap3A_9 = arith.constant 16 : index
    %swap3A_10 = tpu.vector_load %arg7[%swap3A_9] {strides = array<i32>} : memref<128xf32, #tpu.memory_space<vmem>>, vector<16xf32>,
    %swap3A_11 = vector.shape_cast %swap3A_10 : vector<16xf32> to vector<16xf32>
    %swap3A_12 = vector.shape_cast %broadcast_in_dim3A_8 : vector<16xf32> to vector<16xf32>
    tpu.vector_store %arg7[%swap3A_9], %swap3A_12 {strides = array<i32>} : memref<128xf32, #tpu.memory_space<vmem>>, vector<16xf32>,
    %broadcast_in_dim3A_13 = arith.constant 1.000000e+00 : f32
    %broadcast_in_dim3A_14 = vector.broadcast %broadcast_in_dim3A_13 : f32 to vector<16xf32>
    %swap3A_15 = arith.constant 32 : index
    %swap3A_16 = tpu.vector_load %arg7[%swap3A_15] {strides = array<i32>} : memref<128xf32, #tpu.memory_space<vmem>>, vector<16xf32>,
    %swap3A_17 = vector.shape_cast %swap3A_16 : vector<16xf32> to vector<16xf32>
    %swap3A_18 = vector.shape_cast %broadcast_in_dim3A_14 : vector<16xf32> to vector<16xf32>
    tpu.vector_store %arg7[%swap3A_15], %swap3A_18 {strides = array<i32>} : memref<128xf32, #tpu.memory_space<vmem>>, vector<16xf32>,
    %broadcast_in_dim3A_19 = arith.constant 1.000000e+00 : f32
    %broadcast_in_dim3A_20 = vector.broadcast %broadcast_in_dim3A_19 : f32 to vector<16xf32>
    %swap3A_21 = arith.constant 48 : index
    %swap3A_22 = tpu.vector_load %arg7[%swap3A_21] {strides = array<i32>} : memref<128xf32, #tpu.memory_space<vmem>>, vector<16xf32>,
    %swap3A_23 = vector.shape_cast %swap3A_22 : vector<16xf32> to vector<16xf32>
    %swap3A_24 = vector.shape_cast %broadcast_in_dim3A_20 : vector<16xf32> to vector<16xf32>
    tpu.vector_store %arg7[%swap3A_21], %swap3A_24 {strides = array<i32>} : memref<128xf32, #tpu.memory_space<vmem>>, vector<16xf32>,
    %broadcast_in_dim3A_25 = arith.constant 1.000000e+00 : f32
    %broadcast_in_dim3A_26 = vector.broadcast %broadcast_in_dim3A_25 : f32 to vector<16xf32>
    %swap3A_27 = arith.constant 64 : index
    %swap3A_28 = tpu.vector_load %arg7[%swap3A_27] {strides = array<i32>} : memref<128xf32, #tpu.memory_space<vmem>>, vector<16xf32>,
    %swap3A_29 = vector.shape_cast %swap3A_28 : vector<16xf32> to vector<16xf32>
    %swap3A_30 = vector.shape_cast %broadcast_in_dim3A_26 : vector<16xf32> to vector<16xf32>
    tpu.vector_store %arg7[%swap3A_27], %swap3A_30 {strides = array<i32>} : memref<128xf32, #tpu.memory_space<vmem>>, vector<16xf32>,
    %broadcast_in_dim3A_31 = arith.constant 1.000000e+00 : f32
    %broadcast_in_dim3A_32 = vector.broadcast %broadcast_in_dim3A_31 : f32 to vector<16xf32>
    %swap3A_33 = arith.constant 80 : index
    %swap3A_34 = tpu.vector_load %arg7[%swap3A_33] {strides = array<i32>} : memref<128xf32, #tpu.memory_space<vmem>>, vector<16xf32>,
    %swap3A_35 = vector.shape_cast %swap3A_34 : vector<16xf32> to vector<16xf32>
    %swap3A_36 = vector.shape_cast %broadcast_in_dim3A_32 : vector<16xf32> to vector<16xf32>
    tpu.vector_store %arg7[%swap3A_33], %swap3A_36 {strides = array<i32>} : memref<128xf32, #tpu.memory_space<vmem>>, vector<16xf32>,
    %broadcast_in_dim3A_37 = arith.constant 1.000000e+00 : f32
    %broadcast_in_dim3A_38 = vector.broadcast %broadcast_in_dim3A_37 : f32 to vector<16xf32>
    %swap3A_39 = arith.constant 96 : index
    %swap3A_40 = tpu.vector_load %arg7[%swap3A_39] {strides = array<i32>} : memref<128xf32, #tpu.memory_space<vmem>>, vector<16xf32>,
    %swap3A_41 = vector.shape_cast %swap3A_40 : vector<16xf32> to vector<16xf32>
    %swap3A_42 = vector.shape_cast %broadcast_in_dim3A_38 : vector<16xf32> to vector<16xf32>
    tpu.vector_store %arg7[%swap3A_39], %swap3A_42 {strides = array<i32>} : memref<128xf32, #tpu.memory_space<vmem>>, vector<16xf32>,
    %broadcast_in_dim3A_43 = arith.constant 1.000000e+00 : f32
    %broadcast_in_dim3A_44 = vector.broadcast %broadcast_in_dim3A_43 : f32 to vector<16xf32>
    %swap3A_45 = arith.constant 112 : index
    %swap3A_46 = tpu.vector_load %arg7[%swap3A_45] {strides = array<i32>} : memref<128xf32, #tpu.memory_space<vmem>>, vector<16xf32>,
    %swap3A_47 = vector.shape_cast %swap3A_46 : vector<16xf32> to vector<16xf32>
    %swap3A_48 = vector.shape_cast %broadcast_in_dim3A_44 : vector<16xf32> to vector<16xf32>
    tpu.vector_store %arg7[%swap3A_45], %swap3A_48 {strides = array<i32>} : memref<128xf32, #tpu.memory_space<vmem>>, vector<16xf32>,
    %broadcast_in_dim3A_49 = arith.constant 0.000000e+00 : f32
    %broadcast_in_dim3A_50 = vector.broadcast %broadcast_in_dim3A_49 : f32 to vector<16xf32>
    %swap3A_51 = arith.constant 0 : index
    %swap3A_52 = tpu.vector_load %arg8[%swap3A_51] {strides = array<i32>} : memref<640xf32, #tpu.memory_space<vmem>>, vector<16xf32>,
    %swap3A_53 = vector.shape_cast %swap3A_52 : vector<16xf32> to vector<16xf32>
    %swap3A_54 = vector.shape_cast %broadcast_in_dim3A_50 : vector<16xf32> to vector<16xf32>
    tpu.vector_store %arg8[%swap3A_51], %swap3A_54 {strides = array<i32>} : memref<640xf32, #tpu.memory_space<vmem>>, vector<16xf32>,
    %broadcast_in_dim3A_55 = arith.constant 0.000000e+00 : f32
    %broadcast_in_dim3A_56 = vector.broadcast %broadcast_in_dim3A_55 : f32 to vector<16xf32>
    %swap3A_57 = arith.constant 16 : index
    %swap3A_58 = tpu.vector_load %arg8[%swap3A_57] {strides = array<i32>} : memref<640xf32, #tpu.memory_space<vmem>>, vector<16xf32>,
    %swap3A_59 = vector.shape_cast %swap3A_58 : vector<16xf32> to vector<16xf32>
    %swap3A_60 = vector.shape_cast %broadcast_in_dim3A_56 : vector<16xf32> to vector<16xf32>
    tpu.vector_store %arg8[%swap3A_57], %swap3A_60 {strides = array<i32>} : memref<640xf32, #tpu.memory_space<vmem>>, vector<16xf32>,
    %broadcast_in_dim3A_61 = arith.constant 0.000000e+00 : f32
    %broadcast_in_dim3A_62 = vector.broadcast %broadcast_in_dim3A_61 : f32 to vector<16xf32>
    %swap3A_63 = arith.constant 32 : index
    %swap3A_64 = tpu.vector_load %arg8[%swap3A_63] {strides = array<i32>} : memref<640xf32, #tpu.memory_space<vmem>>, vector<16xf32>,
    %swap3A_65 = vector.shape_cast %swap3A_64 : vector<16xf32> to vector<16xf32>
    %swap3A_66 = vector.shape_cast %broadcast_in_dim3A_62 : vector<16xf32> to vector<16xf32>
    tpu.vector_store %arg8[%swap3A_63], %swap3A_66 {strides = array<i32>} : memref<640xf32, #tpu.memory_space<vmem>>, vector<16xf32>,
    %broadcast_in_dim3A_67 = arith.constant 0.000000e+00 : f32
    %broadcast_in_dim3A_68 = vector.broadcast %broadcast_in_dim3A_67 : f32 to vector<16xf32>
    %swap3A_69 = arith.constant 48 : index
    %swap3A_70 = tpu.vector_load %arg8[%swap3A_69] {strides = array<i32>} : memref<640xf32, #tpu.memory_space<vmem>>, vector<16xf32>,
    %swap3A_71 = vector.shape_cast %swap3A_70 : vector<16xf32> to vector<16xf32>
    %swap3A_72 = vector.shape_cast %broadcast_in_dim3A_68 : vector<16xf32> to vector<16xf32>
    tpu.vector_store %arg8[%swap3A_69], %swap3A_72 {strides = array<i32>} : memref<640xf32, #tpu.memory_space<vmem>>, vector<16xf32>,
    %broadcast_in_dim3A_73 = arith.constant 0.000000e+00 : f32
    %broadcast_in_dim3A_74 = vector.broadcast %broadcast_in_dim3A_73 : f32 to vector<16xf32>
    %swap3A_75 = arith.constant 64 : index
    %swap3A_76 = tpu.vector_load %arg8[%swap3A_75] {strides = array<i32>} : memref<640xf32, #tpu.memory_space<vmem>>, vector<16xf32>,
    %swap3A_77 = vector.shape_cast %swap3A_76 : vector<16xf32> to vector<16xf32>
    %swap3A_78 = vector.shape_cast %broadcast_in_dim3A_74 : vector<16xf32> to vector<16xf32>
    tpu.vector_store %arg8[%swap3A_75], %swap3A_78 {strides = array<i32>} : memref<640xf32, #tpu.memory_space<vmem>>, vector<16xf32>,
    %broadcast_in_dim3A_79 = arith.constant 0.000000e+00 : f32
    %broadcast_in_dim3A_80 = vector.broadcast %broadcast_in_dim3A_79 : f32 to vector<16xf32>
    %swap3A_81 = arith.constant 80 : index
    %swap3A_82 = tpu.vector_load %arg8[%swap3A_81] {strides = array<i32>} : memref<640xf32, #tpu.memory_space<vmem>>, vector<16xf32>,
    %swap3A_83 = vector.shape_cast %swap3A_82 : vector<16xf32> to vector<16xf32>
    %swap3A_84 = vector.shape_cast %broadcast_in_dim3A_80 : vector<16xf32> to vector<16xf32>
    tpu.vector_store %arg8[%swap3A_81], %swap3A_84 {strides = array<i32>} : memref<640xf32, #tpu.memory_space<vmem>>, vector<16xf32>,
    %broadcast_in_dim3A_85 = arith.constant 0.000000e+00 : f32
    %broadcast_in_dim3A_86 = vector.broadcast %broadcast_in_dim3A_85 : f32 to vector<16xf32>
    %swap3A_87 = arith.constant 96 : index
    %swap3A_88 = tpu.vector_load %arg8[%swap3A_87] {strides = array<i32>} : memref<640xf32, #tpu.memory_space<vmem>>, vector<16xf32>,
    %swap3A_89 = vector.shape_cast %swap3A_88 : vector<16xf32> to vector<16xf32>
    %swap3A_90 = vector.shape_cast %broadcast_in_dim3A_86 : vector<16xf32> to vector<16xf32>
    tpu.vector_store %arg8[%swap3A_87], %swap3A_90 {strides = array<i32>} : memref<640xf32, #tpu.memory_space<vmem>>, vector<16xf32>,
    %broadcast_in_dim3A_91 = arith.constant 0.000000e+00 : f32
    %broadcast_in_dim3A_92 = vector.broadcast %broadcast_in_dim3A_91 : f32 to vector<16xf32>
    %swap3A_93 = arith.constant 112 : index
    %swap3A_94 = tpu.vector_load %arg8[%swap3A_93] {strides = array<i32>} : memref<640xf32, #tpu.memory_space<vmem>>, vector<16xf32>,
    %swap3A_95 = vector.shape_cast %swap3A_94 : vector<16xf32> to vector<16xf32>
    %swap3A_96 = vector.shape_cast %broadcast_in_dim3A_92 : vector<16xf32> to vector<16xf32>
    tpu.vector_store %arg8[%swap3A_93], %swap3A_96 {strides = array<i32>} : memref<640xf32, #tpu.memory_space<vmem>>, vector<16xf32>,
    %broadcast_in_dim3A_97 = arith.constant 0.000000e+00 : f32
    %broadcast_in_dim3A_98 = vector.broadcast %broadcast_in_dim3A_97 : f32 to vector<16xf32>
    %swap3A_99 = arith.constant 128 : index
    %swap3A_100 = tpu.vector_load %arg8[%swap3A_99] {strides = array<i32>} : memref<640xf32, #tpu.memory_space<vmem>>, vector<16xf32>,
    %swap3A_101 = vector.shape_cast %swap3A_100 : vector<16xf32> to vector<16xf32>
    %swap3A_102 = vector.shape_cast %broadcast_in_dim3A_98 : vector<16xf32> to vector<16xf32>
    tpu.vector_store %arg8[%swap3A_99], %swap3A_102 {strides = array<i32>} : memref<640xf32, #tpu.memory_space<vmem>>, vector<16xf32>,
    %broadcast_in_dim3A_103 = arith.constant 0.000000e+00 : f32
    %broadcast_in_dim3A_104 = vector.broadcast %broadcast_in_dim3A_103 : f32 to vector<16xf32>
    %swap3A_105 = arith.constant 144 : index
    %swap3A_106 = tpu.vector_load %arg8[%swap3A_105] {strides = array<i32>} : memref<640xf32, #tpu.memory_space<vmem>>, vector<16xf32>,
    %swap3A_107 = vector.shape_cast %swap3A_106 : vector<16xf32> to vector<16xf32>
    %swap3A_108 = vector.shape_cast %broadcast_in_dim3A_104 : vector<16xf32> to vector<16xf32>
    tpu.vector_store %arg8[%swap3A_105], %swap3A_108 {strides = array<i32>} : memref<640xf32, #tpu.memory_space<vmem>>, vector<16xf32>,
    %broadcast_in_dim3A_109 = arith.constant 0.000000e+00 : f32
    %broadcast_in_dim3A_110 = vector.broadcast %broadcast_in_dim3A_109 : f32 to vector<16xf32>
    %swap3A_111 = arith.constant 160 : index
    %swap3A_112 = tpu.vector_load %arg8[%swap3A_111] {strides = array<i32>} : memref<640xf32, #tpu.memory_space<vmem>>, vector<16xf32>,
    %swap3A_113 = vector.shape_cast %swap3A_112 : vector<16xf32> to vector<16xf32>
    %swap3A_114 = vector.shape_cast %broadcast_in_dim3A_110 : vector<16xf32> to vector<16xf32>
    tpu.vector_store %arg8[%swap3A_111], %swap3A_114 {strides = array<i32>} : memref<640xf32, #tpu.memory_space<vmem>>, vector<16xf32>,
    %broadcast_in_dim3A_115 = arith.constant 0.000000e+00 : f32
    %broadcast_in_dim3A_116 = vector.broadcast %broadcast_in_dim3A_115 : f32 to vector<16xf32>
    %swap3A_117 = arith.constant 176 : index
    %swap3A_118 = tpu.vector_load %arg8[%swap3A_117] {strides = array<i32>} : memref<640xf32, #tpu.memory_space<vmem>>, vector<16xf32>,
    %swap3A_119 = vector.shape_cast %swap3A_118 : vector<16xf32> to vector<16xf32>
    %swap3A_120 = vector.shape_cast %broadcast_in_dim3A_116 : vector<16xf32> to vector<16xf32>
    tpu.vector_store %arg8[%swap3A_117], %swap3A_120 {strides = array<i32>} : memref<640xf32, #tpu.memory_space<vmem>>, vector<16xf32>,
    %broadcast_in_dim3A_121 = arith.constant 0.000000e+00 : f32
    %broadcast_in_dim3A_122 = vector.broadcast %broadcast_in_dim3A_121 : f32 to vector<16xf32>
    %swap3A_123 = arith.constant 192 : index
    %swap3A_124 = tpu.vector_load %arg8[%swap3A_123] {strides = array<i32>} : memref<640xf32, #tpu.memory_space<vmem>>, vector<16xf32>,
    %swap3A_125 = vector.shape_cast %swap3A_124 : vector<16xf32> to vector<16xf32>
    %swap3A_126 = vector.shape_cast %broadcast_in_dim3A_122 : vector<16xf32> to vector<16xf32>
    tpu.vector_store %arg8[%swap3A_123], %swap3A_126 {strides = array<i32>} : memref<640xf32, #tpu.memory_space<vmem>>, vector<16xf32>,
    %broadcast_in_dim3A_127 = arith.constant 0.000000e+00 : f32
    %broadcast_in_dim3A_128 = vector.broadcast %broadcast_in_dim3A_127 : f32 to vector<16xf32>
    %swap3A_129 = arith.constant 208 : index
    %swap3A_130 = tpu.vector_load %arg8[%swap3A_129] {strides = array<i32>} : memref<640xf32, #tpu.memory_space<vmem>>, vector<16xf32>,
    %swap3A_131 = vector.shape_cast %swap3A_130 : vector<16xf32> to vector<16xf32>
    %swap3A_132 = vector.shape_cast %broadcast_in_dim3A_128 : vector<16xf32> to vector<16xf32>
    tpu.vector_store %arg8[%swap3A_129], %swap3A_132 {strides = array<i32>} : memref<640xf32, #tpu.memory_space<vmem>>, vector<16xf32>,
    %broadcast_in_dim3A_133 = arith.constant 0.000000e+00 : f32
    %broadcast_in_dim3A_134 = vector.broadcast %broadcast_in_dim3A_133 : f32 to vector<16xf32>
    %swap3A_135 = arith.constant 224 : index
    %swap3A_136 = tpu.vector_load %arg8[%swap3A_135] {strides = array<i32>} : memref<640xf32, #tpu.memory_space<vmem>>, vector<16xf32>,
    %swap3A_137 = vector.shape_cast %swap3A_136 : vector<16xf32> to vector<16xf32>
    %swap3A_138 = vector.shape_cast %broadcast_in_dim3A_134 : vector<16xf32> to vector<16xf32>
    tpu.vector_store %arg8[%swap3A_135], %swap3A_138 {strides = array<i32>} : memref<640xf32, #tpu.memory_space<vmem>>, vector<16xf32>,
    %broadcast_in_dim3A_139 = arith.constant 0.000000e+00 : f32
    %broadcast_in_dim3A_140 = vector.broadcast %broadcast_in_dim3A_139 : f32 to vector<16xf32>
    %swap3A_141 = arith.constant 240 : index
    %swap3A_142 = tpu.vector_load %arg8[%swap3A_141] {strides = array<i32>} : memref<640xf32, #tpu.memory_space<vmem>>, vector<16xf32>,
    %swap3A_143 = vector.shape_cast %swap3A_142 : vector<16xf32> to vector<16xf32>
    %swap3A_144 = vector.shape_cast %broadcast_in_dim3A_140 : vector<16xf32> to vector<16xf32>
    tpu.vector_store %arg8[%swap3A_141], %swap3A_144 {strides = array<i32>} : memref<640xf32, #tpu.memory_space<vmem>>, vector<16xf32>,
    %broadcast_in_dim3A_145 = arith.constant 0.000000e+00 : f32
    %broadcast_in_dim3A_146 = vector.broadcast %broadcast_in_dim3A_145 : f32 to vector<16xf32>
    %swap3A_147 = arith.constant 256 : index
    %swap3A_148 = tpu.vector_load %arg8[%swap3A_147] {strides = array<i32>} : memref<640xf32, #tpu.memory_space<vmem>>, vector<16xf32>,
    %swap3A_149 = vector.shape_cast %swap3A_148 : vector<16xf32> to vector<16xf32>
    %swap3A_150 = vector.shape_cast %broadcast_in_dim3A_146 : vector<16xf32> to vector<16xf32>
    tpu.vector_store %arg8[%swap3A_147], %swap3A_150 {strides = array<i32>} : memref<640xf32, #tpu.memory_space<vmem>>, vector<16xf32>,
    %broadcast_in_dim3A_151 = arith.constant 0.000000e+00 : f32
    %broadcast_in_dim3A_152 = vector.broadcast %broadcast_in_dim3A_151 : f32 to vector<16xf32>
    %swap3A_153 = arith.constant 272 : index
    %swap3A_154 = tpu.vector_load %arg8[%swap3A_153] {strides = array<i32>} : memref<640xf32, #tpu.memory_space<vmem>>, vector<16xf32>,
    %swap3A_155 = vector.shape_cast %swap3A_154 : vector<16xf32> to vector<16xf32>
    %swap3A_156 = vector.shape_cast %broadcast_in_dim3A_152 : vector<16xf32> to vector<16xf32>
    tpu.vector_store %arg8[%swap3A_153], %swap3A_156 {strides = array<i32>} : memref<640xf32, #tpu.memory_space<vmem>>, vector<16xf32>,
    %broadcast_in_dim3A_157 = arith.constant 0.000000e+00 : f32
    %broadcast_in_dim3A_158 = vector.broadcast %broadcast_in_dim3A_157 : f32 to vector<16xf32>
    %swap3A_159 = arith.constant 288 : index
    %swap3A_160 = tpu.vector_load %arg8[%swap3A_159] {strides = array<i32>} : memref<640xf32, #tpu.memory_space<vmem>>, vector<16xf32>,
    %swap3A_161 = vector.shape_cast %swap3A_160 : vector<16xf32> to vector<16xf32>
    %swap3A_162 = vector.shape_cast %broadcast_in_dim3A_158 : vector<16xf32> to vector<16xf32>
    tpu.vector_store %arg8[%swap3A_159], %swap3A_162 {strides = array<i32>} : memref<640xf32, #tpu.memory_space<vmem>>, vector<16xf32>,
    %broadcast_in_dim3A_163 = arith.constant 0.000000e+00 : f32
    %broadcast_in_dim3A_164 = vector.broadcast %broadcast_in_dim3A_163 : f32 to vector<16xf32>
    %swap3A_165 = arith.constant 304 : index
    %swap3A_166 = tpu.vector_load %arg8[%swap3A_165] {strides = array<i32>} : memref<640xf32, #tpu.memory_space<vmem>>, vector<16xf32>,
    %swap3A_167 = vector.shape_cast %swap3A_166 : vector<16xf32> to vector<16xf32>
    %swap3A_168 = vector.shape_cast %broadcast_in_dim3A_164 : vector<16xf32> to vector<16xf32>
    tpu.vector_store %arg8[%swap3A_165], %swap3A_168 {strides = array<i32>} : memref<640xf32, #tpu.memory_space<vmem>>, vector<16xf32>,
    %broadcast_in_dim3A_169 = arith.constant 0.000000e+00 : f32
    %broadcast_in_dim3A_170 = vector.broadcast %broadcast_in_dim3A_169 : f32 to vector<16xf32>
    %swap3A_171 = arith.constant 320 : index
    %swap3A_172 = tpu.vector_load %arg8[%swap3A_171] {strides = array<i32>} : memref<640xf32, #tpu.memory_space<vmem>>, vector<16xf32>,
    %swap3A_173 = vector.shape_cast %swap3A_172 : vector<16xf32> to vector<16xf32>
    %swap3A_174 = vector.shape_cast %broadcast_in_dim3A_170 : vector<16xf32> to vector<16xf32>
    tpu.vector_store %arg8[%swap3A_171], %swap3A_174 {strides = array<i32>} : memref<640xf32, #tpu.memory_space<vmem>>, vector<16xf32>,
    %broadcast_in_dim3A_175 = arith.constant 0.000000e+00 : f32
    %broadcast_in_dim3A_176 = vector.broadcast %broadcast_in_dim3A_175 : f32 to vector<16xf32>
    %swap3A_177 = arith.constant 336 : index
    %swap3A_178 = tpu.vector_load %arg8[%swap3A_177] {strides = array<i32>} : memref<640xf32, #tpu.memory_space<vmem>>, vector<16xf32>,
    %swap3A_179 = vector.shape_cast %swap3A_178 : vector<16xf32> to vector<16xf32>
    %swap3A_180 = vector.shape_cast %broadcast_in_dim3A_176 : vector<16xf32> to vector<16xf32>
    tpu.vector_store %arg8[%swap3A_177], %swap3A_180 {strides = array<i32>} : memref<640xf32, #tpu.memory_space<vmem>>, vector<16xf32>,
    %broadcast_in_dim3A_181 = arith.constant 0.000000e+00 : f32
    %broadcast_in_dim3A_182 = vector.broadcast %broadcast_in_dim3A_181 : f32 to vector<16xf32>
    %swap3A_183 = arith.constant 352 : index
    %swap3A_184 = tpu.vector_load %arg8[%swap3A_183] {strides = array<i32>} : memref<640xf32, #tpu.memory_space<vmem>>, vector<16xf32>,
    %swap3A_185 = vector.shape_cast %swap3A_184 : vector<16xf32> to vector<16xf32>
    %swap3A_186 = vector.shape_cast %broadcast_in_dim3A_182 : vector<16xf32> to vector<16xf32>
    tpu.vector_store %arg8[%swap3A_183], %swap3A_186 {strides = array<i32>} : memref<640xf32, #tpu.memory_space<vmem>>, vector<16xf32>,
    %broadcast_in_dim3A_187 = arith.constant 0.000000e+00 : f32
    %broadcast_in_dim3A_188 = vector.broadcast %broadcast_in_dim3A_187 : f32 to vector<16xf32>
    %swap3A_189 = arith.constant 368 : index
    %swap3A_190 = tpu.vector_load %arg8[%swap3A_189] {strides = array<i32>} : memref<640xf32, #tpu.memory_space<vmem>>, vector<16xf32>,
    %swap3A_191 = vector.shape_cast %swap3A_190 : vector<16xf32> to vector<16xf32>
    %swap3A_192 = vector.shape_cast %broadcast_in_dim3A_188 : vector<16xf32> to vector<16xf32>
    tpu.vector_store %arg8[%swap3A_189], %swap3A_192 {strides = array<i32>} : memref<640xf32, #tpu.memory_space<vmem>>, vector<16xf32>,
    %broadcast_in_dim3A_193 = arith.constant 0.000000e+00 : f32
    %broadcast_in_dim3A_194 = vector.broadcast %broadcast_in_dim3A_193 : f32 to vector<16xf32>
    %swap3A_195 = arith.constant 384 : index
    %swap3A_196 = tpu.vector_load %arg8[%swap3A_195] {strides = array<i32>} : memref<640xf32, #tpu.memory_space<vmem>>, vector<16xf32>,
    %swap3A_197 = vector.shape_cast %swap3A_196 : vector<16xf32> to vector<16xf32>
    %swap3A_198 = vector.shape_cast %broadcast_in_dim3A_194 : vector<16xf32> to vector<16xf32>
    tpu.vector_store %arg8[%swap3A_195], %swap3A_198 {strides = array<i32>} : memref<640xf32, #tpu.memory_space<vmem>>, vector<16xf32>,
    %broadcast_in_dim3A_199 = arith.constant 0.000000e+00 : f32
    %broadcast_in_dim3A_200 = vector.broadcast %broadcast_in_dim3A_199 : f32 to vector<16xf32>
    %swap3A_201 = arith.constant 400 : index
    %swap3A_202 = tpu.vector_load %arg8[%swap3A_201] {strides = array<i32>} : memref<640xf32, #tpu.memory_space<vmem>>, vector<16xf32>,
    %swap3A_203 = vector.shape_cast %swap3A_202 : vector<16xf32> to vector<16xf32>
    %swap3A_204 = vector.shape_cast %broadcast_in_dim3A_200 : vector<16xf32> to vector<16xf32>
    tpu.vector_store %arg8[%swap3A_201], %swap3A_204 {strides = array<i32>} : memref<640xf32, #tpu.memory_space<vmem>>, vector<16xf32>,
    %broadcast_in_dim3A_205 = arith.constant 0.000000e+00 : f32
    %broadcast_in_dim3A_206 = vector.broadcast %broadcast_in_dim3A_205 : f32 to vector<16xf32>
    %swap3A_207 = arith.constant 416 : index
    %swap3A_208 = tpu.vector_load %arg8[%swap3A_207] {strides = array<i32>} : memref<640xf32, #tpu.memory_space<vmem>>, vector<16xf32>,
    %swap3A_209 = vector.shape_cast %swap3A_208 : vector<16xf32> to vector<16xf32>
    %swap3A_210 = vector.shape_cast %broadcast_in_dim3A_206 : vector<16xf32> to vector<16xf32>
    tpu.vector_store %arg8[%swap3A_207], %swap3A_210 {strides = array<i32>} : memref<640xf32, #tpu.memory_space<vmem>>, vector<16xf32>,
    %broadcast_in_dim3A_211 = arith.constant 0.000000e+00 : f32
    %broadcast_in_dim3A_212 = vector.broadcast %broadcast_in_dim3A_211 : f32 to vector<16xf32>
    %swap3A_213 = arith.constant 432 : index
    %swap3A_214 = tpu.vector_load %arg8[%swap3A_213] {strides = array<i32>} : memref<640xf32, #tpu.memory_space<vmem>>, vector<16xf32>,
    %swap3A_215 = vector.shape_cast %swap3A_214 : vector<16xf32> to vector<16xf32>
    %swap3A_216 = vector.shape_cast %broadcast_in_dim3A_212 : vector<16xf32> to vector<16xf32>
    tpu.vector_store %arg8[%swap3A_213], %swap3A_216 {strides = array<i32>} : memref<640xf32, #tpu.memory_space<vmem>>, vector<16xf32>,
    %broadcast_in_dim3A_217 = arith.constant 0.000000e+00 : f32
    %broadcast_in_dim3A_218 = vector.broadcast %broadcast_in_dim3A_217 : f32 to vector<16xf32>
    %swap3A_219 = arith.constant 448 : index
    %swap3A_220 = tpu.vector_load %arg8[%swap3A_219] {strides = array<i32>} : memref<640xf32, #tpu.memory_space<vmem>>, vector<16xf32>,
    %swap3A_221 = vector.shape_cast %swap3A_220 : vector<16xf32> to vector<16xf32>
    %swap3A_222 = vector.shape_cast %broadcast_in_dim3A_218 : vector<16xf32> to vector<16xf32>
    tpu.vector_store %arg8[%swap3A_219], %swap3A_222 {strides = array<i32>} : memref<640xf32, #tpu.memory_space<vmem>>, vector<16xf32>,
    %broadcast_in_dim3A_223 = arith.constant 0.000000e+00 : f32
    %broadcast_in_dim3A_224 = vector.broadcast %broadcast_in_dim3A_223 : f32 to vector<16xf32>
    %swap3A_225 = arith.constant 464 : index
    %swap3A_226 = tpu.vector_load %arg8[%swap3A_225] {strides = array<i32>} : memref<640xf32, #tpu.memory_space<vmem>>, vector<16xf32>,
    %swap3A_227 = vector.shape_cast %swap3A_226 : vector<16xf32> to vector<16xf32>
    %swap3A_228 = vector.shape_cast %broadcast_in_dim3A_224 : vector<16xf32> to vector<16xf32>
    tpu.vector_store %arg8[%swap3A_225], %swap3A_228 {strides = array<i32>} : memref<640xf32, #tpu.memory_space<vmem>>, vector<16xf32>,
    %broadcast_in_dim3A_229 = arith.constant 0.000000e+00 : f32
    %broadcast_in_dim3A_230 = vector.broadcast %broadcast_in_dim3A_229 : f32 to vector<16xf32>
    %swap3A_231 = arith.constant 480 : index
    %swap3A_232 = tpu.vector_load %arg8[%swap3A_231] {strides = array<i32>} : memref<640xf32, #tpu.memory_space<vmem>>, vector<16xf32>,
    %swap3A_233 = vector.shape_cast %swap3A_232 : vector<16xf32> to vector<16xf32>
    %swap3A_234 = vector.shape_cast %broadcast_in_dim3A_230 : vector<16xf32> to vector<16xf32>
    tpu.vector_store %arg8[%swap3A_231], %swap3A_234 {strides = array<i32>} : memref<640xf32, #tpu.memory_space<vmem>>, vector<16xf32>,
    %broadcast_in_dim3A_235 = arith.constant 0.000000e+00 : f32
    %broadcast_in_dim3A_236 = vector.broadcast %broadcast_in_dim3A_235 : f32 to vector<16xf32>
    %swap3A_237 = arith.constant 496 : index
    %swap3A_238 = tpu.vector_load %arg8[%swap3A_237] {strides = array<i32>} : memref<640xf32, #tpu.memory_space<vmem>>, vector<16xf32>,
    %swap3A_239 = vector.shape_cast %swap3A_238 : vector<16xf32> to vector<16xf32>
    %swap3A_240 = vector.shape_cast %broadcast_in_dim3A_236 : vector<16xf32> to vector<16xf32>
    tpu.vector_store %arg8[%swap3A_237], %swap3A_240 {strides = array<i32>} : memref<640xf32, #tpu.memory_space<vmem>>, vector<16xf32>,
    %broadcast_in_dim3A_241 = arith.constant 0.000000e+00 : f32
    %broadcast_in_dim3A_242 = vector.broadcast %broadcast_in_dim3A_241 : f32 to vector<16xf32>
    %swap3A_243 = arith.constant 512 : index
    %swap3A_244 = tpu.vector_load %arg8[%swap3A_243] {strides = array<i32>} : memref<640xf32, #tpu.memory_space<vmem>>, vector<16xf32>,
    %swap3A_245 = vector.shape_cast %swap3A_244 : vector<16xf32> to vector<16xf32>
    %swap3A_246 = vector.shape_cast %broadcast_in_dim3A_242 : vector<16xf32> to vector<16xf32>
    tpu.vector_store %arg8[%swap3A_243], %swap3A_246 {strides = array<i32>} : memref<640xf32, #tpu.memory_space<vmem>>, vector<16xf32>,
    %broadcast_in_dim3A_247 = arith.constant 0.000000e+00 : f32
    %broadcast_in_dim3A_248 = vector.broadcast %broadcast_in_dim3A_247 : f32 to vector<16xf32>
    %swap3A_249 = arith.constant 528 : index
    %swap3A_250 = tpu.vector_load %arg8[%swap3A_249] {strides = array<i32>} : memref<640xf32, #tpu.memory_space<vmem>>, vector<16xf32>,
    %swap3A_251 = vector.shape_cast %swap3A_250 : vector<16xf32> to vector<16xf32>
    %swap3A_252 = vector.shape_cast %broadcast_in_dim3A_248 : vector<16xf32> to vector<16xf32>
    tpu.vector_store %arg8[%swap3A_249], %swap3A_252 {strides = array<i32>} : memref<640xf32, #tpu.memory_space<vmem>>, vector<16xf32>,
    %broadcast_in_dim3A_253 = arith.constant 0.000000e+00 : f32
    %broadcast_in_dim3A_254 = vector.broadcast %broadcast_in_dim3A_253 : f32 to vector<16xf32>
    %swap3A_255 = arith.constant 544 : index
    %swap3A_256 = tpu.vector_load %arg8[%swap3A_255] {strides = array<i32>} : memref<640xf32, #tpu.memory_space<vmem>>, vector<16xf32>,
    %swap3A_257 = vector.shape_cast %swap3A_256 : vector<16xf32> to vector<16xf32>
    %swap3A_258 = vector.shape_cast %broadcast_in_dim3A_254 : vector<16xf32> to vector<16xf32>
    tpu.vector_store %arg8[%swap3A_255], %swap3A_258 {strides = array<i32>} : memref<640xf32, #tpu.memory_space<vmem>>, vector<16xf32>,
    %broadcast_in_dim3A_259 = arith.constant 0.000000e+00 : f32
    %broadcast_in_dim3A_260 = vector.broadcast %broadcast_in_dim3A_259 : f32 to vector<16xf32>
    %swap3A_261 = arith.constant 560 : index
    %swap3A_262 = tpu.vector_load %arg8[%swap3A_261] {strides = array<i32>} : memref<640xf32, #tpu.memory_space<vmem>>, vector<16xf32>,
    %swap3A_263 = vector.shape_cast %swap3A_262 : vector<16xf32> to vector<16xf32>
    %swap3A_264 = vector.shape_cast %broadcast_in_dim3A_260 : vector<16xf32> to vector<16xf32>
    tpu.vector_store %arg8[%swap3A_261], %swap3A_264 {strides = array<i32>} : memref<640xf32, #tpu.memory_space<vmem>>, vector<16xf32>,
    %broadcast_in_dim3A_265 = arith.constant 0.000000e+00 : f32
    %broadcast_in_dim3A_266 = vector.broadcast %broadcast_in_dim3A_265 : f32 to vector<16xf32>
    %swap3A_267 = arith.constant 576 : index
    %swap3A_268 = tpu.vector_load %arg8[%swap3A_267] {strides = array<i32>} : memref<640xf32, #tpu.memory_space<vmem>>, vector<16xf32>,
    %swap3A_269 = vector.shape_cast %swap3A_268 : vector<16xf32> to vector<16xf32>
    %swap3A_270 = vector.shape_cast %broadcast_in_dim3A_266 : vector<16xf32> to vector<16xf32>
    tpu.vector_store %arg8[%swap3A_267], %swap3A_270 {strides = array<i32>} : memref<640xf32, #tpu.memory_space<vmem>>, vector<16xf32>,
    %broadcast_in_dim3A_271 = arith.constant 0.000000e+00 : f32
    %broadcast_in_dim3A_272 = vector.broadcast %broadcast_in_dim3A_271 : f32 to vector<16xf32>
    %swap3A_273 = arith.constant 592 : index
    %swap3A_274 = tpu.vector_load %arg8[%swap3A_273] {strides = array<i32>} : memref<640xf32, #tpu.memory_space<vmem>>, vector<16xf32>,
    %swap3A_275 = vector.shape_cast %swap3A_274 : vector<16xf32> to vector<16xf32>
    %swap3A_276 = vector.shape_cast %broadcast_in_dim3A_272 : vector<16xf32> to vector<16xf32>
    tpu.vector_store %arg8[%swap3A_273], %swap3A_276 {strides = array<i32>} : memref<640xf32, #tpu.memory_space<vmem>>, vector<16xf32>,
    %broadcast_in_dim3A_277 = arith.constant 0.000000e+00 : f32
    %broadcast_in_dim3A_278 = vector.broadcast %broadcast_in_dim3A_277 : f32 to vector<16xf32>
    %swap3A_279 = arith.constant 608 : index
    %swap3A_280 = tpu.vector_load %arg8[%swap3A_279] {strides = array<i32>} : memref<640xf32, #tpu.memory_space<vmem>>, vector<16xf32>,
    %swap3A_281 = vector.shape_cast %swap3A_280 : vector<16xf32> to vector<16xf32>
    %swap3A_282 = vector.shape_cast %broadcast_in_dim3A_278 : vector<16xf32> to vector<16xf32>
    tpu.vector_store %arg8[%swap3A_279], %swap3A_282 {strides = array<i32>} : memref<640xf32, #tpu.memory_space<vmem>>, vector<16xf32>,
    %broadcast_in_dim3A_283 = arith.constant 0.000000e+00 : f32
    %broadcast_in_dim3A_284 = vector.broadcast %broadcast_in_dim3A_283 : f32 to vector<16xf32>
    %swap3A_285 = arith.constant 624 : index
    %swap3A_286 = tpu.vector_load %arg8[%swap3A_285] {strides = array<i32>} : memref<640xf32, #tpu.memory_space<vmem>>, vector<16xf32>,
    %swap3A_287 = vector.shape_cast %swap3A_286 : vector<16xf32> to vector<16xf32>
    %swap3A_288 = vector.shape_cast %broadcast_in_dim3A_284 : vector<16xf32> to vector<16xf32>
    tpu.vector_store %arg8[%swap3A_285], %swap3A_288 {strides = array<i32>} : memref<640xf32, #tpu.memory_space<vmem>>, vector<16xf32>,
    "tpu.region"() ({
      %run_scoped3A = tpu.sem_alloc : memref<!tpu.dma_semaphore, #tpu.memory_space<semaphore_mem>>
      %dma_start3A = tpu.memref_slice %arg5[%mul3A_2] : memref<10240xf32, #tpu.memory_space<vmem_shared>> -> memref<640xf32, #tpu.memory_space<vmem_shared>>
      %dma_start3A_315 = tpu.memref_slice %arg5[%mul3A_2] : memref<10240xf32, #tpu.memory_space<vmem_shared>> -> memref<640xf32, #tpu.memory_space<vmem_shared>>
      tpu.enqueue_dma source(%arg8 : memref<640xf32, #tpu.memory_space<vmem>>) target(%dma_start3A_315 : memref<640xf32, #tpu.memory_space<vmem_shared>>) target_semaphore(%run_scoped3A : memref<!tpu.dma_semaphore, #tpu.memory_space<semaphore_mem>>)
      %dma_wait3A = tpu.memref_slice %arg5[%mul3A_2] : memref<10240xf32, #tpu.memory_space<vmem_shared>> -> memref<640xf32, #tpu.memory_space<vmem_shared>>
      %dma_wait3A_316 = tpu.memref_slice %arg5[%mul3A_2] : memref<10240xf32, #tpu.memory_space<vmem_shared>> -> memref<640xf32, #tpu.memory_space<vmem_shared>>
      tpu.wait_dma2 semaphore(%run_scoped3A : memref<!tpu.dma_semaphore, #tpu.memory_space<semaphore_mem>>) src(%arg8 : memref<640xf32, #tpu.memory_space<vmem>>) dst(%dma_wait3A_316 : memref<640xf32, #tpu.memory_space<vmem_shared>>)
      tpu.yield
    }) : () -> ()
    "tpu.region"() ({
      %run_scoped3A = tpu.sem_alloc : memref<!tpu.dma_semaphore, #tpu.memory_space<semaphore_mem>>
      %dma_start3A = arith.constant 0 : i32
      %dma_start3A_315 = arith.constant 0 : i32
      %dma_start3A_316 = tpu.memref_slice %arg2[%add3A, %dma_start3A, %dma_start3A_315] : memref<32x80x128xi32, #tpu.memory_space<hbm>> -> memref<1x80x128xi32, #tpu.memory_space<hbm>>
      %dma_start3A_317 = tpu.memref_squeeze %dma_start3A_316 : memref<1x80x128xi32, #tpu.memory_space<hbm>> -> memref<80x128xi32, #tpu.memory_space<hbm>>
      %dma_start3A_318 = arith.constant 0 : i32
      %dma_start3A_319 = arith.constant 0 : i32
      %dma_start3A_320 = tpu.memref_slice %arg2[%add3A, %dma_start3A_318, %dma_start3A_319] : memref<32x80x128xi32, #tpu.memory_space<hbm>> -> memref<1x80x128xi32, #tpu.memory_space<hbm>>
      %dma_start3A_321 = tpu.memref_squeeze %dma_start3A_320 : memref<1x80x128xi32, #tpu.memory_space<hbm>> -> memref<80x128xi32, #tpu.memory_space<hbm>>
      tpu.enqueue_dma source(%dma_start3A_321 : memref<80x128xi32, #tpu.memory_space<hbm>>) target(%arg6 : memref<80x128xi32, #tpu.memory_space<vmem>>) target_semaphore(%run_scoped3A : memref<!tpu.dma_semaphore, #tpu.memory_space<semaphore_mem>>)
      %dma_wait3A = arith.constant 0 : i32
      %dma_wait3A_322 = arith.constant 0 : i32
      %dma_wait3A_323 = tpu.memref_slice %arg2[%add3A, %dma_wait3A, %dma_wait3A_322] : memref<32x80x128xi32, #tpu.memory_space<hbm>> -> memref<1x80x128xi32, #tpu.memory_space<hbm>>
      %dma_wait3A_324 = tpu.memref_squeeze %dma_wait3A_323 : memref<1x80x128xi32, #tpu.memory_space<hbm>> -> memref<80x128xi32, #tpu.memory_space<hbm>>
      %dma_wait3A_325 = arith.constant 0 : i32
      %dma_wait3A_326 = arith.constant 0 : i32
      %dma_wait3A_327 = tpu.memref_slice %arg2[%add3A, %dma_wait3A_325, %dma_wait3A_326] : memref<32x80x128xi32, #tpu.memory_space<hbm>> -> memref<1x80x128xi32, #tpu.memory_space<hbm>>
      %dma_wait3A_328 = tpu.memref_squeeze %dma_wait3A_327 : memref<1x80x128xi32, #tpu.memory_space<hbm>> -> memref<80x128xi32, #tpu.memory_space<hbm>>
      tpu.wait_dma2 semaphore(%run_scoped3A : memref<!tpu.dma_semaphore, #tpu.memory_space<semaphore_mem>>) src(%dma_wait3A_328 : memref<80x128xi32, #tpu.memory_space<hbm>>) dst(%arg6 : memref<80x128xi32, #tpu.memory_space<vmem>>)
      tpu.yield
    }) : () -> ()
    %barrier3A = arith.constant 0 : index
    tpu.barrier barrier_id(%barrier3A)
    %scan3A = arith.constant 0 : i32
    %scan3A_289 = arith.constant 0 : i32
    %scan3A_290 = arith.constant 80 : i32
    %scan3A_291 = arith.addi %scan3A_289, %scan3A_290 : i32
    %scan3A_292 = arith.constant 1 : i32
    scf.for %scan3A_315 = %scan3A_289 to %scan3A_291 step %scan3A_292  : i32 {
      "tpu.region"() ({
        %run_scoped3A = tpu.sem_alloc : memref<!tpu.dma_semaphore, #tpu.memory_space<semaphore_mem>>
        %dma_start3A = arith.constant 0 : i32
        %dma_start3A_316 = tpu.memref_slice %arg6[%scan3A_315, %dma_start3A] : memref<80x128xi32, #tpu.memory_space<vmem>> -> memref<1x128xi32, #tpu.memory_space<vmem>>
        %dma_start3A_317 = tpu.memref_squeeze %dma_start3A_316 : memref<1x128xi32, #tpu.memory_space<vmem>> -> memref<128xi32, #tpu.memory_space<vmem>>
        %dma_start3A_318 = arith.constant 0 : i32
        %dma_start3A_319 = tpu.memref_slice %arg5[%dma_start3A_318] : memref<10240xf32, #tpu.memory_space<vmem_shared>> -> memref<10240xf32, #tpu.memory_space<vmem_shared>>
        tpu.enqueue_indirect_dma source(%arg7 : memref<128xf32, #tpu.memory_space<vmem>>) target(%dma_start3A_319 : memref<10240xf32, #tpu.memory_space<vmem_shared>>) offsets(%dma_start3A_317 : memref<128xi32, #tpu.memory_space<vmem>>) semaphore(%run_scoped3A : memref<!tpu.dma_semaphore, #tpu.memory_space<semaphore_mem>>) {add = true}
        %dma_wait3A = arith.constant 0 : i32
        %dma_wait3A_320 = tpu.memref_slice %arg6[%scan3A_315, %dma_wait3A] : memref<80x128xi32, #tpu.memory_space<vmem>> -> memref<1x128xi32, #tpu.memory_space<vmem>>
        %dma_wait3A_321 = tpu.memref_squeeze %dma_wait3A_320 : memref<1x128xi32, #tpu.memory_space<vmem>> -> memref<128xi32, #tpu.memory_space<vmem>>
        %dma_wait3A_322 = arith.constant 0 : i32
        %dma_wait3A_323 = tpu.memref_slice %arg5[%dma_wait3A_322] : memref<10240xf32, #tpu.memory_space<vmem_shared>> -> memref<10240xf32, #tpu.memory_space<vmem_shared>>
        tpu.wait_indirect_dma semaphore(%run_scoped3A : memref<!tpu.dma_semaphore, #tpu.memory_space<semaphore_mem>>) src(%arg7 : memref<128xf32, #tpu.memory_space<vmem>>) dst(%dma_wait3A_323 : memref<10240xf32, #tpu.memory_space<vmem_shared>>)
        tpu.yield
      }) : () -> ()
    }
    %scan3A_293 = arith.constant 80 : i32
    %barrier3A_294 = arith.constant 0 : index
    tpu.barrier barrier_id(%barrier3A_294)
    %add3A_295 = arith.constant 0 : i32
    %add3A_296 = arith.addi %add3A_295, %arg0 : i32
    %mul3A_297 = arith.constant 10240 : i32
    %mul3A_298 = arith.muli %add3A_296, %mul3A_297 : i32
    %add3A_299 = arith.addi %mul3A_298, %mul3A_2 : i32
    "tpu.region"() ({
      %run_scoped3A = tpu.sem_alloc : memref<!tpu.dma_semaphore, #tpu.memory_space<semaphore_mem>>
      %dma_start3A = tpu.memref_slice %arg4[%add3A_299] : memref<40960xf32, #tpu.memory_space<hbm>> -> memref<640xf32, #tpu.memory_space<hbm>>
      %dma_start3A_315 = tpu.memref_slice %arg5[%mul3A_2] : memref<10240xf32, #tpu.memory_space<vmem_shared>> -> memref<640xf32, #tpu.memory_space<vmem_shared>>
      tpu.enqueue_dma source(%dma_start3A_315 : memref<640xf32, #tpu.memory_space<vmem_shared>>) target(%dma_start3A : memref<640xf32, #tpu.memory_space<hbm>>) target_semaphore(%run_scoped3A : memref<!tpu.dma_semaphore, #tpu.memory_space<semaphore_mem>>)
      %dma_wait3A = tpu.memref_slice %arg4[%add3A_299] : memref<40960xf32, #tpu.memory_space<hbm>> -> memref<640xf32, #tpu.memory_space<hbm>>
      %dma_wait3A_316 = tpu.memref_slice %arg5[%mul3A_2] : memref<10240xf32, #tpu.memory_space<vmem_shared>> -> memref<640xf32, #tpu.memory_space<vmem_shared>>
      tpu.wait_dma2 semaphore(%run_scoped3A : memref<!tpu.dma_semaphore, #tpu.memory_space<semaphore_mem>>) src(%dma_wait3A_316 : memref<640xf32, #tpu.memory_space<vmem_shared>>) dst(%dma_wait3A : memref<640xf32, #tpu.memory_space<hbm>>)
      tpu.yield
    }) : () -> ()
    %barrier3A_300 = arith.constant 0 : index
    tpu.barrier barrier_id(%barrier3A_300)
    "tpu.region"() ({
      %run_scoped3A = tpu.sem_alloc : memref<!tpu.dma_semaphore, #tpu.memory_space<semaphore_mem>>
      %dma_start3A = tpu.memref_slice %arg5[%mul3A_2] : memref<10240xf32, #tpu.memory_space<vmem_shared>> -> memref<640xf32, #tpu.memory_space<vmem_shared>>
      %dma_start3A_315 = tpu.memref_slice %arg5[%mul3A_2] : memref<10240xf32, #tpu.memory_space<vmem_shared>> -> memref<640xf32, #tpu.memory_space<vmem_shared>>
      tpu.enqueue_dma source(%arg8 : memref<640xf32, #tpu.memory_space<vmem>>) target(%dma_start3A_315 : memref<640xf32, #tpu.memory_space<vmem_shared>>) target_semaphore(%run_scoped3A : memref<!tpu.dma_semaphore, #tpu.memory_space<semaphore_mem>>)
      %dma_wait3A = tpu.memref_slice %arg5[%mul3A_2] : memref<10240xf32, #tpu.memory_space<vmem_shared>> -> memref<640xf32, #tpu.memory_space<vmem_shared>>
      %dma_wait3A_316 = tpu.memref_slice %arg5[%mul3A_2] : memref<10240xf32, #tpu.memory_space<vmem_shared>> -> memref<640xf32, #tpu.memory_space<vmem_shared>>
      tpu.wait_dma2 semaphore(%run_scoped3A : memref<!tpu.dma_semaphore, #tpu.memory_space<semaphore_mem>>) src(%arg8 : memref<640xf32, #tpu.memory_space<vmem>>) dst(%dma_wait3A_316 : memref<640xf32, #tpu.memory_space<vmem_shared>>)
      tpu.yield
    }) : () -> ()
    "tpu.region"() ({
      %run_scoped3A = tpu.sem_alloc : memref<!tpu.dma_semaphore, #tpu.memory_space<semaphore_mem>>
      %dma_start3A = arith.constant 0 : i32
      %dma_start3A_315 = arith.constant 0 : i32
      %dma_start3A_316 = tpu.memref_slice %arg3[%add3A, %dma_start3A, %dma_start3A_315] : memref<32x80x128xi32, #tpu.memory_space<hbm>> -> memref<1x80x128xi32, #tpu.memory_space<hbm>>
      %dma_start3A_317 = tpu.memref_squeeze %dma_start3A_316 : memref<1x80x128xi32, #tpu.memory_space<hbm>> -> memref<80x128xi32, #tpu.memory_space<hbm>>
      %dma_start3A_318 = arith.constant 0 : i32
      %dma_start3A_319 = arith.constant 0 : i32
      %dma_start3A_320 = tpu.memref_slice %arg3[%add3A, %dma_start3A_318, %dma_start3A_319] : memref<32x80x128xi32, #tpu.memory_space<hbm>> -> memref<1x80x128xi32, #tpu.memory_space<hbm>>
      %dma_start3A_321 = tpu.memref_squeeze %dma_start3A_320 : memref<1x80x128xi32, #tpu.memory_space<hbm>> -> memref<80x128xi32, #tpu.memory_space<hbm>>
      tpu.enqueue_dma source(%dma_start3A_321 : memref<80x128xi32, #tpu.memory_space<hbm>>) target(%arg6 : memref<80x128xi32, #tpu.memory_space<vmem>>) target_semaphore(%run_scoped3A : memref<!tpu.dma_semaphore, #tpu.memory_space<semaphore_mem>>)
      %dma_wait3A = arith.constant 0 : i32
      %dma_wait3A_322 = arith.constant 0 : i32
      %dma_wait3A_323 = tpu.memref_slice %arg3[%add3A, %dma_wait3A, %dma_wait3A_322] : memref<32x80x128xi32, #tpu.memory_space<hbm>> -> memref<1x80x128xi32, #tpu.memory_space<hbm>>
      %dma_wait3A_324 = tpu.memref_squeeze %dma_wait3A_323 : memref<1x80x128xi32, #tpu.memory_space<hbm>> -> memref<80x128xi32, #tpu.memory_space<hbm>>
      %dma_wait3A_325 = arith.constant 0 : i32
      %dma_wait3A_326 = arith.constant 0 : i32
      %dma_wait3A_327 = tpu.memref_slice %arg3[%add3A, %dma_wait3A_325, %dma_wait3A_326] : memref<32x80x128xi32, #tpu.memory_space<hbm>> -> memref<1x80x128xi32, #tpu.memory_space<hbm>>
      %dma_wait3A_328 = tpu.memref_squeeze %dma_wait3A_327 : memref<1x80x128xi32, #tpu.memory_space<hbm>> -> memref<80x128xi32, #tpu.memory_space<hbm>>
      tpu.wait_dma2 semaphore(%run_scoped3A : memref<!tpu.dma_semaphore, #tpu.memory_space<semaphore_mem>>) src(%dma_wait3A_328 : memref<80x128xi32, #tpu.memory_space<hbm>>) dst(%arg6 : memref<80x128xi32, #tpu.memory_space<vmem>>)
      tpu.yield
    }) : () -> ()
    %barrier3A_301 = arith.constant 0 : index
    tpu.barrier barrier_id(%barrier3A_301)
    %scan3A_302 = arith.constant 0 : i32
    %scan3A_303 = arith.constant 0 : i32
    %scan3A_304 = arith.constant 80 : i32
    %scan3A_305 = arith.addi %scan3A_303, %scan3A_304 : i32
    %scan3A_306 = arith.constant 1 : i32
    scf.for %scan3A_315 = %scan3A_303 to %scan3A_305 step %scan3A_306  : i32 {
      "tpu.region"() ({
        %run_scoped3A = tpu.sem_alloc : memref<!tpu.dma_semaphore, #tpu.memory_space<semaphore_mem>>
        %dma_start3A = arith.constant 0 : i32
        %dma_start3A_316 = tpu.memref_slice %arg6[%scan3A_315, %dma_start3A] : memref<80x128xi32, #tpu.memory_space<vmem>> -> memref<1x128xi32, #tpu.memory_space<vmem>>
        %dma_start3A_317 = tpu.memref_squeeze %dma_start3A_316 : memref<1x128xi32, #tpu.memory_space<vmem>> -> memref<128xi32, #tpu.memory_space<vmem>>
        %dma_start3A_318 = arith.constant 0 : i32
        %dma_start3A_319 = tpu.memref_slice %arg5[%dma_start3A_318] : memref<10240xf32, #tpu.memory_space<vmem_shared>> -> memref<10240xf32, #tpu.memory_space<vmem_shared>>
        tpu.enqueue_indirect_dma source(%arg7 : memref<128xf32, #tpu.memory_space<vmem>>) target(%dma_start3A_319 : memref<10240xf32, #tpu.memory_space<vmem_shared>>) offsets(%dma_start3A_317 : memref<128xi32, #tpu.memory_space<vmem>>) semaphore(%run_scoped3A : memref<!tpu.dma_semaphore, #tpu.memory_space<semaphore_mem>>) {add = true}
        %dma_wait3A = arith.constant 0 : i32
        %dma_wait3A_320 = tpu.memref_slice %arg6[%scan3A_315, %dma_wait3A] : memref<80x128xi32, #tpu.memory_space<vmem>> -> memref<1x128xi32, #tpu.memory_space<vmem>>
        %dma_wait3A_321 = tpu.memref_squeeze %dma_wait3A_320 : memref<1x128xi32, #tpu.memory_space<vmem>> -> memref<128xi32, #tpu.memory_space<vmem>>
        %dma_wait3A_322 = arith.constant 0 : i32
        %dma_wait3A_323 = tpu.memref_slice %arg5[%dma_wait3A_322] : memref<10240xf32, #tpu.memory_space<vmem_shared>> -> memref<10240xf32, #tpu.memory_space<vmem_shared>>
        tpu.wait_indirect_dma semaphore(%run_scoped3A : memref<!tpu.dma_semaphore, #tpu.memory_space<semaphore_mem>>) src(%arg7 : memref<128xf32, #tpu.memory_space<vmem>>) dst(%dma_wait3A_323 : memref<10240xf32, #tpu.memory_space<vmem_shared>>)
        tpu.yield
      }) : () -> ()
    }
    %scan3A_307 = arith.constant 80 : i32
    %barrier3A_308 = arith.constant 0 : index
    tpu.barrier barrier_id(%barrier3A_308)
    %add3A_309 = arith.constant 2 : i32
    %add3A_310 = arith.addi %add3A_309, %arg0 : i32
    %mul3A_311 = arith.constant 10240 : i32
    %mul3A_312 = arith.muli %add3A_310, %mul3A_311 : i32
    %add3A_313 = arith.addi %mul3A_312, %mul3A_2 : i32
    "tpu.region"() ({
      %run_scoped3A = tpu.sem_alloc : memref<!tpu.dma_semaphore, #tpu.memory_space<semaphore_mem>>
      %dma_start3A = tpu.memref_slice %arg4[%add3A_313] : memref<40960xf32, #tpu.memory_space<hbm>> -> memref<640xf32, #tpu.memory_space<hbm>>
      %dma_start3A_315 = tpu.memref_slice %arg5[%mul3A_2] : memref<10240xf32, #tpu.memory_space<vmem_shared>> -> memref<640xf32, #tpu.memory_space<vmem_shared>>
      tpu.enqueue_dma source(%dma_start3A_315 : memref<640xf32, #tpu.memory_space<vmem_shared>>) target(%dma_start3A : memref<640xf32, #tpu.memory_space<hbm>>) target_semaphore(%run_scoped3A : memref<!tpu.dma_semaphore, #tpu.memory_space<semaphore_mem>>)
      %dma_wait3A = tpu.memref_slice %arg4[%add3A_313] : memref<40960xf32, #tpu.memory_space<hbm>> -> memref<640xf32, #tpu.memory_space<hbm>>
      %dma_wait3A_316 = tpu.memref_slice %arg5[%mul3A_2] : memref<10240xf32, #tpu.memory_space<vmem_shared>> -> memref<640xf32, #tpu.memory_space<vmem_shared>>
      tpu.wait_dma2 semaphore(%run_scoped3A : memref<!tpu.dma_semaphore, #tpu.memory_space<semaphore_mem>>) src(%dma_wait3A_316 : memref<640xf32, #tpu.memory_space<vmem_shared>>) dst(%dma_wait3A : memref<640xf32, #tpu.memory_space<hbm>>)
      tpu.yield
    }) : () -> ()
    %barrier3A_314 = arith.constant 0 : index
    tpu.barrier barrier_id(%barrier3A_314)
    return
  }
}

#map = affine_map<(d0, d1) -> (0, 0)>
#map1 = affine_map<(d0, d1) -> (0, 0, 0)>
#map2 = affine_map<(d0, d1) -> (0, 0, 0, 0)>
module attributes {stable_mosaic.version = 14 : i64} {
  func.func @body(%arg0: i32, %arg1: i32, %arg2: memref<10000x128xf32, #tpu.memory_space<hbm>>, %arg3: memref<32x80x128xi32, #tpu.memory_space<hbm>>, %arg4: memref<32x80x128xi32, #tpu.memory_space<hbm>>, %arg5: memref<32x80x128xi32, #tpu.memory_space<hbm>>, %arg6: memref<32x80x128xi32, #tpu.memory_space<hbm>>, %arg7: memref<640x128xf32, #tpu.memory_space<hbm>>, %arg8: memref<1x2x10240x128xf32, #tpu.memory_space<hbm>>, %arg9: memref<10240x128xf32, #tpu.memory_space<vmem_shared>>, %arg10: memref<40x128xi32, #tpu.memory_space<vmem>>, %arg11: memref<40x128xi32, #tpu.memory_space<vmem>>, %arg12: memref<128x128xf32, #tpu.memory_space<vmem>>, %arg13: memref<128x128xf32, #tpu.memory_space<vmem>>, %arg14: memref<!tpu.dma_semaphore, #tpu.memory_space<semaphore_mem>>, %arg15: memref<!tpu.dma_semaphore, #tpu.memory_space<semaphore_mem>>) attributes {dimension_semantics = [#tpu.dimension_semantics<core_parallel>, #tpu.dimension_semantics<subcore_parallel>], iteration_bounds = array<i64: 2, 16>, scalar_prefetch = 0 : i64, scratch_operands = 7 : i64, tpu.core_type = #tpu.core_type<sc_vector_subcore>, window_params = [{transform_indices = #map}, {transform_indices = #map1}, {transform_indices = #map1}, {transform_indices = #map1}, {transform_indices = #map1}, {transform_indices = #map}, {transform_indices = #map2}]} {
    %mul3A = arith.constant 2 : i32
    %mul3A_0 = arith.muli %arg1, %mul3A : i32
    %add3A = arith.addi %mul3A_0, %arg0 : i32
    %mul3A_1 = arith.constant 640 : i32
    %mul3A_2 = arith.muli %arg1, %mul3A_1 : i32
    "tpu.region"() ({
      %run_scoped3A_74 = tpu.sem_alloc : memref<!tpu.dma_semaphore, #tpu.memory_space<semaphore_mem>>
      %dma_start3A_75 = arith.constant 0 : i32
      %dma_start3A_76 = tpu.memref_slice %arg9[%mul3A_2, %dma_start3A_75] : memref<10240x128xf32, #tpu.memory_space<vmem_shared>> -> memref<640x128xf32, #tpu.memory_space<vmem_shared>>
      tpu.enqueue_dma source(%arg7 : memref<640x128xf32, #tpu.memory_space<hbm>>) target(%dma_start3A_76 : memref<640x128xf32, #tpu.memory_space<vmem_shared>>) target_semaphore(%run_scoped3A_74 : memref<!tpu.dma_semaphore, #tpu.memory_space<semaphore_mem>>)
      %dma_wait3A_77 = arith.constant 0 : i32
      %dma_wait3A_78 = tpu.memref_slice %arg9[%mul3A_2, %dma_wait3A_77] : memref<10240x128xf32, #tpu.memory_space<vmem_shared>> -> memref<640x128xf32, #tpu.memory_space<vmem_shared>>
      tpu.wait_dma2 semaphore(%run_scoped3A_74 : memref<!tpu.dma_semaphore, #tpu.memory_space<semaphore_mem>>) src(%arg7 : memref<640x128xf32, #tpu.memory_space<hbm>>) dst(%dma_wait3A_78 : memref<640x128xf32, #tpu.memory_space<vmem_shared>>)
      tpu.yield
    }) : () -> ()
    %barrier3A = arith.constant 0 : index
    tpu.barrier barrier_id(%barrier3A)
    "tpu.region"() ({
      %run_scoped3A_74 = tpu.sem_alloc : memref<!tpu.dma_semaphore, #tpu.memory_space<semaphore_mem>>
      %dma_start3A_75 = arith.constant 0 : i32
      %dma_start3A_76 = arith.constant 0 : i32
      %dma_start3A_77 = tpu.memref_slice %arg3[%add3A, %dma_start3A_75, %dma_start3A_76] : memref<32x80x128xi32, #tpu.memory_space<hbm>> -> memref<1x40x128xi32, #tpu.memory_space<hbm>>
      %dma_start3A_78 = tpu.memref_squeeze %dma_start3A_77 : memref<1x40x128xi32, #tpu.memory_space<hbm>> -> memref<40x128xi32, #tpu.memory_space<hbm>>
      %dma_start3A_79 = arith.constant 0 : i32
      %dma_start3A_80 = arith.constant 0 : i32
      %dma_start3A_81 = tpu.memref_slice %arg3[%add3A, %dma_start3A_79, %dma_start3A_80] : memref<32x80x128xi32, #tpu.memory_space<hbm>> -> memref<1x40x128xi32, #tpu.memory_space<hbm>>
      %dma_start3A_82 = tpu.memref_squeeze %dma_start3A_81 : memref<1x40x128xi32, #tpu.memory_space<hbm>> -> memref<40x128xi32, #tpu.memory_space<hbm>>
      tpu.enqueue_dma source(%dma_start3A_82 : memref<40x128xi32, #tpu.memory_space<hbm>>) target(%arg10 : memref<40x128xi32, #tpu.memory_space<vmem>>) target_semaphore(%run_scoped3A_74 : memref<!tpu.dma_semaphore, #tpu.memory_space<semaphore_mem>>)
      %dma_wait3A_83 = arith.constant 0 : i32
      %dma_wait3A_84 = arith.constant 0 : i32
      %dma_wait3A_85 = tpu.memref_slice %arg3[%add3A, %dma_wait3A_83, %dma_wait3A_84] : memref<32x80x128xi32, #tpu.memory_space<hbm>> -> memref<1x40x128xi32, #tpu.memory_space<hbm>>
      %dma_wait3A_86 = tpu.memref_squeeze %dma_wait3A_85 : memref<1x40x128xi32, #tpu.memory_space<hbm>> -> memref<40x128xi32, #tpu.memory_space<hbm>>
      %dma_wait3A_87 = arith.constant 0 : i32
      %dma_wait3A_88 = arith.constant 0 : i32
      %dma_wait3A_89 = tpu.memref_slice %arg3[%add3A, %dma_wait3A_87, %dma_wait3A_88] : memref<32x80x128xi32, #tpu.memory_space<hbm>> -> memref<1x40x128xi32, #tpu.memory_space<hbm>>
      %dma_wait3A_90 = tpu.memref_squeeze %dma_wait3A_89 : memref<1x40x128xi32, #tpu.memory_space<hbm>> -> memref<40x128xi32, #tpu.memory_space<hbm>>
      tpu.wait_dma2 semaphore(%run_scoped3A_74 : memref<!tpu.dma_semaphore, #tpu.memory_space<semaphore_mem>>) src(%dma_wait3A_90 : memref<40x128xi32, #tpu.memory_space<hbm>>) dst(%arg10 : memref<40x128xi32, #tpu.memory_space<vmem>>)
      tpu.yield
    }) : () -> ()
    "tpu.region"() ({
      %run_scoped3A_74 = tpu.sem_alloc : memref<!tpu.dma_semaphore, #tpu.memory_space<semaphore_mem>>
      %dma_start3A_75 = arith.constant 0 : i32
      %dma_start3A_76 = arith.constant 0 : i32
      %dma_start3A_77 = tpu.memref_slice %arg5[%add3A, %dma_start3A_75, %dma_start3A_76] : memref<32x80x128xi32, #tpu.memory_space<hbm>> -> memref<1x40x128xi32, #tpu.memory_space<hbm>>
      %dma_start3A_78 = tpu.memref_squeeze %dma_start3A_77 : memref<1x40x128xi32, #tpu.memory_space<hbm>> -> memref<40x128xi32, #tpu.memory_space<hbm>>
      %dma_start3A_79 = arith.constant 0 : i32
      %dma_start3A_80 = arith.constant 0 : i32
      %dma_start3A_81 = tpu.memref_slice %arg5[%add3A, %dma_start3A_79, %dma_start3A_80] : memref<32x80x128xi32, #tpu.memory_space<hbm>> -> memref<1x40x128xi32, #tpu.memory_space<hbm>>
      %dma_start3A_82 = tpu.memref_squeeze %dma_start3A_81 : memref<1x40x128xi32, #tpu.memory_space<hbm>> -> memref<40x128xi32, #tpu.memory_space<hbm>>
      tpu.enqueue_dma source(%dma_start3A_82 : memref<40x128xi32, #tpu.memory_space<hbm>>) target(%arg11 : memref<40x128xi32, #tpu.memory_space<vmem>>) target_semaphore(%run_scoped3A_74 : memref<!tpu.dma_semaphore, #tpu.memory_space<semaphore_mem>>)
      %dma_wait3A_83 = arith.constant 0 : i32
      %dma_wait3A_84 = arith.constant 0 : i32
      %dma_wait3A_85 = tpu.memref_slice %arg5[%add3A, %dma_wait3A_83, %dma_wait3A_84] : memref<32x80x128xi32, #tpu.memory_space<hbm>> -> memref<1x40x128xi32, #tpu.memory_space<hbm>>
      %dma_wait3A_86 = tpu.memref_squeeze %dma_wait3A_85 : memref<1x40x128xi32, #tpu.memory_space<hbm>> -> memref<40x128xi32, #tpu.memory_space<hbm>>
      %dma_wait3A_87 = arith.constant 0 : i32
      %dma_wait3A_88 = arith.constant 0 : i32
      %dma_wait3A_89 = tpu.memref_slice %arg5[%add3A, %dma_wait3A_87, %dma_wait3A_88] : memref<32x80x128xi32, #tpu.memory_space<hbm>> -> memref<1x40x128xi32, #tpu.memory_space<hbm>>
      %dma_wait3A_90 = tpu.memref_squeeze %dma_wait3A_89 : memref<1x40x128xi32, #tpu.memory_space<hbm>> -> memref<40x128xi32, #tpu.memory_space<hbm>>
      tpu.wait_dma2 semaphore(%run_scoped3A_74 : memref<!tpu.dma_semaphore, #tpu.memory_space<semaphore_mem>>) src(%dma_wait3A_90 : memref<40x128xi32, #tpu.memory_space<hbm>>) dst(%arg11 : memref<40x128xi32, #tpu.memory_space<vmem>>)
      tpu.yield
    }) : () -> ()
    %dma_start3A = arith.constant 0 : i32
    %dma_start3A_3 = arith.constant 0 : i32
    %dma_start3A_4 = tpu.memref_slice %arg10[%dma_start3A, %dma_start3A_3] : memref<40x128xi32, #tpu.memory_space<vmem>> -> memref<1x128xi32, #tpu.memory_space<vmem>>
    %dma_start3A_5 = tpu.memref_squeeze %dma_start3A_4 : memref<1x128xi32, #tpu.memory_space<vmem>> -> memref<128xi32, #tpu.memory_space<vmem>>
    %dma_start3A_6 = arith.constant 0 : i32
    %dma_start3A_7 = arith.constant 0 : i32
    %dma_start3A_8 = tpu.memref_slice %arg2[%dma_start3A_6, %dma_start3A_7] : memref<10000x128xf32, #tpu.memory_space<hbm>> -> memref<10000x128xf32, #tpu.memory_space<hbm>>
    tpu.enqueue_indirect_dma source(%dma_start3A_8 : memref<10000x128xf32, #tpu.memory_space<hbm>>) target(%arg12 : memref<128x128xf32, #tpu.memory_space<vmem>>) offsets(%dma_start3A_5 : memref<128xi32, #tpu.memory_space<vmem>>) semaphore(%arg14 : memref<!tpu.dma_semaphore, #tpu.memory_space<semaphore_mem>>)
    %scan3A = arith.constant 0 : i32
    %scan3A_9 = arith.constant 0 : i32
    %scan3A_10 = arith.constant 19 : i32
    %scan3A_11 = arith.addi %scan3A_9, %scan3A_10 : i32
    %scan3A_12 = arith.constant 1 : i32
    scf.for %scan3A_74 = %scan3A_9 to %scan3A_11 step %scan3A_12  : i32 {
      %mul3A_75 = arith.constant 2 : i32
      %mul3A_76 = arith.muli %mul3A_75, %scan3A_74 : i32
      %add3A_77 = arith.constant 1 : i32
      %add3A_78 = arith.addi %mul3A_76, %add3A_77 : i32
      %dma_start3A_79 = arith.constant 0 : i32
      %dma_start3A_80 = tpu.memref_slice %arg10[%add3A_78, %dma_start3A_79] : memref<40x128xi32, #tpu.memory_space<vmem>> -> memref<1x128xi32, #tpu.memory_space<vmem>>
      %dma_start3A_81 = tpu.memref_squeeze %dma_start3A_80 : memref<1x128xi32, #tpu.memory_space<vmem>> -> memref<128xi32, #tpu.memory_space<vmem>>
      %dma_start3A_82 = arith.constant 0 : i32
      %dma_start3A_83 = arith.constant 0 : i32
      %dma_start3A_84 = tpu.memref_slice %arg2[%dma_start3A_82, %dma_start3A_83] : memref<10000x128xf32, #tpu.memory_space<hbm>> -> memref<10000x128xf32, #tpu.memory_space<hbm>>
      tpu.enqueue_indirect_dma source(%dma_start3A_84 : memref<10000x128xf32, #tpu.memory_space<hbm>>) target(%arg13 : memref<128x128xf32, #tpu.memory_space<vmem>>) offsets(%dma_start3A_81 : memref<128xi32, #tpu.memory_space<vmem>>) semaphore(%arg15 : memref<!tpu.dma_semaphore, #tpu.memory_space<semaphore_mem>>)
      %dma_wait3A_85 = arith.constant 0 : i32
      %dma_wait3A_86 = tpu.memref_slice %arg10[%mul3A_76, %dma_wait3A_85] : memref<40x128xi32, #tpu.memory_space<vmem>> -> memref<1x128xi32, #tpu.memory_space<vmem>>
      %dma_wait3A_87 = tpu.memref_squeeze %dma_wait3A_86 : memref<1x128xi32, #tpu.memory_space<vmem>> -> memref<128xi32, #tpu.memory_space<vmem>>
      %dma_wait3A_88 = arith.constant 0 : i32
      %dma_wait3A_89 = arith.constant 0 : i32
      %dma_wait3A_90 = tpu.memref_slice %arg2[%dma_wait3A_88, %dma_wait3A_89] : memref<10000x128xf32, #tpu.memory_space<hbm>> -> memref<10000x128xf32, #tpu.memory_space<hbm>>
      tpu.wait_indirect_dma semaphore(%arg14 : memref<!tpu.dma_semaphore, #tpu.memory_space<semaphore_mem>>) src(%dma_wait3A_90 : memref<10000x128xf32, #tpu.memory_space<hbm>>) dst(%arg12 : memref<128x128xf32, #tpu.memory_space<vmem>>)
      "tpu.region"() ({
        %run_scoped3A_109 = tpu.sem_alloc : memref<!tpu.dma_semaphore, #tpu.memory_space<semaphore_mem>>
        %dma_start3A_110 = arith.constant 0 : i32
        %dma_start3A_111 = tpu.memref_slice %arg11[%mul3A_76, %dma_start3A_110] : memref<40x128xi32, #tpu.memory_space<vmem>> -> memref<1x128xi32, #tpu.memory_space<vmem>>
        %dma_start3A_112 = tpu.memref_squeeze %dma_start3A_111 : memref<1x128xi32, #tpu.memory_space<vmem>> -> memref<128xi32, #tpu.memory_space<vmem>>
        %dma_start3A_113 = arith.constant 0 : i32
        %dma_start3A_114 = arith.constant 0 : i32
        %dma_start3A_115 = tpu.memref_slice %arg9[%dma_start3A_113, %dma_start3A_114] : memref<10240x128xf32, #tpu.memory_space<vmem_shared>> -> memref<10240x128xf32, #tpu.memory_space<vmem_shared>>
        tpu.enqueue_indirect_dma source(%arg12 : memref<128x128xf32, #tpu.memory_space<vmem>>) target(%dma_start3A_115 : memref<10240x128xf32, #tpu.memory_space<vmem_shared>>) offsets(%dma_start3A_112 : memref<128xi32, #tpu.memory_space<vmem>>) semaphore(%run_scoped3A_109 : memref<!tpu.dma_semaphore, #tpu.memory_space<semaphore_mem>>) {add = true}
        %dma_wait3A_116 = arith.constant 0 : i32
        %dma_wait3A_117 = tpu.memref_slice %arg11[%mul3A_76, %dma_wait3A_116] : memref<40x128xi32, #tpu.memory_space<vmem>> -> memref<1x128xi32, #tpu.memory_space<vmem>>
        %dma_wait3A_118 = tpu.memref_squeeze %dma_wait3A_117 : memref<1x128xi32, #tpu.memory_space<vmem>> -> memref<128xi32, #tpu.memory_space<vmem>>
        %dma_wait3A_119 = arith.constant 0 : i32
        %dma_wait3A_120 = arith.constant 0 : i32
        %dma_wait3A_121 = tpu.memref_slice %arg9[%dma_wait3A_119, %dma_wait3A_120] : memref<10240x128xf32, #tpu.memory_space<vmem_shared>> -> memref<10240x128xf32, #tpu.memory_space<vmem_shared>>
        tpu.wait_indirect_dma semaphore(%run_scoped3A_109 : memref<!tpu.dma_semaphore, #tpu.memory_space<semaphore_mem>>) src(%arg12 : memref<128x128xf32, #tpu.memory_space<vmem>>) dst(%dma_wait3A_121 : memref<10240x128xf32, #tpu.memory_space<vmem_shared>>)
        tpu.yield
      }) : () -> ()
      %add3A_91 = arith.constant 2 : i32
      %add3A_92 = arith.addi %mul3A_76, %add3A_91 : i32
      %dma_start3A_93 = arith.constant 0 : i32
      %dma_start3A_94 = tpu.memref_slice %arg10[%add3A_92, %dma_start3A_93] : memref<40x128xi32, #tpu.memory_space<vmem>> -> memref<1x128xi32, #tpu.memory_space<vmem>>
      %dma_start3A_95 = tpu.memref_squeeze %dma_start3A_94 : memref<1x128xi32, #tpu.memory_space<vmem>> -> memref<128xi32, #tpu.memory_space<vmem>>
      %dma_start3A_96 = arith.constant 0 : i32
      %dma_start3A_97 = arith.constant 0 : i32
      %dma_start3A_98 = tpu.memref_slice %arg2[%dma_start3A_96, %dma_start3A_97] : memref<10000x128xf32, #tpu.memory_space<hbm>> -> memref<10000x128xf32, #tpu.memory_space<hbm>>
      tpu.enqueue_indirect_dma source(%dma_start3A_98 : memref<10000x128xf32, #tpu.memory_space<hbm>>) target(%arg12 : memref<128x128xf32, #tpu.memory_space<vmem>>) offsets(%dma_start3A_95 : memref<128xi32, #tpu.memory_space<vmem>>) semaphore(%arg14 : memref<!tpu.dma_semaphore, #tpu.memory_space<semaphore_mem>>)
      %add3A_99 = arith.constant 1 : i32
      %add3A_100 = arith.addi %mul3A_76, %add3A_99 : i32
      %dma_wait3A_101 = arith.constant 0 : i32
      %dma_wait3A_102 = tpu.memref_slice %arg10[%add3A_100, %dma_wait3A_101] : memref<40x128xi32, #tpu.memory_space<vmem>> -> memref<1x128xi32, #tpu.memory_space<vmem>>
      %dma_wait3A_103 = tpu.memref_squeeze %dma_wait3A_102 : memref<1x128xi32, #tpu.memory_space<vmem>> -> memref<128xi32, #tpu.memory_space<vmem>>
      %dma_wait3A_104 = arith.constant 0 : i32
      %dma_wait3A_105 = arith.constant 0 : i32
      %dma_wait3A_106 = tpu.memref_slice %arg2[%dma_wait3A_104, %dma_wait3A_105] : memref<10000x128xf32, #tpu.memory_space<hbm>> -> memref<10000x128xf32, #tpu.memory_space<hbm>>
      tpu.wait_indirect_dma semaphore(%arg15 : memref<!tpu.dma_semaphore, #tpu.memory_space<semaphore_mem>>) src(%dma_wait3A_106 : memref<10000x128xf32, #tpu.memory_space<hbm>>) dst(%arg13 : memref<128x128xf32, #tpu.memory_space<vmem>>)
      %add3A_107 = arith.constant 1 : i32
      %add3A_108 = arith.addi %mul3A_76, %add3A_107 : i32
      "tpu.region"() ({
        %run_scoped3A_109 = tpu.sem_alloc : memref<!tpu.dma_semaphore, #tpu.memory_space<semaphore_mem>>
        %dma_start3A_110 = arith.constant 0 : i32
        %dma_start3A_111 = tpu.memref_slice %arg11[%add3A_108, %dma_start3A_110] : memref<40x128xi32, #tpu.memory_space<vmem>> -> memref<1x128xi32, #tpu.memory_space<vmem>>
        %dma_start3A_112 = tpu.memref_squeeze %dma_start3A_111 : memref<1x128xi32, #tpu.memory_space<vmem>> -> memref<128xi32, #tpu.memory_space<vmem>>
        %dma_start3A_113 = arith.constant 0 : i32
        %dma_start3A_114 = arith.constant 0 : i32
        %dma_start3A_115 = tpu.memref_slice %arg9[%dma_start3A_113, %dma_start3A_114] : memref<10240x128xf32, #tpu.memory_space<vmem_shared>> -> memref<10240x128xf32, #tpu.memory_space<vmem_shared>>
        tpu.enqueue_indirect_dma source(%arg13 : memref<128x128xf32, #tpu.memory_space<vmem>>) target(%dma_start3A_115 : memref<10240x128xf32, #tpu.memory_space<vmem_shared>>) offsets(%dma_start3A_112 : memref<128xi32, #tpu.memory_space<vmem>>) semaphore(%run_scoped3A_109 : memref<!tpu.dma_semaphore, #tpu.memory_space<semaphore_mem>>) {add = true}
        %dma_wait3A_116 = arith.constant 0 : i32
        %dma_wait3A_117 = tpu.memref_slice %arg11[%add3A_108, %dma_wait3A_116] : memref<40x128xi32, #tpu.memory_space<vmem>> -> memref<1x128xi32, #tpu.memory_space<vmem>>
        %dma_wait3A_118 = tpu.memref_squeeze %dma_wait3A_117 : memref<1x128xi32, #tpu.memory_space<vmem>> -> memref<128xi32, #tpu.memory_space<vmem>>
        %dma_wait3A_119 = arith.constant 0 : i32
        %dma_wait3A_120 = arith.constant 0 : i32
        %dma_wait3A_121 = tpu.memref_slice %arg9[%dma_wait3A_119, %dma_wait3A_120] : memref<10240x128xf32, #tpu.memory_space<vmem_shared>> -> memref<10240x128xf32, #tpu.memory_space<vmem_shared>>
        tpu.wait_indirect_dma semaphore(%run_scoped3A_109 : memref<!tpu.dma_semaphore, #tpu.memory_space<semaphore_mem>>) src(%arg13 : memref<128x128xf32, #tpu.memory_space<vmem>>) dst(%dma_wait3A_121 : memref<10240x128xf32, #tpu.memory_space<vmem_shared>>)
        tpu.yield
      }) : () -> ()
    }
    %scan3A_13 = arith.constant 19 : i32
    %dma_start3A_14 = arith.constant 39 : i32
    %dma_start3A_15 = arith.constant 0 : i32
    %dma_start3A_16 = tpu.memref_slice %arg10[%dma_start3A_14, %dma_start3A_15] : memref<40x128xi32, #tpu.memory_space<vmem>> -> memref<1x128xi32, #tpu.memory_space<vmem>>
    %dma_start3A_17 = tpu.memref_squeeze %dma_start3A_16 : memref<1x128xi32, #tpu.memory_space<vmem>> -> memref<128xi32, #tpu.memory_space<vmem>>
    %dma_start3A_18 = arith.constant 0 : i32
    %dma_start3A_19 = arith.constant 0 : i32
    %dma_start3A_20 = tpu.memref_slice %arg2[%dma_start3A_18, %dma_start3A_19] : memref<10000x128xf32, #tpu.memory_space<hbm>> -> memref<10000x128xf32, #tpu.memory_space<hbm>>
    tpu.enqueue_indirect_dma source(%dma_start3A_20 : memref<10000x128xf32, #tpu.memory_space<hbm>>) target(%arg13 : memref<128x128xf32, #tpu.memory_space<vmem>>) offsets(%dma_start3A_17 : memref<128xi32, #tpu.memory_space<vmem>>) semaphore(%arg15 : memref<!tpu.dma_semaphore, #tpu.memory_space<semaphore_mem>>)
    %dma_wait3A = arith.constant 38 : i32
    %dma_wait3A_21 = arith.constant 0 : i32
    %dma_wait3A_22 = tpu.memref_slice %arg10[%dma_wait3A, %dma_wait3A_21] : memref<40x128xi32, #tpu.memory_space<vmem>> -> memref<1x128xi32, #tpu.memory_space<vmem>>
    %dma_wait3A_23 = tpu.memref_squeeze %dma_wait3A_22 : memref<1x128xi32, #tpu.memory_space<vmem>> -> memref<128xi32, #tpu.memory_space<vmem>>
    %dma_wait3A_24 = arith.constant 0 : i32
    %dma_wait3A_25 = arith.constant 0 : i32
    %dma_wait3A_26 = tpu.memref_slice %arg2[%dma_wait3A_24, %dma_wait3A_25] : memref<10000x128xf32, #tpu.memory_space<hbm>> -> memref<10000x128xf32, #tpu.memory_space<hbm>>
    tpu.wait_indirect_dma semaphore(%arg14 : memref<!tpu.dma_semaphore, #tpu.memory_space<semaphore_mem>>) src(%dma_wait3A_26 : memref<10000x128xf32, #tpu.memory_space<hbm>>) dst(%arg12 : memref<128x128xf32, #tpu.memory_space<vmem>>)
    %run_scoped3A = arith.constant 38 : i32
    "tpu.region"() ({
      %run_scoped3A_74 = tpu.sem_alloc : memref<!tpu.dma_semaphore, #tpu.memory_space<semaphore_mem>>
      %dma_start3A_75 = arith.constant 0 : i32
      %dma_start3A_76 = tpu.memref_slice %arg11[%run_scoped3A, %dma_start3A_75] : memref<40x128xi32, #tpu.memory_space<vmem>> -> memref<1x128xi32, #tpu.memory_space<vmem>>
      %dma_start3A_77 = tpu.memref_squeeze %dma_start3A_76 : memref<1x128xi32, #tpu.memory_space<vmem>> -> memref<128xi32, #tpu.memory_space<vmem>>
      %dma_start3A_78 = arith.constant 0 : i32
      %dma_start3A_79 = arith.constant 0 : i32
      %dma_start3A_80 = tpu.memref_slice %arg9[%dma_start3A_78, %dma_start3A_79] : memref<10240x128xf32, #tpu.memory_space<vmem_shared>> -> memref<10240x128xf32, #tpu.memory_space<vmem_shared>>
      tpu.enqueue_indirect_dma source(%arg12 : memref<128x128xf32, #tpu.memory_space<vmem>>) target(%dma_start3A_80 : memref<10240x128xf32, #tpu.memory_space<vmem_shared>>) offsets(%dma_start3A_77 : memref<128xi32, #tpu.memory_space<vmem>>) semaphore(%run_scoped3A_74 : memref<!tpu.dma_semaphore, #tpu.memory_space<semaphore_mem>>) {add = true}
      %dma_wait3A_81 = arith.constant 0 : i32
      %dma_wait3A_82 = tpu.memref_slice %arg11[%run_scoped3A, %dma_wait3A_81] : memref<40x128xi32, #tpu.memory_space<vmem>> -> memref<1x128xi32, #tpu.memory_space<vmem>>
      %dma_wait3A_83 = tpu.memref_squeeze %dma_wait3A_82 : memref<1x128xi32, #tpu.memory_space<vmem>> -> memref<128xi32, #tpu.memory_space<vmem>>
      %dma_wait3A_84 = arith.constant 0 : i32
      %dma_wait3A_85 = arith.constant 0 : i32
      %dma_wait3A_86 = tpu.memref_slice %arg9[%dma_wait3A_84, %dma_wait3A_85] : memref<10240x128xf32, #tpu.memory_space<vmem_shared>> -> memref<10240x128xf32, #tpu.memory_space<vmem_shared>>
      tpu.wait_indirect_dma semaphore(%run_scoped3A_74 : memref<!tpu.dma_semaphore, #tpu.memory_space<semaphore_mem>>) src(%arg12 : memref<128x128xf32, #tpu.memory_space<vmem>>) dst(%dma_wait3A_86 : memref<10240x128xf32, #tpu.memory_space<vmem_shared>>)
      tpu.yield
    }) : () -> ()
    %dma_wait3A_27 = arith.constant 39 : i32
    %dma_wait3A_28 = arith.constant 0 : i32
    %dma_wait3A_29 = tpu.memref_slice %arg10[%dma_wait3A_27, %dma_wait3A_28] : memref<40x128xi32, #tpu.memory_space<vmem>> -> memref<1x128xi32, #tpu.memory_space<vmem>>
    %dma_wait3A_30 = tpu.memref_squeeze %dma_wait3A_29 : memref<1x128xi32, #tpu.memory_space<vmem>> -> memref<128xi32, #tpu.memory_space<vmem>>
    %dma_wait3A_31 = arith.constant 0 : i32
    %dma_wait3A_32 = arith.constant 0 : i32
    %dma_wait3A_33 = tpu.memref_slice %arg2[%dma_wait3A_31, %dma_wait3A_32] : memref<10000x128xf32, #tpu.memory_space<hbm>> -> memref<10000x128xf32, #tpu.memory_space<hbm>>
    tpu.wait_indirect_dma semaphore(%arg15 : memref<!tpu.dma_semaphore, #tpu.memory_space<semaphore_mem>>) src(%dma_wait3A_33 : memref<10000x128xf32, #tpu.memory_space<hbm>>) dst(%arg13 : memref<128x128xf32, #tpu.memory_space<vmem>>)
    %run_scoped3A_34 = arith.constant 39 : i32
    "tpu.region"() ({
      %run_scoped3A_74 = tpu.sem_alloc : memref<!tpu.dma_semaphore, #tpu.memory_space<semaphore_mem>>
      %dma_start3A_75 = arith.constant 0 : i32
      %dma_start3A_76 = tpu.memref_slice %arg11[%run_scoped3A_34, %dma_start3A_75] : memref<40x128xi32, #tpu.memory_space<vmem>> -> memref<1x128xi32, #tpu.memory_space<vmem>>
      %dma_start3A_77 = tpu.memref_squeeze %dma_start3A_76 : memref<1x128xi32, #tpu.memory_space<vmem>> -> memref<128xi32, #tpu.memory_space<vmem>>
      %dma_start3A_78 = arith.constant 0 : i32
      %dma_start3A_79 = arith.constant 0 : i32
      %dma_start3A_80 = tpu.memref_slice %arg9[%dma_start3A_78, %dma_start3A_79] : memref<10240x128xf32, #tpu.memory_space<vmem_shared>> -> memref<10240x128xf32, #tpu.memory_space<vmem_shared>>
      tpu.enqueue_indirect_dma source(%arg13 : memref<128x128xf32, #tpu.memory_space<vmem>>) target(%dma_start3A_80 : memref<10240x128xf32, #tpu.memory_space<vmem_shared>>) offsets(%dma_start3A_77 : memref<128xi32, #tpu.memory_space<vmem>>) semaphore(%run_scoped3A_74 : memref<!tpu.dma_semaphore, #tpu.memory_space<semaphore_mem>>) {add = true}
      %dma_wait3A_81 = arith.constant 0 : i32
      %dma_wait3A_82 = tpu.memref_slice %arg11[%run_scoped3A_34, %dma_wait3A_81] : memref<40x128xi32, #tpu.memory_space<vmem>> -> memref<1x128xi32, #tpu.memory_space<vmem>>
      %dma_wait3A_83 = tpu.memref_squeeze %dma_wait3A_82 : memref<1x128xi32, #tpu.memory_space<vmem>> -> memref<128xi32, #tpu.memory_space<vmem>>
      %dma_wait3A_84 = arith.constant 0 : i32
      %dma_wait3A_85 = arith.constant 0 : i32
      %dma_wait3A_86 = tpu.memref_slice %arg9[%dma_wait3A_84, %dma_wait3A_85] : memref<10240x128xf32, #tpu.memory_space<vmem_shared>> -> memref<10240x128xf32, #tpu.memory_space<vmem_shared>>
      tpu.wait_indirect_dma semaphore(%run_scoped3A_74 : memref<!tpu.dma_semaphore, #tpu.memory_space<semaphore_mem>>) src(%arg13 : memref<128x128xf32, #tpu.memory_space<vmem>>) dst(%dma_wait3A_86 : memref<10240x128xf32, #tpu.memory_space<vmem_shared>>)
      tpu.yield
    }) : () -> ()
    "tpu.region"() ({
      %run_scoped3A_74 = tpu.sem_alloc : memref<!tpu.dma_semaphore, #tpu.memory_space<semaphore_mem>>
      %dma_start3A_75 = arith.constant 40 : i32
      %dma_start3A_76 = arith.constant 0 : i32
      %dma_start3A_77 = tpu.memref_slice %arg3[%add3A, %dma_start3A_75, %dma_start3A_76] : memref<32x80x128xi32, #tpu.memory_space<hbm>> -> memref<1x40x128xi32, #tpu.memory_space<hbm>>
      %dma_start3A_78 = tpu.memref_squeeze %dma_start3A_77 : memref<1x40x128xi32, #tpu.memory_space<hbm>> -> memref<40x128xi32, #tpu.memory_space<hbm>>
      %dma_start3A_79 = arith.constant 40 : i32
      %dma_start3A_80 = arith.constant 0 : i32
      %dma_start3A_81 = tpu.memref_slice %arg3[%add3A, %dma_start3A_79, %dma_start3A_80] : memref<32x80x128xi32, #tpu.memory_space<hbm>> -> memref<1x40x128xi32, #tpu.memory_space<hbm>>
      %dma_start3A_82 = tpu.memref_squeeze %dma_start3A_81 : memref<1x40x128xi32, #tpu.memory_space<hbm>> -> memref<40x128xi32, #tpu.memory_space<hbm>>
      tpu.enqueue_dma source(%dma_start3A_82 : memref<40x128xi32, #tpu.memory_space<hbm>>) target(%arg10 : memref<40x128xi32, #tpu.memory_space<vmem>>) target_semaphore(%run_scoped3A_74 : memref<!tpu.dma_semaphore, #tpu.memory_space<semaphore_mem>>)
      %dma_wait3A_83 = arith.constant 40 : i32
      %dma_wait3A_84 = arith.constant 0 : i32
      %dma_wait3A_85 = tpu.memref_slice %arg3[%add3A, %dma_wait3A_83, %dma_wait3A_84] : memref<32x80x128xi32, #tpu.memory_space<hbm>> -> memref<1x40x128xi32, #tpu.memory_space<hbm>>
      %dma_wait3A_86 = tpu.memref_squeeze %dma_wait3A_85 : memref<1x40x128xi32, #tpu.memory_space<hbm>> -> memref<40x128xi32, #tpu.memory_space<hbm>>
      %dma_wait3A_87 = arith.constant 40 : i32
      %dma_wait3A_88 = arith.constant 0 : i32
      %dma_wait3A_89 = tpu.memref_slice %arg3[%add3A, %dma_wait3A_87, %dma_wait3A_88] : memref<32x80x128xi32, #tpu.memory_space<hbm>> -> memref<1x40x128xi32, #tpu.memory_space<hbm>>
      %dma_wait3A_90 = tpu.memref_squeeze %dma_wait3A_89 : memref<1x40x128xi32, #tpu.memory_space<hbm>> -> memref<40x128xi32, #tpu.memory_space<hbm>>
      tpu.wait_dma2 semaphore(%run_scoped3A_74 : memref<!tpu.dma_semaphore, #tpu.memory_space<semaphore_mem>>) src(%dma_wait3A_90 : memref<40x128xi32, #tpu.memory_space<hbm>>) dst(%arg10 : memref<40x128xi32, #tpu.memory_space<vmem>>)
      tpu.yield
    }) : () -> ()
    "tpu.region"() ({
      %run_scoped3A_74 = tpu.sem_alloc : memref<!tpu.dma_semaphore, #tpu.memory_space<semaphore_mem>>
      %dma_start3A_75 = arith.constant 40 : i32
      %dma_start3A_76 = arith.constant 0 : i32
      %dma_start3A_77 = tpu.memref_slice %arg5[%add3A, %dma_start3A_75, %dma_start3A_76] : memref<32x80x128xi32, #tpu.memory_space<hbm>> -> memref<1x40x128xi32, #tpu.memory_space<hbm>>
      %dma_start3A_78 = tpu.memref_squeeze %dma_start3A_77 : memref<1x40x128xi32, #tpu.memory_space<hbm>> -> memref<40x128xi32, #tpu.memory_space<hbm>>
      %dma_start3A_79 = arith.constant 40 : i32
      %dma_start3A_80 = arith.constant 0 : i32
      %dma_start3A_81 = tpu.memref_slice %arg5[%add3A, %dma_start3A_79, %dma_start3A_80] : memref<32x80x128xi32, #tpu.memory_space<hbm>> -> memref<1x40x128xi32, #tpu.memory_space<hbm>>
      %dma_start3A_82 = tpu.memref_squeeze %dma_start3A_81 : memref<1x40x128xi32, #tpu.memory_space<hbm>> -> memref<40x128xi32, #tpu.memory_space<hbm>>
      tpu.enqueue_dma source(%dma_start3A_82 : memref<40x128xi32, #tpu.memory_space<hbm>>) target(%arg11 : memref<40x128xi32, #tpu.memory_space<vmem>>) target_semaphore(%run_scoped3A_74 : memref<!tpu.dma_semaphore, #tpu.memory_space<semaphore_mem>>)
      %dma_wait3A_83 = arith.constant 40 : i32
      %dma_wait3A_84 = arith.constant 0 : i32
      %dma_wait3A_85 = tpu.memref_slice %arg5[%add3A, %dma_wait3A_83, %dma_wait3A_84] : memref<32x80x128xi32, #tpu.memory_space<hbm>> -> memref<1x40x128xi32, #tpu.memory_space<hbm>>
      %dma_wait3A_86 = tpu.memref_squeeze %dma_wait3A_85 : memref<1x40x128xi32, #tpu.memory_space<hbm>> -> memref<40x128xi32, #tpu.memory_space<hbm>>
      %dma_wait3A_87 = arith.constant 40 : i32
      %dma_wait3A_88 = arith.constant 0 : i32
      %dma_wait3A_89 = tpu.memref_slice %arg5[%add3A, %dma_wait3A_87, %dma_wait3A_88] : memref<32x80x128xi32, #tpu.memory_space<hbm>> -> memref<1x40x128xi32, #tpu.memory_space<hbm>>
      %dma_wait3A_90 = tpu.memref_squeeze %dma_wait3A_89 : memref<1x40x128xi32, #tpu.memory_space<hbm>> -> memref<40x128xi32, #tpu.memory_space<hbm>>
      tpu.wait_dma2 semaphore(%run_scoped3A_74 : memref<!tpu.dma_semaphore, #tpu.memory_space<semaphore_mem>>) src(%dma_wait3A_90 : memref<40x128xi32, #tpu.memory_space<hbm>>) dst(%arg11 : memref<40x128xi32, #tpu.memory_space<vmem>>)
      tpu.yield
    }) : () -> ()
    %dma_start3A_35 = arith.constant 0 : i32
    %dma_start3A_36 = arith.constant 0 : i32
    %dma_start3A_37 = tpu.memref_slice %arg10[%dma_start3A_35, %dma_start3A_36] : memref<40x128xi32, #tpu.memory_space<vmem>> -> memref<1x128xi32, #tpu.memory_space<vmem>>
    %dma_start3A_38 = tpu.memref_squeeze %dma_start3A_37 : memref<1x128xi32, #tpu.memory_space<vmem>> -> memref<128xi32, #tpu.memory_space<vmem>>
    %dma_start3A_39 = arith.constant 0 : i32
    %dma_start3A_40 = arith.constant 0 : i32
    %dma_start3A_41 = tpu.memref_slice %arg2[%dma_start3A_39, %dma_start3A_40] : memref<10000x128xf32, #tpu.memory_space<hbm>> -> memref<10000x128xf32, #tpu.memory_space<hbm>>
    tpu.enqueue_indirect_dma source(%dma_start3A_41 : memref<10000x128xf32, #tpu.memory_space<hbm>>) target(%arg12 : memref<128x128xf32, #tpu.memory_space<vmem>>) offsets(%dma_start3A_38 : memref<128xi32, #tpu.memory_space<vmem>>) semaphore(%arg14 : memref<!tpu.dma_semaphore, #tpu.memory_space<semaphore_mem>>)
    %scan3A_42 = arith.constant 0 : i32
    %scan3A_43 = arith.constant 0 : i32
    %scan3A_44 = arith.constant 19 : i32
    %scan3A_45 = arith.addi %scan3A_43, %scan3A_44 : i32
    %scan3A_46 = arith.constant 1 : i32
    scf.for %scan3A_74 = %scan3A_43 to %scan3A_45 step %scan3A_46  : i32 {
      %mul3A_75 = arith.constant 2 : i32
      %mul3A_76 = arith.muli %mul3A_75, %scan3A_74 : i32
      %add3A_77 = arith.constant 1 : i32
      %add3A_78 = arith.addi %mul3A_76, %add3A_77 : i32
      %dma_start3A_79 = arith.constant 0 : i32
      %dma_start3A_80 = tpu.memref_slice %arg10[%add3A_78, %dma_start3A_79] : memref<40x128xi32, #tpu.memory_space<vmem>> -> memref<1x128xi32, #tpu.memory_space<vmem>>
      %dma_start3A_81 = tpu.memref_squeeze %dma_start3A_80 : memref<1x128xi32, #tpu.memory_space<vmem>> -> memref<128xi32, #tpu.memory_space<vmem>>
      %dma_start3A_82 = arith.constant 0 : i32
      %dma_start3A_83 = arith.constant 0 : i32
      %dma_start3A_84 = tpu.memref_slice %arg2[%dma_start3A_82, %dma_start3A_83] : memref<10000x128xf32, #tpu.memory_space<hbm>> -> memref<10000x128xf32, #tpu.memory_space<hbm>>
      tpu.enqueue_indirect_dma source(%dma_start3A_84 : memref<10000x128xf32, #tpu.memory_space<hbm>>) target(%arg13 : memref<128x128xf32, #tpu.memory_space<vmem>>) offsets(%dma_start3A_81 : memref<128xi32, #tpu.memory_space<vmem>>) semaphore(%arg15 : memref<!tpu.dma_semaphore, #tpu.memory_space<semaphore_mem>>)
      %dma_wait3A_85 = arith.constant 0 : i32
      %dma_wait3A_86 = tpu.memref_slice %arg10[%mul3A_76, %dma_wait3A_85] : memref<40x128xi32, #tpu.memory_space<vmem>> -> memref<1x128xi32, #tpu.memory_space<vmem>>
      %dma_wait3A_87 = tpu.memref_squeeze %dma_wait3A_86 : memref<1x128xi32, #tpu.memory_space<vmem>> -> memref<128xi32, #tpu.memory_space<vmem>>
      %dma_wait3A_88 = arith.constant 0 : i32
      %dma_wait3A_89 = arith.constant 0 : i32
      %dma_wait3A_90 = tpu.memref_slice %arg2[%dma_wait3A_88, %dma_wait3A_89] : memref<10000x128xf32, #tpu.memory_space<hbm>> -> memref<10000x128xf32, #tpu.memory_space<hbm>>
      tpu.wait_indirect_dma semaphore(%arg14 : memref<!tpu.dma_semaphore, #tpu.memory_space<semaphore_mem>>) src(%dma_wait3A_90 : memref<10000x128xf32, #tpu.memory_space<hbm>>) dst(%arg12 : memref<128x128xf32, #tpu.memory_space<vmem>>)
      "tpu.region"() ({
        %run_scoped3A_109 = tpu.sem_alloc : memref<!tpu.dma_semaphore, #tpu.memory_space<semaphore_mem>>
        %dma_start3A_110 = arith.constant 0 : i32
        %dma_start3A_111 = tpu.memref_slice %arg11[%mul3A_76, %dma_start3A_110] : memref<40x128xi32, #tpu.memory_space<vmem>> -> memref<1x128xi32, #tpu.memory_space<vmem>>
        %dma_start3A_112 = tpu.memref_squeeze %dma_start3A_111 : memref<1x128xi32, #tpu.memory_space<vmem>> -> memref<128xi32, #tpu.memory_space<vmem>>
        %dma_start3A_113 = arith.constant 0 : i32
        %dma_start3A_114 = arith.constant 0 : i32
        %dma_start3A_115 = tpu.memref_slice %arg9[%dma_start3A_113, %dma_start3A_114] : memref<10240x128xf32, #tpu.memory_space<vmem_shared>> -> memref<10240x128xf32, #tpu.memory_space<vmem_shared>>
        tpu.enqueue_indirect_dma source(%arg12 : memref<128x128xf32, #tpu.memory_space<vmem>>) target(%dma_start3A_115 : memref<10240x128xf32, #tpu.memory_space<vmem_shared>>) offsets(%dma_start3A_112 : memref<128xi32, #tpu.memory_space<vmem>>) semaphore(%run_scoped3A_109 : memref<!tpu.dma_semaphore, #tpu.memory_space<semaphore_mem>>) {add = true}
        %dma_wait3A_116 = arith.constant 0 : i32
        %dma_wait3A_117 = tpu.memref_slice %arg11[%mul3A_76, %dma_wait3A_116] : memref<40x128xi32, #tpu.memory_space<vmem>> -> memref<1x128xi32, #tpu.memory_space<vmem>>
        %dma_wait3A_118 = tpu.memref_squeeze %dma_wait3A_117 : memref<1x128xi32, #tpu.memory_space<vmem>> -> memref<128xi32, #tpu.memory_space<vmem>>
        %dma_wait3A_119 = arith.constant 0 : i32
        %dma_wait3A_120 = arith.constant 0 : i32
        %dma_wait3A_121 = tpu.memref_slice %arg9[%dma_wait3A_119, %dma_wait3A_120] : memref<10240x128xf32, #tpu.memory_space<vmem_shared>> -> memref<10240x128xf32, #tpu.memory_space<vmem_shared>>
        tpu.wait_indirect_dma semaphore(%run_scoped3A_109 : memref<!tpu.dma_semaphore, #tpu.memory_space<semaphore_mem>>) src(%arg12 : memref<128x128xf32, #tpu.memory_space<vmem>>) dst(%dma_wait3A_121 : memref<10240x128xf32, #tpu.memory_space<vmem_shared>>)
        tpu.yield
      }) : () -> ()
      %add3A_91 = arith.constant 2 : i32
      %add3A_92 = arith.addi %mul3A_76, %add3A_91 : i32
      %dma_start3A_93 = arith.constant 0 : i32
      %dma_start3A_94 = tpu.memref_slice %arg10[%add3A_92, %dma_start3A_93] : memref<40x128xi32, #tpu.memory_space<vmem>> -> memref<1x128xi32, #tpu.memory_space<vmem>>
      %dma_start3A_95 = tpu.memref_squeeze %dma_start3A_94 : memref<1x128xi32, #tpu.memory_space<vmem>> -> memref<128xi32, #tpu.memory_space<vmem>>
      %dma_start3A_96 = arith.constant 0 : i32
      %dma_start3A_97 = arith.constant 0 : i32
      %dma_start3A_98 = tpu.memref_slice %arg2[%dma_start3A_96, %dma_start3A_97] : memref<10000x128xf32, #tpu.memory_space<hbm>> -> memref<10000x128xf32, #tpu.memory_space<hbm>>
      tpu.enqueue_indirect_dma source(%dma_start3A_98 : memref<10000x128xf32, #tpu.memory_space<hbm>>) target(%arg12 : memref<128x128xf32, #tpu.memory_space<vmem>>) offsets(%dma_start3A_95 : memref<128xi32, #tpu.memory_space<vmem>>) semaphore(%arg14 : memref<!tpu.dma_semaphore, #tpu.memory_space<semaphore_mem>>)
      %add3A_99 = arith.constant 1 : i32
      %add3A_100 = arith.addi %mul3A_76, %add3A_99 : i32
      %dma_wait3A_101 = arith.constant 0 : i32
      %dma_wait3A_102 = tpu.memref_slice %arg10[%add3A_100, %dma_wait3A_101] : memref<40x128xi32, #tpu.memory_space<vmem>> -> memref<1x128xi32, #tpu.memory_space<vmem>>
      %dma_wait3A_103 = tpu.memref_squeeze %dma_wait3A_102 : memref<1x128xi32, #tpu.memory_space<vmem>> -> memref<128xi32, #tpu.memory_space<vmem>>
      %dma_wait3A_104 = arith.constant 0 : i32
      %dma_wait3A_105 = arith.constant 0 : i32
      %dma_wait3A_106 = tpu.memref_slice %arg2[%dma_wait3A_104, %dma_wait3A_105] : memref<10000x128xf32, #tpu.memory_space<hbm>> -> memref<10000x128xf32, #tpu.memory_space<hbm>>
      tpu.wait_indirect_dma semaphore(%arg15 : memref<!tpu.dma_semaphore, #tpu.memory_space<semaphore_mem>>) src(%dma_wait3A_106 : memref<10000x128xf32, #tpu.memory_space<hbm>>) dst(%arg13 : memref<128x128xf32, #tpu.memory_space<vmem>>)
      %add3A_107 = arith.constant 1 : i32
      %add3A_108 = arith.addi %mul3A_76, %add3A_107 : i32
      "tpu.region"() ({
        %run_scoped3A_109 = tpu.sem_alloc : memref<!tpu.dma_semaphore, #tpu.memory_space<semaphore_mem>>
        %dma_start3A_110 = arith.constant 0 : i32
        %dma_start3A_111 = tpu.memref_slice %arg11[%add3A_108, %dma_start3A_110] : memref<40x128xi32, #tpu.memory_space<vmem>> -> memref<1x128xi32, #tpu.memory_space<vmem>>
        %dma_start3A_112 = tpu.memref_squeeze %dma_start3A_111 : memref<1x128xi32, #tpu.memory_space<vmem>> -> memref<128xi32, #tpu.memory_space<vmem>>
        %dma_start3A_113 = arith.constant 0 : i32
        %dma_start3A_114 = arith.constant 0 : i32
        %dma_start3A_115 = tpu.memref_slice %arg9[%dma_start3A_113, %dma_start3A_114] : memref<10240x128xf32, #tpu.memory_space<vmem_shared>> -> memref<10240x128xf32, #tpu.memory_space<vmem_shared>>
        tpu.enqueue_indirect_dma source(%arg13 : memref<128x128xf32, #tpu.memory_space<vmem>>) target(%dma_start3A_115 : memref<10240x128xf32, #tpu.memory_space<vmem_shared>>) offsets(%dma_start3A_112 : memref<128xi32, #tpu.memory_space<vmem>>) semaphore(%run_scoped3A_109 : memref<!tpu.dma_semaphore, #tpu.memory_space<semaphore_mem>>) {add = true}
        %dma_wait3A_116 = arith.constant 0 : i32
        %dma_wait3A_117 = tpu.memref_slice %arg11[%add3A_108, %dma_wait3A_116] : memref<40x128xi32, #tpu.memory_space<vmem>> -> memref<1x128xi32, #tpu.memory_space<vmem>>
        %dma_wait3A_118 = tpu.memref_squeeze %dma_wait3A_117 : memref<1x128xi32, #tpu.memory_space<vmem>> -> memref<128xi32, #tpu.memory_space<vmem>>
        %dma_wait3A_119 = arith.constant 0 : i32
        %dma_wait3A_120 = arith.constant 0 : i32
        %dma_wait3A_121 = tpu.memref_slice %arg9[%dma_wait3A_119, %dma_wait3A_120] : memref<10240x128xf32, #tpu.memory_space<vmem_shared>> -> memref<10240x128xf32, #tpu.memory_space<vmem_shared>>
        tpu.wait_indirect_dma semaphore(%run_scoped3A_109 : memref<!tpu.dma_semaphore, #tpu.memory_space<semaphore_mem>>) src(%arg13 : memref<128x128xf32, #tpu.memory_space<vmem>>) dst(%dma_wait3A_121 : memref<10240x128xf32, #tpu.memory_space<vmem_shared>>)
        tpu.yield
      }) : () -> ()
    }
    %scan3A_47 = arith.constant 19 : i32
    %dma_start3A_48 = arith.constant 39 : i32
    %dma_start3A_49 = arith.constant 0 : i32
    %dma_start3A_50 = tpu.memref_slice %arg10[%dma_start3A_48, %dma_start3A_49] : memref<40x128xi32, #tpu.memory_space<vmem>> -> memref<1x128xi32, #tpu.memory_space<vmem>>
    %dma_start3A_51 = tpu.memref_squeeze %dma_start3A_50 : memref<1x128xi32, #tpu.memory_space<vmem>> -> memref<128xi32, #tpu.memory_space<vmem>>
    %dma_start3A_52 = arith.constant 0 : i32
    %dma_start3A_53 = arith.constant 0 : i32
    %dma_start3A_54 = tpu.memref_slice %arg2[%dma_start3A_52, %dma_start3A_53] : memref<10000x128xf32, #tpu.memory_space<hbm>> -> memref<10000x128xf32, #tpu.memory_space<hbm>>
    tpu.enqueue_indirect_dma source(%dma_start3A_54 : memref<10000x128xf32, #tpu.memory_space<hbm>>) target(%arg13 : memref<128x128xf32, #tpu.memory_space<vmem>>) offsets(%dma_start3A_51 : memref<128xi32, #tpu.memory_space<vmem>>) semaphore(%arg15 : memref<!tpu.dma_semaphore, #tpu.memory_space<semaphore_mem>>)
    %dma_wait3A_55 = arith.constant 38 : i32
    %dma_wait3A_56 = arith.constant 0 : i32
    %dma_wait3A_57 = tpu.memref_slice %arg10[%dma_wait3A_55, %dma_wait3A_56] : memref<40x128xi32, #tpu.memory_space<vmem>> -> memref<1x128xi32, #tpu.memory_space<vmem>>
    %dma_wait3A_58 = tpu.memref_squeeze %dma_wait3A_57 : memref<1x128xi32, #tpu.memory_space<vmem>> -> memref<128xi32, #tpu.memory_space<vmem>>
    %dma_wait3A_59 = arith.constant 0 : i32
    %dma_wait3A_60 = arith.constant 0 : i32
    %dma_wait3A_61 = tpu.memref_slice %arg2[%dma_wait3A_59, %dma_wait3A_60] : memref<10000x128xf32, #tpu.memory_space<hbm>> -> memref<10000x128xf32, #tpu.memory_space<hbm>>
    tpu.wait_indirect_dma semaphore(%arg14 : memref<!tpu.dma_semaphore, #tpu.memory_space<semaphore_mem>>) src(%dma_wait3A_61 : memref<10000x128xf32, #tpu.memory_space<hbm>>) dst(%arg12 : memref<128x128xf32, #tpu.memory_space<vmem>>)
    %run_scoped3A_62 = arith.constant 38 : i32
    "tpu.region"() ({
      %run_scoped3A_74 = tpu.sem_alloc : memref<!tpu.dma_semaphore, #tpu.memory_space<semaphore_mem>>
      %dma_start3A_75 = arith.constant 0 : i32
      %dma_start3A_76 = tpu.memref_slice %arg11[%run_scoped3A_62, %dma_start3A_75] : memref<40x128xi32, #tpu.memory_space<vmem>> -> memref<1x128xi32, #tpu.memory_space<vmem>>
      %dma_start3A_77 = tpu.memref_squeeze %dma_start3A_76 : memref<1x128xi32, #tpu.memory_space<vmem>> -> memref<128xi32, #tpu.memory_space<vmem>>
      %dma_start3A_78 = arith.constant 0 : i32
      %dma_start3A_79 = arith.constant 0 : i32
      %dma_start3A_80 = tpu.memref_slice %arg9[%dma_start3A_78, %dma_start3A_79] : memref<10240x128xf32, #tpu.memory_space<vmem_shared>> -> memref<10240x128xf32, #tpu.memory_space<vmem_shared>>
      tpu.enqueue_indirect_dma source(%arg12 : memref<128x128xf32, #tpu.memory_space<vmem>>) target(%dma_start3A_80 : memref<10240x128xf32, #tpu.memory_space<vmem_shared>>) offsets(%dma_start3A_77 : memref<128xi32, #tpu.memory_space<vmem>>) semaphore(%run_scoped3A_74 : memref<!tpu.dma_semaphore, #tpu.memory_space<semaphore_mem>>) {add = true}
      %dma_wait3A_81 = arith.constant 0 : i32
      %dma_wait3A_82 = tpu.memref_slice %arg11[%run_scoped3A_62, %dma_wait3A_81] : memref<40x128xi32, #tpu.memory_space<vmem>> -> memref<1x128xi32, #tpu.memory_space<vmem>>
      %dma_wait3A_83 = tpu.memref_squeeze %dma_wait3A_82 : memref<1x128xi32, #tpu.memory_space<vmem>> -> memref<128xi32, #tpu.memory_space<vmem>>
      %dma_wait3A_84 = arith.constant 0 : i32
      %dma_wait3A_85 = arith.constant 0 : i32
      %dma_wait3A_86 = tpu.memref_slice %arg9[%dma_wait3A_84, %dma_wait3A_85] : memref<10240x128xf32, #tpu.memory_space<vmem_shared>> -> memref<10240x128xf32, #tpu.memory_space<vmem_shared>>
      tpu.wait_indirect_dma semaphore(%run_scoped3A_74 : memref<!tpu.dma_semaphore, #tpu.memory_space<semaphore_mem>>) src(%arg12 : memref<128x128xf32, #tpu.memory_space<vmem>>) dst(%dma_wait3A_86 : memref<10240x128xf32, #tpu.memory_space<vmem_shared>>)
      tpu.yield
    }) : () -> ()
    %dma_wait3A_63 = arith.constant 39 : i32
    %dma_wait3A_64 = arith.constant 0 : i32
    %dma_wait3A_65 = tpu.memref_slice %arg10[%dma_wait3A_63, %dma_wait3A_64] : memref<40x128xi32, #tpu.memory_space<vmem>> -> memref<1x128xi32, #tpu.memory_space<vmem>>
    %dma_wait3A_66 = tpu.memref_squeeze %dma_wait3A_65 : memref<1x128xi32, #tpu.memory_space<vmem>> -> memref<128xi32, #tpu.memory_space<vmem>>
    %dma_wait3A_67 = arith.constant 0 : i32
    %dma_wait3A_68 = arith.constant 0 : i32
    %dma_wait3A_69 = tpu.memref_slice %arg2[%dma_wait3A_67, %dma_wait3A_68] : memref<10000x128xf32, #tpu.memory_space<hbm>> -> memref<10000x128xf32, #tpu.memory_space<hbm>>
    tpu.wait_indirect_dma semaphore(%arg15 : memref<!tpu.dma_semaphore, #tpu.memory_space<semaphore_mem>>) src(%dma_wait3A_69 : memref<10000x128xf32, #tpu.memory_space<hbm>>) dst(%arg13 : memref<128x128xf32, #tpu.memory_space<vmem>>)
    %run_scoped3A_70 = arith.constant 39 : i32
    "tpu.region"() ({
      %run_scoped3A_74 = tpu.sem_alloc : memref<!tpu.dma_semaphore, #tpu.memory_space<semaphore_mem>>
      %dma_start3A_75 = arith.constant 0 : i32
      %dma_start3A_76 = tpu.memref_slice %arg11[%run_scoped3A_70, %dma_start3A_75] : memref<40x128xi32, #tpu.memory_space<vmem>> -> memref<1x128xi32, #tpu.memory_space<vmem>>
      %dma_start3A_77 = tpu.memref_squeeze %dma_start3A_76 : memref<1x128xi32, #tpu.memory_space<vmem>> -> memref<128xi32, #tpu.memory_space<vmem>>
      %dma_start3A_78 = arith.constant 0 : i32
      %dma_start3A_79 = arith.constant 0 : i32
      %dma_start3A_80 = tpu.memref_slice %arg9[%dma_start3A_78, %dma_start3A_79] : memref<10240x128xf32, #tpu.memory_space<vmem_shared>> -> memref<10240x128xf32, #tpu.memory_space<vmem_shared>>
      tpu.enqueue_indirect_dma source(%arg13 : memref<128x128xf32, #tpu.memory_space<vmem>>) target(%dma_start3A_80 : memref<10240x128xf32, #tpu.memory_space<vmem_shared>>) offsets(%dma_start3A_77 : memref<128xi32, #tpu.memory_space<vmem>>) semaphore(%run_scoped3A_74 : memref<!tpu.dma_semaphore, #tpu.memory_space<semaphore_mem>>) {add = true}
      %dma_wait3A_81 = arith.constant 0 : i32
      %dma_wait3A_82 = tpu.memref_slice %arg11[%run_scoped3A_70, %dma_wait3A_81] : memref<40x128xi32, #tpu.memory_space<vmem>> -> memref<1x128xi32, #tpu.memory_space<vmem>>
      %dma_wait3A_83 = tpu.memref_squeeze %dma_wait3A_82 : memref<1x128xi32, #tpu.memory_space<vmem>> -> memref<128xi32, #tpu.memory_space<vmem>>
      %dma_wait3A_84 = arith.constant 0 : i32
      %dma_wait3A_85 = arith.constant 0 : i32
      %dma_wait3A_86 = tpu.memref_slice %arg9[%dma_wait3A_84, %dma_wait3A_85] : memref<10240x128xf32, #tpu.memory_space<vmem_shared>> -> memref<10240x128xf32, #tpu.memory_space<vmem_shared>>
      tpu.wait_indirect_dma semaphore(%run_scoped3A_74 : memref<!tpu.dma_semaphore, #tpu.memory_space<semaphore_mem>>) src(%arg13 : memref<128x128xf32, #tpu.memory_space<vmem>>) dst(%dma_wait3A_86 : memref<10240x128xf32, #tpu.memory_space<vmem_shared>>)
      tpu.yield
    }) : () -> ()
    %barrier3A_71 = arith.constant 0 : index
    tpu.barrier barrier_id(%barrier3A_71)
    %run_scoped3A_72 = arith.constant 0 : i32
    "tpu.region"() ({
      %run_scoped3A_74 = tpu.sem_alloc : memref<!tpu.dma_semaphore, #tpu.memory_space<semaphore_mem>>
      %dma_start3A_75 = arith.constant 0 : i32
      %dma_start3A_76 = tpu.memref_slice %arg8[%run_scoped3A_72, %arg0, %mul3A_2, %dma_start3A_75] : memref<1x2x10240x128xf32, #tpu.memory_space<hbm>> -> memref<1x1x640x128xf32, #tpu.memory_space<hbm>>
      %dma_start3A_77 = tpu.memref_squeeze %dma_start3A_76 : memref<1x1x640x128xf32, #tpu.memory_space<hbm>> -> memref<640x128xf32, #tpu.memory_space<hbm>>
      %dma_start3A_78 = arith.constant 0 : i32
      %dma_start3A_79 = tpu.memref_slice %arg9[%mul3A_2, %dma_start3A_78] : memref<10240x128xf32, #tpu.memory_space<vmem_shared>> -> memref<640x128xf32, #tpu.memory_space<vmem_shared>>
      tpu.enqueue_dma source(%dma_start3A_79 : memref<640x128xf32, #tpu.memory_space<vmem_shared>>) target(%dma_start3A_77 : memref<640x128xf32, #tpu.memory_space<hbm>>) target_semaphore(%run_scoped3A_74 : memref<!tpu.dma_semaphore, #tpu.memory_space<semaphore_mem>>)
      %dma_wait3A_80 = arith.constant 0 : i32
      %dma_wait3A_81 = tpu.memref_slice %arg8[%run_scoped3A_72, %arg0, %mul3A_2, %dma_wait3A_80] : memref<1x2x10240x128xf32, #tpu.memory_space<hbm>> -> memref<1x1x640x128xf32, #tpu.memory_space<hbm>>
      %dma_wait3A_82 = tpu.memref_squeeze %dma_wait3A_81 : memref<1x1x640x128xf32, #tpu.memory_space<hbm>> -> memref<640x128xf32, #tpu.memory_space<hbm>>
      %dma_wait3A_83 = arith.constant 0 : i32
      %dma_wait3A_84 = tpu.memref_slice %arg9[%mul3A_2, %dma_wait3A_83] : memref<10240x128xf32, #tpu.memory_space<vmem_shared>> -> memref<640x128xf32, #tpu.memory_space<vmem_shared>>
      tpu.wait_dma2 semaphore(%run_scoped3A_74 : memref<!tpu.dma_semaphore, #tpu.memory_space<semaphore_mem>>) src(%dma_wait3A_84 : memref<640x128xf32, #tpu.memory_space<vmem_shared>>) dst(%dma_wait3A_82 : memref<640x128xf32, #tpu.memory_space<hbm>>)
      tpu.yield
    }) : () -> ()
    %barrier3A_73 = arith.constant 0 : index
    tpu.barrier barrier_id(%barrier3A_73)
    return
  }
}

#map = affine_map<(d0, d1) -> (0, 0)>
#map1 = affine_map<(d0, d1) -> (0, 0, 0)>
#map2 = affine_map<(d0, d1) -> (0, 0, 0, 0)>
module attributes {stable_mosaic.version = 14 : i64} {
  func.func @body(%arg0: i32, %arg1: i32, %arg2: memref<10000x128xf32, #tpu.memory_space<hbm>>, %arg3: memref<10000x128xf32, #tpu.memory_space<hbm>>, %arg4: memref<32x80x128xi32, #tpu.memory_space<hbm>>, %arg5: memref<32x80x128xi32, #tpu.memory_space<hbm>>, %arg6: memref<32x80x128xi32, #tpu.memory_space<hbm>>, %arg7: memref<32x80x128xi32, #tpu.memory_space<hbm>>, %arg8: memref<640x128xf32, #tpu.memory_space<hbm>>, %arg9: memref<2x2x10240x128xf32, #tpu.memory_space<hbm>>, %arg10: memref<10240x128xf32, #tpu.memory_space<vmem_shared>>, %arg11: memref<40x128xi32, #tpu.memory_space<vmem>>, %arg12: memref<40x128xi32, #tpu.memory_space<vmem>>, %arg13: memref<128x128xf32, #tpu.memory_space<vmem>>, %arg14: memref<128x128xf32, #tpu.memory_space<vmem>>, %arg15: memref<!tpu.dma_semaphore, #tpu.memory_space<semaphore_mem>>, %arg16: memref<!tpu.dma_semaphore, #tpu.memory_space<semaphore_mem>>) attributes {dimension_semantics = [#tpu.dimension_semantics<core_parallel>, #tpu.dimension_semantics<subcore_parallel>], iteration_bounds = array<i64: 2, 16>, scalar_prefetch = 0 : i64, scratch_operands = 7 : i64, tpu.core_type = #tpu.core_type<sc_vector_subcore>, window_params = [{transform_indices = #map}, {transform_indices = #map}, {transform_indices = #map1}, {transform_indices = #map1}, {transform_indices = #map1}, {transform_indices = #map1}, {transform_indices = #map}, {transform_indices = #map2}]} {
    %mul3A = arith.constant 2 : i32
    %mul3A_0 = arith.muli %arg1, %mul3A : i32
    %add3A = arith.addi %mul3A_0, %arg0 : i32
    %mul3A_1 = arith.constant 640 : i32
    %mul3A_2 = arith.muli %arg1, %mul3A_1 : i32
    "tpu.region"() ({
      %run_scoped3A_149 = tpu.sem_alloc : memref<!tpu.dma_semaphore, #tpu.memory_space<semaphore_mem>>
      %dma_start3A_150 = arith.constant 0 : i32
      %dma_start3A_151 = tpu.memref_slice %arg10[%mul3A_2, %dma_start3A_150] : memref<10240x128xf32, #tpu.memory_space<vmem_shared>> -> memref<640x128xf32, #tpu.memory_space<vmem_shared>>
      tpu.enqueue_dma source(%arg8 : memref<640x128xf32, #tpu.memory_space<hbm>>) target(%dma_start3A_151 : memref<640x128xf32, #tpu.memory_space<vmem_shared>>) target_semaphore(%run_scoped3A_149 : memref<!tpu.dma_semaphore, #tpu.memory_space<semaphore_mem>>)
      %dma_wait3A_152 = arith.constant 0 : i32
      %dma_wait3A_153 = tpu.memref_slice %arg10[%mul3A_2, %dma_wait3A_152] : memref<10240x128xf32, #tpu.memory_space<vmem_shared>> -> memref<640x128xf32, #tpu.memory_space<vmem_shared>>
      tpu.wait_dma2 semaphore(%run_scoped3A_149 : memref<!tpu.dma_semaphore, #tpu.memory_space<semaphore_mem>>) src(%arg8 : memref<640x128xf32, #tpu.memory_space<hbm>>) dst(%dma_wait3A_153 : memref<640x128xf32, #tpu.memory_space<vmem_shared>>)
      tpu.yield
    }) : () -> ()
    %barrier3A = arith.constant 0 : index
    tpu.barrier barrier_id(%barrier3A)
    "tpu.region"() ({
      %run_scoped3A_149 = tpu.sem_alloc : memref<!tpu.dma_semaphore, #tpu.memory_space<semaphore_mem>>
      %dma_start3A_150 = arith.constant 0 : i32
      %dma_start3A_151 = arith.constant 0 : i32
      %dma_start3A_152 = tpu.memref_slice %arg4[%add3A, %dma_start3A_150, %dma_start3A_151] : memref<32x80x128xi32, #tpu.memory_space<hbm>> -> memref<1x40x128xi32, #tpu.memory_space<hbm>>
      %dma_start3A_153 = tpu.memref_squeeze %dma_start3A_152 : memref<1x40x128xi32, #tpu.memory_space<hbm>> -> memref<40x128xi32, #tpu.memory_space<hbm>>
      %dma_start3A_154 = arith.constant 0 : i32
      %dma_start3A_155 = arith.constant 0 : i32
      %dma_start3A_156 = tpu.memref_slice %arg4[%add3A, %dma_start3A_154, %dma_start3A_155] : memref<32x80x128xi32, #tpu.memory_space<hbm>> -> memref<1x40x128xi32, #tpu.memory_space<hbm>>
      %dma_start3A_157 = tpu.memref_squeeze %dma_start3A_156 : memref<1x40x128xi32, #tpu.memory_space<hbm>> -> memref<40x128xi32, #tpu.memory_space<hbm>>
      tpu.enqueue_dma source(%dma_start3A_157 : memref<40x128xi32, #tpu.memory_space<hbm>>) target(%arg11 : memref<40x128xi32, #tpu.memory_space<vmem>>) target_semaphore(%run_scoped3A_149 : memref<!tpu.dma_semaphore, #tpu.memory_space<semaphore_mem>>)
      %dma_wait3A_158 = arith.constant 0 : i32
      %dma_wait3A_159 = arith.constant 0 : i32
      %dma_wait3A_160 = tpu.memref_slice %arg4[%add3A, %dma_wait3A_158, %dma_wait3A_159] : memref<32x80x128xi32, #tpu.memory_space<hbm>> -> memref<1x40x128xi32, #tpu.memory_space<hbm>>
      %dma_wait3A_161 = tpu.memref_squeeze %dma_wait3A_160 : memref<1x40x128xi32, #tpu.memory_space<hbm>> -> memref<40x128xi32, #tpu.memory_space<hbm>>
      %dma_wait3A_162 = arith.constant 0 : i32
      %dma_wait3A_163 = arith.constant 0 : i32
      %dma_wait3A_164 = tpu.memref_slice %arg4[%add3A, %dma_wait3A_162, %dma_wait3A_163] : memref<32x80x128xi32, #tpu.memory_space<hbm>> -> memref<1x40x128xi32, #tpu.memory_space<hbm>>
      %dma_wait3A_165 = tpu.memref_squeeze %dma_wait3A_164 : memref<1x40x128xi32, #tpu.memory_space<hbm>> -> memref<40x128xi32, #tpu.memory_space<hbm>>
      tpu.wait_dma2 semaphore(%run_scoped3A_149 : memref<!tpu.dma_semaphore, #tpu.memory_space<semaphore_mem>>) src(%dma_wait3A_165 : memref<40x128xi32, #tpu.memory_space<hbm>>) dst(%arg11 : memref<40x128xi32, #tpu.memory_space<vmem>>)
      tpu.yield
    }) : () -> ()
    "tpu.region"() ({
      %run_scoped3A_149 = tpu.sem_alloc : memref<!tpu.dma_semaphore, #tpu.memory_space<semaphore_mem>>
      %dma_start3A_150 = arith.constant 0 : i32
      %dma_start3A_151 = arith.constant 0 : i32
      %dma_start3A_152 = tpu.memref_slice %arg6[%add3A, %dma_start3A_150, %dma_start3A_151] : memref<32x80x128xi32, #tpu.memory_space<hbm>> -> memref<1x40x128xi32, #tpu.memory_space<hbm>>
      %dma_start3A_153 = tpu.memref_squeeze %dma_start3A_152 : memref<1x40x128xi32, #tpu.memory_space<hbm>> -> memref<40x128xi32, #tpu.memory_space<hbm>>
      %dma_start3A_154 = arith.constant 0 : i32
      %dma_start3A_155 = arith.constant 0 : i32
      %dma_start3A_156 = tpu.memref_slice %arg6[%add3A, %dma_start3A_154, %dma_start3A_155] : memref<32x80x128xi32, #tpu.memory_space<hbm>> -> memref<1x40x128xi32, #tpu.memory_space<hbm>>
      %dma_start3A_157 = tpu.memref_squeeze %dma_start3A_156 : memref<1x40x128xi32, #tpu.memory_space<hbm>> -> memref<40x128xi32, #tpu.memory_space<hbm>>
      tpu.enqueue_dma source(%dma_start3A_157 : memref<40x128xi32, #tpu.memory_space<hbm>>) target(%arg12 : memref<40x128xi32, #tpu.memory_space<vmem>>) target_semaphore(%run_scoped3A_149 : memref<!tpu.dma_semaphore, #tpu.memory_space<semaphore_mem>>)
      %dma_wait3A_158 = arith.constant 0 : i32
      %dma_wait3A_159 = arith.constant 0 : i32
      %dma_wait3A_160 = tpu.memref_slice %arg6[%add3A, %dma_wait3A_158, %dma_wait3A_159] : memref<32x80x128xi32, #tpu.memory_space<hbm>> -> memref<1x40x128xi32, #tpu.memory_space<hbm>>
      %dma_wait3A_161 = tpu.memref_squeeze %dma_wait3A_160 : memref<1x40x128xi32, #tpu.memory_space<hbm>> -> memref<40x128xi32, #tpu.memory_space<hbm>>
      %dma_wait3A_162 = arith.constant 0 : i32
      %dma_wait3A_163 = arith.constant 0 : i32
      %dma_wait3A_164 = tpu.memref_slice %arg6[%add3A, %dma_wait3A_162, %dma_wait3A_163] : memref<32x80x128xi32, #tpu.memory_space<hbm>> -> memref<1x40x128xi32, #tpu.memory_space<hbm>>
      %dma_wait3A_165 = tpu.memref_squeeze %dma_wait3A_164 : memref<1x40x128xi32, #tpu.memory_space<hbm>> -> memref<40x128xi32, #tpu.memory_space<hbm>>
      tpu.wait_dma2 semaphore(%run_scoped3A_149 : memref<!tpu.dma_semaphore, #tpu.memory_space<semaphore_mem>>) src(%dma_wait3A_165 : memref<40x128xi32, #tpu.memory_space<hbm>>) dst(%arg12 : memref<40x128xi32, #tpu.memory_space<vmem>>)
      tpu.yield
    }) : () -> ()
    %dma_start3A = arith.constant 0 : i32
    %dma_start3A_3 = arith.constant 0 : i32
    %dma_start3A_4 = tpu.memref_slice %arg11[%dma_start3A, %dma_start3A_3] : memref<40x128xi32, #tpu.memory_space<vmem>> -> memref<1x128xi32, #tpu.memory_space<vmem>>
    %dma_start3A_5 = tpu.memref_squeeze %dma_start3A_4 : memref<1x128xi32, #tpu.memory_space<vmem>> -> memref<128xi32, #tpu.memory_space<vmem>>
    %dma_start3A_6 = arith.constant 0 : i32
    %dma_start3A_7 = arith.constant 0 : i32
    %dma_start3A_8 = tpu.memref_slice %arg2[%dma_start3A_6, %dma_start3A_7] : memref<10000x128xf32, #tpu.memory_space<hbm>> -> memref<10000x128xf32, #tpu.memory_space<hbm>>
    tpu.enqueue_indirect_dma source(%dma_start3A_8 : memref<10000x128xf32, #tpu.memory_space<hbm>>) target(%arg13 : memref<128x128xf32, #tpu.memory_space<vmem>>) offsets(%dma_start3A_5 : memref<128xi32, #tpu.memory_space<vmem>>) semaphore(%arg15 : memref<!tpu.dma_semaphore, #tpu.memory_space<semaphore_mem>>)
    %scan3A = arith.constant 0 : i32
    %scan3A_9 = arith.constant 0 : i32
    %scan3A_10 = arith.constant 19 : i32
    %scan3A_11 = arith.addi %scan3A_9, %scan3A_10 : i32
    %scan3A_12 = arith.constant 1 : i32
    scf.for %scan3A_149 = %scan3A_9 to %scan3A_11 step %scan3A_12  : i32 {
      %mul3A_150 = arith.constant 2 : i32
      %mul3A_151 = arith.muli %mul3A_150, %scan3A_149 : i32
      %add3A_152 = arith.constant 1 : i32
      %add3A_153 = arith.addi %mul3A_151, %add3A_152 : i32
      %dma_start3A_154 = arith.constant 0 : i32
      %dma_start3A_155 = tpu.memref_slice %arg11[%add3A_153, %dma_start3A_154] : memref<40x128xi32, #tpu.memory_space<vmem>> -> memref<1x128xi32, #tpu.memory_space<vmem>>
      %dma_start3A_156 = tpu.memref_squeeze %dma_start3A_155 : memref<1x128xi32, #tpu.memory_space<vmem>> -> memref<128xi32, #tpu.memory_space<vmem>>
      %dma_start3A_157 = arith.constant 0 : i32
      %dma_start3A_158 = arith.constant 0 : i32
      %dma_start3A_159 = tpu.memref_slice %arg2[%dma_start3A_157, %dma_start3A_158] : memref<10000x128xf32, #tpu.memory_space<hbm>> -> memref<10000x128xf32, #tpu.memory_space<hbm>>
      tpu.enqueue_indirect_dma source(%dma_start3A_159 : memref<10000x128xf32, #tpu.memory_space<hbm>>) target(%arg14 : memref<128x128xf32, #tpu.memory_space<vmem>>) offsets(%dma_start3A_156 : memref<128xi32, #tpu.memory_space<vmem>>) semaphore(%arg16 : memref<!tpu.dma_semaphore, #tpu.memory_space<semaphore_mem>>)
      %dma_wait3A_160 = arith.constant 0 : i32
      %dma_wait3A_161 = tpu.memref_slice %arg11[%mul3A_151, %dma_wait3A_160] : memref<40x128xi32, #tpu.memory_space<vmem>> -> memref<1x128xi32, #tpu.memory_space<vmem>>
      %dma_wait3A_162 = tpu.memref_squeeze %dma_wait3A_161 : memref<1x128xi32, #tpu.memory_space<vmem>> -> memref<128xi32, #tpu.memory_space<vmem>>
      %dma_wait3A_163 = arith.constant 0 : i32
      %dma_wait3A_164 = arith.constant 0 : i32
      %dma_wait3A_165 = tpu.memref_slice %arg2[%dma_wait3A_163, %dma_wait3A_164] : memref<10000x128xf32, #tpu.memory_space<hbm>> -> memref<10000x128xf32, #tpu.memory_space<hbm>>
      tpu.wait_indirect_dma semaphore(%arg15 : memref<!tpu.dma_semaphore, #tpu.memory_space<semaphore_mem>>) src(%dma_wait3A_165 : memref<10000x128xf32, #tpu.memory_space<hbm>>) dst(%arg13 : memref<128x128xf32, #tpu.memory_space<vmem>>)
      "tpu.region"() ({
        %run_scoped3A_184 = tpu.sem_alloc : memref<!tpu.dma_semaphore, #tpu.memory_space<semaphore_mem>>
        %dma_start3A_185 = arith.constant 0 : i32
        %dma_start3A_186 = tpu.memref_slice %arg12[%mul3A_151, %dma_start3A_185] : memref<40x128xi32, #tpu.memory_space<vmem>> -> memref<1x128xi32, #tpu.memory_space<vmem>>
        %dma_start3A_187 = tpu.memref_squeeze %dma_start3A_186 : memref<1x128xi32, #tpu.memory_space<vmem>> -> memref<128xi32, #tpu.memory_space<vmem>>
        %dma_start3A_188 = arith.constant 0 : i32
        %dma_start3A_189 = arith.constant 0 : i32
        %dma_start3A_190 = tpu.memref_slice %arg10[%dma_start3A_188, %dma_start3A_189] : memref<10240x128xf32, #tpu.memory_space<vmem_shared>> -> memref<10240x128xf32, #tpu.memory_space<vmem_shared>>
        tpu.enqueue_indirect_dma source(%arg13 : memref<128x128xf32, #tpu.memory_space<vmem>>) target(%dma_start3A_190 : memref<10240x128xf32, #tpu.memory_space<vmem_shared>>) offsets(%dma_start3A_187 : memref<128xi32, #tpu.memory_space<vmem>>) semaphore(%run_scoped3A_184 : memref<!tpu.dma_semaphore, #tpu.memory_space<semaphore_mem>>) {add = true}
        %dma_wait3A_191 = arith.constant 0 : i32
        %dma_wait3A_192 = tpu.memref_slice %arg12[%mul3A_151, %dma_wait3A_191] : memref<40x128xi32, #tpu.memory_space<vmem>> -> memref<1x128xi32, #tpu.memory_space<vmem>>
        %dma_wait3A_193 = tpu.memref_squeeze %dma_wait3A_192 : memref<1x128xi32, #tpu.memory_space<vmem>> -> memref<128xi32, #tpu.memory_space<vmem>>
        %dma_wait3A_194 = arith.constant 0 : i32
        %dma_wait3A_195 = arith.constant 0 : i32
        %dma_wait3A_196 = tpu.memref_slice %arg10[%dma_wait3A_194, %dma_wait3A_195] : memref<10240x128xf32, #tpu.memory_space<vmem_shared>> -> memref<10240x128xf32, #tpu.memory_space<vmem_shared>>
        tpu.wait_indirect_dma semaphore(%run_scoped3A_184 : memref<!tpu.dma_semaphore, #tpu.memory_space<semaphore_mem>>) src(%arg13 : memref<128x128xf32, #tpu.memory_space<vmem>>) dst(%dma_wait3A_196 : memref<10240x128xf32, #tpu.memory_space<vmem_shared>>)
        tpu.yield
      }) : () -> ()
      %add3A_166 = arith.constant 2 : i32
      %add3A_167 = arith.addi %mul3A_151, %add3A_166 : i32
      %dma_start3A_168 = arith.constant 0 : i32
      %dma_start3A_169 = tpu.memref_slice %arg11[%add3A_167, %dma_start3A_168] : memref<40x128xi32, #tpu.memory_space<vmem>> -> memref<1x128xi32, #tpu.memory_space<vmem>>
      %dma_start3A_170 = tpu.memref_squeeze %dma_start3A_169 : memref<1x128xi32, #tpu.memory_space<vmem>> -> memref<128xi32, #tpu.memory_space<vmem>>
      %dma_start3A_171 = arith.constant 0 : i32
      %dma_start3A_172 = arith.constant 0 : i32
      %dma_start3A_173 = tpu.memref_slice %arg2[%dma_start3A_171, %dma_start3A_172] : memref<10000x128xf32, #tpu.memory_space<hbm>> -> memref<10000x128xf32, #tpu.memory_space<hbm>>
      tpu.enqueue_indirect_dma source(%dma_start3A_173 : memref<10000x128xf32, #tpu.memory_space<hbm>>) target(%arg13 : memref<128x128xf32, #tpu.memory_space<vmem>>) offsets(%dma_start3A_170 : memref<128xi32, #tpu.memory_space<vmem>>) semaphore(%arg15 : memref<!tpu.dma_semaphore, #tpu.memory_space<semaphore_mem>>)
      %add3A_174 = arith.constant 1 : i32
      %add3A_175 = arith.addi %mul3A_151, %add3A_174 : i32
      %dma_wait3A_176 = arith.constant 0 : i32
      %dma_wait3A_177 = tpu.memref_slice %arg11[%add3A_175, %dma_wait3A_176] : memref<40x128xi32, #tpu.memory_space<vmem>> -> memref<1x128xi32, #tpu.memory_space<vmem>>
      %dma_wait3A_178 = tpu.memref_squeeze %dma_wait3A_177 : memref<1x128xi32, #tpu.memory_space<vmem>> -> memref<128xi32, #tpu.memory_space<vmem>>
      %dma_wait3A_179 = arith.constant 0 : i32
      %dma_wait3A_180 = arith.constant 0 : i32
      %dma_wait3A_181 = tpu.memref_slice %arg2[%dma_wait3A_179, %dma_wait3A_180] : memref<10000x128xf32, #tpu.memory_space<hbm>> -> memref<10000x128xf32, #tpu.memory_space<hbm>>
      tpu.wait_indirect_dma semaphore(%arg16 : memref<!tpu.dma_semaphore, #tpu.memory_space<semaphore_mem>>) src(%dma_wait3A_181 : memref<10000x128xf32, #tpu.memory_space<hbm>>) dst(%arg14 : memref<128x128xf32, #tpu.memory_space<vmem>>)
      %add3A_182 = arith.constant 1 : i32
      %add3A_183 = arith.addi %mul3A_151, %add3A_182 : i32
      "tpu.region"() ({
        %run_scoped3A_184 = tpu.sem_alloc : memref<!tpu.dma_semaphore, #tpu.memory_space<semaphore_mem>>
        %dma_start3A_185 = arith.constant 0 : i32
        %dma_start3A_186 = tpu.memref_slice %arg12[%add3A_183, %dma_start3A_185] : memref<40x128xi32, #tpu.memory_space<vmem>> -> memref<1x128xi32, #tpu.memory_space<vmem>>
        %dma_start3A_187 = tpu.memref_squeeze %dma_start3A_186 : memref<1x128xi32, #tpu.memory_space<vmem>> -> memref<128xi32, #tpu.memory_space<vmem>>
        %dma_start3A_188 = arith.constant 0 : i32
        %dma_start3A_189 = arith.constant 0 : i32
        %dma_start3A_190 = tpu.memref_slice %arg10[%dma_start3A_188, %dma_start3A_189] : memref<10240x128xf32, #tpu.memory_space<vmem_shared>> -> memref<10240x128xf32, #tpu.memory_space<vmem_shared>>
        tpu.enqueue_indirect_dma source(%arg14 : memref<128x128xf32, #tpu.memory_space<vmem>>) target(%dma_start3A_190 : memref<10240x128xf32, #tpu.memory_space<vmem_shared>>) offsets(%dma_start3A_187 : memref<128xi32, #tpu.memory_space<vmem>>) semaphore(%run_scoped3A_184 : memref<!tpu.dma_semaphore, #tpu.memory_space<semaphore_mem>>) {add = true}
        %dma_wait3A_191 = arith.constant 0 : i32
        %dma_wait3A_192 = tpu.memref_slice %arg12[%add3A_183, %dma_wait3A_191] : memref<40x128xi32, #tpu.memory_space<vmem>> -> memref<1x128xi32, #tpu.memory_space<vmem>>
        %dma_wait3A_193 = tpu.memref_squeeze %dma_wait3A_192 : memref<1x128xi32, #tpu.memory_space<vmem>> -> memref<128xi32, #tpu.memory_space<vmem>>
        %dma_wait3A_194 = arith.constant 0 : i32
        %dma_wait3A_195 = arith.constant 0 : i32
        %dma_wait3A_196 = tpu.memref_slice %arg10[%dma_wait3A_194, %dma_wait3A_195] : memref<10240x128xf32, #tpu.memory_space<vmem_shared>> -> memref<10240x128xf32, #tpu.memory_space<vmem_shared>>
        tpu.wait_indirect_dma semaphore(%run_scoped3A_184 : memref<!tpu.dma_semaphore, #tpu.memory_space<semaphore_mem>>) src(%arg14 : memref<128x128xf32, #tpu.memory_space<vmem>>) dst(%dma_wait3A_196 : memref<10240x128xf32, #tpu.memory_space<vmem_shared>>)
        tpu.yield
      }) : () -> ()
    }
    %scan3A_13 = arith.constant 19 : i32
    %dma_start3A_14 = arith.constant 39 : i32
    %dma_start3A_15 = arith.constant 0 : i32
    %dma_start3A_16 = tpu.memref_slice %arg11[%dma_start3A_14, %dma_start3A_15] : memref<40x128xi32, #tpu.memory_space<vmem>> -> memref<1x128xi32, #tpu.memory_space<vmem>>
    %dma_start3A_17 = tpu.memref_squeeze %dma_start3A_16 : memref<1x128xi32, #tpu.memory_space<vmem>> -> memref<128xi32, #tpu.memory_space<vmem>>
    %dma_start3A_18 = arith.constant 0 : i32
    %dma_start3A_19 = arith.constant 0 : i32
    %dma_start3A_20 = tpu.memref_slice %arg2[%dma_start3A_18, %dma_start3A_19] : memref<10000x128xf32, #tpu.memory_space<hbm>> -> memref<10000x128xf32, #tpu.memory_space<hbm>>
    tpu.enqueue_indirect_dma source(%dma_start3A_20 : memref<10000x128xf32, #tpu.memory_space<hbm>>) target(%arg14 : memref<128x128xf32, #tpu.memory_space<vmem>>) offsets(%dma_start3A_17 : memref<128xi32, #tpu.memory_space<vmem>>) semaphore(%arg16 : memref<!tpu.dma_semaphore, #tpu.memory_space<semaphore_mem>>)
    %dma_wait3A = arith.constant 38 : i32
    %dma_wait3A_21 = arith.constant 0 : i32
    %dma_wait3A_22 = tpu.memref_slice %arg11[%dma_wait3A, %dma_wait3A_21] : memref<40x128xi32, #tpu.memory_space<vmem>> -> memref<1x128xi32, #tpu.memory_space<vmem>>
    %dma_wait3A_23 = tpu.memref_squeeze %dma_wait3A_22 : memref<1x128xi32, #tpu.memory_space<vmem>> -> memref<128xi32, #tpu.memory_space<vmem>>
    %dma_wait3A_24 = arith.constant 0 : i32
    %dma_wait3A_25 = arith.constant 0 : i32
    %dma_wait3A_26 = tpu.memref_slice %arg2[%dma_wait3A_24, %dma_wait3A_25] : memref<10000x128xf32, #tpu.memory_space<hbm>> -> memref<10000x128xf32, #tpu.memory_space<hbm>>
    tpu.wait_indirect_dma semaphore(%arg15 : memref<!tpu.dma_semaphore, #tpu.memory_space<semaphore_mem>>) src(%dma_wait3A_26 : memref<10000x128xf32, #tpu.memory_space<hbm>>) dst(%arg13 : memref<128x128xf32, #tpu.memory_space<vmem>>)
    %run_scoped3A = arith.constant 38 : i32
    "tpu.region"() ({
      %run_scoped3A_149 = tpu.sem_alloc : memref<!tpu.dma_semaphore, #tpu.memory_space<semaphore_mem>>
      %dma_start3A_150 = arith.constant 0 : i32
      %dma_start3A_151 = tpu.memref_slice %arg12[%run_scoped3A, %dma_start3A_150] : memref<40x128xi32, #tpu.memory_space<vmem>> -> memref<1x128xi32, #tpu.memory_space<vmem>>
      %dma_start3A_152 = tpu.memref_squeeze %dma_start3A_151 : memref<1x128xi32, #tpu.memory_space<vmem>> -> memref<128xi32, #tpu.memory_space<vmem>>
      %dma_start3A_153 = arith.constant 0 : i32
      %dma_start3A_154 = arith.constant 0 : i32
      %dma_start3A_155 = tpu.memref_slice %arg10[%dma_start3A_153, %dma_start3A_154] : memref<10240x128xf32, #tpu.memory_space<vmem_shared>> -> memref<10240x128xf32, #tpu.memory_space<vmem_shared>>
      tpu.enqueue_indirect_dma source(%arg13 : memref<128x128xf32, #tpu.memory_space<vmem>>) target(%dma_start3A_155 : memref<10240x128xf32, #tpu.memory_space<vmem_shared>>) offsets(%dma_start3A_152 : memref<128xi32, #tpu.memory_space<vmem>>) semaphore(%run_scoped3A_149 : memref<!tpu.dma_semaphore, #tpu.memory_space<semaphore_mem>>) {add = true}
      %dma_wait3A_156 = arith.constant 0 : i32
      %dma_wait3A_157 = tpu.memref_slice %arg12[%run_scoped3A, %dma_wait3A_156] : memref<40x128xi32, #tpu.memory_space<vmem>> -> memref<1x128xi32, #tpu.memory_space<vmem>>
      %dma_wait3A_158 = tpu.memref_squeeze %dma_wait3A_157 : memref<1x128xi32, #tpu.memory_space<vmem>> -> memref<128xi32, #tpu.memory_space<vmem>>
      %dma_wait3A_159 = arith.constant 0 : i32
      %dma_wait3A_160 = arith.constant 0 : i32
      %dma_wait3A_161 = tpu.memref_slice %arg10[%dma_wait3A_159, %dma_wait3A_160] : memref<10240x128xf32, #tpu.memory_space<vmem_shared>> -> memref<10240x128xf32, #tpu.memory_space<vmem_shared>>
      tpu.wait_indirect_dma semaphore(%run_scoped3A_149 : memref<!tpu.dma_semaphore, #tpu.memory_space<semaphore_mem>>) src(%arg13 : memref<128x128xf32, #tpu.memory_space<vmem>>) dst(%dma_wait3A_161 : memref<10240x128xf32, #tpu.memory_space<vmem_shared>>)
      tpu.yield
    }) : () -> ()
    %dma_wait3A_27 = arith.constant 39 : i32
    %dma_wait3A_28 = arith.constant 0 : i32
    %dma_wait3A_29 = tpu.memref_slice %arg11[%dma_wait3A_27, %dma_wait3A_28] : memref<40x128xi32, #tpu.memory_space<vmem>> -> memref<1x128xi32, #tpu.memory_space<vmem>>
    %dma_wait3A_30 = tpu.memref_squeeze %dma_wait3A_29 : memref<1x128xi32, #tpu.memory_space<vmem>> -> memref<128xi32, #tpu.memory_space<vmem>>
    %dma_wait3A_31 = arith.constant 0 : i32
    %dma_wait3A_32 = arith.constant 0 : i32
    %dma_wait3A_33 = tpu.memref_slice %arg2[%dma_wait3A_31, %dma_wait3A_32] : memref<10000x128xf32, #tpu.memory_space<hbm>> -> memref<10000x128xf32, #tpu.memory_space<hbm>>
    tpu.wait_indirect_dma semaphore(%arg16 : memref<!tpu.dma_semaphore, #tpu.memory_space<semaphore_mem>>) src(%dma_wait3A_33 : memref<10000x128xf32, #tpu.memory_space<hbm>>) dst(%arg14 : memref<128x128xf32, #tpu.memory_space<vmem>>)
    %run_scoped3A_34 = arith.constant 39 : i32
    "tpu.region"() ({
      %run_scoped3A_149 = tpu.sem_alloc : memref<!tpu.dma_semaphore, #tpu.memory_space<semaphore_mem>>
      %dma_start3A_150 = arith.constant 0 : i32
      %dma_start3A_151 = tpu.memref_slice %arg12[%run_scoped3A_34, %dma_start3A_150] : memref<40x128xi32, #tpu.memory_space<vmem>> -> memref<1x128xi32, #tpu.memory_space<vmem>>
      %dma_start3A_152 = tpu.memref_squeeze %dma_start3A_151 : memref<1x128xi32, #tpu.memory_space<vmem>> -> memref<128xi32, #tpu.memory_space<vmem>>
      %dma_start3A_153 = arith.constant 0 : i32
      %dma_start3A_154 = arith.constant 0 : i32
      %dma_start3A_155 = tpu.memref_slice %arg10[%dma_start3A_153, %dma_start3A_154] : memref<10240x128xf32, #tpu.memory_space<vmem_shared>> -> memref<10240x128xf32, #tpu.memory_space<vmem_shared>>
      tpu.enqueue_indirect_dma source(%arg14 : memref<128x128xf32, #tpu.memory_space<vmem>>) target(%dma_start3A_155 : memref<10240x128xf32, #tpu.memory_space<vmem_shared>>) offsets(%dma_start3A_152 : memref<128xi32, #tpu.memory_space<vmem>>) semaphore(%run_scoped3A_149 : memref<!tpu.dma_semaphore, #tpu.memory_space<semaphore_mem>>) {add = true}
      %dma_wait3A_156 = arith.constant 0 : i32
      %dma_wait3A_157 = tpu.memref_slice %arg12[%run_scoped3A_34, %dma_wait3A_156] : memref<40x128xi32, #tpu.memory_space<vmem>> -> memref<1x128xi32, #tpu.memory_space<vmem>>
      %dma_wait3A_158 = tpu.memref_squeeze %dma_wait3A_157 : memref<1x128xi32, #tpu.memory_space<vmem>> -> memref<128xi32, #tpu.memory_space<vmem>>
      %dma_wait3A_159 = arith.constant 0 : i32
      %dma_wait3A_160 = arith.constant 0 : i32
      %dma_wait3A_161 = tpu.memref_slice %arg10[%dma_wait3A_159, %dma_wait3A_160] : memref<10240x128xf32, #tpu.memory_space<vmem_shared>> -> memref<10240x128xf32, #tpu.memory_space<vmem_shared>>
      tpu.wait_indirect_dma semaphore(%run_scoped3A_149 : memref<!tpu.dma_semaphore, #tpu.memory_space<semaphore_mem>>) src(%arg14 : memref<128x128xf32, #tpu.memory_space<vmem>>) dst(%dma_wait3A_161 : memref<10240x128xf32, #tpu.memory_space<vmem_shared>>)
      tpu.yield
    }) : () -> ()
    "tpu.region"() ({
      %run_scoped3A_149 = tpu.sem_alloc : memref<!tpu.dma_semaphore, #tpu.memory_space<semaphore_mem>>
      %dma_start3A_150 = arith.constant 40 : i32
      %dma_start3A_151 = arith.constant 0 : i32
      %dma_start3A_152 = tpu.memref_slice %arg4[%add3A, %dma_start3A_150, %dma_start3A_151] : memref<32x80x128xi32, #tpu.memory_space<hbm>> -> memref<1x40x128xi32, #tpu.memory_space<hbm>>
      %dma_start3A_153 = tpu.memref_squeeze %dma_start3A_152 : memref<1x40x128xi32, #tpu.memory_space<hbm>> -> memref<40x128xi32, #tpu.memory_space<hbm>>
      %dma_start3A_154 = arith.constant 40 : i32
      %dma_start3A_155 = arith.constant 0 : i32
      %dma_start3A_156 = tpu.memref_slice %arg4[%add3A, %dma_start3A_154, %dma_start3A_155] : memref<32x80x128xi32, #tpu.memory_space<hbm>> -> memref<1x40x128xi32, #tpu.memory_space<hbm>>
      %dma_start3A_157 = tpu.memref_squeeze %dma_start3A_156 : memref<1x40x128xi32, #tpu.memory_space<hbm>> -> memref<40x128xi32, #tpu.memory_space<hbm>>
      tpu.enqueue_dma source(%dma_start3A_157 : memref<40x128xi32, #tpu.memory_space<hbm>>) target(%arg11 : memref<40x128xi32, #tpu.memory_space<vmem>>) target_semaphore(%run_scoped3A_149 : memref<!tpu.dma_semaphore, #tpu.memory_space<semaphore_mem>>)
      %dma_wait3A_158 = arith.constant 40 : i32
      %dma_wait3A_159 = arith.constant 0 : i32
      %dma_wait3A_160 = tpu.memref_slice %arg4[%add3A, %dma_wait3A_158, %dma_wait3A_159] : memref<32x80x128xi32, #tpu.memory_space<hbm>> -> memref<1x40x128xi32, #tpu.memory_space<hbm>>
      %dma_wait3A_161 = tpu.memref_squeeze %dma_wait3A_160 : memref<1x40x128xi32, #tpu.memory_space<hbm>> -> memref<40x128xi32, #tpu.memory_space<hbm>>
      %dma_wait3A_162 = arith.constant 40 : i32
      %dma_wait3A_163 = arith.constant 0 : i32
      %dma_wait3A_164 = tpu.memref_slice %arg4[%add3A, %dma_wait3A_162, %dma_wait3A_163] : memref<32x80x128xi32, #tpu.memory_space<hbm>> -> memref<1x40x128xi32, #tpu.memory_space<hbm>>
      %dma_wait3A_165 = tpu.memref_squeeze %dma_wait3A_164 : memref<1x40x128xi32, #tpu.memory_space<hbm>> -> memref<40x128xi32, #tpu.memory_space<hbm>>
      tpu.wait_dma2 semaphore(%run_scoped3A_149 : memref<!tpu.dma_semaphore, #tpu.memory_space<semaphore_mem>>) src(%dma_wait3A_165 : memref<40x128xi32, #tpu.memory_space<hbm>>) dst(%arg11 : memref<40x128xi32, #tpu.memory_space<vmem>>)
      tpu.yield
    }) : () -> ()
    "tpu.region"() ({
      %run_scoped3A_149 = tpu.sem_alloc : memref<!tpu.dma_semaphore, #tpu.memory_space<semaphore_mem>>
      %dma_start3A_150 = arith.constant 40 : i32
      %dma_start3A_151 = arith.constant 0 : i32
      %dma_start3A_152 = tpu.memref_slice %arg6[%add3A, %dma_start3A_150, %dma_start3A_151] : memref<32x80x128xi32, #tpu.memory_space<hbm>> -> memref<1x40x128xi32, #tpu.memory_space<hbm>>
      %dma_start3A_153 = tpu.memref_squeeze %dma_start3A_152 : memref<1x40x128xi32, #tpu.memory_space<hbm>> -> memref<40x128xi32, #tpu.memory_space<hbm>>
      %dma_start3A_154 = arith.constant 40 : i32
      %dma_start3A_155 = arith.constant 0 : i32
      %dma_start3A_156 = tpu.memref_slice %arg6[%add3A, %dma_start3A_154, %dma_start3A_155] : memref<32x80x128xi32, #tpu.memory_space<hbm>> -> memref<1x40x128xi32, #tpu.memory_space<hbm>>
      %dma_start3A_157 = tpu.memref_squeeze %dma_start3A_156 : memref<1x40x128xi32, #tpu.memory_space<hbm>> -> memref<40x128xi32, #tpu.memory_space<hbm>>
      tpu.enqueue_dma source(%dma_start3A_157 : memref<40x128xi32, #tpu.memory_space<hbm>>) target(%arg12 : memref<40x128xi32, #tpu.memory_space<vmem>>) target_semaphore(%run_scoped3A_149 : memref<!tpu.dma_semaphore, #tpu.memory_space<semaphore_mem>>)
      %dma_wait3A_158 = arith.constant 40 : i32
      %dma_wait3A_159 = arith.constant 0 : i32
      %dma_wait3A_160 = tpu.memref_slice %arg6[%add3A, %dma_wait3A_158, %dma_wait3A_159] : memref<32x80x128xi32, #tpu.memory_space<hbm>> -> memref<1x40x128xi32, #tpu.memory_space<hbm>>
      %dma_wait3A_161 = tpu.memref_squeeze %dma_wait3A_160 : memref<1x40x128xi32, #tpu.memory_space<hbm>> -> memref<40x128xi32, #tpu.memory_space<hbm>>
      %dma_wait3A_162 = arith.constant 40 : i32
      %dma_wait3A_163 = arith.constant 0 : i32
      %dma_wait3A_164 = tpu.memref_slice %arg6[%add3A, %dma_wait3A_162, %dma_wait3A_163] : memref<32x80x128xi32, #tpu.memory_space<hbm>> -> memref<1x40x128xi32, #tpu.memory_space<hbm>>
      %dma_wait3A_165 = tpu.memref_squeeze %dma_wait3A_164 : memref<1x40x128xi32, #tpu.memory_space<hbm>> -> memref<40x128xi32, #tpu.memory_space<hbm>>
      tpu.wait_dma2 semaphore(%run_scoped3A_149 : memref<!tpu.dma_semaphore, #tpu.memory_space<semaphore_mem>>) src(%dma_wait3A_165 : memref<40x128xi32, #tpu.memory_space<hbm>>) dst(%arg12 : memref<40x128xi32, #tpu.memory_space<vmem>>)
      tpu.yield
    }) : () -> ()
    %dma_start3A_35 = arith.constant 0 : i32
    %dma_start3A_36 = arith.constant 0 : i32
    %dma_start3A_37 = tpu.memref_slice %arg11[%dma_start3A_35, %dma_start3A_36] : memref<40x128xi32, #tpu.memory_space<vmem>> -> memref<1x128xi32, #tpu.memory_space<vmem>>
    %dma_start3A_38 = tpu.memref_squeeze %dma_start3A_37 : memref<1x128xi32, #tpu.memory_space<vmem>> -> memref<128xi32, #tpu.memory_space<vmem>>
    %dma_start3A_39 = arith.constant 0 : i32
    %dma_start3A_40 = arith.constant 0 : i32
    %dma_start3A_41 = tpu.memref_slice %arg2[%dma_start3A_39, %dma_start3A_40] : memref<10000x128xf32, #tpu.memory_space<hbm>> -> memref<10000x128xf32, #tpu.memory_space<hbm>>
    tpu.enqueue_indirect_dma source(%dma_start3A_41 : memref<10000x128xf32, #tpu.memory_space<hbm>>) target(%arg13 : memref<128x128xf32, #tpu.memory_space<vmem>>) offsets(%dma_start3A_38 : memref<128xi32, #tpu.memory_space<vmem>>) semaphore(%arg15 : memref<!tpu.dma_semaphore, #tpu.memory_space<semaphore_mem>>)
    %scan3A_42 = arith.constant 0 : i32
    %scan3A_43 = arith.constant 0 : i32
    %scan3A_44 = arith.constant 19 : i32
    %scan3A_45 = arith.addi %scan3A_43, %scan3A_44 : i32
    %scan3A_46 = arith.constant 1 : i32
    scf.for %scan3A_149 = %scan3A_43 to %scan3A_45 step %scan3A_46  : i32 {
      %mul3A_150 = arith.constant 2 : i32
      %mul3A_151 = arith.muli %mul3A_150, %scan3A_149 : i32
      %add3A_152 = arith.constant 1 : i32
      %add3A_153 = arith.addi %mul3A_151, %add3A_152 : i32
      %dma_start3A_154 = arith.constant 0 : i32
      %dma_start3A_155 = tpu.memref_slice %arg11[%add3A_153, %dma_start3A_154] : memref<40x128xi32, #tpu.memory_space<vmem>> -> memref<1x128xi32, #tpu.memory_space<vmem>>
      %dma_start3A_156 = tpu.memref_squeeze %dma_start3A_155 : memref<1x128xi32, #tpu.memory_space<vmem>> -> memref<128xi32, #tpu.memory_space<vmem>>
      %dma_start3A_157 = arith.constant 0 : i32
      %dma_start3A_158 = arith.constant 0 : i32
      %dma_start3A_159 = tpu.memref_slice %arg2[%dma_start3A_157, %dma_start3A_158] : memref<10000x128xf32, #tpu.memory_space<hbm>> -> memref<10000x128xf32, #tpu.memory_space<hbm>>
      tpu.enqueue_indirect_dma source(%dma_start3A_159 : memref<10000x128xf32, #tpu.memory_space<hbm>>) target(%arg14 : memref<128x128xf32, #tpu.memory_space<vmem>>) offsets(%dma_start3A_156 : memref<128xi32, #tpu.memory_space<vmem>>) semaphore(%arg16 : memref<!tpu.dma_semaphore, #tpu.memory_space<semaphore_mem>>)
      %dma_wait3A_160 = arith.constant 0 : i32
      %dma_wait3A_161 = tpu.memref_slice %arg11[%mul3A_151, %dma_wait3A_160] : memref<40x128xi32, #tpu.memory_space<vmem>> -> memref<1x128xi32, #tpu.memory_space<vmem>>
      %dma_wait3A_162 = tpu.memref_squeeze %dma_wait3A_161 : memref<1x128xi32, #tpu.memory_space<vmem>> -> memref<128xi32, #tpu.memory_space<vmem>>
      %dma_wait3A_163 = arith.constant 0 : i32
      %dma_wait3A_164 = arith.constant 0 : i32
      %dma_wait3A_165 = tpu.memref_slice %arg2[%dma_wait3A_163, %dma_wait3A_164] : memref<10000x128xf32, #tpu.memory_space<hbm>> -> memref<10000x128xf32, #tpu.memory_space<hbm>>
      tpu.wait_indirect_dma semaphore(%arg15 : memref<!tpu.dma_semaphore, #tpu.memory_space<semaphore_mem>>) src(%dma_wait3A_165 : memref<10000x128xf32, #tpu.memory_space<hbm>>) dst(%arg13 : memref<128x128xf32, #tpu.memory_space<vmem>>)
      "tpu.region"() ({
        %run_scoped3A_184 = tpu.sem_alloc : memref<!tpu.dma_semaphore, #tpu.memory_space<semaphore_mem>>
        %dma_start3A_185 = arith.constant 0 : i32
        %dma_start3A_186 = tpu.memref_slice %arg12[%mul3A_151, %dma_start3A_185] : memref<40x128xi32, #tpu.memory_space<vmem>> -> memref<1x128xi32, #tpu.memory_space<vmem>>
        %dma_start3A_187 = tpu.memref_squeeze %dma_start3A_186 : memref<1x128xi32, #tpu.memory_space<vmem>> -> memref<128xi32, #tpu.memory_space<vmem>>
        %dma_start3A_188 = arith.constant 0 : i32
        %dma_start3A_189 = arith.constant 0 : i32
        %dma_start3A_190 = tpu.memref_slice %arg10[%dma_start3A_188, %dma_start3A_189] : memref<10240x128xf32, #tpu.memory_space<vmem_shared>> -> memref<10240x128xf32, #tpu.memory_space<vmem_shared>>
        tpu.enqueue_indirect_dma source(%arg13 : memref<128x128xf32, #tpu.memory_space<vmem>>) target(%dma_start3A_190 : memref<10240x128xf32, #tpu.memory_space<vmem_shared>>) offsets(%dma_start3A_187 : memref<128xi32, #tpu.memory_space<vmem>>) semaphore(%run_scoped3A_184 : memref<!tpu.dma_semaphore, #tpu.memory_space<semaphore_mem>>) {add = true}
        %dma_wait3A_191 = arith.constant 0 : i32
        %dma_wait3A_192 = tpu.memref_slice %arg12[%mul3A_151, %dma_wait3A_191] : memref<40x128xi32, #tpu.memory_space<vmem>> -> memref<1x128xi32, #tpu.memory_space<vmem>>
        %dma_wait3A_193 = tpu.memref_squeeze %dma_wait3A_192 : memref<1x128xi32, #tpu.memory_space<vmem>> -> memref<128xi32, #tpu.memory_space<vmem>>
        %dma_wait3A_194 = arith.constant 0 : i32
        %dma_wait3A_195 = arith.constant 0 : i32
        %dma_wait3A_196 = tpu.memref_slice %arg10[%dma_wait3A_194, %dma_wait3A_195] : memref<10240x128xf32, #tpu.memory_space<vmem_shared>> -> memref<10240x128xf32, #tpu.memory_space<vmem_shared>>
        tpu.wait_indirect_dma semaphore(%run_scoped3A_184 : memref<!tpu.dma_semaphore, #tpu.memory_space<semaphore_mem>>) src(%arg13 : memref<128x128xf32, #tpu.memory_space<vmem>>) dst(%dma_wait3A_196 : memref<10240x128xf32, #tpu.memory_space<vmem_shared>>)
        tpu.yield
      }) : () -> ()
      %add3A_166 = arith.constant 2 : i32
      %add3A_167 = arith.addi %mul3A_151, %add3A_166 : i32
      %dma_start3A_168 = arith.constant 0 : i32
      %dma_start3A_169 = tpu.memref_slice %arg11[%add3A_167, %dma_start3A_168] : memref<40x128xi32, #tpu.memory_space<vmem>> -> memref<1x128xi32, #tpu.memory_space<vmem>>
      %dma_start3A_170 = tpu.memref_squeeze %dma_start3A_169 : memref<1x128xi32, #tpu.memory_space<vmem>> -> memref<128xi32, #tpu.memory_space<vmem>>
      %dma_start3A_171 = arith.constant 0 : i32
      %dma_start3A_172 = arith.constant 0 : i32
      %dma_start3A_173 = tpu.memref_slice %arg2[%dma_start3A_171, %dma_start3A_172] : memref<10000x128xf32, #tpu.memory_space<hbm>> -> memref<10000x128xf32, #tpu.memory_space<hbm>>
      tpu.enqueue_indirect_dma source(%dma_start3A_173 : memref<10000x128xf32, #tpu.memory_space<hbm>>) target(%arg13 : memref<128x128xf32, #tpu.memory_space<vmem>>) offsets(%dma_start3A_170 : memref<128xi32, #tpu.memory_space<vmem>>) semaphore(%arg15 : memref<!tpu.dma_semaphore, #tpu.memory_space<semaphore_mem>>)
      %add3A_174 = arith.constant 1 : i32
      %add3A_175 = arith.addi %mul3A_151, %add3A_174 : i32
      %dma_wait3A_176 = arith.constant 0 : i32
      %dma_wait3A_177 = tpu.memref_slice %arg11[%add3A_175, %dma_wait3A_176] : memref<40x128xi32, #tpu.memory_space<vmem>> -> memref<1x128xi32, #tpu.memory_space<vmem>>
      %dma_wait3A_178 = tpu.memref_squeeze %dma_wait3A_177 : memref<1x128xi32, #tpu.memory_space<vmem>> -> memref<128xi32, #tpu.memory_space<vmem>>
      %dma_wait3A_179 = arith.constant 0 : i32
      %dma_wait3A_180 = arith.constant 0 : i32
      %dma_wait3A_181 = tpu.memref_slice %arg2[%dma_wait3A_179, %dma_wait3A_180] : memref<10000x128xf32, #tpu.memory_space<hbm>> -> memref<10000x128xf32, #tpu.memory_space<hbm>>
      tpu.wait_indirect_dma semaphore(%arg16 : memref<!tpu.dma_semaphore, #tpu.memory_space<semaphore_mem>>) src(%dma_wait3A_181 : memref<10000x128xf32, #tpu.memory_space<hbm>>) dst(%arg14 : memref<128x128xf32, #tpu.memory_space<vmem>>)
      %add3A_182 = arith.constant 1 : i32
      %add3A_183 = arith.addi %mul3A_151, %add3A_182 : i32
      "tpu.region"() ({
        %run_scoped3A_184 = tpu.sem_alloc : memref<!tpu.dma_semaphore, #tpu.memory_space<semaphore_mem>>
        %dma_start3A_185 = arith.constant 0 : i32
        %dma_start3A_186 = tpu.memref_slice %arg12[%add3A_183, %dma_start3A_185] : memref<40x128xi32, #tpu.memory_space<vmem>> -> memref<1x128xi32, #tpu.memory_space<vmem>>
        %dma_start3A_187 = tpu.memref_squeeze %dma_start3A_186 : memref<1x128xi32, #tpu.memory_space<vmem>> -> memref<128xi32, #tpu.memory_space<vmem>>
        %dma_start3A_188 = arith.constant 0 : i32
        %dma_start3A_189 = arith.constant 0 : i32
        %dma_start3A_190 = tpu.memref_slice %arg10[%dma_start3A_188, %dma_start3A_189] : memref<10240x128xf32, #tpu.memory_space<vmem_shared>> -> memref<10240x128xf32, #tpu.memory_space<vmem_shared>>
        tpu.enqueue_indirect_dma source(%arg14 : memref<128x128xf32, #tpu.memory_space<vmem>>) target(%dma_start3A_190 : memref<10240x128xf32, #tpu.memory_space<vmem_shared>>) offsets(%dma_start3A_187 : memref<128xi32, #tpu.memory_space<vmem>>) semaphore(%run_scoped3A_184 : memref<!tpu.dma_semaphore, #tpu.memory_space<semaphore_mem>>) {add = true}
        %dma_wait3A_191 = arith.constant 0 : i32
        %dma_wait3A_192 = tpu.memref_slice %arg12[%add3A_183, %dma_wait3A_191] : memref<40x128xi32, #tpu.memory_space<vmem>> -> memref<1x128xi32, #tpu.memory_space<vmem>>
        %dma_wait3A_193 = tpu.memref_squeeze %dma_wait3A_192 : memref<1x128xi32, #tpu.memory_space<vmem>> -> memref<128xi32, #tpu.memory_space<vmem>>
        %dma_wait3A_194 = arith.constant 0 : i32
        %dma_wait3A_195 = arith.constant 0 : i32
        %dma_wait3A_196 = tpu.memref_slice %arg10[%dma_wait3A_194, %dma_wait3A_195] : memref<10240x128xf32, #tpu.memory_space<vmem_shared>> -> memref<10240x128xf32, #tpu.memory_space<vmem_shared>>
        tpu.wait_indirect_dma semaphore(%run_scoped3A_184 : memref<!tpu.dma_semaphore, #tpu.memory_space<semaphore_mem>>) src(%arg14 : memref<128x128xf32, #tpu.memory_space<vmem>>) dst(%dma_wait3A_196 : memref<10240x128xf32, #tpu.memory_space<vmem_shared>>)
        tpu.yield
      }) : () -> ()
    }
    %scan3A_47 = arith.constant 19 : i32
    %dma_start3A_48 = arith.constant 39 : i32
    %dma_start3A_49 = arith.constant 0 : i32
    %dma_start3A_50 = tpu.memref_slice %arg11[%dma_start3A_48, %dma_start3A_49] : memref<40x128xi32, #tpu.memory_space<vmem>> -> memref<1x128xi32, #tpu.memory_space<vmem>>
    %dma_start3A_51 = tpu.memref_squeeze %dma_start3A_50 : memref<1x128xi32, #tpu.memory_space<vmem>> -> memref<128xi32, #tpu.memory_space<vmem>>
    %dma_start3A_52 = arith.constant 0 : i32
    %dma_start3A_53 = arith.constant 0 : i32
    %dma_start3A_54 = tpu.memref_slice %arg2[%dma_start3A_52, %dma_start3A_53] : memref<10000x128xf32, #tpu.memory_space<hbm>> -> memref<10000x128xf32, #tpu.memory_space<hbm>>
    tpu.enqueue_indirect_dma source(%dma_start3A_54 : memref<10000x128xf32, #tpu.memory_space<hbm>>) target(%arg14 : memref<128x128xf32, #tpu.memory_space<vmem>>) offsets(%dma_start3A_51 : memref<128xi32, #tpu.memory_space<vmem>>) semaphore(%arg16 : memref<!tpu.dma_semaphore, #tpu.memory_space<semaphore_mem>>)
    %dma_wait3A_55 = arith.constant 38 : i32
    %dma_wait3A_56 = arith.constant 0 : i32
    %dma_wait3A_57 = tpu.memref_slice %arg11[%dma_wait3A_55, %dma_wait3A_56] : memref<40x128xi32, #tpu.memory_space<vmem>> -> memref<1x128xi32, #tpu.memory_space<vmem>>
    %dma_wait3A_58 = tpu.memref_squeeze %dma_wait3A_57 : memref<1x128xi32, #tpu.memory_space<vmem>> -> memref<128xi32, #tpu.memory_space<vmem>>
    %dma_wait3A_59 = arith.constant 0 : i32
    %dma_wait3A_60 = arith.constant 0 : i32
    %dma_wait3A_61 = tpu.memref_slice %arg2[%dma_wait3A_59, %dma_wait3A_60] : memref<10000x128xf32, #tpu.memory_space<hbm>> -> memref<10000x128xf32, #tpu.memory_space<hbm>>
    tpu.wait_indirect_dma semaphore(%arg15 : memref<!tpu.dma_semaphore, #tpu.memory_space<semaphore_mem>>) src(%dma_wait3A_61 : memref<10000x128xf32, #tpu.memory_space<hbm>>) dst(%arg13 : memref<128x128xf32, #tpu.memory_space<vmem>>)
    %run_scoped3A_62 = arith.constant 38 : i32
    "tpu.region"() ({
      %run_scoped3A_149 = tpu.sem_alloc : memref<!tpu.dma_semaphore, #tpu.memory_space<semaphore_mem>>
      %dma_start3A_150 = arith.constant 0 : i32
      %dma_start3A_151 = tpu.memref_slice %arg12[%run_scoped3A_62, %dma_start3A_150] : memref<40x128xi32, #tpu.memory_space<vmem>> -> memref<1x128xi32, #tpu.memory_space<vmem>>
      %dma_start3A_152 = tpu.memref_squeeze %dma_start3A_151 : memref<1x128xi32, #tpu.memory_space<vmem>> -> memref<128xi32, #tpu.memory_space<vmem>>
      %dma_start3A_153 = arith.constant 0 : i32
      %dma_start3A_154 = arith.constant 0 : i32
      %dma_start3A_155 = tpu.memref_slice %arg10[%dma_start3A_153, %dma_start3A_154] : memref<10240x128xf32, #tpu.memory_space<vmem_shared>> -> memref<10240x128xf32, #tpu.memory_space<vmem_shared>>
      tpu.enqueue_indirect_dma source(%arg13 : memref<128x128xf32, #tpu.memory_space<vmem>>) target(%dma_start3A_155 : memref<10240x128xf32, #tpu.memory_space<vmem_shared>>) offsets(%dma_start3A_152 : memref<128xi32, #tpu.memory_space<vmem>>) semaphore(%run_scoped3A_149 : memref<!tpu.dma_semaphore, #tpu.memory_space<semaphore_mem>>) {add = true}
      %dma_wait3A_156 = arith.constant 0 : i32
      %dma_wait3A_157 = tpu.memref_slice %arg12[%run_scoped3A_62, %dma_wait3A_156] : memref<40x128xi32, #tpu.memory_space<vmem>> -> memref<1x128xi32, #tpu.memory_space<vmem>>
      %dma_wait3A_158 = tpu.memref_squeeze %dma_wait3A_157 : memref<1x128xi32, #tpu.memory_space<vmem>> -> memref<128xi32, #tpu.memory_space<vmem>>
      %dma_wait3A_159 = arith.constant 0 : i32
      %dma_wait3A_160 = arith.constant 0 : i32
      %dma_wait3A_161 = tpu.memref_slice %arg10[%dma_wait3A_159, %dma_wait3A_160] : memref<10240x128xf32, #tpu.memory_space<vmem_shared>> -> memref<10240x128xf32, #tpu.memory_space<vmem_shared>>
      tpu.wait_indirect_dma semaphore(%run_scoped3A_149 : memref<!tpu.dma_semaphore, #tpu.memory_space<semaphore_mem>>) src(%arg13 : memref<128x128xf32, #tpu.memory_space<vmem>>) dst(%dma_wait3A_161 : memref<10240x128xf32, #tpu.memory_space<vmem_shared>>)
      tpu.yield
    }) : () -> ()
    %dma_wait3A_63 = arith.constant 39 : i32
    %dma_wait3A_64 = arith.constant 0 : i32
    %dma_wait3A_65 = tpu.memref_slice %arg11[%dma_wait3A_63, %dma_wait3A_64] : memref<40x128xi32, #tpu.memory_space<vmem>> -> memref<1x128xi32, #tpu.memory_space<vmem>>
    %dma_wait3A_66 = tpu.memref_squeeze %dma_wait3A_65 : memref<1x128xi32, #tpu.memory_space<vmem>> -> memref<128xi32, #tpu.memory_space<vmem>>
    %dma_wait3A_67 = arith.constant 0 : i32
    %dma_wait3A_68 = arith.constant 0 : i32
    %dma_wait3A_69 = tpu.memref_slice %arg2[%dma_wait3A_67, %dma_wait3A_68] : memref<10000x128xf32, #tpu.memory_space<hbm>> -> memref<10000x128xf32, #tpu.memory_space<hbm>>
    tpu.wait_indirect_dma semaphore(%arg16 : memref<!tpu.dma_semaphore, #tpu.memory_space<semaphore_mem>>) src(%dma_wait3A_69 : memref<10000x128xf32, #tpu.memory_space<hbm>>) dst(%arg14 : memref<128x128xf32, #tpu.memory_space<vmem>>)
    %run_scoped3A_70 = arith.constant 39 : i32
    "tpu.region"() ({
      %run_scoped3A_149 = tpu.sem_alloc : memref<!tpu.dma_semaphore, #tpu.memory_space<semaphore_mem>>
      %dma_start3A_150 = arith.constant 0 : i32
      %dma_start3A_151 = tpu.memref_slice %arg12[%run_scoped3A_70, %dma_start3A_150] : memref<40x128xi32, #tpu.memory_space<vmem>> -> memref<1x128xi32, #tpu.memory_space<vmem>>
      %dma_start3A_152 = tpu.memref_squeeze %dma_start3A_151 : memref<1x128xi32, #tpu.memory_space<vmem>> -> memref<128xi32, #tpu.memory_space<vmem>>
      %dma_start3A_153 = arith.constant 0 : i32
      %dma_start3A_154 = arith.constant 0 : i32
      %dma_start3A_155 = tpu.memref_slice %arg10[%dma_start3A_153, %dma_start3A_154] : memref<10240x128xf32, #tpu.memory_space<vmem_shared>> -> memref<10240x128xf32, #tpu.memory_space<vmem_shared>>
      tpu.enqueue_indirect_dma source(%arg14 : memref<128x128xf32, #tpu.memory_space<vmem>>) target(%dma_start3A_155 : memref<10240x128xf32, #tpu.memory_space<vmem_shared>>) offsets(%dma_start3A_152 : memref<128xi32, #tpu.memory_space<vmem>>) semaphore(%run_scoped3A_149 : memref<!tpu.dma_semaphore, #tpu.memory_space<semaphore_mem>>) {add = true}
      %dma_wait3A_156 = arith.constant 0 : i32
      %dma_wait3A_157 = tpu.memref_slice %arg12[%run_scoped3A_70, %dma_wait3A_156] : memref<40x128xi32, #tpu.memory_space<vmem>> -> memref<1x128xi32, #tpu.memory_space<vmem>>
      %dma_wait3A_158 = tpu.memref_squeeze %dma_wait3A_157 : memref<1x128xi32, #tpu.memory_space<vmem>> -> memref<128xi32, #tpu.memory_space<vmem>>
      %dma_wait3A_159 = arith.constant 0 : i32
      %dma_wait3A_160 = arith.constant 0 : i32
      %dma_wait3A_161 = tpu.memref_slice %arg10[%dma_wait3A_159, %dma_wait3A_160] : memref<10240x128xf32, #tpu.memory_space<vmem_shared>> -> memref<10240x128xf32, #tpu.memory_space<vmem_shared>>
      tpu.wait_indirect_dma semaphore(%run_scoped3A_149 : memref<!tpu.dma_semaphore, #tpu.memory_space<semaphore_mem>>) src(%arg14 : memref<128x128xf32, #tpu.memory_space<vmem>>) dst(%dma_wait3A_161 : memref<10240x128xf32, #tpu.memory_space<vmem_shared>>)
      tpu.yield
    }) : () -> ()
    %barrier3A_71 = arith.constant 0 : index
    tpu.barrier barrier_id(%barrier3A_71)
    %run_scoped3A_72 = arith.constant 0 : i32
    "tpu.region"() ({
      %run_scoped3A_149 = tpu.sem_alloc : memref<!tpu.dma_semaphore, #tpu.memory_space<semaphore_mem>>
      %dma_start3A_150 = arith.constant 0 : i32
      %dma_start3A_151 = tpu.memref_slice %arg9[%run_scoped3A_72, %arg0, %mul3A_2, %dma_start3A_150] : memref<2x2x10240x128xf32, #tpu.memory_space<hbm>> -> memref<1x1x640x128xf32, #tpu.memory_space<hbm>>
      %dma_start3A_152 = tpu.memref_squeeze %dma_start3A_151 : memref<1x1x640x128xf32, #tpu.memory_space<hbm>> -> memref<640x128xf32, #tpu.memory_space<hbm>>
      %dma_start3A_153 = arith.constant 0 : i32
      %dma_start3A_154 = tpu.memref_slice %arg10[%mul3A_2, %dma_start3A_153] : memref<10240x128xf32, #tpu.memory_space<vmem_shared>> -> memref<640x128xf32, #tpu.memory_space<vmem_shared>>
      tpu.enqueue_dma source(%dma_start3A_154 : memref<640x128xf32, #tpu.memory_space<vmem_shared>>) target(%dma_start3A_152 : memref<640x128xf32, #tpu.memory_space<hbm>>) target_semaphore(%run_scoped3A_149 : memref<!tpu.dma_semaphore, #tpu.memory_space<semaphore_mem>>)
      %dma_wait3A_155 = arith.constant 0 : i32
      %dma_wait3A_156 = tpu.memref_slice %arg9[%run_scoped3A_72, %arg0, %mul3A_2, %dma_wait3A_155] : memref<2x2x10240x128xf32, #tpu.memory_space<hbm>> -> memref<1x1x640x128xf32, #tpu.memory_space<hbm>>
      %dma_wait3A_157 = tpu.memref_squeeze %dma_wait3A_156 : memref<1x1x640x128xf32, #tpu.memory_space<hbm>> -> memref<640x128xf32, #tpu.memory_space<hbm>>
      %dma_wait3A_158 = arith.constant 0 : i32
      %dma_wait3A_159 = tpu.memref_slice %arg10[%mul3A_2, %dma_wait3A_158] : memref<10240x128xf32, #tpu.memory_space<vmem_shared>> -> memref<640x128xf32, #tpu.memory_space<vmem_shared>>
      tpu.wait_dma2 semaphore(%run_scoped3A_149 : memref<!tpu.dma_semaphore, #tpu.memory_space<semaphore_mem>>) src(%dma_wait3A_159 : memref<640x128xf32, #tpu.memory_space<vmem_shared>>) dst(%dma_wait3A_157 : memref<640x128xf32, #tpu.memory_space<hbm>>)
      tpu.yield
    }) : () -> ()
    "tpu.region"() ({
      %run_scoped3A_149 = tpu.sem_alloc : memref<!tpu.dma_semaphore, #tpu.memory_space<semaphore_mem>>
      %dma_start3A_150 = arith.constant 0 : i32
      %dma_start3A_151 = tpu.memref_slice %arg10[%mul3A_2, %dma_start3A_150] : memref<10240x128xf32, #tpu.memory_space<vmem_shared>> -> memref<640x128xf32, #tpu.memory_space<vmem_shared>>
      tpu.enqueue_dma source(%arg8 : memref<640x128xf32, #tpu.memory_space<hbm>>) target(%dma_start3A_151 : memref<640x128xf32, #tpu.memory_space<vmem_shared>>) target_semaphore(%run_scoped3A_149 : memref<!tpu.dma_semaphore, #tpu.memory_space<semaphore_mem>>)
      %dma_wait3A_152 = arith.constant 0 : i32
      %dma_wait3A_153 = tpu.memref_slice %arg10[%mul3A_2, %dma_wait3A_152] : memref<10240x128xf32, #tpu.memory_space<vmem_shared>> -> memref<640x128xf32, #tpu.memory_space<vmem_shared>>
      tpu.wait_dma2 semaphore(%run_scoped3A_149 : memref<!tpu.dma_semaphore, #tpu.memory_space<semaphore_mem>>) src(%arg8 : memref<640x128xf32, #tpu.memory_space<hbm>>) dst(%dma_wait3A_153 : memref<640x128xf32, #tpu.memory_space<vmem_shared>>)
      tpu.yield
    }) : () -> ()
    %barrier3A_73 = arith.constant 0 : index
    tpu.barrier barrier_id(%barrier3A_73)
    "tpu.region"() ({
      %run_scoped3A_149 = tpu.sem_alloc : memref<!tpu.dma_semaphore, #tpu.memory_space<semaphore_mem>>
      %dma_start3A_150 = arith.constant 0 : i32
      %dma_start3A_151 = arith.constant 0 : i32
      %dma_start3A_152 = tpu.memref_slice %arg4[%add3A, %dma_start3A_150, %dma_start3A_151] : memref<32x80x128xi32, #tpu.memory_space<hbm>> -> memref<1x40x128xi32, #tpu.memory_space<hbm>>
      %dma_start3A_153 = tpu.memref_squeeze %dma_start3A_152 : memref<1x40x128xi32, #tpu.memory_space<hbm>> -> memref<40x128xi32, #tpu.memory_space<hbm>>
      %dma_start3A_154 = arith.constant 0 : i32
      %dma_start3A_155 = arith.constant 0 : i32
      %dma_start3A_156 = tpu.memref_slice %arg4[%add3A, %dma_start3A_154, %dma_start3A_155] : memref<32x80x128xi32, #tpu.memory_space<hbm>> -> memref<1x40x128xi32, #tpu.memory_space<hbm>>
      %dma_start3A_157 = tpu.memref_squeeze %dma_start3A_156 : memref<1x40x128xi32, #tpu.memory_space<hbm>> -> memref<40x128xi32, #tpu.memory_space<hbm>>
      tpu.enqueue_dma source(%dma_start3A_157 : memref<40x128xi32, #tpu.memory_space<hbm>>) target(%arg11 : memref<40x128xi32, #tpu.memory_space<vmem>>) target_semaphore(%run_scoped3A_149 : memref<!tpu.dma_semaphore, #tpu.memory_space<semaphore_mem>>)
      %dma_wait3A_158 = arith.constant 0 : i32
      %dma_wait3A_159 = arith.constant 0 : i32
      %dma_wait3A_160 = tpu.memref_slice %arg4[%add3A, %dma_wait3A_158, %dma_wait3A_159] : memref<32x80x128xi32, #tpu.memory_space<hbm>> -> memref<1x40x128xi32, #tpu.memory_space<hbm>>
      %dma_wait3A_161 = tpu.memref_squeeze %dma_wait3A_160 : memref<1x40x128xi32, #tpu.memory_space<hbm>> -> memref<40x128xi32, #tpu.memory_space<hbm>>
      %dma_wait3A_162 = arith.constant 0 : i32
      %dma_wait3A_163 = arith.constant 0 : i32
      %dma_wait3A_164 = tpu.memref_slice %arg4[%add3A, %dma_wait3A_162, %dma_wait3A_163] : memref<32x80x128xi32, #tpu.memory_space<hbm>> -> memref<1x40x128xi32, #tpu.memory_space<hbm>>
      %dma_wait3A_165 = tpu.memref_squeeze %dma_wait3A_164 : memref<1x40x128xi32, #tpu.memory_space<hbm>> -> memref<40x128xi32, #tpu.memory_space<hbm>>
      tpu.wait_dma2 semaphore(%run_scoped3A_149 : memref<!tpu.dma_semaphore, #tpu.memory_space<semaphore_mem>>) src(%dma_wait3A_165 : memref<40x128xi32, #tpu.memory_space<hbm>>) dst(%arg11 : memref<40x128xi32, #tpu.memory_space<vmem>>)
      tpu.yield
    }) : () -> ()
    "tpu.region"() ({
      %run_scoped3A_149 = tpu.sem_alloc : memref<!tpu.dma_semaphore, #tpu.memory_space<semaphore_mem>>
      %dma_start3A_150 = arith.constant 0 : i32
      %dma_start3A_151 = arith.constant 0 : i32
      %dma_start3A_152 = tpu.memref_slice %arg6[%add3A, %dma_start3A_150, %dma_start3A_151] : memref<32x80x128xi32, #tpu.memory_space<hbm>> -> memref<1x40x128xi32, #tpu.memory_space<hbm>>
      %dma_start3A_153 = tpu.memref_squeeze %dma_start3A_152 : memref<1x40x128xi32, #tpu.memory_space<hbm>> -> memref<40x128xi32, #tpu.memory_space<hbm>>
      %dma_start3A_154 = arith.constant 0 : i32
      %dma_start3A_155 = arith.constant 0 : i32
      %dma_start3A_156 = tpu.memref_slice %arg6[%add3A, %dma_start3A_154, %dma_start3A_155] : memref<32x80x128xi32, #tpu.memory_space<hbm>> -> memref<1x40x128xi32, #tpu.memory_space<hbm>>
      %dma_start3A_157 = tpu.memref_squeeze %dma_start3A_156 : memref<1x40x128xi32, #tpu.memory_space<hbm>> -> memref<40x128xi32, #tpu.memory_space<hbm>>
      tpu.enqueue_dma source(%dma_start3A_157 : memref<40x128xi32, #tpu.memory_space<hbm>>) target(%arg12 : memref<40x128xi32, #tpu.memory_space<vmem>>) target_semaphore(%run_scoped3A_149 : memref<!tpu.dma_semaphore, #tpu.memory_space<semaphore_mem>>)
      %dma_wait3A_158 = arith.constant 0 : i32
      %dma_wait3A_159 = arith.constant 0 : i32
      %dma_wait3A_160 = tpu.memref_slice %arg6[%add3A, %dma_wait3A_158, %dma_wait3A_159] : memref<32x80x128xi32, #tpu.memory_space<hbm>> -> memref<1x40x128xi32, #tpu.memory_space<hbm>>
      %dma_wait3A_161 = tpu.memref_squeeze %dma_wait3A_160 : memref<1x40x128xi32, #tpu.memory_space<hbm>> -> memref<40x128xi32, #tpu.memory_space<hbm>>
      %dma_wait3A_162 = arith.constant 0 : i32
      %dma_wait3A_163 = arith.constant 0 : i32
      %dma_wait3A_164 = tpu.memref_slice %arg6[%add3A, %dma_wait3A_162, %dma_wait3A_163] : memref<32x80x128xi32, #tpu.memory_space<hbm>> -> memref<1x40x128xi32, #tpu.memory_space<hbm>>
      %dma_wait3A_165 = tpu.memref_squeeze %dma_wait3A_164 : memref<1x40x128xi32, #tpu.memory_space<hbm>> -> memref<40x128xi32, #tpu.memory_space<hbm>>
      tpu.wait_dma2 semaphore(%run_scoped3A_149 : memref<!tpu.dma_semaphore, #tpu.memory_space<semaphore_mem>>) src(%dma_wait3A_165 : memref<40x128xi32, #tpu.memory_space<hbm>>) dst(%arg12 : memref<40x128xi32, #tpu.memory_space<vmem>>)
      tpu.yield
    }) : () -> ()
    %dma_start3A_74 = arith.constant 0 : i32
    %dma_start3A_75 = arith.constant 0 : i32
    %dma_start3A_76 = tpu.memref_slice %arg11[%dma_start3A_74, %dma_start3A_75] : memref<40x128xi32, #tpu.memory_space<vmem>> -> memref<1x128xi32, #tpu.memory_space<vmem>>
    %dma_start3A_77 = tpu.memref_squeeze %dma_start3A_76 : memref<1x128xi32, #tpu.memory_space<vmem>> -> memref<128xi32, #tpu.memory_space<vmem>>
    %dma_start3A_78 = arith.constant 0 : i32
    %dma_start3A_79 = arith.constant 0 : i32
    %dma_start3A_80 = tpu.memref_slice %arg3[%dma_start3A_78, %dma_start3A_79] : memref<10000x128xf32, #tpu.memory_space<hbm>> -> memref<10000x128xf32, #tpu.memory_space<hbm>>
    tpu.enqueue_indirect_dma source(%dma_start3A_80 : memref<10000x128xf32, #tpu.memory_space<hbm>>) target(%arg13 : memref<128x128xf32, #tpu.memory_space<vmem>>) offsets(%dma_start3A_77 : memref<128xi32, #tpu.memory_space<vmem>>) semaphore(%arg15 : memref<!tpu.dma_semaphore, #tpu.memory_space<semaphore_mem>>)
    %scan3A_81 = arith.constant 0 : i32
    %scan3A_82 = arith.constant 0 : i32
    %scan3A_83 = arith.constant 19 : i32
    %scan3A_84 = arith.addi %scan3A_82, %scan3A_83 : i32
    %scan3A_85 = arith.constant 1 : i32
    scf.for %scan3A_149 = %scan3A_82 to %scan3A_84 step %scan3A_85  : i32 {
      %mul3A_150 = arith.constant 2 : i32
      %mul3A_151 = arith.muli %mul3A_150, %scan3A_149 : i32
      %add3A_152 = arith.constant 1 : i32
      %add3A_153 = arith.addi %mul3A_151, %add3A_152 : i32
      %dma_start3A_154 = arith.constant 0 : i32
      %dma_start3A_155 = tpu.memref_slice %arg11[%add3A_153, %dma_start3A_154] : memref<40x128xi32, #tpu.memory_space<vmem>> -> memref<1x128xi32, #tpu.memory_space<vmem>>
      %dma_start3A_156 = tpu.memref_squeeze %dma_start3A_155 : memref<1x128xi32, #tpu.memory_space<vmem>> -> memref<128xi32, #tpu.memory_space<vmem>>
      %dma_start3A_157 = arith.constant 0 : i32
      %dma_start3A_158 = arith.constant 0 : i32
      %dma_start3A_159 = tpu.memref_slice %arg3[%dma_start3A_157, %dma_start3A_158] : memref<10000x128xf32, #tpu.memory_space<hbm>> -> memref<10000x128xf32, #tpu.memory_space<hbm>>
      tpu.enqueue_indirect_dma source(%dma_start3A_159 : memref<10000x128xf32, #tpu.memory_space<hbm>>) target(%arg14 : memref<128x128xf32, #tpu.memory_space<vmem>>) offsets(%dma_start3A_156 : memref<128xi32, #tpu.memory_space<vmem>>) semaphore(%arg16 : memref<!tpu.dma_semaphore, #tpu.memory_space<semaphore_mem>>)
      %dma_wait3A_160 = arith.constant 0 : i32
      %dma_wait3A_161 = tpu.memref_slice %arg11[%mul3A_151, %dma_wait3A_160] : memref<40x128xi32, #tpu.memory_space<vmem>> -> memref<1x128xi32, #tpu.memory_space<vmem>>
      %dma_wait3A_162 = tpu.memref_squeeze %dma_wait3A_161 : memref<1x128xi32, #tpu.memory_space<vmem>> -> memref<128xi32, #tpu.memory_space<vmem>>
      %dma_wait3A_163 = arith.constant 0 : i32
      %dma_wait3A_164 = arith.constant 0 : i32
      %dma_wait3A_165 = tpu.memref_slice %arg3[%dma_wait3A_163, %dma_wait3A_164] : memref<10000x128xf32, #tpu.memory_space<hbm>> -> memref<10000x128xf32, #tpu.memory_space<hbm>>
      tpu.wait_indirect_dma semaphore(%arg15 : memref<!tpu.dma_semaphore, #tpu.memory_space<semaphore_mem>>) src(%dma_wait3A_165 : memref<10000x128xf32, #tpu.memory_space<hbm>>) dst(%arg13 : memref<128x128xf32, #tpu.memory_space<vmem>>)
      "tpu.region"() ({
        %run_scoped3A_184 = tpu.sem_alloc : memref<!tpu.dma_semaphore, #tpu.memory_space<semaphore_mem>>
        %dma_start3A_185 = arith.constant 0 : i32
        %dma_start3A_186 = tpu.memref_slice %arg12[%mul3A_151, %dma_start3A_185] : memref<40x128xi32, #tpu.memory_space<vmem>> -> memref<1x128xi32, #tpu.memory_space<vmem>>
        %dma_start3A_187 = tpu.memref_squeeze %dma_start3A_186 : memref<1x128xi32, #tpu.memory_space<vmem>> -> memref<128xi32, #tpu.memory_space<vmem>>
        %dma_start3A_188 = arith.constant 0 : i32
        %dma_start3A_189 = arith.constant 0 : i32
        %dma_start3A_190 = tpu.memref_slice %arg10[%dma_start3A_188, %dma_start3A_189] : memref<10240x128xf32, #tpu.memory_space<vmem_shared>> -> memref<10240x128xf32, #tpu.memory_space<vmem_shared>>
        tpu.enqueue_indirect_dma source(%arg13 : memref<128x128xf32, #tpu.memory_space<vmem>>) target(%dma_start3A_190 : memref<10240x128xf32, #tpu.memory_space<vmem_shared>>) offsets(%dma_start3A_187 : memref<128xi32, #tpu.memory_space<vmem>>) semaphore(%run_scoped3A_184 : memref<!tpu.dma_semaphore, #tpu.memory_space<semaphore_mem>>) {add = true}
        %dma_wait3A_191 = arith.constant 0 : i32
        %dma_wait3A_192 = tpu.memref_slice %arg12[%mul3A_151, %dma_wait3A_191] : memref<40x128xi32, #tpu.memory_space<vmem>> -> memref<1x128xi32, #tpu.memory_space<vmem>>
        %dma_wait3A_193 = tpu.memref_squeeze %dma_wait3A_192 : memref<1x128xi32, #tpu.memory_space<vmem>> -> memref<128xi32, #tpu.memory_space<vmem>>
        %dma_wait3A_194 = arith.constant 0 : i32
        %dma_wait3A_195 = arith.constant 0 : i32
        %dma_wait3A_196 = tpu.memref_slice %arg10[%dma_wait3A_194, %dma_wait3A_195] : memref<10240x128xf32, #tpu.memory_space<vmem_shared>> -> memref<10240x128xf32, #tpu.memory_space<vmem_shared>>
        tpu.wait_indirect_dma semaphore(%run_scoped3A_184 : memref<!tpu.dma_semaphore, #tpu.memory_space<semaphore_mem>>) src(%arg13 : memref<128x128xf32, #tpu.memory_space<vmem>>) dst(%dma_wait3A_196 : memref<10240x128xf32, #tpu.memory_space<vmem_shared>>)
        tpu.yield
      }) : () -> ()
      %add3A_166 = arith.constant 2 : i32
      %add3A_167 = arith.addi %mul3A_151, %add3A_166 : i32
      %dma_start3A_168 = arith.constant 0 : i32
      %dma_start3A_169 = tpu.memref_slice %arg11[%add3A_167, %dma_start3A_168] : memref<40x128xi32, #tpu.memory_space<vmem>> -> memref<1x128xi32, #tpu.memory_space<vmem>>
      %dma_start3A_170 = tpu.memref_squeeze %dma_start3A_169 : memref<1x128xi32, #tpu.memory_space<vmem>> -> memref<128xi32, #tpu.memory_space<vmem>>
      %dma_start3A_171 = arith.constant 0 : i32
      %dma_start3A_172 = arith.constant 0 : i32
      %dma_start3A_173 = tpu.memref_slice %arg3[%dma_start3A_171, %dma_start3A_172] : memref<10000x128xf32, #tpu.memory_space<hbm>> -> memref<10000x128xf32, #tpu.memory_space<hbm>>
      tpu.enqueue_indirect_dma source(%dma_start3A_173 : memref<10000x128xf32, #tpu.memory_space<hbm>>) target(%arg13 : memref<128x128xf32, #tpu.memory_space<vmem>>) offsets(%dma_start3A_170 : memref<128xi32, #tpu.memory_space<vmem>>) semaphore(%arg15 : memref<!tpu.dma_semaphore, #tpu.memory_space<semaphore_mem>>)
      %add3A_174 = arith.constant 1 : i32
      %add3A_175 = arith.addi %mul3A_151, %add3A_174 : i32
      %dma_wait3A_176 = arith.constant 0 : i32
      %dma_wait3A_177 = tpu.memref_slice %arg11[%add3A_175, %dma_wait3A_176] : memref<40x128xi32, #tpu.memory_space<vmem>> -> memref<1x128xi32, #tpu.memory_space<vmem>>
      %dma_wait3A_178 = tpu.memref_squeeze %dma_wait3A_177 : memref<1x128xi32, #tpu.memory_space<vmem>> -> memref<128xi32, #tpu.memory_space<vmem>>
      %dma_wait3A_179 = arith.constant 0 : i32
      %dma_wait3A_180 = arith.constant 0 : i32
      %dma_wait3A_181 = tpu.memref_slice %arg3[%dma_wait3A_179, %dma_wait3A_180] : memref<10000x128xf32, #tpu.memory_space<hbm>> -> memref<10000x128xf32, #tpu.memory_space<hbm>>
      tpu.wait_indirect_dma semaphore(%arg16 : memref<!tpu.dma_semaphore, #tpu.memory_space<semaphore_mem>>) src(%dma_wait3A_181 : memref<10000x128xf32, #tpu.memory_space<hbm>>) dst(%arg14 : memref<128x128xf32, #tpu.memory_space<vmem>>)
      %add3A_182 = arith.constant 1 : i32
      %add3A_183 = arith.addi %mul3A_151, %add3A_182 : i32
      "tpu.region"() ({
        %run_scoped3A_184 = tpu.sem_alloc : memref<!tpu.dma_semaphore, #tpu.memory_space<semaphore_mem>>
        %dma_start3A_185 = arith.constant 0 : i32
        %dma_start3A_186 = tpu.memref_slice %arg12[%add3A_183, %dma_start3A_185] : memref<40x128xi32, #tpu.memory_space<vmem>> -> memref<1x128xi32, #tpu.memory_space<vmem>>
        %dma_start3A_187 = tpu.memref_squeeze %dma_start3A_186 : memref<1x128xi32, #tpu.memory_space<vmem>> -> memref<128xi32, #tpu.memory_space<vmem>>
        %dma_start3A_188 = arith.constant 0 : i32
        %dma_start3A_189 = arith.constant 0 : i32
        %dma_start3A_190 = tpu.memref_slice %arg10[%dma_start3A_188, %dma_start3A_189] : memref<10240x128xf32, #tpu.memory_space<vmem_shared>> -> memref<10240x128xf32, #tpu.memory_space<vmem_shared>>
        tpu.enqueue_indirect_dma source(%arg14 : memref<128x128xf32, #tpu.memory_space<vmem>>) target(%dma_start3A_190 : memref<10240x128xf32, #tpu.memory_space<vmem_shared>>) offsets(%dma_start3A_187 : memref<128xi32, #tpu.memory_space<vmem>>) semaphore(%run_scoped3A_184 : memref<!tpu.dma_semaphore, #tpu.memory_space<semaphore_mem>>) {add = true}
        %dma_wait3A_191 = arith.constant 0 : i32
        %dma_wait3A_192 = tpu.memref_slice %arg12[%add3A_183, %dma_wait3A_191] : memref<40x128xi32, #tpu.memory_space<vmem>> -> memref<1x128xi32, #tpu.memory_space<vmem>>
        %dma_wait3A_193 = tpu.memref_squeeze %dma_wait3A_192 : memref<1x128xi32, #tpu.memory_space<vmem>> -> memref<128xi32, #tpu.memory_space<vmem>>
        %dma_wait3A_194 = arith.constant 0 : i32
        %dma_wait3A_195 = arith.constant 0 : i32
        %dma_wait3A_196 = tpu.memref_slice %arg10[%dma_wait3A_194, %dma_wait3A_195] : memref<10240x128xf32, #tpu.memory_space<vmem_shared>> -> memref<10240x128xf32, #tpu.memory_space<vmem_shared>>
        tpu.wait_indirect_dma semaphore(%run_scoped3A_184 : memref<!tpu.dma_semaphore, #tpu.memory_space<semaphore_mem>>) src(%arg14 : memref<128x128xf32, #tpu.memory_space<vmem>>) dst(%dma_wait3A_196 : memref<10240x128xf32, #tpu.memory_space<vmem_shared>>)
        tpu.yield
      }) : () -> ()
    }
    %scan3A_86 = arith.constant 19 : i32
    %dma_start3A_87 = arith.constant 39 : i32
    %dma_start3A_88 = arith.constant 0 : i32
    %dma_start3A_89 = tpu.memref_slice %arg11[%dma_start3A_87, %dma_start3A_88] : memref<40x128xi32, #tpu.memory_space<vmem>> -> memref<1x128xi32, #tpu.memory_space<vmem>>
    %dma_start3A_90 = tpu.memref_squeeze %dma_start3A_89 : memref<1x128xi32, #tpu.memory_space<vmem>> -> memref<128xi32, #tpu.memory_space<vmem>>
    %dma_start3A_91 = arith.constant 0 : i32
    %dma_start3A_92 = arith.constant 0 : i32
    %dma_start3A_93 = tpu.memref_slice %arg3[%dma_start3A_91, %dma_start3A_92] : memref<10000x128xf32, #tpu.memory_space<hbm>> -> memref<10000x128xf32, #tpu.memory_space<hbm>>
    tpu.enqueue_indirect_dma source(%dma_start3A_93 : memref<10000x128xf32, #tpu.memory_space<hbm>>) target(%arg14 : memref<128x128xf32, #tpu.memory_space<vmem>>) offsets(%dma_start3A_90 : memref<128xi32, #tpu.memory_space<vmem>>) semaphore(%arg16 : memref<!tpu.dma_semaphore, #tpu.memory_space<semaphore_mem>>)
    %dma_wait3A_94 = arith.constant 38 : i32
    %dma_wait3A_95 = arith.constant 0 : i32
    %dma_wait3A_96 = tpu.memref_slice %arg11[%dma_wait3A_94, %dma_wait3A_95] : memref<40x128xi32, #tpu.memory_space<vmem>> -> memref<1x128xi32, #tpu.memory_space<vmem>>
    %dma_wait3A_97 = tpu.memref_squeeze %dma_wait3A_96 : memref<1x128xi32, #tpu.memory_space<vmem>> -> memref<128xi32, #tpu.memory_space<vmem>>
    %dma_wait3A_98 = arith.constant 0 : i32
    %dma_wait3A_99 = arith.constant 0 : i32
    %dma_wait3A_100 = tpu.memref_slice %arg3[%dma_wait3A_98, %dma_wait3A_99] : memref<10000x128xf32, #tpu.memory_space<hbm>> -> memref<10000x128xf32, #tpu.memory_space<hbm>>
    tpu.wait_indirect_dma semaphore(%arg15 : memref<!tpu.dma_semaphore, #tpu.memory_space<semaphore_mem>>) src(%dma_wait3A_100 : memref<10000x128xf32, #tpu.memory_space<hbm>>) dst(%arg13 : memref<128x128xf32, #tpu.memory_space<vmem>>)
    %run_scoped3A_101 = arith.constant 38 : i32
    "tpu.region"() ({
      %run_scoped3A_149 = tpu.sem_alloc : memref<!tpu.dma_semaphore, #tpu.memory_space<semaphore_mem>>
      %dma_start3A_150 = arith.constant 0 : i32
      %dma_start3A_151 = tpu.memref_slice %arg12[%run_scoped3A_101, %dma_start3A_150] : memref<40x128xi32, #tpu.memory_space<vmem>> -> memref<1x128xi32, #tpu.memory_space<vmem>>
      %dma_start3A_152 = tpu.memref_squeeze %dma_start3A_151 : memref<1x128xi32, #tpu.memory_space<vmem>> -> memref<128xi32, #tpu.memory_space<vmem>>
      %dma_start3A_153 = arith.constant 0 : i32
      %dma_start3A_154 = arith.constant 0 : i32
      %dma_start3A_155 = tpu.memref_slice %arg10[%dma_start3A_153, %dma_start3A_154] : memref<10240x128xf32, #tpu.memory_space<vmem_shared>> -> memref<10240x128xf32, #tpu.memory_space<vmem_shared>>
      tpu.enqueue_indirect_dma source(%arg13 : memref<128x128xf32, #tpu.memory_space<vmem>>) target(%dma_start3A_155 : memref<10240x128xf32, #tpu.memory_space<vmem_shared>>) offsets(%dma_start3A_152 : memref<128xi32, #tpu.memory_space<vmem>>) semaphore(%run_scoped3A_149 : memref<!tpu.dma_semaphore, #tpu.memory_space<semaphore_mem>>) {add = true}
      %dma_wait3A_156 = arith.constant 0 : i32
      %dma_wait3A_157 = tpu.memref_slice %arg12[%run_scoped3A_101, %dma_wait3A_156] : memref<40x128xi32, #tpu.memory_space<vmem>> -> memref<1x128xi32, #tpu.memory_space<vmem>>
      %dma_wait3A_158 = tpu.memref_squeeze %dma_wait3A_157 : memref<1x128xi32, #tpu.memory_space<vmem>> -> memref<128xi32, #tpu.memory_space<vmem>>
      %dma_wait3A_159 = arith.constant 0 : i32
      %dma_wait3A_160 = arith.constant 0 : i32
      %dma_wait3A_161 = tpu.memref_slice %arg10[%dma_wait3A_159, %dma_wait3A_160] : memref<10240x128xf32, #tpu.memory_space<vmem_shared>> -> memref<10240x128xf32, #tpu.memory_space<vmem_shared>>
      tpu.wait_indirect_dma semaphore(%run_scoped3A_149 : memref<!tpu.dma_semaphore, #tpu.memory_space<semaphore_mem>>) src(%arg13 : memref<128x128xf32, #tpu.memory_space<vmem>>) dst(%dma_wait3A_161 : memref<10240x128xf32, #tpu.memory_space<vmem_shared>>)
      tpu.yield
    }) : () -> ()
    %dma_wait3A_102 = arith.constant 39 : i32
    %dma_wait3A_103 = arith.constant 0 : i32
    %dma_wait3A_104 = tpu.memref_slice %arg11[%dma_wait3A_102, %dma_wait3A_103] : memref<40x128xi32, #tpu.memory_space<vmem>> -> memref<1x128xi32, #tpu.memory_space<vmem>>
    %dma_wait3A_105 = tpu.memref_squeeze %dma_wait3A_104 : memref<1x128xi32, #tpu.memory_space<vmem>> -> memref<128xi32, #tpu.memory_space<vmem>>
    %dma_wait3A_106 = arith.constant 0 : i32
    %dma_wait3A_107 = arith.constant 0 : i32
    %dma_wait3A_108 = tpu.memref_slice %arg3[%dma_wait3A_106, %dma_wait3A_107] : memref<10000x128xf32, #tpu.memory_space<hbm>> -> memref<10000x128xf32, #tpu.memory_space<hbm>>
    tpu.wait_indirect_dma semaphore(%arg16 : memref<!tpu.dma_semaphore, #tpu.memory_space<semaphore_mem>>) src(%dma_wait3A_108 : memref<10000x128xf32, #tpu.memory_space<hbm>>) dst(%arg14 : memref<128x128xf32, #tpu.memory_space<vmem>>)
    %run_scoped3A_109 = arith.constant 39 : i32
    "tpu.region"() ({
      %run_scoped3A_149 = tpu.sem_alloc : memref<!tpu.dma_semaphore, #tpu.memory_space<semaphore_mem>>
      %dma_start3A_150 = arith.constant 0 : i32
      %dma_start3A_151 = tpu.memref_slice %arg12[%run_scoped3A_109, %dma_start3A_150] : memref<40x128xi32, #tpu.memory_space<vmem>> -> memref<1x128xi32, #tpu.memory_space<vmem>>
      %dma_start3A_152 = tpu.memref_squeeze %dma_start3A_151 : memref<1x128xi32, #tpu.memory_space<vmem>> -> memref<128xi32, #tpu.memory_space<vmem>>
      %dma_start3A_153 = arith.constant 0 : i32
      %dma_start3A_154 = arith.constant 0 : i32
      %dma_start3A_155 = tpu.memref_slice %arg10[%dma_start3A_153, %dma_start3A_154] : memref<10240x128xf32, #tpu.memory_space<vmem_shared>> -> memref<10240x128xf32, #tpu.memory_space<vmem_shared>>
      tpu.enqueue_indirect_dma source(%arg14 : memref<128x128xf32, #tpu.memory_space<vmem>>) target(%dma_start3A_155 : memref<10240x128xf32, #tpu.memory_space<vmem_shared>>) offsets(%dma_start3A_152 : memref<128xi32, #tpu.memory_space<vmem>>) semaphore(%run_scoped3A_149 : memref<!tpu.dma_semaphore, #tpu.memory_space<semaphore_mem>>) {add = true}
      %dma_wait3A_156 = arith.constant 0 : i32
      %dma_wait3A_157 = tpu.memref_slice %arg12[%run_scoped3A_109, %dma_wait3A_156] : memref<40x128xi32, #tpu.memory_space<vmem>> -> memref<1x128xi32, #tpu.memory_space<vmem>>
      %dma_wait3A_158 = tpu.memref_squeeze %dma_wait3A_157 : memref<1x128xi32, #tpu.memory_space<vmem>> -> memref<128xi32, #tpu.memory_space<vmem>>
      %dma_wait3A_159 = arith.constant 0 : i32
      %dma_wait3A_160 = arith.constant 0 : i32
      %dma_wait3A_161 = tpu.memref_slice %arg10[%dma_wait3A_159, %dma_wait3A_160] : memref<10240x128xf32, #tpu.memory_space<vmem_shared>> -> memref<10240x128xf32, #tpu.memory_space<vmem_shared>>
      tpu.wait_indirect_dma semaphore(%run_scoped3A_149 : memref<!tpu.dma_semaphore, #tpu.memory_space<semaphore_mem>>) src(%arg14 : memref<128x128xf32, #tpu.memory_space<vmem>>) dst(%dma_wait3A_161 : memref<10240x128xf32, #tpu.memory_space<vmem_shared>>)
      tpu.yield
    }) : () -> ()
    "tpu.region"() ({
      %run_scoped3A_149 = tpu.sem_alloc : memref<!tpu.dma_semaphore, #tpu.memory_space<semaphore_mem>>
      %dma_start3A_150 = arith.constant 40 : i32
      %dma_start3A_151 = arith.constant 0 : i32
      %dma_start3A_152 = tpu.memref_slice %arg4[%add3A, %dma_start3A_150, %dma_start3A_151] : memref<32x80x128xi32, #tpu.memory_space<hbm>> -> memref<1x40x128xi32, #tpu.memory_space<hbm>>
      %dma_start3A_153 = tpu.memref_squeeze %dma_start3A_152 : memref<1x40x128xi32, #tpu.memory_space<hbm>> -> memref<40x128xi32, #tpu.memory_space<hbm>>
      %dma_start3A_154 = arith.constant 40 : i32
      %dma_start3A_155 = arith.constant 0 : i32
      %dma_start3A_156 = tpu.memref_slice %arg4[%add3A, %dma_start3A_154, %dma_start3A_155] : memref<32x80x128xi32, #tpu.memory_space<hbm>> -> memref<1x40x128xi32, #tpu.memory_space<hbm>>
      %dma_start3A_157 = tpu.memref_squeeze %dma_start3A_156 : memref<1x40x128xi32, #tpu.memory_space<hbm>> -> memref<40x128xi32, #tpu.memory_space<hbm>>
      tpu.enqueue_dma source(%dma_start3A_157 : memref<40x128xi32, #tpu.memory_space<hbm>>) target(%arg11 : memref<40x128xi32, #tpu.memory_space<vmem>>) target_semaphore(%run_scoped3A_149 : memref<!tpu.dma_semaphore, #tpu.memory_space<semaphore_mem>>)
      %dma_wait3A_158 = arith.constant 40 : i32
      %dma_wait3A_159 = arith.constant 0 : i32
      %dma_wait3A_160 = tpu.memref_slice %arg4[%add3A, %dma_wait3A_158, %dma_wait3A_159] : memref<32x80x128xi32, #tpu.memory_space<hbm>> -> memref<1x40x128xi32, #tpu.memory_space<hbm>>
      %dma_wait3A_161 = tpu.memref_squeeze %dma_wait3A_160 : memref<1x40x128xi32, #tpu.memory_space<hbm>> -> memref<40x128xi32, #tpu.memory_space<hbm>>
      %dma_wait3A_162 = arith.constant 40 : i32
      %dma_wait3A_163 = arith.constant 0 : i32
      %dma_wait3A_164 = tpu.memref_slice %arg4[%add3A, %dma_wait3A_162, %dma_wait3A_163] : memref<32x80x128xi32, #tpu.memory_space<hbm>> -> memref<1x40x128xi32, #tpu.memory_space<hbm>>
      %dma_wait3A_165 = tpu.memref_squeeze %dma_wait3A_164 : memref<1x40x128xi32, #tpu.memory_space<hbm>> -> memref<40x128xi32, #tpu.memory_space<hbm>>
      tpu.wait_dma2 semaphore(%run_scoped3A_149 : memref<!tpu.dma_semaphore, #tpu.memory_space<semaphore_mem>>) src(%dma_wait3A_165 : memref<40x128xi32, #tpu.memory_space<hbm>>) dst(%arg11 : memref<40x128xi32, #tpu.memory_space<vmem>>)
      tpu.yield
    }) : () -> ()
    "tpu.region"() ({
      %run_scoped3A_149 = tpu.sem_alloc : memref<!tpu.dma_semaphore, #tpu.memory_space<semaphore_mem>>
      %dma_start3A_150 = arith.constant 40 : i32
      %dma_start3A_151 = arith.constant 0 : i32
      %dma_start3A_152 = tpu.memref_slice %arg6[%add3A, %dma_start3A_150, %dma_start3A_151] : memref<32x80x128xi32, #tpu.memory_space<hbm>> -> memref<1x40x128xi32, #tpu.memory_space<hbm>>
      %dma_start3A_153 = tpu.memref_squeeze %dma_start3A_152 : memref<1x40x128xi32, #tpu.memory_space<hbm>> -> memref<40x128xi32, #tpu.memory_space<hbm>>
      %dma_start3A_154 = arith.constant 40 : i32
      %dma_start3A_155 = arith.constant 0 : i32
      %dma_start3A_156 = tpu.memref_slice %arg6[%add3A, %dma_start3A_154, %dma_start3A_155] : memref<32x80x128xi32, #tpu.memory_space<hbm>> -> memref<1x40x128xi32, #tpu.memory_space<hbm>>
      %dma_start3A_157 = tpu.memref_squeeze %dma_start3A_156 : memref<1x40x128xi32, #tpu.memory_space<hbm>> -> memref<40x128xi32, #tpu.memory_space<hbm>>
      tpu.enqueue_dma source(%dma_start3A_157 : memref<40x128xi32, #tpu.memory_space<hbm>>) target(%arg12 : memref<40x128xi32, #tpu.memory_space<vmem>>) target_semaphore(%run_scoped3A_149 : memref<!tpu.dma_semaphore, #tpu.memory_space<semaphore_mem>>)
      %dma_wait3A_158 = arith.constant 40 : i32
      %dma_wait3A_159 = arith.constant 0 : i32
      %dma_wait3A_160 = tpu.memref_slice %arg6[%add3A, %dma_wait3A_158, %dma_wait3A_159] : memref<32x80x128xi32, #tpu.memory_space<hbm>> -> memref<1x40x128xi32, #tpu.memory_space<hbm>>
      %dma_wait3A_161 = tpu.memref_squeeze %dma_wait3A_160 : memref<1x40x128xi32, #tpu.memory_space<hbm>> -> memref<40x128xi32, #tpu.memory_space<hbm>>
      %dma_wait3A_162 = arith.constant 40 : i32
      %dma_wait3A_163 = arith.constant 0 : i32
      %dma_wait3A_164 = tpu.memref_slice %arg6[%add3A, %dma_wait3A_162, %dma_wait3A_163] : memref<32x80x128xi32, #tpu.memory_space<hbm>> -> memref<1x40x128xi32, #tpu.memory_space<hbm>>
      %dma_wait3A_165 = tpu.memref_squeeze %dma_wait3A_164 : memref<1x40x128xi32, #tpu.memory_space<hbm>> -> memref<40x128xi32, #tpu.memory_space<hbm>>
      tpu.wait_dma2 semaphore(%run_scoped3A_149 : memref<!tpu.dma_semaphore, #tpu.memory_space<semaphore_mem>>) src(%dma_wait3A_165 : memref<40x128xi32, #tpu.memory_space<hbm>>) dst(%arg12 : memref<40x128xi32, #tpu.memory_space<vmem>>)
      tpu.yield
    }) : () -> ()
    %dma_start3A_110 = arith.constant 0 : i32
    %dma_start3A_111 = arith.constant 0 : i32
    %dma_start3A_112 = tpu.memref_slice %arg11[%dma_start3A_110, %dma_start3A_111] : memref<40x128xi32, #tpu.memory_space<vmem>> -> memref<1x128xi32, #tpu.memory_space<vmem>>
    %dma_start3A_113 = tpu.memref_squeeze %dma_start3A_112 : memref<1x128xi32, #tpu.memory_space<vmem>> -> memref<128xi32, #tpu.memory_space<vmem>>
    %dma_start3A_114 = arith.constant 0 : i32
    %dma_start3A_115 = arith.constant 0 : i32
    %dma_start3A_116 = tpu.memref_slice %arg3[%dma_start3A_114, %dma_start3A_115] : memref<10000x128xf32, #tpu.memory_space<hbm>> -> memref<10000x128xf32, #tpu.memory_space<hbm>>
    tpu.enqueue_indirect_dma source(%dma_start3A_116 : memref<10000x128xf32, #tpu.memory_space<hbm>>) target(%arg13 : memref<128x128xf32, #tpu.memory_space<vmem>>) offsets(%dma_start3A_113 : memref<128xi32, #tpu.memory_space<vmem>>) semaphore(%arg15 : memref<!tpu.dma_semaphore, #tpu.memory_space<semaphore_mem>>)
    %scan3A_117 = arith.constant 0 : i32
    %scan3A_118 = arith.constant 0 : i32
    %scan3A_119 = arith.constant 19 : i32
    %scan3A_120 = arith.addi %scan3A_118, %scan3A_119 : i32
    %scan3A_121 = arith.constant 1 : i32
    scf.for %scan3A_149 = %scan3A_118 to %scan3A_120 step %scan3A_121  : i32 {
      %mul3A_150 = arith.constant 2 : i32
      %mul3A_151 = arith.muli %mul3A_150, %scan3A_149 : i32
      %add3A_152 = arith.constant 1 : i32
      %add3A_153 = arith.addi %mul3A_151, %add3A_152 : i32
      %dma_start3A_154 = arith.constant 0 : i32
      %dma_start3A_155 = tpu.memref_slice %arg11[%add3A_153, %dma_start3A_154] : memref<40x128xi32, #tpu.memory_space<vmem>> -> memref<1x128xi32, #tpu.memory_space<vmem>>
      %dma_start3A_156 = tpu.memref_squeeze %dma_start3A_155 : memref<1x128xi32, #tpu.memory_space<vmem>> -> memref<128xi32, #tpu.memory_space<vmem>>
      %dma_start3A_157 = arith.constant 0 : i32
      %dma_start3A_158 = arith.constant 0 : i32
      %dma_start3A_159 = tpu.memref_slice %arg3[%dma_start3A_157, %dma_start3A_158] : memref<10000x128xf32, #tpu.memory_space<hbm>> -> memref<10000x128xf32, #tpu.memory_space<hbm>>
      tpu.enqueue_indirect_dma source(%dma_start3A_159 : memref<10000x128xf32, #tpu.memory_space<hbm>>) target(%arg14 : memref<128x128xf32, #tpu.memory_space<vmem>>) offsets(%dma_start3A_156 : memref<128xi32, #tpu.memory_space<vmem>>) semaphore(%arg16 : memref<!tpu.dma_semaphore, #tpu.memory_space<semaphore_mem>>)
      %dma_wait3A_160 = arith.constant 0 : i32
      %dma_wait3A_161 = tpu.memref_slice %arg11[%mul3A_151, %dma_wait3A_160] : memref<40x128xi32, #tpu.memory_space<vmem>> -> memref<1x128xi32, #tpu.memory_space<vmem>>
      %dma_wait3A_162 = tpu.memref_squeeze %dma_wait3A_161 : memref<1x128xi32, #tpu.memory_space<vmem>> -> memref<128xi32, #tpu.memory_space<vmem>>
      %dma_wait3A_163 = arith.constant 0 : i32
      %dma_wait3A_164 = arith.constant 0 : i32
      %dma_wait3A_165 = tpu.memref_slice %arg3[%dma_wait3A_163, %dma_wait3A_164] : memref<10000x128xf32, #tpu.memory_space<hbm>> -> memref<10000x128xf32, #tpu.memory_space<hbm>>
      tpu.wait_indirect_dma semaphore(%arg15 : memref<!tpu.dma_semaphore, #tpu.memory_space<semaphore_mem>>) src(%dma_wait3A_165 : memref<10000x128xf32, #tpu.memory_space<hbm>>) dst(%arg13 : memref<128x128xf32, #tpu.memory_space<vmem>>)
      "tpu.region"() ({
        %run_scoped3A_184 = tpu.sem_alloc : memref<!tpu.dma_semaphore, #tpu.memory_space<semaphore_mem>>
        %dma_start3A_185 = arith.constant 0 : i32
        %dma_start3A_186 = tpu.memref_slice %arg12[%mul3A_151, %dma_start3A_185] : memref<40x128xi32, #tpu.memory_space<vmem>> -> memref<1x128xi32, #tpu.memory_space<vmem>>
        %dma_start3A_187 = tpu.memref_squeeze %dma_start3A_186 : memref<1x128xi32, #tpu.memory_space<vmem>> -> memref<128xi32, #tpu.memory_space<vmem>>
        %dma_start3A_188 = arith.constant 0 : i32
        %dma_start3A_189 = arith.constant 0 : i32
        %dma_start3A_190 = tpu.memref_slice %arg10[%dma_start3A_188, %dma_start3A_189] : memref<10240x128xf32, #tpu.memory_space<vmem_shared>> -> memref<10240x128xf32, #tpu.memory_space<vmem_shared>>
        tpu.enqueue_indirect_dma source(%arg13 : memref<128x128xf32, #tpu.memory_space<vmem>>) target(%dma_start3A_190 : memref<10240x128xf32, #tpu.memory_space<vmem_shared>>) offsets(%dma_start3A_187 : memref<128xi32, #tpu.memory_space<vmem>>) semaphore(%run_scoped3A_184 : memref<!tpu.dma_semaphore, #tpu.memory_space<semaphore_mem>>) {add = true}
        %dma_wait3A_191 = arith.constant 0 : i32
        %dma_wait3A_192 = tpu.memref_slice %arg12[%mul3A_151, %dma_wait3A_191] : memref<40x128xi32, #tpu.memory_space<vmem>> -> memref<1x128xi32, #tpu.memory_space<vmem>>
        %dma_wait3A_193 = tpu.memref_squeeze %dma_wait3A_192 : memref<1x128xi32, #tpu.memory_space<vmem>> -> memref<128xi32, #tpu.memory_space<vmem>>
        %dma_wait3A_194 = arith.constant 0 : i32
        %dma_wait3A_195 = arith.constant 0 : i32
        %dma_wait3A_196 = tpu.memref_slice %arg10[%dma_wait3A_194, %dma_wait3A_195] : memref<10240x128xf32, #tpu.memory_space<vmem_shared>> -> memref<10240x128xf32, #tpu.memory_space<vmem_shared>>
        tpu.wait_indirect_dma semaphore(%run_scoped3A_184 : memref<!tpu.dma_semaphore, #tpu.memory_space<semaphore_mem>>) src(%arg13 : memref<128x128xf32, #tpu.memory_space<vmem>>) dst(%dma_wait3A_196 : memref<10240x128xf32, #tpu.memory_space<vmem_shared>>)
        tpu.yield
      }) : () -> ()
      %add3A_166 = arith.constant 2 : i32
      %add3A_167 = arith.addi %mul3A_151, %add3A_166 : i32
      %dma_start3A_168 = arith.constant 0 : i32
      %dma_start3A_169 = tpu.memref_slice %arg11[%add3A_167, %dma_start3A_168] : memref<40x128xi32, #tpu.memory_space<vmem>> -> memref<1x128xi32, #tpu.memory_space<vmem>>
      %dma_start3A_170 = tpu.memref_squeeze %dma_start3A_169 : memref<1x128xi32, #tpu.memory_space<vmem>> -> memref<128xi32, #tpu.memory_space<vmem>>
      %dma_start3A_171 = arith.constant 0 : i32
      %dma_start3A_172 = arith.constant 0 : i32
      %dma_start3A_173 = tpu.memref_slice %arg3[%dma_start3A_171, %dma_start3A_172] : memref<10000x128xf32, #tpu.memory_space<hbm>> -> memref<10000x128xf32, #tpu.memory_space<hbm>>
      tpu.enqueue_indirect_dma source(%dma_start3A_173 : memref<10000x128xf32, #tpu.memory_space<hbm>>) target(%arg13 : memref<128x128xf32, #tpu.memory_space<vmem>>) offsets(%dma_start3A_170 : memref<128xi32, #tpu.memory_space<vmem>>) semaphore(%arg15 : memref<!tpu.dma_semaphore, #tpu.memory_space<semaphore_mem>>)
      %add3A_174 = arith.constant 1 : i32
      %add3A_175 = arith.addi %mul3A_151, %add3A_174 : i32
      %dma_wait3A_176 = arith.constant 0 : i32
      %dma_wait3A_177 = tpu.memref_slice %arg11[%add3A_175, %dma_wait3A_176] : memref<40x128xi32, #tpu.memory_space<vmem>> -> memref<1x128xi32, #tpu.memory_space<vmem>>
      %dma_wait3A_178 = tpu.memref_squeeze %dma_wait3A_177 : memref<1x128xi32, #tpu.memory_space<vmem>> -> memref<128xi32, #tpu.memory_space<vmem>>
      %dma_wait3A_179 = arith.constant 0 : i32
      %dma_wait3A_180 = arith.constant 0 : i32
      %dma_wait3A_181 = tpu.memref_slice %arg3[%dma_wait3A_179, %dma_wait3A_180] : memref<10000x128xf32, #tpu.memory_space<hbm>> -> memref<10000x128xf32, #tpu.memory_space<hbm>>
      tpu.wait_indirect_dma semaphore(%arg16 : memref<!tpu.dma_semaphore, #tpu.memory_space<semaphore_mem>>) src(%dma_wait3A_181 : memref<10000x128xf32, #tpu.memory_space<hbm>>) dst(%arg14 : memref<128x128xf32, #tpu.memory_space<vmem>>)
      %add3A_182 = arith.constant 1 : i32
      %add3A_183 = arith.addi %mul3A_151, %add3A_182 : i32
      "tpu.region"() ({
        %run_scoped3A_184 = tpu.sem_alloc : memref<!tpu.dma_semaphore, #tpu.memory_space<semaphore_mem>>
        %dma_start3A_185 = arith.constant 0 : i32
        %dma_start3A_186 = tpu.memref_slice %arg12[%add3A_183, %dma_start3A_185] : memref<40x128xi32, #tpu.memory_space<vmem>> -> memref<1x128xi32, #tpu.memory_space<vmem>>
        %dma_start3A_187 = tpu.memref_squeeze %dma_start3A_186 : memref<1x128xi32, #tpu.memory_space<vmem>> -> memref<128xi32, #tpu.memory_space<vmem>>
        %dma_start3A_188 = arith.constant 0 : i32
        %dma_start3A_189 = arith.constant 0 : i32
        %dma_start3A_190 = tpu.memref_slice %arg10[%dma_start3A_188, %dma_start3A_189] : memref<10240x128xf32, #tpu.memory_space<vmem_shared>> -> memref<10240x128xf32, #tpu.memory_space<vmem_shared>>
        tpu.enqueue_indirect_dma source(%arg14 : memref<128x128xf32, #tpu.memory_space<vmem>>) target(%dma_start3A_190 : memref<10240x128xf32, #tpu.memory_space<vmem_shared>>) offsets(%dma_start3A_187 : memref<128xi32, #tpu.memory_space<vmem>>) semaphore(%run_scoped3A_184 : memref<!tpu.dma_semaphore, #tpu.memory_space<semaphore_mem>>) {add = true}
        %dma_wait3A_191 = arith.constant 0 : i32
        %dma_wait3A_192 = tpu.memref_slice %arg12[%add3A_183, %dma_wait3A_191] : memref<40x128xi32, #tpu.memory_space<vmem>> -> memref<1x128xi32, #tpu.memory_space<vmem>>
        %dma_wait3A_193 = tpu.memref_squeeze %dma_wait3A_192 : memref<1x128xi32, #tpu.memory_space<vmem>> -> memref<128xi32, #tpu.memory_space<vmem>>
        %dma_wait3A_194 = arith.constant 0 : i32
        %dma_wait3A_195 = arith.constant 0 : i32
        %dma_wait3A_196 = tpu.memref_slice %arg10[%dma_wait3A_194, %dma_wait3A_195] : memref<10240x128xf32, #tpu.memory_space<vmem_shared>> -> memref<10240x128xf32, #tpu.memory_space<vmem_shared>>
        tpu.wait_indirect_dma semaphore(%run_scoped3A_184 : memref<!tpu.dma_semaphore, #tpu.memory_space<semaphore_mem>>) src(%arg14 : memref<128x128xf32, #tpu.memory_space<vmem>>) dst(%dma_wait3A_196 : memref<10240x128xf32, #tpu.memory_space<vmem_shared>>)
        tpu.yield
      }) : () -> ()
    }
    %scan3A_122 = arith.constant 19 : i32
    %dma_start3A_123 = arith.constant 39 : i32
    %dma_start3A_124 = arith.constant 0 : i32
    %dma_start3A_125 = tpu.memref_slice %arg11[%dma_start3A_123, %dma_start3A_124] : memref<40x128xi32, #tpu.memory_space<vmem>> -> memref<1x128xi32, #tpu.memory_space<vmem>>
    %dma_start3A_126 = tpu.memref_squeeze %dma_start3A_125 : memref<1x128xi32, #tpu.memory_space<vmem>> -> memref<128xi32, #tpu.memory_space<vmem>>
    %dma_start3A_127 = arith.constant 0 : i32
    %dma_start3A_128 = arith.constant 0 : i32
    %dma_start3A_129 = tpu.memref_slice %arg3[%dma_start3A_127, %dma_start3A_128] : memref<10000x128xf32, #tpu.memory_space<hbm>> -> memref<10000x128xf32, #tpu.memory_space<hbm>>
    tpu.enqueue_indirect_dma source(%dma_start3A_129 : memref<10000x128xf32, #tpu.memory_space<hbm>>) target(%arg14 : memref<128x128xf32, #tpu.memory_space<vmem>>) offsets(%dma_start3A_126 : memref<128xi32, #tpu.memory_space<vmem>>) semaphore(%arg16 : memref<!tpu.dma_semaphore, #tpu.memory_space<semaphore_mem>>)
    %dma_wait3A_130 = arith.constant 38 : i32
    %dma_wait3A_131 = arith.constant 0 : i32
    %dma_wait3A_132 = tpu.memref_slice %arg11[%dma_wait3A_130, %dma_wait3A_131] : memref<40x128xi32, #tpu.memory_space<vmem>> -> memref<1x128xi32, #tpu.memory_space<vmem>>
    %dma_wait3A_133 = tpu.memref_squeeze %dma_wait3A_132 : memref<1x128xi32, #tpu.memory_space<vmem>> -> memref<128xi32, #tpu.memory_space<vmem>>
    %dma_wait3A_134 = arith.constant 0 : i32
    %dma_wait3A_135 = arith.constant 0 : i32
    %dma_wait3A_136 = tpu.memref_slice %arg3[%dma_wait3A_134, %dma_wait3A_135] : memref<10000x128xf32, #tpu.memory_space<hbm>> -> memref<10000x128xf32, #tpu.memory_space<hbm>>
    tpu.wait_indirect_dma semaphore(%arg15 : memref<!tpu.dma_semaphore, #tpu.memory_space<semaphore_mem>>) src(%dma_wait3A_136 : memref<10000x128xf32, #tpu.memory_space<hbm>>) dst(%arg13 : memref<128x128xf32, #tpu.memory_space<vmem>>)
    %run_scoped3A_137 = arith.constant 38 : i32
    "tpu.region"() ({
      %run_scoped3A_149 = tpu.sem_alloc : memref<!tpu.dma_semaphore, #tpu.memory_space<semaphore_mem>>
      %dma_start3A_150 = arith.constant 0 : i32
      %dma_start3A_151 = tpu.memref_slice %arg12[%run_scoped3A_137, %dma_start3A_150] : memref<40x128xi32, #tpu.memory_space<vmem>> -> memref<1x128xi32, #tpu.memory_space<vmem>>
      %dma_start3A_152 = tpu.memref_squeeze %dma_start3A_151 : memref<1x128xi32, #tpu.memory_space<vmem>> -> memref<128xi32, #tpu.memory_space<vmem>>
      %dma_start3A_153 = arith.constant 0 : i32
      %dma_start3A_154 = arith.constant 0 : i32
      %dma_start3A_155 = tpu.memref_slice %arg10[%dma_start3A_153, %dma_start3A_154] : memref<10240x128xf32, #tpu.memory_space<vmem_shared>> -> memref<10240x128xf32, #tpu.memory_space<vmem_shared>>
      tpu.enqueue_indirect_dma source(%arg13 : memref<128x128xf32, #tpu.memory_space<vmem>>) target(%dma_start3A_155 : memref<10240x128xf32, #tpu.memory_space<vmem_shared>>) offsets(%dma_start3A_152 : memref<128xi32, #tpu.memory_space<vmem>>) semaphore(%run_scoped3A_149 : memref<!tpu.dma_semaphore, #tpu.memory_space<semaphore_mem>>) {add = true}
      %dma_wait3A_156 = arith.constant 0 : i32
      %dma_wait3A_157 = tpu.memref_slice %arg12[%run_scoped3A_137, %dma_wait3A_156] : memref<40x128xi32, #tpu.memory_space<vmem>> -> memref<1x128xi32, #tpu.memory_space<vmem>>
      %dma_wait3A_158 = tpu.memref_squeeze %dma_wait3A_157 : memref<1x128xi32, #tpu.memory_space<vmem>> -> memref<128xi32, #tpu.memory_space<vmem>>
      %dma_wait3A_159 = arith.constant 0 : i32
      %dma_wait3A_160 = arith.constant 0 : i32
      %dma_wait3A_161 = tpu.memref_slice %arg10[%dma_wait3A_159, %dma_wait3A_160] : memref<10240x128xf32, #tpu.memory_space<vmem_shared>> -> memref<10240x128xf32, #tpu.memory_space<vmem_shared>>
      tpu.wait_indirect_dma semaphore(%run_scoped3A_149 : memref<!tpu.dma_semaphore, #tpu.memory_space<semaphore_mem>>) src(%arg13 : memref<128x128xf32, #tpu.memory_space<vmem>>) dst(%dma_wait3A_161 : memref<10240x128xf32, #tpu.memory_space<vmem_shared>>)
      tpu.yield
    }) : () -> ()
    %dma_wait3A_138 = arith.constant 39 : i32
    %dma_wait3A_139 = arith.constant 0 : i32
    %dma_wait3A_140 = tpu.memref_slice %arg11[%dma_wait3A_138, %dma_wait3A_139] : memref<40x128xi32, #tpu.memory_space<vmem>> -> memref<1x128xi32, #tpu.memory_space<vmem>>
    %dma_wait3A_141 = tpu.memref_squeeze %dma_wait3A_140 : memref<1x128xi32, #tpu.memory_space<vmem>> -> memref<128xi32, #tpu.memory_space<vmem>>
    %dma_wait3A_142 = arith.constant 0 : i32
    %dma_wait3A_143 = arith.constant 0 : i32
    %dma_wait3A_144 = tpu.memref_slice %arg3[%dma_wait3A_142, %dma_wait3A_143] : memref<10000x128xf32, #tpu.memory_space<hbm>> -> memref<10000x128xf32, #tpu.memory_space<hbm>>
    tpu.wait_indirect_dma semaphore(%arg16 : memref<!tpu.dma_semaphore, #tpu.memory_space<semaphore_mem>>) src(%dma_wait3A_144 : memref<10000x128xf32, #tpu.memory_space<hbm>>) dst(%arg14 : memref<128x128xf32, #tpu.memory_space<vmem>>)
    %run_scoped3A_145 = arith.constant 39 : i32
    "tpu.region"() ({
      %run_scoped3A_149 = tpu.sem_alloc : memref<!tpu.dma_semaphore, #tpu.memory_space<semaphore_mem>>
      %dma_start3A_150 = arith.constant 0 : i32
      %dma_start3A_151 = tpu.memref_slice %arg12[%run_scoped3A_145, %dma_start3A_150] : memref<40x128xi32, #tpu.memory_space<vmem>> -> memref<1x128xi32, #tpu.memory_space<vmem>>
      %dma_start3A_152 = tpu.memref_squeeze %dma_start3A_151 : memref<1x128xi32, #tpu.memory_space<vmem>> -> memref<128xi32, #tpu.memory_space<vmem>>
      %dma_start3A_153 = arith.constant 0 : i32
      %dma_start3A_154 = arith.constant 0 : i32
      %dma_start3A_155 = tpu.memref_slice %arg10[%dma_start3A_153, %dma_start3A_154] : memref<10240x128xf32, #tpu.memory_space<vmem_shared>> -> memref<10240x128xf32, #tpu.memory_space<vmem_shared>>
      tpu.enqueue_indirect_dma source(%arg14 : memref<128x128xf32, #tpu.memory_space<vmem>>) target(%dma_start3A_155 : memref<10240x128xf32, #tpu.memory_space<vmem_shared>>) offsets(%dma_start3A_152 : memref<128xi32, #tpu.memory_space<vmem>>) semaphore(%run_scoped3A_149 : memref<!tpu.dma_semaphore, #tpu.memory_space<semaphore_mem>>) {add = true}
      %dma_wait3A_156 = arith.constant 0 : i32
      %dma_wait3A_157 = tpu.memref_slice %arg12[%run_scoped3A_145, %dma_wait3A_156] : memref<40x128xi32, #tpu.memory_space<vmem>> -> memref<1x128xi32, #tpu.memory_space<vmem>>
      %dma_wait3A_158 = tpu.memref_squeeze %dma_wait3A_157 : memref<1x128xi32, #tpu.memory_space<vmem>> -> memref<128xi32, #tpu.memory_space<vmem>>
      %dma_wait3A_159 = arith.constant 0 : i32
      %dma_wait3A_160 = arith.constant 0 : i32
      %dma_wait3A_161 = tpu.memref_slice %arg10[%dma_wait3A_159, %dma_wait3A_160] : memref<10240x128xf32, #tpu.memory_space<vmem_shared>> -> memref<10240x128xf32, #tpu.memory_space<vmem_shared>>
      tpu.wait_indirect_dma semaphore(%run_scoped3A_149 : memref<!tpu.dma_semaphore, #tpu.memory_space<semaphore_mem>>) src(%arg14 : memref<128x128xf32, #tpu.memory_space<vmem>>) dst(%dma_wait3A_161 : memref<10240x128xf32, #tpu.memory_space<vmem_shared>>)
      tpu.yield
    }) : () -> ()
    %barrier3A_146 = arith.constant 0 : index
    tpu.barrier barrier_id(%barrier3A_146)
    %run_scoped3A_147 = arith.constant 1 : i32
    "tpu.region"() ({
      %run_scoped3A_149 = tpu.sem_alloc : memref<!tpu.dma_semaphore, #tpu.memory_space<semaphore_mem>>
      %dma_start3A_150 = arith.constant 0 : i32
      %dma_start3A_151 = tpu.memref_slice %arg9[%run_scoped3A_147, %arg0, %mul3A_2, %dma_start3A_150] : memref<2x2x10240x128xf32, #tpu.memory_space<hbm>> -> memref<1x1x640x128xf32, #tpu.memory_space<hbm>>
      %dma_start3A_152 = tpu.memref_squeeze %dma_start3A_151 : memref<1x1x640x128xf32, #tpu.memory_space<hbm>> -> memref<640x128xf32, #tpu.memory_space<hbm>>
      %dma_start3A_153 = arith.constant 0 : i32
      %dma_start3A_154 = tpu.memref_slice %arg10[%mul3A_2, %dma_start3A_153] : memref<10240x128xf32, #tpu.memory_space<vmem_shared>> -> memref<640x128xf32, #tpu.memory_space<vmem_shared>>
      tpu.enqueue_dma source(%dma_start3A_154 : memref<640x128xf32, #tpu.memory_space<vmem_shared>>) target(%dma_start3A_152 : memref<640x128xf32, #tpu.memory_space<hbm>>) target_semaphore(%run_scoped3A_149 : memref<!tpu.dma_semaphore, #tpu.memory_space<semaphore_mem>>)
      %dma_wait3A_155 = arith.constant 0 : i32
      %dma_wait3A_156 = tpu.memref_slice %arg9[%run_scoped3A_147, %arg0, %mul3A_2, %dma_wait3A_155] : memref<2x2x10240x128xf32, #tpu.memory_space<hbm>> -> memref<1x1x640x128xf32, #tpu.memory_space<hbm>>
      %dma_wait3A_157 = tpu.memref_squeeze %dma_wait3A_156 : memref<1x1x640x128xf32, #tpu.memory_space<hbm>> -> memref<640x128xf32, #tpu.memory_space<hbm>>
      %dma_wait3A_158 = arith.constant 0 : i32
      %dma_wait3A_159 = tpu.memref_slice %arg10[%mul3A_2, %dma_wait3A_158] : memref<10240x128xf32, #tpu.memory_space<vmem_shared>> -> memref<640x128xf32, #tpu.memory_space<vmem_shared>>
      tpu.wait_dma2 semaphore(%run_scoped3A_149 : memref<!tpu.dma_semaphore, #tpu.memory_space<semaphore_mem>>) src(%dma_wait3A_159 : memref<640x128xf32, #tpu.memory_space<vmem_shared>>) dst(%dma_wait3A_157 : memref<640x128xf32, #tpu.memory_space<hbm>>)
      tpu.yield
    }) : () -> ()
    %barrier3A_148 = arith.constant 0 : index
    tpu.barrier barrier_id(%barrier3A_148)
    return
  }
}

#map = affine_map<(d0, d1) -> (0, 0)>
#map1 = affine_map<(d0, d1) -> (0, 0, 0)>
#map2 = affine_map<(d0, d1) -> (0, 0, 0, 0)>
module attributes {stable_mosaic.version = 14 : i64} {
  func.func @body(%arg0: i32, %arg1: i32, %arg2: memref<10000x128xf32, #tpu.memory_space<hbm>>, %arg3: memref<32x80x128xi32, #tpu.memory_space<hbm>>, %arg4: memref<32x80x128xi32, #tpu.memory_space<hbm>>, %arg5: memref<32x80x128xi32, #tpu.memory_space<hbm>>, %arg6: memref<32x80x128xi32, #tpu.memory_space<hbm>>, %arg7: memref<640x128xf32, #tpu.memory_space<hbm>>, %arg8: memref<1x2x10240x128xf32, #tpu.memory_space<hbm>>, %arg9: memref<10240x128xf32, #tpu.memory_space<vmem_shared>>, %arg10: memref<40x128xi32, #tpu.memory_space<vmem>>, %arg11: memref<40x128xi32, #tpu.memory_space<vmem>>, %arg12: memref<128x128xf32, #tpu.memory_space<vmem>>, %arg13: memref<128x128xf32, #tpu.memory_space<vmem>>, %arg14: memref<!tpu.dma_semaphore, #tpu.memory_space<semaphore_mem>>, %arg15: memref<!tpu.dma_semaphore, #tpu.memory_space<semaphore_mem>>) attributes {dimension_semantics = [#tpu.dimension_semantics<core_parallel>, #tpu.dimension_semantics<subcore_parallel>], iteration_bounds = array<i64: 2, 16>, scalar_prefetch = 0 : i64, scratch_operands = 7 : i64, tpu.core_type = #tpu.core_type<sc_vector_subcore>, window_params = [{transform_indices = #map}, {transform_indices = #map1}, {transform_indices = #map1}, {transform_indices = #map1}, {transform_indices = #map1}, {transform_indices = #map}, {transform_indices = #map2}]} {
    %mul3A = arith.constant 2 : i32
    %mul3A_0 = arith.muli %arg1, %mul3A : i32
    %add3A = arith.addi %mul3A_0, %arg0 : i32
    %mul3A_1 = arith.constant 640 : i32
    %mul3A_2 = arith.muli %arg1, %mul3A_1 : i32
    "tpu.region"() ({
      %run_scoped3A_74 = tpu.sem_alloc : memref<!tpu.dma_semaphore, #tpu.memory_space<semaphore_mem>>
      %dma_start3A_75 = arith.constant 0 : i32
      %dma_start3A_76 = tpu.memref_slice %arg9[%mul3A_2, %dma_start3A_75] : memref<10240x128xf32, #tpu.memory_space<vmem_shared>> -> memref<640x128xf32, #tpu.memory_space<vmem_shared>>
      tpu.enqueue_dma source(%arg7 : memref<640x128xf32, #tpu.memory_space<hbm>>) target(%dma_start3A_76 : memref<640x128xf32, #tpu.memory_space<vmem_shared>>) target_semaphore(%run_scoped3A_74 : memref<!tpu.dma_semaphore, #tpu.memory_space<semaphore_mem>>)
      %dma_wait3A_77 = arith.constant 0 : i32
      %dma_wait3A_78 = tpu.memref_slice %arg9[%mul3A_2, %dma_wait3A_77] : memref<10240x128xf32, #tpu.memory_space<vmem_shared>> -> memref<640x128xf32, #tpu.memory_space<vmem_shared>>
      tpu.wait_dma2 semaphore(%run_scoped3A_74 : memref<!tpu.dma_semaphore, #tpu.memory_space<semaphore_mem>>) src(%arg7 : memref<640x128xf32, #tpu.memory_space<hbm>>) dst(%dma_wait3A_78 : memref<640x128xf32, #tpu.memory_space<vmem_shared>>)
      tpu.yield
    }) : () -> ()
    %barrier3A = arith.constant 0 : index
    tpu.barrier barrier_id(%barrier3A)
    "tpu.region"() ({
      %run_scoped3A_74 = tpu.sem_alloc : memref<!tpu.dma_semaphore, #tpu.memory_space<semaphore_mem>>
      %dma_start3A_75 = arith.constant 0 : i32
      %dma_start3A_76 = arith.constant 0 : i32
      %dma_start3A_77 = tpu.memref_slice %arg3[%add3A, %dma_start3A_75, %dma_start3A_76] : memref<32x80x128xi32, #tpu.memory_space<hbm>> -> memref<1x40x128xi32, #tpu.memory_space<hbm>>
      %dma_start3A_78 = tpu.memref_squeeze %dma_start3A_77 : memref<1x40x128xi32, #tpu.memory_space<hbm>> -> memref<40x128xi32, #tpu.memory_space<hbm>>
      %dma_start3A_79 = arith.constant 0 : i32
      %dma_start3A_80 = arith.constant 0 : i32
      %dma_start3A_81 = tpu.memref_slice %arg3[%add3A, %dma_start3A_79, %dma_start3A_80] : memref<32x80x128xi32, #tpu.memory_space<hbm>> -> memref<1x40x128xi32, #tpu.memory_space<hbm>>
      %dma_start3A_82 = tpu.memref_squeeze %dma_start3A_81 : memref<1x40x128xi32, #tpu.memory_space<hbm>> -> memref<40x128xi32, #tpu.memory_space<hbm>>
      tpu.enqueue_dma source(%dma_start3A_82 : memref<40x128xi32, #tpu.memory_space<hbm>>) target(%arg10 : memref<40x128xi32, #tpu.memory_space<vmem>>) target_semaphore(%run_scoped3A_74 : memref<!tpu.dma_semaphore, #tpu.memory_space<semaphore_mem>>)
      %dma_wait3A_83 = arith.constant 0 : i32
      %dma_wait3A_84 = arith.constant 0 : i32
      %dma_wait3A_85 = tpu.memref_slice %arg3[%add3A, %dma_wait3A_83, %dma_wait3A_84] : memref<32x80x128xi32, #tpu.memory_space<hbm>> -> memref<1x40x128xi32, #tpu.memory_space<hbm>>
      %dma_wait3A_86 = tpu.memref_squeeze %dma_wait3A_85 : memref<1x40x128xi32, #tpu.memory_space<hbm>> -> memref<40x128xi32, #tpu.memory_space<hbm>>
      %dma_wait3A_87 = arith.constant 0 : i32
      %dma_wait3A_88 = arith.constant 0 : i32
      %dma_wait3A_89 = tpu.memref_slice %arg3[%add3A, %dma_wait3A_87, %dma_wait3A_88] : memref<32x80x128xi32, #tpu.memory_space<hbm>> -> memref<1x40x128xi32, #tpu.memory_space<hbm>>
      %dma_wait3A_90 = tpu.memref_squeeze %dma_wait3A_89 : memref<1x40x128xi32, #tpu.memory_space<hbm>> -> memref<40x128xi32, #tpu.memory_space<hbm>>
      tpu.wait_dma2 semaphore(%run_scoped3A_74 : memref<!tpu.dma_semaphore, #tpu.memory_space<semaphore_mem>>) src(%dma_wait3A_90 : memref<40x128xi32, #tpu.memory_space<hbm>>) dst(%arg10 : memref<40x128xi32, #tpu.memory_space<vmem>>)
      tpu.yield
    }) : () -> ()
    "tpu.region"() ({
      %run_scoped3A_74 = tpu.sem_alloc : memref<!tpu.dma_semaphore, #tpu.memory_space<semaphore_mem>>
      %dma_start3A_75 = arith.constant 0 : i32
      %dma_start3A_76 = arith.constant 0 : i32
      %dma_start3A_77 = tpu.memref_slice %arg5[%add3A, %dma_start3A_75, %dma_start3A_76] : memref<32x80x128xi32, #tpu.memory_space<hbm>> -> memref<1x40x128xi32, #tpu.memory_space<hbm>>
      %dma_start3A_78 = tpu.memref_squeeze %dma_start3A_77 : memref<1x40x128xi32, #tpu.memory_space<hbm>> -> memref<40x128xi32, #tpu.memory_space<hbm>>
      %dma_start3A_79 = arith.constant 0 : i32
      %dma_start3A_80 = arith.constant 0 : i32
      %dma_start3A_81 = tpu.memref_slice %arg5[%add3A, %dma_start3A_79, %dma_start3A_80] : memref<32x80x128xi32, #tpu.memory_space<hbm>> -> memref<1x40x128xi32, #tpu.memory_space<hbm>>
      %dma_start3A_82 = tpu.memref_squeeze %dma_start3A_81 : memref<1x40x128xi32, #tpu.memory_space<hbm>> -> memref<40x128xi32, #tpu.memory_space<hbm>>
      tpu.enqueue_dma source(%dma_start3A_82 : memref<40x128xi32, #tpu.memory_space<hbm>>) target(%arg11 : memref<40x128xi32, #tpu.memory_space<vmem>>) target_semaphore(%run_scoped3A_74 : memref<!tpu.dma_semaphore, #tpu.memory_space<semaphore_mem>>)
      %dma_wait3A_83 = arith.constant 0 : i32
      %dma_wait3A_84 = arith.constant 0 : i32
      %dma_wait3A_85 = tpu.memref_slice %arg5[%add3A, %dma_wait3A_83, %dma_wait3A_84] : memref<32x80x128xi32, #tpu.memory_space<hbm>> -> memref<1x40x128xi32, #tpu.memory_space<hbm>>
      %dma_wait3A_86 = tpu.memref_squeeze %dma_wait3A_85 : memref<1x40x128xi32, #tpu.memory_space<hbm>> -> memref<40x128xi32, #tpu.memory_space<hbm>>
      %dma_wait3A_87 = arith.constant 0 : i32
      %dma_wait3A_88 = arith.constant 0 : i32
      %dma_wait3A_89 = tpu.memref_slice %arg5[%add3A, %dma_wait3A_87, %dma_wait3A_88] : memref<32x80x128xi32, #tpu.memory_space<hbm>> -> memref<1x40x128xi32, #tpu.memory_space<hbm>>
      %dma_wait3A_90 = tpu.memref_squeeze %dma_wait3A_89 : memref<1x40x128xi32, #tpu.memory_space<hbm>> -> memref<40x128xi32, #tpu.memory_space<hbm>>
      tpu.wait_dma2 semaphore(%run_scoped3A_74 : memref<!tpu.dma_semaphore, #tpu.memory_space<semaphore_mem>>) src(%dma_wait3A_90 : memref<40x128xi32, #tpu.memory_space<hbm>>) dst(%arg11 : memref<40x128xi32, #tpu.memory_space<vmem>>)
      tpu.yield
    }) : () -> ()
    %dma_start3A = arith.constant 0 : i32
    %dma_start3A_3 = arith.constant 0 : i32
    %dma_start3A_4 = tpu.memref_slice %arg10[%dma_start3A, %dma_start3A_3] : memref<40x128xi32, #tpu.memory_space<vmem>> -> memref<1x128xi32, #tpu.memory_space<vmem>>
    %dma_start3A_5 = tpu.memref_squeeze %dma_start3A_4 : memref<1x128xi32, #tpu.memory_space<vmem>> -> memref<128xi32, #tpu.memory_space<vmem>>
    %dma_start3A_6 = arith.constant 0 : i32
    %dma_start3A_7 = arith.constant 0 : i32
    %dma_start3A_8 = tpu.memref_slice %arg2[%dma_start3A_6, %dma_start3A_7] : memref<10000x128xf32, #tpu.memory_space<hbm>> -> memref<10000x128xf32, #tpu.memory_space<hbm>>
    tpu.enqueue_indirect_dma source(%dma_start3A_8 : memref<10000x128xf32, #tpu.memory_space<hbm>>) target(%arg12 : memref<128x128xf32, #tpu.memory_space<vmem>>) offsets(%dma_start3A_5 : memref<128xi32, #tpu.memory_space<vmem>>) semaphore(%arg14 : memref<!tpu.dma_semaphore, #tpu.memory_space<semaphore_mem>>)
    %scan3A = arith.constant 0 : i32
    %scan3A_9 = arith.constant 0 : i32
    %scan3A_10 = arith.constant 19 : i32
    %scan3A_11 = arith.addi %scan3A_9, %scan3A_10 : i32
    %scan3A_12 = arith.constant 1 : i32
    scf.for %scan3A_74 = %scan3A_9 to %scan3A_11 step %scan3A_12  : i32 {
      %mul3A_75 = arith.constant 2 : i32
      %mul3A_76 = arith.muli %mul3A_75, %scan3A_74 : i32
      %add3A_77 = arith.constant 1 : i32
      %add3A_78 = arith.addi %mul3A_76, %add3A_77 : i32
      %dma_start3A_79 = arith.constant 0 : i32
      %dma_start3A_80 = tpu.memref_slice %arg10[%add3A_78, %dma_start3A_79] : memref<40x128xi32, #tpu.memory_space<vmem>> -> memref<1x128xi32, #tpu.memory_space<vmem>>
      %dma_start3A_81 = tpu.memref_squeeze %dma_start3A_80 : memref<1x128xi32, #tpu.memory_space<vmem>> -> memref<128xi32, #tpu.memory_space<vmem>>
      %dma_start3A_82 = arith.constant 0 : i32
      %dma_start3A_83 = arith.constant 0 : i32
      %dma_start3A_84 = tpu.memref_slice %arg2[%dma_start3A_82, %dma_start3A_83] : memref<10000x128xf32, #tpu.memory_space<hbm>> -> memref<10000x128xf32, #tpu.memory_space<hbm>>
      tpu.enqueue_indirect_dma source(%dma_start3A_84 : memref<10000x128xf32, #tpu.memory_space<hbm>>) target(%arg13 : memref<128x128xf32, #tpu.memory_space<vmem>>) offsets(%dma_start3A_81 : memref<128xi32, #tpu.memory_space<vmem>>) semaphore(%arg15 : memref<!tpu.dma_semaphore, #tpu.memory_space<semaphore_mem>>)
      %dma_wait3A_85 = arith.constant 0 : i32
      %dma_wait3A_86 = tpu.memref_slice %arg10[%mul3A_76, %dma_wait3A_85] : memref<40x128xi32, #tpu.memory_space<vmem>> -> memref<1x128xi32, #tpu.memory_space<vmem>>
      %dma_wait3A_87 = tpu.memref_squeeze %dma_wait3A_86 : memref<1x128xi32, #tpu.memory_space<vmem>> -> memref<128xi32, #tpu.memory_space<vmem>>
      %dma_wait3A_88 = arith.constant 0 : i32
      %dma_wait3A_89 = arith.constant 0 : i32
      %dma_wait3A_90 = tpu.memref_slice %arg2[%dma_wait3A_88, %dma_wait3A_89] : memref<10000x128xf32, #tpu.memory_space<hbm>> -> memref<10000x128xf32, #tpu.memory_space<hbm>>
      tpu.wait_indirect_dma semaphore(%arg14 : memref<!tpu.dma_semaphore, #tpu.memory_space<semaphore_mem>>) src(%dma_wait3A_90 : memref<10000x128xf32, #tpu.memory_space<hbm>>) dst(%arg12 : memref<128x128xf32, #tpu.memory_space<vmem>>)
      "tpu.region"() ({
        %run_scoped3A_109 = tpu.sem_alloc : memref<!tpu.dma_semaphore, #tpu.memory_space<semaphore_mem>>
        %dma_start3A_110 = arith.constant 0 : i32
        %dma_start3A_111 = tpu.memref_slice %arg11[%mul3A_76, %dma_start3A_110] : memref<40x128xi32, #tpu.memory_space<vmem>> -> memref<1x128xi32, #tpu.memory_space<vmem>>
        %dma_start3A_112 = tpu.memref_squeeze %dma_start3A_111 : memref<1x128xi32, #tpu.memory_space<vmem>> -> memref<128xi32, #tpu.memory_space<vmem>>
        %dma_start3A_113 = arith.constant 0 : i32
        %dma_start3A_114 = arith.constant 0 : i32
        %dma_start3A_115 = tpu.memref_slice %arg9[%dma_start3A_113, %dma_start3A_114] : memref<10240x128xf32, #tpu.memory_space<vmem_shared>> -> memref<10240x128xf32, #tpu.memory_space<vmem_shared>>
        tpu.enqueue_indirect_dma source(%arg12 : memref<128x128xf32, #tpu.memory_space<vmem>>) target(%dma_start3A_115 : memref<10240x128xf32, #tpu.memory_space<vmem_shared>>) offsets(%dma_start3A_112 : memref<128xi32, #tpu.memory_space<vmem>>) semaphore(%run_scoped3A_109 : memref<!tpu.dma_semaphore, #tpu.memory_space<semaphore_mem>>) {add = true}
        %dma_wait3A_116 = arith.constant 0 : i32
        %dma_wait3A_117 = tpu.memref_slice %arg11[%mul3A_76, %dma_wait3A_116] : memref<40x128xi32, #tpu.memory_space<vmem>> -> memref<1x128xi32, #tpu.memory_space<vmem>>
        %dma_wait3A_118 = tpu.memref_squeeze %dma_wait3A_117 : memref<1x128xi32, #tpu.memory_space<vmem>> -> memref<128xi32, #tpu.memory_space<vmem>>
        %dma_wait3A_119 = arith.constant 0 : i32
        %dma_wait3A_120 = arith.constant 0 : i32
        %dma_wait3A_121 = tpu.memref_slice %arg9[%dma_wait3A_119, %dma_wait3A_120] : memref<10240x128xf32, #tpu.memory_space<vmem_shared>> -> memref<10240x128xf32, #tpu.memory_space<vmem_shared>>
        tpu.wait_indirect_dma semaphore(%run_scoped3A_109 : memref<!tpu.dma_semaphore, #tpu.memory_space<semaphore_mem>>) src(%arg12 : memref<128x128xf32, #tpu.memory_space<vmem>>) dst(%dma_wait3A_121 : memref<10240x128xf32, #tpu.memory_space<vmem_shared>>)
        tpu.yield
      }) : () -> ()
      %add3A_91 = arith.constant 2 : i32
      %add3A_92 = arith.addi %mul3A_76, %add3A_91 : i32
      %dma_start3A_93 = arith.constant 0 : i32
      %dma_start3A_94 = tpu.memref_slice %arg10[%add3A_92, %dma_start3A_93] : memref<40x128xi32, #tpu.memory_space<vmem>> -> memref<1x128xi32, #tpu.memory_space<vmem>>
      %dma_start3A_95 = tpu.memref_squeeze %dma_start3A_94 : memref<1x128xi32, #tpu.memory_space<vmem>> -> memref<128xi32, #tpu.memory_space<vmem>>
      %dma_start3A_96 = arith.constant 0 : i32
      %dma_start3A_97 = arith.constant 0 : i32
      %dma_start3A_98 = tpu.memref_slice %arg2[%dma_start3A_96, %dma_start3A_97] : memref<10000x128xf32, #tpu.memory_space<hbm>> -> memref<10000x128xf32, #tpu.memory_space<hbm>>
      tpu.enqueue_indirect_dma source(%dma_start3A_98 : memref<10000x128xf32, #tpu.memory_space<hbm>>) target(%arg12 : memref<128x128xf32, #tpu.memory_space<vmem>>) offsets(%dma_start3A_95 : memref<128xi32, #tpu.memory_space<vmem>>) semaphore(%arg14 : memref<!tpu.dma_semaphore, #tpu.memory_space<semaphore_mem>>)
      %add3A_99 = arith.constant 1 : i32
      %add3A_100 = arith.addi %mul3A_76, %add3A_99 : i32
      %dma_wait3A_101 = arith.constant 0 : i32
      %dma_wait3A_102 = tpu.memref_slice %arg10[%add3A_100, %dma_wait3A_101] : memref<40x128xi32, #tpu.memory_space<vmem>> -> memref<1x128xi32, #tpu.memory_space<vmem>>
      %dma_wait3A_103 = tpu.memref_squeeze %dma_wait3A_102 : memref<1x128xi32, #tpu.memory_space<vmem>> -> memref<128xi32, #tpu.memory_space<vmem>>
      %dma_wait3A_104 = arith.constant 0 : i32
      %dma_wait3A_105 = arith.constant 0 : i32
      %dma_wait3A_106 = tpu.memref_slice %arg2[%dma_wait3A_104, %dma_wait3A_105] : memref<10000x128xf32, #tpu.memory_space<hbm>> -> memref<10000x128xf32, #tpu.memory_space<hbm>>
      tpu.wait_indirect_dma semaphore(%arg15 : memref<!tpu.dma_semaphore, #tpu.memory_space<semaphore_mem>>) src(%dma_wait3A_106 : memref<10000x128xf32, #tpu.memory_space<hbm>>) dst(%arg13 : memref<128x128xf32, #tpu.memory_space<vmem>>)
      %add3A_107 = arith.constant 1 : i32
      %add3A_108 = arith.addi %mul3A_76, %add3A_107 : i32
      "tpu.region"() ({
        %run_scoped3A_109 = tpu.sem_alloc : memref<!tpu.dma_semaphore, #tpu.memory_space<semaphore_mem>>
        %dma_start3A_110 = arith.constant 0 : i32
        %dma_start3A_111 = tpu.memref_slice %arg11[%add3A_108, %dma_start3A_110] : memref<40x128xi32, #tpu.memory_space<vmem>> -> memref<1x128xi32, #tpu.memory_space<vmem>>
        %dma_start3A_112 = tpu.memref_squeeze %dma_start3A_111 : memref<1x128xi32, #tpu.memory_space<vmem>> -> memref<128xi32, #tpu.memory_space<vmem>>
        %dma_start3A_113 = arith.constant 0 : i32
        %dma_start3A_114 = arith.constant 0 : i32
        %dma_start3A_115 = tpu.memref_slice %arg9[%dma_start3A_113, %dma_start3A_114] : memref<10240x128xf32, #tpu.memory_space<vmem_shared>> -> memref<10240x128xf32, #tpu.memory_space<vmem_shared>>
        tpu.enqueue_indirect_dma source(%arg13 : memref<128x128xf32, #tpu.memory_space<vmem>>) target(%dma_start3A_115 : memref<10240x128xf32, #tpu.memory_space<vmem_shared>>) offsets(%dma_start3A_112 : memref<128xi32, #tpu.memory_space<vmem>>) semaphore(%run_scoped3A_109 : memref<!tpu.dma_semaphore, #tpu.memory_space<semaphore_mem>>) {add = true}
        %dma_wait3A_116 = arith.constant 0 : i32
        %dma_wait3A_117 = tpu.memref_slice %arg11[%add3A_108, %dma_wait3A_116] : memref<40x128xi32, #tpu.memory_space<vmem>> -> memref<1x128xi32, #tpu.memory_space<vmem>>
        %dma_wait3A_118 = tpu.memref_squeeze %dma_wait3A_117 : memref<1x128xi32, #tpu.memory_space<vmem>> -> memref<128xi32, #tpu.memory_space<vmem>>
        %dma_wait3A_119 = arith.constant 0 : i32
        %dma_wait3A_120 = arith.constant 0 : i32
        %dma_wait3A_121 = tpu.memref_slice %arg9[%dma_wait3A_119, %dma_wait3A_120] : memref<10240x128xf32, #tpu.memory_space<vmem_shared>> -> memref<10240x128xf32, #tpu.memory_space<vmem_shared>>
        tpu.wait_indirect_dma semaphore(%run_scoped3A_109 : memref<!tpu.dma_semaphore, #tpu.memory_space<semaphore_mem>>) src(%arg13 : memref<128x128xf32, #tpu.memory_space<vmem>>) dst(%dma_wait3A_121 : memref<10240x128xf32, #tpu.memory_space<vmem_shared>>)
        tpu.yield
      }) : () -> ()
    }
    %scan3A_13 = arith.constant 19 : i32
    %dma_start3A_14 = arith.constant 39 : i32
    %dma_start3A_15 = arith.constant 0 : i32
    %dma_start3A_16 = tpu.memref_slice %arg10[%dma_start3A_14, %dma_start3A_15] : memref<40x128xi32, #tpu.memory_space<vmem>> -> memref<1x128xi32, #tpu.memory_space<vmem>>
    %dma_start3A_17 = tpu.memref_squeeze %dma_start3A_16 : memref<1x128xi32, #tpu.memory_space<vmem>> -> memref<128xi32, #tpu.memory_space<vmem>>
    %dma_start3A_18 = arith.constant 0 : i32
    %dma_start3A_19 = arith.constant 0 : i32
    %dma_start3A_20 = tpu.memref_slice %arg2[%dma_start3A_18, %dma_start3A_19] : memref<10000x128xf32, #tpu.memory_space<hbm>> -> memref<10000x128xf32, #tpu.memory_space<hbm>>
    tpu.enqueue_indirect_dma source(%dma_start3A_20 : memref<10000x128xf32, #tpu.memory_space<hbm>>) target(%arg13 : memref<128x128xf32, #tpu.memory_space<vmem>>) offsets(%dma_start3A_17 : memref<128xi32, #tpu.memory_space<vmem>>) semaphore(%arg15 : memref<!tpu.dma_semaphore, #tpu.memory_space<semaphore_mem>>)
    %dma_wait3A = arith.constant 38 : i32
    %dma_wait3A_21 = arith.constant 0 : i32
    %dma_wait3A_22 = tpu.memref_slice %arg10[%dma_wait3A, %dma_wait3A_21] : memref<40x128xi32, #tpu.memory_space<vmem>> -> memref<1x128xi32, #tpu.memory_space<vmem>>
    %dma_wait3A_23 = tpu.memref_squeeze %dma_wait3A_22 : memref<1x128xi32, #tpu.memory_space<vmem>> -> memref<128xi32, #tpu.memory_space<vmem>>
    %dma_wait3A_24 = arith.constant 0 : i32
    %dma_wait3A_25 = arith.constant 0 : i32
    %dma_wait3A_26 = tpu.memref_slice %arg2[%dma_wait3A_24, %dma_wait3A_25] : memref<10000x128xf32, #tpu.memory_space<hbm>> -> memref<10000x128xf32, #tpu.memory_space<hbm>>
    tpu.wait_indirect_dma semaphore(%arg14 : memref<!tpu.dma_semaphore, #tpu.memory_space<semaphore_mem>>) src(%dma_wait3A_26 : memref<10000x128xf32, #tpu.memory_space<hbm>>) dst(%arg12 : memref<128x128xf32, #tpu.memory_space<vmem>>)
    %run_scoped3A = arith.constant 38 : i32
    "tpu.region"() ({
      %run_scoped3A_74 = tpu.sem_alloc : memref<!tpu.dma_semaphore, #tpu.memory_space<semaphore_mem>>
      %dma_start3A_75 = arith.constant 0 : i32
      %dma_start3A_76 = tpu.memref_slice %arg11[%run_scoped3A, %dma_start3A_75] : memref<40x128xi32, #tpu.memory_space<vmem>> -> memref<1x128xi32, #tpu.memory_space<vmem>>
      %dma_start3A_77 = tpu.memref_squeeze %dma_start3A_76 : memref<1x128xi32, #tpu.memory_space<vmem>> -> memref<128xi32, #tpu.memory_space<vmem>>
      %dma_start3A_78 = arith.constant 0 : i32
      %dma_start3A_79 = arith.constant 0 : i32
      %dma_start3A_80 = tpu.memref_slice %arg9[%dma_start3A_78, %dma_start3A_79] : memref<10240x128xf32, #tpu.memory_space<vmem_shared>> -> memref<10240x128xf32, #tpu.memory_space<vmem_shared>>
      tpu.enqueue_indirect_dma source(%arg12 : memref<128x128xf32, #tpu.memory_space<vmem>>) target(%dma_start3A_80 : memref<10240x128xf32, #tpu.memory_space<vmem_shared>>) offsets(%dma_start3A_77 : memref<128xi32, #tpu.memory_space<vmem>>) semaphore(%run_scoped3A_74 : memref<!tpu.dma_semaphore, #tpu.memory_space<semaphore_mem>>) {add = true}
      %dma_wait3A_81 = arith.constant 0 : i32
      %dma_wait3A_82 = tpu.memref_slice %arg11[%run_scoped3A, %dma_wait3A_81] : memref<40x128xi32, #tpu.memory_space<vmem>> -> memref<1x128xi32, #tpu.memory_space<vmem>>
      %dma_wait3A_83 = tpu.memref_squeeze %dma_wait3A_82 : memref<1x128xi32, #tpu.memory_space<vmem>> -> memref<128xi32, #tpu.memory_space<vmem>>
      %dma_wait3A_84 = arith.constant 0 : i32
      %dma_wait3A_85 = arith.constant 0 : i32
      %dma_wait3A_86 = tpu.memref_slice %arg9[%dma_wait3A_84, %dma_wait3A_85] : memref<10240x128xf32, #tpu.memory_space<vmem_shared>> -> memref<10240x128xf32, #tpu.memory_space<vmem_shared>>
      tpu.wait_indirect_dma semaphore(%run_scoped3A_74 : memref<!tpu.dma_semaphore, #tpu.memory_space<semaphore_mem>>) src(%arg12 : memref<128x128xf32, #tpu.memory_space<vmem>>) dst(%dma_wait3A_86 : memref<10240x128xf32, #tpu.memory_space<vmem_shared>>)
      tpu.yield
    }) : () -> ()
    %dma_wait3A_27 = arith.constant 39 : i32
    %dma_wait3A_28 = arith.constant 0 : i32
    %dma_wait3A_29 = tpu.memref_slice %arg10[%dma_wait3A_27, %dma_wait3A_28] : memref<40x128xi32, #tpu.memory_space<vmem>> -> memref<1x128xi32, #tpu.memory_space<vmem>>
    %dma_wait3A_30 = tpu.memref_squeeze %dma_wait3A_29 : memref<1x128xi32, #tpu.memory_space<vmem>> -> memref<128xi32, #tpu.memory_space<vmem>>
    %dma_wait3A_31 = arith.constant 0 : i32
    %dma_wait3A_32 = arith.constant 0 : i32
    %dma_wait3A_33 = tpu.memref_slice %arg2[%dma_wait3A_31, %dma_wait3A_32] : memref<10000x128xf32, #tpu.memory_space<hbm>> -> memref<10000x128xf32, #tpu.memory_space<hbm>>
    tpu.wait_indirect_dma semaphore(%arg15 : memref<!tpu.dma_semaphore, #tpu.memory_space<semaphore_mem>>) src(%dma_wait3A_33 : memref<10000x128xf32, #tpu.memory_space<hbm>>) dst(%arg13 : memref<128x128xf32, #tpu.memory_space<vmem>>)
    %run_scoped3A_34 = arith.constant 39 : i32
    "tpu.region"() ({
      %run_scoped3A_74 = tpu.sem_alloc : memref<!tpu.dma_semaphore, #tpu.memory_space<semaphore_mem>>
      %dma_start3A_75 = arith.constant 0 : i32
      %dma_start3A_76 = tpu.memref_slice %arg11[%run_scoped3A_34, %dma_start3A_75] : memref<40x128xi32, #tpu.memory_space<vmem>> -> memref<1x128xi32, #tpu.memory_space<vmem>>
      %dma_start3A_77 = tpu.memref_squeeze %dma_start3A_76 : memref<1x128xi32, #tpu.memory_space<vmem>> -> memref<128xi32, #tpu.memory_space<vmem>>
      %dma_start3A_78 = arith.constant 0 : i32
      %dma_start3A_79 = arith.constant 0 : i32
      %dma_start3A_80 = tpu.memref_slice %arg9[%dma_start3A_78, %dma_start3A_79] : memref<10240x128xf32, #tpu.memory_space<vmem_shared>> -> memref<10240x128xf32, #tpu.memory_space<vmem_shared>>
      tpu.enqueue_indirect_dma source(%arg13 : memref<128x128xf32, #tpu.memory_space<vmem>>) target(%dma_start3A_80 : memref<10240x128xf32, #tpu.memory_space<vmem_shared>>) offsets(%dma_start3A_77 : memref<128xi32, #tpu.memory_space<vmem>>) semaphore(%run_scoped3A_74 : memref<!tpu.dma_semaphore, #tpu.memory_space<semaphore_mem>>) {add = true}
      %dma_wait3A_81 = arith.constant 0 : i32
      %dma_wait3A_82 = tpu.memref_slice %arg11[%run_scoped3A_34, %dma_wait3A_81] : memref<40x128xi32, #tpu.memory_space<vmem>> -> memref<1x128xi32, #tpu.memory_space<vmem>>
      %dma_wait3A_83 = tpu.memref_squeeze %dma_wait3A_82 : memref<1x128xi32, #tpu.memory_space<vmem>> -> memref<128xi32, #tpu.memory_space<vmem>>
      %dma_wait3A_84 = arith.constant 0 : i32
      %dma_wait3A_85 = arith.constant 0 : i32
      %dma_wait3A_86 = tpu.memref_slice %arg9[%dma_wait3A_84, %dma_wait3A_85] : memref<10240x128xf32, #tpu.memory_space<vmem_shared>> -> memref<10240x128xf32, #tpu.memory_space<vmem_shared>>
      tpu.wait_indirect_dma semaphore(%run_scoped3A_74 : memref<!tpu.dma_semaphore, #tpu.memory_space<semaphore_mem>>) src(%arg13 : memref<128x128xf32, #tpu.memory_space<vmem>>) dst(%dma_wait3A_86 : memref<10240x128xf32, #tpu.memory_space<vmem_shared>>)
      tpu.yield
    }) : () -> ()
    "tpu.region"() ({
      %run_scoped3A_74 = tpu.sem_alloc : memref<!tpu.dma_semaphore, #tpu.memory_space<semaphore_mem>>
      %dma_start3A_75 = arith.constant 40 : i32
      %dma_start3A_76 = arith.constant 0 : i32
      %dma_start3A_77 = tpu.memref_slice %arg3[%add3A, %dma_start3A_75, %dma_start3A_76] : memref<32x80x128xi32, #tpu.memory_space<hbm>> -> memref<1x40x128xi32, #tpu.memory_space<hbm>>
      %dma_start3A_78 = tpu.memref_squeeze %dma_start3A_77 : memref<1x40x128xi32, #tpu.memory_space<hbm>> -> memref<40x128xi32, #tpu.memory_space<hbm>>
      %dma_start3A_79 = arith.constant 40 : i32
      %dma_start3A_80 = arith.constant 0 : i32
      %dma_start3A_81 = tpu.memref_slice %arg3[%add3A, %dma_start3A_79, %dma_start3A_80] : memref<32x80x128xi32, #tpu.memory_space<hbm>> -> memref<1x40x128xi32, #tpu.memory_space<hbm>>
      %dma_start3A_82 = tpu.memref_squeeze %dma_start3A_81 : memref<1x40x128xi32, #tpu.memory_space<hbm>> -> memref<40x128xi32, #tpu.memory_space<hbm>>
      tpu.enqueue_dma source(%dma_start3A_82 : memref<40x128xi32, #tpu.memory_space<hbm>>) target(%arg10 : memref<40x128xi32, #tpu.memory_space<vmem>>) target_semaphore(%run_scoped3A_74 : memref<!tpu.dma_semaphore, #tpu.memory_space<semaphore_mem>>)
      %dma_wait3A_83 = arith.constant 40 : i32
      %dma_wait3A_84 = arith.constant 0 : i32
      %dma_wait3A_85 = tpu.memref_slice %arg3[%add3A, %dma_wait3A_83, %dma_wait3A_84] : memref<32x80x128xi32, #tpu.memory_space<hbm>> -> memref<1x40x128xi32, #tpu.memory_space<hbm>>
      %dma_wait3A_86 = tpu.memref_squeeze %dma_wait3A_85 : memref<1x40x128xi32, #tpu.memory_space<hbm>> -> memref<40x128xi32, #tpu.memory_space<hbm>>
      %dma_wait3A_87 = arith.constant 40 : i32
      %dma_wait3A_88 = arith.constant 0 : i32
      %dma_wait3A_89 = tpu.memref_slice %arg3[%add3A, %dma_wait3A_87, %dma_wait3A_88] : memref<32x80x128xi32, #tpu.memory_space<hbm>> -> memref<1x40x128xi32, #tpu.memory_space<hbm>>
      %dma_wait3A_90 = tpu.memref_squeeze %dma_wait3A_89 : memref<1x40x128xi32, #tpu.memory_space<hbm>> -> memref<40x128xi32, #tpu.memory_space<hbm>>
      tpu.wait_dma2 semaphore(%run_scoped3A_74 : memref<!tpu.dma_semaphore, #tpu.memory_space<semaphore_mem>>) src(%dma_wait3A_90 : memref<40x128xi32, #tpu.memory_space<hbm>>) dst(%arg10 : memref<40x128xi32, #tpu.memory_space<vmem>>)
      tpu.yield
    }) : () -> ()
    "tpu.region"() ({
      %run_scoped3A_74 = tpu.sem_alloc : memref<!tpu.dma_semaphore, #tpu.memory_space<semaphore_mem>>
      %dma_start3A_75 = arith.constant 40 : i32
      %dma_start3A_76 = arith.constant 0 : i32
      %dma_start3A_77 = tpu.memref_slice %arg5[%add3A, %dma_start3A_75, %dma_start3A_76] : memref<32x80x128xi32, #tpu.memory_space<hbm>> -> memref<1x40x128xi32, #tpu.memory_space<hbm>>
      %dma_start3A_78 = tpu.memref_squeeze %dma_start3A_77 : memref<1x40x128xi32, #tpu.memory_space<hbm>> -> memref<40x128xi32, #tpu.memory_space<hbm>>
      %dma_start3A_79 = arith.constant 40 : i32
      %dma_start3A_80 = arith.constant 0 : i32
      %dma_start3A_81 = tpu.memref_slice %arg5[%add3A, %dma_start3A_79, %dma_start3A_80] : memref<32x80x128xi32, #tpu.memory_space<hbm>> -> memref<1x40x128xi32, #tpu.memory_space<hbm>>
      %dma_start3A_82 = tpu.memref_squeeze %dma_start3A_81 : memref<1x40x128xi32, #tpu.memory_space<hbm>> -> memref<40x128xi32, #tpu.memory_space<hbm>>
      tpu.enqueue_dma source(%dma_start3A_82 : memref<40x128xi32, #tpu.memory_space<hbm>>) target(%arg11 : memref<40x128xi32, #tpu.memory_space<vmem>>) target_semaphore(%run_scoped3A_74 : memref<!tpu.dma_semaphore, #tpu.memory_space<semaphore_mem>>)
      %dma_wait3A_83 = arith.constant 40 : i32
      %dma_wait3A_84 = arith.constant 0 : i32
      %dma_wait3A_85 = tpu.memref_slice %arg5[%add3A, %dma_wait3A_83, %dma_wait3A_84] : memref<32x80x128xi32, #tpu.memory_space<hbm>> -> memref<1x40x128xi32, #tpu.memory_space<hbm>>
      %dma_wait3A_86 = tpu.memref_squeeze %dma_wait3A_85 : memref<1x40x128xi32, #tpu.memory_space<hbm>> -> memref<40x128xi32, #tpu.memory_space<hbm>>
      %dma_wait3A_87 = arith.constant 40 : i32
      %dma_wait3A_88 = arith.constant 0 : i32
      %dma_wait3A_89 = tpu.memref_slice %arg5[%add3A, %dma_wait3A_87, %dma_wait3A_88] : memref<32x80x128xi32, #tpu.memory_space<hbm>> -> memref<1x40x128xi32, #tpu.memory_space<hbm>>
      %dma_wait3A_90 = tpu.memref_squeeze %dma_wait3A_89 : memref<1x40x128xi32, #tpu.memory_space<hbm>> -> memref<40x128xi32, #tpu.memory_space<hbm>>
      tpu.wait_dma2 semaphore(%run_scoped3A_74 : memref<!tpu.dma_semaphore, #tpu.memory_space<semaphore_mem>>) src(%dma_wait3A_90 : memref<40x128xi32, #tpu.memory_space<hbm>>) dst(%arg11 : memref<40x128xi32, #tpu.memory_space<vmem>>)
      tpu.yield
    }) : () -> ()
    %dma_start3A_35 = arith.constant 0 : i32
    %dma_start3A_36 = arith.constant 0 : i32
    %dma_start3A_37 = tpu.memref_slice %arg10[%dma_start3A_35, %dma_start3A_36] : memref<40x128xi32, #tpu.memory_space<vmem>> -> memref<1x128xi32, #tpu.memory_space<vmem>>
    %dma_start3A_38 = tpu.memref_squeeze %dma_start3A_37 : memref<1x128xi32, #tpu.memory_space<vmem>> -> memref<128xi32, #tpu.memory_space<vmem>>
    %dma_start3A_39 = arith.constant 0 : i32
    %dma_start3A_40 = arith.constant 0 : i32
    %dma_start3A_41 = tpu.memref_slice %arg2[%dma_start3A_39, %dma_start3A_40] : memref<10000x128xf32, #tpu.memory_space<hbm>> -> memref<10000x128xf32, #tpu.memory_space<hbm>>
    tpu.enqueue_indirect_dma source(%dma_start3A_41 : memref<10000x128xf32, #tpu.memory_space<hbm>>) target(%arg12 : memref<128x128xf32, #tpu.memory_space<vmem>>) offsets(%dma_start3A_38 : memref<128xi32, #tpu.memory_space<vmem>>) semaphore(%arg14 : memref<!tpu.dma_semaphore, #tpu.memory_space<semaphore_mem>>)
    %scan3A_42 = arith.constant 0 : i32
    %scan3A_43 = arith.constant 0 : i32
    %scan3A_44 = arith.constant 19 : i32
    %scan3A_45 = arith.addi %scan3A_43, %scan3A_44 : i32
    %scan3A_46 = arith.constant 1 : i32
    scf.for %scan3A_74 = %scan3A_43 to %scan3A_45 step %scan3A_46  : i32 {
      %mul3A_75 = arith.constant 2 : i32
      %mul3A_76 = arith.muli %mul3A_75, %scan3A_74 : i32
      %add3A_77 = arith.constant 1 : i32
      %add3A_78 = arith.addi %mul3A_76, %add3A_77 : i32
      %dma_start3A_79 = arith.constant 0 : i32
      %dma_start3A_80 = tpu.memref_slice %arg10[%add3A_78, %dma_start3A_79] : memref<40x128xi32, #tpu.memory_space<vmem>> -> memref<1x128xi32, #tpu.memory_space<vmem>>
      %dma_start3A_81 = tpu.memref_squeeze %dma_start3A_80 : memref<1x128xi32, #tpu.memory_space<vmem>> -> memref<128xi32, #tpu.memory_space<vmem>>
      %dma_start3A_82 = arith.constant 0 : i32
      %dma_start3A_83 = arith.constant 0 : i32
      %dma_start3A_84 = tpu.memref_slice %arg2[%dma_start3A_82, %dma_start3A_83] : memref<10000x128xf32, #tpu.memory_space<hbm>> -> memref<10000x128xf32, #tpu.memory_space<hbm>>
      tpu.enqueue_indirect_dma source(%dma_start3A_84 : memref<10000x128xf32, #tpu.memory_space<hbm>>) target(%arg13 : memref<128x128xf32, #tpu.memory_space<vmem>>) offsets(%dma_start3A_81 : memref<128xi32, #tpu.memory_space<vmem>>) semaphore(%arg15 : memref<!tpu.dma_semaphore, #tpu.memory_space<semaphore_mem>>)
      %dma_wait3A_85 = arith.constant 0 : i32
      %dma_wait3A_86 = tpu.memref_slice %arg10[%mul3A_76, %dma_wait3A_85] : memref<40x128xi32, #tpu.memory_space<vmem>> -> memref<1x128xi32, #tpu.memory_space<vmem>>
      %dma_wait3A_87 = tpu.memref_squeeze %dma_wait3A_86 : memref<1x128xi32, #tpu.memory_space<vmem>> -> memref<128xi32, #tpu.memory_space<vmem>>
      %dma_wait3A_88 = arith.constant 0 : i32
      %dma_wait3A_89 = arith.constant 0 : i32
      %dma_wait3A_90 = tpu.memref_slice %arg2[%dma_wait3A_88, %dma_wait3A_89] : memref<10000x128xf32, #tpu.memory_space<hbm>> -> memref<10000x128xf32, #tpu.memory_space<hbm>>
      tpu.wait_indirect_dma semaphore(%arg14 : memref<!tpu.dma_semaphore, #tpu.memory_space<semaphore_mem>>) src(%dma_wait3A_90 : memref<10000x128xf32, #tpu.memory_space<hbm>>) dst(%arg12 : memref<128x128xf32, #tpu.memory_space<vmem>>)
      "tpu.region"() ({
        %run_scoped3A_109 = tpu.sem_alloc : memref<!tpu.dma_semaphore, #tpu.memory_space<semaphore_mem>>
        %dma_start3A_110 = arith.constant 0 : i32
        %dma_start3A_111 = tpu.memref_slice %arg11[%mul3A_76, %dma_start3A_110] : memref<40x128xi32, #tpu.memory_space<vmem>> -> memref<1x128xi32, #tpu.memory_space<vmem>>
        %dma_start3A_112 = tpu.memref_squeeze %dma_start3A_111 : memref<1x128xi32, #tpu.memory_space<vmem>> -> memref<128xi32, #tpu.memory_space<vmem>>
        %dma_start3A_113 = arith.constant 0 : i32
        %dma_start3A_114 = arith.constant 0 : i32
        %dma_start3A_115 = tpu.memref_slice %arg9[%dma_start3A_113, %dma_start3A_114] : memref<10240x128xf32, #tpu.memory_space<vmem_shared>> -> memref<10240x128xf32, #tpu.memory_space<vmem_shared>>
        tpu.enqueue_indirect_dma source(%arg12 : memref<128x128xf32, #tpu.memory_space<vmem>>) target(%dma_start3A_115 : memref<10240x128xf32, #tpu.memory_space<vmem_shared>>) offsets(%dma_start3A_112 : memref<128xi32, #tpu.memory_space<vmem>>) semaphore(%run_scoped3A_109 : memref<!tpu.dma_semaphore, #tpu.memory_space<semaphore_mem>>) {add = true}
        %dma_wait3A_116 = arith.constant 0 : i32
        %dma_wait3A_117 = tpu.memref_slice %arg11[%mul3A_76, %dma_wait3A_116] : memref<40x128xi32, #tpu.memory_space<vmem>> -> memref<1x128xi32, #tpu.memory_space<vmem>>
        %dma_wait3A_118 = tpu.memref_squeeze %dma_wait3A_117 : memref<1x128xi32, #tpu.memory_space<vmem>> -> memref<128xi32, #tpu.memory_space<vmem>>
        %dma_wait3A_119 = arith.constant 0 : i32
        %dma_wait3A_120 = arith.constant 0 : i32
        %dma_wait3A_121 = tpu.memref_slice %arg9[%dma_wait3A_119, %dma_wait3A_120] : memref<10240x128xf32, #tpu.memory_space<vmem_shared>> -> memref<10240x128xf32, #tpu.memory_space<vmem_shared>>
        tpu.wait_indirect_dma semaphore(%run_scoped3A_109 : memref<!tpu.dma_semaphore, #tpu.memory_space<semaphore_mem>>) src(%arg12 : memref<128x128xf32, #tpu.memory_space<vmem>>) dst(%dma_wait3A_121 : memref<10240x128xf32, #tpu.memory_space<vmem_shared>>)
        tpu.yield
      }) : () -> ()
      %add3A_91 = arith.constant 2 : i32
      %add3A_92 = arith.addi %mul3A_76, %add3A_91 : i32
      %dma_start3A_93 = arith.constant 0 : i32
      %dma_start3A_94 = tpu.memref_slice %arg10[%add3A_92, %dma_start3A_93] : memref<40x128xi32, #tpu.memory_space<vmem>> -> memref<1x128xi32, #tpu.memory_space<vmem>>
      %dma_start3A_95 = tpu.memref_squeeze %dma_start3A_94 : memref<1x128xi32, #tpu.memory_space<vmem>> -> memref<128xi32, #tpu.memory_space<vmem>>
      %dma_start3A_96 = arith.constant 0 : i32
      %dma_start3A_97 = arith.constant 0 : i32
      %dma_start3A_98 = tpu.memref_slice %arg2[%dma_start3A_96, %dma_start3A_97] : memref<10000x128xf32, #tpu.memory_space<hbm>> -> memref<10000x128xf32, #tpu.memory_space<hbm>>
      tpu.enqueue_indirect_dma source(%dma_start3A_98 : memref<10000x128xf32, #tpu.memory_space<hbm>>) target(%arg12 : memref<128x128xf32, #tpu.memory_space<vmem>>) offsets(%dma_start3A_95 : memref<128xi32, #tpu.memory_space<vmem>>) semaphore(%arg14 : memref<!tpu.dma_semaphore, #tpu.memory_space<semaphore_mem>>)
      %add3A_99 = arith.constant 1 : i32
      %add3A_100 = arith.addi %mul3A_76, %add3A_99 : i32
      %dma_wait3A_101 = arith.constant 0 : i32
      %dma_wait3A_102 = tpu.memref_slice %arg10[%add3A_100, %dma_wait3A_101] : memref<40x128xi32, #tpu.memory_space<vmem>> -> memref<1x128xi32, #tpu.memory_space<vmem>>
      %dma_wait3A_103 = tpu.memref_squeeze %dma_wait3A_102 : memref<1x128xi32, #tpu.memory_space<vmem>> -> memref<128xi32, #tpu.memory_space<vmem>>
      %dma_wait3A_104 = arith.constant 0 : i32
      %dma_wait3A_105 = arith.constant 0 : i32
      %dma_wait3A_106 = tpu.memref_slice %arg2[%dma_wait3A_104, %dma_wait3A_105] : memref<10000x128xf32, #tpu.memory_space<hbm>> -> memref<10000x128xf32, #tpu.memory_space<hbm>>
      tpu.wait_indirect_dma semaphore(%arg15 : memref<!tpu.dma_semaphore, #tpu.memory_space<semaphore_mem>>) src(%dma_wait3A_106 : memref<10000x128xf32, #tpu.memory_space<hbm>>) dst(%arg13 : memref<128x128xf32, #tpu.memory_space<vmem>>)
      %add3A_107 = arith.constant 1 : i32
      %add3A_108 = arith.addi %mul3A_76, %add3A_107 : i32
      "tpu.region"() ({
        %run_scoped3A_109 = tpu.sem_alloc : memref<!tpu.dma_semaphore, #tpu.memory_space<semaphore_mem>>
        %dma_start3A_110 = arith.constant 0 : i32
        %dma_start3A_111 = tpu.memref_slice %arg11[%add3A_108, %dma_start3A_110] : memref<40x128xi32, #tpu.memory_space<vmem>> -> memref<1x128xi32, #tpu.memory_space<vmem>>
        %dma_start3A_112 = tpu.memref_squeeze %dma_start3A_111 : memref<1x128xi32, #tpu.memory_space<vmem>> -> memref<128xi32, #tpu.memory_space<vmem>>
        %dma_start3A_113 = arith.constant 0 : i32
        %dma_start3A_114 = arith.constant 0 : i32
        %dma_start3A_115 = tpu.memref_slice %arg9[%dma_start3A_113, %dma_start3A_114] : memref<10240x128xf32, #tpu.memory_space<vmem_shared>> -> memref<10240x128xf32, #tpu.memory_space<vmem_shared>>
        tpu.enqueue_indirect_dma source(%arg13 : memref<128x128xf32, #tpu.memory_space<vmem>>) target(%dma_start3A_115 : memref<10240x128xf32, #tpu.memory_space<vmem_shared>>) offsets(%dma_start3A_112 : memref<128xi32, #tpu.memory_space<vmem>>) semaphore(%run_scoped3A_109 : memref<!tpu.dma_semaphore, #tpu.memory_space<semaphore_mem>>) {add = true}
        %dma_wait3A_116 = arith.constant 0 : i32
        %dma_wait3A_117 = tpu.memref_slice %arg11[%add3A_108, %dma_wait3A_116] : memref<40x128xi32, #tpu.memory_space<vmem>> -> memref<1x128xi32, #tpu.memory_space<vmem>>
        %dma_wait3A_118 = tpu.memref_squeeze %dma_wait3A_117 : memref<1x128xi32, #tpu.memory_space<vmem>> -> memref<128xi32, #tpu.memory_space<vmem>>
        %dma_wait3A_119 = arith.constant 0 : i32
        %dma_wait3A_120 = arith.constant 0 : i32
        %dma_wait3A_121 = tpu.memref_slice %arg9[%dma_wait3A_119, %dma_wait3A_120] : memref<10240x128xf32, #tpu.memory_space<vmem_shared>> -> memref<10240x128xf32, #tpu.memory_space<vmem_shared>>
        tpu.wait_indirect_dma semaphore(%run_scoped3A_109 : memref<!tpu.dma_semaphore, #tpu.memory_space<semaphore_mem>>) src(%arg13 : memref<128x128xf32, #tpu.memory_space<vmem>>) dst(%dma_wait3A_121 : memref<10240x128xf32, #tpu.memory_space<vmem_shared>>)
        tpu.yield
      }) : () -> ()
    }
    %scan3A_47 = arith.constant 19 : i32
    %dma_start3A_48 = arith.constant 39 : i32
    %dma_start3A_49 = arith.constant 0 : i32
    %dma_start3A_50 = tpu.memref_slice %arg10[%dma_start3A_48, %dma_start3A_49] : memref<40x128xi32, #tpu.memory_space<vmem>> -> memref<1x128xi32, #tpu.memory_space<vmem>>
    %dma_start3A_51 = tpu.memref_squeeze %dma_start3A_50 : memref<1x128xi32, #tpu.memory_space<vmem>> -> memref<128xi32, #tpu.memory_space<vmem>>
    %dma_start3A_52 = arith.constant 0 : i32
    %dma_start3A_53 = arith.constant 0 : i32
    %dma_start3A_54 = tpu.memref_slice %arg2[%dma_start3A_52, %dma_start3A_53] : memref<10000x128xf32, #tpu.memory_space<hbm>> -> memref<10000x128xf32, #tpu.memory_space<hbm>>
    tpu.enqueue_indirect_dma source(%dma_start3A_54 : memref<10000x128xf32, #tpu.memory_space<hbm>>) target(%arg13 : memref<128x128xf32, #tpu.memory_space<vmem>>) offsets(%dma_start3A_51 : memref<128xi32, #tpu.memory_space<vmem>>) semaphore(%arg15 : memref<!tpu.dma_semaphore, #tpu.memory_space<semaphore_mem>>)
    %dma_wait3A_55 = arith.constant 38 : i32
    %dma_wait3A_56 = arith.constant 0 : i32
    %dma_wait3A_57 = tpu.memref_slice %arg10[%dma_wait3A_55, %dma_wait3A_56] : memref<40x128xi32, #tpu.memory_space<vmem>> -> memref<1x128xi32, #tpu.memory_space<vmem>>
    %dma_wait3A_58 = tpu.memref_squeeze %dma_wait3A_57 : memref<1x128xi32, #tpu.memory_space<vmem>> -> memref<128xi32, #tpu.memory_space<vmem>>
    %dma_wait3A_59 = arith.constant 0 : i32
    %dma_wait3A_60 = arith.constant 0 : i32
    %dma_wait3A_61 = tpu.memref_slice %arg2[%dma_wait3A_59, %dma_wait3A_60] : memref<10000x128xf32, #tpu.memory_space<hbm>> -> memref<10000x128xf32, #tpu.memory_space<hbm>>
    tpu.wait_indirect_dma semaphore(%arg14 : memref<!tpu.dma_semaphore, #tpu.memory_space<semaphore_mem>>) src(%dma_wait3A_61 : memref<10000x128xf32, #tpu.memory_space<hbm>>) dst(%arg12 : memref<128x128xf32, #tpu.memory_space<vmem>>)
    %run_scoped3A_62 = arith.constant 38 : i32
    "tpu.region"() ({
      %run_scoped3A_74 = tpu.sem_alloc : memref<!tpu.dma_semaphore, #tpu.memory_space<semaphore_mem>>
      %dma_start3A_75 = arith.constant 0 : i32
      %dma_start3A_76 = tpu.memref_slice %arg11[%run_scoped3A_62, %dma_start3A_75] : memref<40x128xi32, #tpu.memory_space<vmem>> -> memref<1x128xi32, #tpu.memory_space<vmem>>
      %dma_start3A_77 = tpu.memref_squeeze %dma_start3A_76 : memref<1x128xi32, #tpu.memory_space<vmem>> -> memref<128xi32, #tpu.memory_space<vmem>>
      %dma_start3A_78 = arith.constant 0 : i32
      %dma_start3A_79 = arith.constant 0 : i32
      %dma_start3A_80 = tpu.memref_slice %arg9[%dma_start3A_78, %dma_start3A_79] : memref<10240x128xf32, #tpu.memory_space<vmem_shared>> -> memref<10240x128xf32, #tpu.memory_space<vmem_shared>>
      tpu.enqueue_indirect_dma source(%arg12 : memref<128x128xf32, #tpu.memory_space<vmem>>) target(%dma_start3A_80 : memref<10240x128xf32, #tpu.memory_space<vmem_shared>>) offsets(%dma_start3A_77 : memref<128xi32, #tpu.memory_space<vmem>>) semaphore(%run_scoped3A_74 : memref<!tpu.dma_semaphore, #tpu.memory_space<semaphore_mem>>) {add = true}
      %dma_wait3A_81 = arith.constant 0 : i32
      %dma_wait3A_82 = tpu.memref_slice %arg11[%run_scoped3A_62, %dma_wait3A_81] : memref<40x128xi32, #tpu.memory_space<vmem>> -> memref<1x128xi32, #tpu.memory_space<vmem>>
      %dma_wait3A_83 = tpu.memref_squeeze %dma_wait3A_82 : memref<1x128xi32, #tpu.memory_space<vmem>> -> memref<128xi32, #tpu.memory_space<vmem>>
      %dma_wait3A_84 = arith.constant 0 : i32
      %dma_wait3A_85 = arith.constant 0 : i32
      %dma_wait3A_86 = tpu.memref_slice %arg9[%dma_wait3A_84, %dma_wait3A_85] : memref<10240x128xf32, #tpu.memory_space<vmem_shared>> -> memref<10240x128xf32, #tpu.memory_space<vmem_shared>>
      tpu.wait_indirect_dma semaphore(%run_scoped3A_74 : memref<!tpu.dma_semaphore, #tpu.memory_space<semaphore_mem>>) src(%arg12 : memref<128x128xf32, #tpu.memory_space<vmem>>) dst(%dma_wait3A_86 : memref<10240x128xf32, #tpu.memory_space<vmem_shared>>)
      tpu.yield
    }) : () -> ()
    %dma_wait3A_63 = arith.constant 39 : i32
    %dma_wait3A_64 = arith.constant 0 : i32
    %dma_wait3A_65 = tpu.memref_slice %arg10[%dma_wait3A_63, %dma_wait3A_64] : memref<40x128xi32, #tpu.memory_space<vmem>> -> memref<1x128xi32, #tpu.memory_space<vmem>>
    %dma_wait3A_66 = tpu.memref_squeeze %dma_wait3A_65 : memref<1x128xi32, #tpu.memory_space<vmem>> -> memref<128xi32, #tpu.memory_space<vmem>>
    %dma_wait3A_67 = arith.constant 0 : i32
    %dma_wait3A_68 = arith.constant 0 : i32
    %dma_wait3A_69 = tpu.memref_slice %arg2[%dma_wait3A_67, %dma_wait3A_68] : memref<10000x128xf32, #tpu.memory_space<hbm>> -> memref<10000x128xf32, #tpu.memory_space<hbm>>
    tpu.wait_indirect_dma semaphore(%arg15 : memref<!tpu.dma_semaphore, #tpu.memory_space<semaphore_mem>>) src(%dma_wait3A_69 : memref<10000x128xf32, #tpu.memory_space<hbm>>) dst(%arg13 : memref<128x128xf32, #tpu.memory_space<vmem>>)
    %run_scoped3A_70 = arith.constant 39 : i32
    "tpu.region"() ({
      %run_scoped3A_74 = tpu.sem_alloc : memref<!tpu.dma_semaphore, #tpu.memory_space<semaphore_mem>>
      %dma_start3A_75 = arith.constant 0 : i32
      %dma_start3A_76 = tpu.memref_slice %arg11[%run_scoped3A_70, %dma_start3A_75] : memref<40x128xi32, #tpu.memory_space<vmem>> -> memref<1x128xi32, #tpu.memory_space<vmem>>
      %dma_start3A_77 = tpu.memref_squeeze %dma_start3A_76 : memref<1x128xi32, #tpu.memory_space<vmem>> -> memref<128xi32, #tpu.memory_space<vmem>>
      %dma_start3A_78 = arith.constant 0 : i32
      %dma_start3A_79 = arith.constant 0 : i32
      %dma_start3A_80 = tpu.memref_slice %arg9[%dma_start3A_78, %dma_start3A_79] : memref<10240x128xf32, #tpu.memory_space<vmem_shared>> -> memref<10240x128xf32, #tpu.memory_space<vmem_shared>>
      tpu.enqueue_indirect_dma source(%arg13 : memref<128x128xf32, #tpu.memory_space<vmem>>) target(%dma_start3A_80 : memref<10240x128xf32, #tpu.memory_space<vmem_shared>>) offsets(%dma_start3A_77 : memref<128xi32, #tpu.memory_space<vmem>>) semaphore(%run_scoped3A_74 : memref<!tpu.dma_semaphore, #tpu.memory_space<semaphore_mem>>) {add = true}
      %dma_wait3A_81 = arith.constant 0 : i32
      %dma_wait3A_82 = tpu.memref_slice %arg11[%run_scoped3A_70, %dma_wait3A_81] : memref<40x128xi32, #tpu.memory_space<vmem>> -> memref<1x128xi32, #tpu.memory_space<vmem>>
      %dma_wait3A_83 = tpu.memref_squeeze %dma_wait3A_82 : memref<1x128xi32, #tpu.memory_space<vmem>> -> memref<128xi32, #tpu.memory_space<vmem>>
      %dma_wait3A_84 = arith.constant 0 : i32
      %dma_wait3A_85 = arith.constant 0 : i32
      %dma_wait3A_86 = tpu.memref_slice %arg9[%dma_wait3A_84, %dma_wait3A_85] : memref<10240x128xf32, #tpu.memory_space<vmem_shared>> -> memref<10240x128xf32, #tpu.memory_space<vmem_shared>>
      tpu.wait_indirect_dma semaphore(%run_scoped3A_74 : memref<!tpu.dma_semaphore, #tpu.memory_space<semaphore_mem>>) src(%arg13 : memref<128x128xf32, #tpu.memory_space<vmem>>) dst(%dma_wait3A_86 : memref<10240x128xf32, #tpu.memory_space<vmem_shared>>)
      tpu.yield
    }) : () -> ()
    %barrier3A_71 = arith.constant 0 : index
    tpu.barrier barrier_id(%barrier3A_71)
    %run_scoped3A_72 = arith.constant 0 : i32
    "tpu.region"() ({
      %run_scoped3A_74 = tpu.sem_alloc : memref<!tpu.dma_semaphore, #tpu.memory_space<semaphore_mem>>
      %dma_start3A_75 = arith.constant 0 : i32
      %dma_start3A_76 = tpu.memref_slice %arg8[%run_scoped3A_72, %arg0, %mul3A_2, %dma_start3A_75] : memref<1x2x10240x128xf32, #tpu.memory_space<hbm>> -> memref<1x1x640x128xf32, #tpu.memory_space<hbm>>
      %dma_start3A_77 = tpu.memref_squeeze %dma_start3A_76 : memref<1x1x640x128xf32, #tpu.memory_space<hbm>> -> memref<640x128xf32, #tpu.memory_space<hbm>>
      %dma_start3A_78 = arith.constant 0 : i32
      %dma_start3A_79 = tpu.memref_slice %arg9[%mul3A_2, %dma_start3A_78] : memref<10240x128xf32, #tpu.memory_space<vmem_shared>> -> memref<640x128xf32, #tpu.memory_space<vmem_shared>>
      tpu.enqueue_dma source(%dma_start3A_79 : memref<640x128xf32, #tpu.memory_space<vmem_shared>>) target(%dma_start3A_77 : memref<640x128xf32, #tpu.memory_space<hbm>>) target_semaphore(%run_scoped3A_74 : memref<!tpu.dma_semaphore, #tpu.memory_space<semaphore_mem>>)
      %dma_wait3A_80 = arith.constant 0 : i32
      %dma_wait3A_81 = tpu.memref_slice %arg8[%run_scoped3A_72, %arg0, %mul3A_2, %dma_wait3A_80] : memref<1x2x10240x128xf32, #tpu.memory_space<hbm>> -> memref<1x1x640x128xf32, #tpu.memory_space<hbm>>
      %dma_wait3A_82 = tpu.memref_squeeze %dma_wait3A_81 : memref<1x1x640x128xf32, #tpu.memory_space<hbm>> -> memref<640x128xf32, #tpu.memory_space<hbm>>
      %dma_wait3A_83 = arith.constant 0 : i32
      %dma_wait3A_84 = tpu.memref_slice %arg9[%mul3A_2, %dma_wait3A_83] : memref<10240x128xf32, #tpu.memory_space<vmem_shared>> -> memref<640x128xf32, #tpu.memory_space<vmem_shared>>
      tpu.wait_dma2 semaphore(%run_scoped3A_74 : memref<!tpu.dma_semaphore, #tpu.memory_space<semaphore_mem>>) src(%dma_wait3A_84 : memref<640x128xf32, #tpu.memory_space<vmem_shared>>) dst(%dma_wait3A_82 : memref<640x128xf32, #tpu.memory_space<hbm>>)
      tpu.yield
    }) : () -> ()
    %barrier3A_73 = arith.constant 0 : index
    tpu.barrier barrier_id(%barrier3A_73)
    return
  }
}

module attributes {stable_mosaic.version = 14 : i64} {
  func.func @_dinv_body(%arg0: i32, %arg1: i32, %arg2: memref<1x2x1024x1xf32, #tpu.memory_space<vmem>>, %arg3: memref<1x1024x1xf32, #tpu.memory_space<vmem>>) attributes {dimension_semantics = [#tpu.dimension_semantics<arbitrary>, #tpu.dimension_semantics<arbitrary>], iteration_bounds = array<i64: 2, 10>, scalar_prefetch = 0 : i64, scratch_operands = 0 : i64, tpu.core_type = #tpu.core_type<tc>, window_params = [{transform_indices = @transform_0, window_bounds = array<i64: 1, 2, 1024, 1>}, {transform_indices = @transform_1, window_bounds = array<i64: 1, 1024, 1>}]} {
    %get3A = arith.constant 0 : index
    %get3A_0 = arith.constant 0 : index
    %get3A_1 = arith.constant 0 : index
    %get3A_2 = arith.constant 0 : index
    %get3A_3 = vector.load %arg2[%get3A, %get3A_0, %get3A_1, %get3A_2] : memref<1x2x1024x1xf32, #tpu.memory_space<vmem>>, vector<1x1x1024x1xf32>
    %get3A_4 = vector.shape_cast %get3A_3 : vector<1x1x1024x1xf32> to vector<1024x1xf32>
    %get3A_5 = arith.constant 0 : index
    %get3A_6 = arith.constant 1 : index
    %get3A_7 = arith.constant 0 : index
    %get3A_8 = arith.constant 0 : index
    %get3A_9 = vector.load %arg2[%get3A_5, %get3A_6, %get3A_7, %get3A_8] : memref<1x2x1024x1xf32, #tpu.memory_space<vmem>>, vector<1x1x1024x1xf32>
    %get3A_10 = vector.shape_cast %get3A_9 : vector<1x1x1024x1xf32> to vector<1024x1xf32>
    %add3A = arith.addf %get3A_4, %get3A_10 : vector<1024x1xf32>
    %add3A_11 = arith.constant 1.000000e+00 : f32
    %add3A_12 = vector.broadcast %add3A_11 : f32 to vector<1024x1xf32>
    %add3A_13 = arith.addf %add3A, %add3A_12 : vector<1024x1xf32>
    %rsqrt3A = math.rsqrt %add3A_13 : vector<1024x1xf32>
    %swap3A = arith.constant 0 : index
    %swap3A_14 = arith.constant 0 : index
    %swap3A_15 = arith.constant 0 : index
    %swap3A_16 = vector.load %arg3[%swap3A, %swap3A_14, %swap3A_15] : memref<1x1024x1xf32, #tpu.memory_space<vmem>>, vector<1x1024x1xf32>
    %swap3A_17 = vector.shape_cast %swap3A_16 : vector<1x1024x1xf32> to vector<1024x1xf32>
    %swap3A_18 = vector.shape_cast %rsqrt3A : vector<1024x1xf32> to vector<1x1024x1xf32>
    tpu.vector_store %arg3[%swap3A, %swap3A_14, %swap3A_15], %swap3A_18 {strides = array<i32>} : memref<1x1024x1xf32, #tpu.memory_space<vmem>>, vector<1x1024x1xf32>,
    return
  }
  func.func @transform_0(%arg0: i32, %arg1: i32) -> (i32, i32, i32, i32) {
    %c0_i32 = arith.constant 0 : i32
    %c0_i32_0 = arith.constant 0 : i32
    %c0_i32_1 = arith.constant 0 : i32
    return %arg0, %c0_i32, %arg1, %c0_i32_0 : i32, i32, i32, i32
  }
  func.func @transform_1(%arg0: i32, %arg1: i32) -> (i32, i32, i32) {
    %c0_i32 = arith.constant 0 : i32
    %c0_i32_0 = arith.constant 0 : i32
    return %arg0, %arg1, %c0_i32 : i32, i32, i32
  }
}

module attributes {stable_mosaic.version = 14 : i64} {
  func.func @_k2_body(%arg0: i32, %arg1: i32, %arg2: memref<1x2000x128xf32, #tpu.memory_space<vmem>>, %arg3: memref<1x2000x1xf32, #tpu.memory_space<vmem>>, %arg4: memref<128x256xf32, #tpu.memory_space<vmem>>, %arg5: memref<1x2x2000x128xf32, #tpu.memory_space<vmem>>) attributes {dimension_semantics = [#tpu.dimension_semantics<arbitrary>, #tpu.dimension_semantics<arbitrary>], iteration_bounds = array<i64: 1, 5>, scalar_prefetch = 0 : i64, scratch_operands = 0 : i64, tpu.core_type = #tpu.core_type<tc>, window_params = [{transform_indices = @transform_0, window_bounds = array<i64: 1, 2000, 128>}, {transform_indices = @transform_1, window_bounds = array<i64: 1, 2000, 1>}, {pipeline_mode = #tpu.pipeline_mode<synchronous>, transform_indices = @transform_2, window_bounds = array<i64: 128, 256>}, {transform_indices = @transform_3, window_bounds = array<i64: 1, 2, 2000, 128>}]} {
    %get3A = arith.constant 0 : index
    %get3A_0 = arith.constant 0 : index
    %get3A_1 = arith.constant 0 : index
    %get3A_2 = vector.load %arg3[%get3A, %get3A_0, %get3A_1] : memref<1x2000x1xf32, #tpu.memory_space<vmem>>, vector<1x2000x1xf32>
    %get3A_3 = vector.shape_cast %get3A_2 : vector<1x2000x1xf32> to vector<2000x1xf32>
    %get3A_4 = arith.constant 0 : index
    %get3A_5 = arith.constant 0 : index
    %get3A_6 = arith.constant 0 : index
    %get3A_7 = vector.load %arg2[%get3A_4, %get3A_5, %get3A_6] : memref<1x2000x128xf32, #tpu.memory_space<vmem>>, vector<1x2000x128xf32>
    %get3A_8 = vector.shape_cast %get3A_7 : vector<1x2000x128xf32> to vector<2000x128xf32>
    %get3A_9 = arith.constant 0 : index
    %get3A_10 = arith.constant 0 : index
    %get3A_11 = vector.load %arg4[%get3A_9, %get3A_10] : memref<128x256xf32, #tpu.memory_space<vmem>>, vector<128x256xf32>
    %dot_general3A = arith.constant dense<0.000000e+00> : vector<2000x256xf32>
    %dot_general3A_12 = tpu.matmul %get3A_8, %get3A_11, %dot_general3A {dimension_numbers = #tpu.dot_dimension_numbers<[1], [0], [0], [1], [0, 0, 1, 1], [], []>, transpose_lhs_hint = false} : vector<2000x128xf32>, vector<128x256xf32>, vector<2000x256xf32> -> vector<2000x256xf32>
    %mul3A = vector.broadcast %get3A_3 : vector<2000x1xf32> to vector<2000x256xf32>
    %mul3A_13 = arith.mulf %dot_general3A_12, %mul3A : vector<2000x256xf32>
    %slice3A = vector.extract_strided_slice %mul3A_13 {offsets = [0, 0], sizes = [2000, 128], strides = [1, 1]} : vector<2000x256xf32> to vector<2000x128xf32>
    %swap3A = arith.constant 0 : index
    %swap3A_14 = arith.constant 0 : index
    %swap3A_15 = arith.constant 0 : index
    %swap3A_16 = arith.constant 0 : index
    %swap3A_17 = vector.load %arg5[%swap3A, %swap3A_14, %swap3A_15, %swap3A_16] : memref<1x2x2000x128xf32, #tpu.memory_space<vmem>>, vector<1x1x2000x128xf32>
    %swap3A_18 = vector.shape_cast %swap3A_17 : vector<1x1x2000x128xf32> to vector<2000x128xf32>
    %swap3A_19 = vector.shape_cast %slice3A : vector<2000x128xf32> to vector<1x1x2000x128xf32>
    tpu.vector_store %arg5[%swap3A, %swap3A_14, %swap3A_15, %swap3A_16], %swap3A_19 {strides = array<i32>} : memref<1x2x2000x128xf32, #tpu.memory_space<vmem>>, vector<1x1x2000x128xf32>,
    %slice3A_20 = vector.extract_strided_slice %mul3A_13 {offsets = [0, 128], sizes = [2000, 128], strides = [1, 1]} : vector<2000x256xf32> to vector<2000x128xf32>
    %swap3A_21 = arith.constant 0 : index
    %swap3A_22 = arith.constant 1 : index
    %swap3A_23 = arith.constant 0 : index
    %swap3A_24 = arith.constant 0 : index
    %swap3A_25 = vector.load %arg5[%swap3A_21, %swap3A_22, %swap3A_23, %swap3A_24] : memref<1x2x2000x128xf32, #tpu.memory_space<vmem>>, vector<1x1x2000x128xf32>
    %swap3A_26 = vector.shape_cast %swap3A_25 : vector<1x1x2000x128xf32> to vector<2000x128xf32>
    %swap3A_27 = vector.shape_cast %slice3A_20 : vector<2000x128xf32> to vector<1x1x2000x128xf32>
    tpu.vector_store %arg5[%swap3A_21, %swap3A_22, %swap3A_23, %swap3A_24], %swap3A_27 {strides = array<i32>} : memref<1x2x2000x128xf32, #tpu.memory_space<vmem>>, vector<1x1x2000x128xf32>,
    return
  }
  func.func @transform_0(%arg0: i32, %arg1: i32) -> (i32, i32, i32) {
    %c0_i32 = arith.constant 0 : i32
    %c0_i32_0 = arith.constant 0 : i32
    return %arg0, %arg1, %c0_i32 : i32, i32, i32
  }
  func.func @transform_1(%arg0: i32, %arg1: i32) -> (i32, i32, i32) {
    %c0_i32 = arith.constant 0 : i32
    %c0_i32_0 = arith.constant 0 : i32
    return %arg0, %arg1, %c0_i32 : i32, i32, i32
  }
  func.func @transform_2(%arg0: i32, %arg1: i32) -> (i32, i32) {
    %c0_i32 = arith.constant 0 : i32
    %c0_i32_0 = arith.constant 0 : i32
    %c0_i32_1 = arith.constant 0 : i32
    return %c0_i32, %c0_i32_0 : i32, i32
  }
  func.func @transform_3(%arg0: i32, %arg1: i32) -> (i32, i32, i32, i32) {
    %c0_i32 = arith.constant 0 : i32
    %c0_i32_0 = arith.constant 0 : i32
    %c0_i32_1 = arith.constant 0 : i32
    return %arg0, %c0_i32, %arg1, %c0_i32_0 : i32, i32, i32, i32
  }
}

module attributes {stable_mosaic.version = 14 : i64} {
  func.func @_k4_body(%arg0: i32, %arg1: i32, %arg2: memref<2x2x2000x128xf32, #tpu.memory_space<vmem>>, %arg3: memref<1x2x2000x128xf32, #tpu.memory_space<vmem>>, %arg4: memref<1x2000x1xf32, #tpu.memory_space<vmem>>, %arg5: memref<256x128xf32, #tpu.memory_space<vmem>>, %arg6: memref<2x128xf32, #tpu.memory_space<vmem>>, %arg7: memref<1x2000x128xf32, #tpu.memory_space<vmem>>) attributes {dimension_semantics = [#tpu.dimension_semantics<arbitrary>, #tpu.dimension_semantics<arbitrary>], iteration_bounds = array<i64: 1, 5>, scalar_prefetch = 0 : i64, scratch_operands = 0 : i64, tpu.core_type = #tpu.core_type<tc>, window_params = [{transform_indices = @transform_0, window_bounds = array<i64: 2, 2, 2000, 128>}, {transform_indices = @transform_1, window_bounds = array<i64: 1, 2, 2000, 128>}, {transform_indices = @transform_2, window_bounds = array<i64: 1, 2000, 1>}, {pipeline_mode = #tpu.pipeline_mode<synchronous>, transform_indices = @transform_3, window_bounds = array<i64: 256, 128>}, {pipeline_mode = #tpu.pipeline_mode<synchronous>, transform_indices = @transform_4, window_bounds = array<i64: 2, 128>}, {transform_indices = @transform_5, window_bounds = array<i64: 1, 2000, 128>}]} {
    %get3A = arith.constant 0 : index
    %get3A_0 = arith.constant 0 : index
    %get3A_1 = arith.constant 0 : index
    %get3A_2 = vector.load %arg4[%get3A, %get3A_0, %get3A_1] : memref<1x2000x1xf32, #tpu.memory_space<vmem>>, vector<1x2000x1xf32>
    %get3A_3 = vector.shape_cast %get3A_2 : vector<1x2000x1xf32> to vector<2000x1xf32>
    %get3A_4 = arith.constant 0 : index
    %get3A_5 = arith.constant 0 : index
    %get3A_6 = arith.constant 0 : index
    %get3A_7 = arith.constant 0 : index
    %get3A_8 = vector.load %arg2[%get3A_4, %get3A_5, %get3A_6, %get3A_7] : memref<2x2x2000x128xf32, #tpu.memory_space<vmem>>, vector<1x1x2000x128xf32>
    %get3A_9 = vector.shape_cast %get3A_8 : vector<1x1x2000x128xf32> to vector<2000x128xf32>
    %get3A_10 = arith.constant 0 : index
    %get3A_11 = arith.constant 1 : index
    %get3A_12 = arith.constant 0 : index
    %get3A_13 = arith.constant 0 : index
    %get3A_14 = vector.load %arg2[%get3A_10, %get3A_11, %get3A_12, %get3A_13] : memref<2x2x2000x128xf32, #tpu.memory_space<vmem>>, vector<1x1x2000x128xf32>
    %get3A_15 = vector.shape_cast %get3A_14 : vector<1x1x2000x128xf32> to vector<2000x128xf32>
    %add3A = arith.addf %get3A_9, %get3A_15 : vector<2000x128xf32>
    %get3A_16 = arith.constant 0 : index
    %get3A_17 = arith.constant 0 : index
    %get3A_18 = arith.constant 0 : index
    %get3A_19 = arith.constant 0 : index
    %get3A_20 = vector.load %arg3[%get3A_16, %get3A_17, %get3A_18, %get3A_19] : memref<1x2x2000x128xf32, #tpu.memory_space<vmem>>, vector<1x1x2000x128xf32>
    %get3A_21 = vector.shape_cast %get3A_20 : vector<1x1x2000x128xf32> to vector<2000x128xf32>
    %add3A_22 = arith.addf %add3A, %get3A_21 : vector<2000x128xf32>
    %mul3A = vector.broadcast %get3A_3 : vector<2000x1xf32> to vector<2000x128xf32>
    %mul3A_23 = arith.mulf %mul3A, %add3A_22 : vector<2000x128xf32>
    %get3A_24 = arith.constant 0 : index
    %get3A_25 = arith.constant 0 : index
    %get3A_26 = vector.load %arg6[%get3A_24, %get3A_25] : memref<2x128xf32, #tpu.memory_space<vmem>>, vector<1x128xf32>
    %get3A_27 = vector.shape_cast %get3A_26 : vector<1x128xf32> to vector<128xf32>
    %broadcast_in_dim3A = vector.shape_cast %get3A_27 : vector<128xf32> to vector<1x128xf32>
    %add3A_28 = vector.broadcast %broadcast_in_dim3A : vector<1x128xf32> to vector<2000x128xf32>
    %add3A_29 = arith.addf %mul3A_23, %add3A_28 : vector<2000x128xf32>
    %max3A = arith.constant 0.000000e+00 : f32
    %max3A_30 = vector.broadcast %max3A : f32 to vector<2000x128xf32>
    %max3A_31 = arith.maximumf %add3A_29, %max3A_30 : vector<2000x128xf32>
    %get3A_32 = arith.constant 1 : index
    %get3A_33 = arith.constant 0 : index
    %get3A_34 = arith.constant 0 : index
    %get3A_35 = arith.constant 0 : index
    %get3A_36 = vector.load %arg2[%get3A_32, %get3A_33, %get3A_34, %get3A_35] : memref<2x2x2000x128xf32, #tpu.memory_space<vmem>>, vector<1x1x2000x128xf32>
    %get3A_37 = vector.shape_cast %get3A_36 : vector<1x1x2000x128xf32> to vector<2000x128xf32>
    %get3A_38 = arith.constant 1 : index
    %get3A_39 = arith.constant 1 : index
    %get3A_40 = arith.constant 0 : index
    %get3A_41 = arith.constant 0 : index
    %get3A_42 = vector.load %arg2[%get3A_38, %get3A_39, %get3A_40, %get3A_41] : memref<2x2x2000x128xf32, #tpu.memory_space<vmem>>, vector<1x1x2000x128xf32>
    %get3A_43 = vector.shape_cast %get3A_42 : vector<1x1x2000x128xf32> to vector<2000x128xf32>
    %add3A_44 = arith.addf %get3A_37, %get3A_43 : vector<2000x128xf32>
    %get3A_45 = arith.constant 0 : index
    %get3A_46 = arith.constant 1 : index
    %get3A_47 = arith.constant 0 : index
    %get3A_48 = arith.constant 0 : index
    %get3A_49 = vector.load %arg3[%get3A_45, %get3A_46, %get3A_47, %get3A_48] : memref<1x2x2000x128xf32, #tpu.memory_space<vmem>>, vector<1x1x2000x128xf32>
    %get3A_50 = vector.shape_cast %get3A_49 : vector<1x1x2000x128xf32> to vector<2000x128xf32>
    %add3A_51 = arith.addf %add3A_44, %get3A_50 : vector<2000x128xf32>
    %mul3A_52 = vector.broadcast %get3A_3 : vector<2000x1xf32> to vector<2000x128xf32>
    %mul3A_53 = arith.mulf %mul3A_52, %add3A_51 : vector<2000x128xf32>
    %get3A_54 = arith.constant 1 : index
    %get3A_55 = arith.constant 0 : index
    %get3A_56 = vector.load %arg6[%get3A_54, %get3A_55] : memref<2x128xf32, #tpu.memory_space<vmem>>, vector<1x128xf32>
    %get3A_57 = vector.shape_cast %get3A_56 : vector<1x128xf32> to vector<128xf32>
    %broadcast_in_dim3A_58 = vector.shape_cast %get3A_57 : vector<128xf32> to vector<1x128xf32>
    %add3A_59 = vector.broadcast %broadcast_in_dim3A_58 : vector<1x128xf32> to vector<2000x128xf32>
    %add3A_60 = arith.addf %mul3A_53, %add3A_59 : vector<2000x128xf32>
    %max3A_61 = arith.constant 0.000000e+00 : f32
    %max3A_62 = vector.broadcast %max3A_61 : f32 to vector<2000x128xf32>
    %max3A_63 = arith.maximumf %add3A_60, %max3A_62 : vector<2000x128xf32>
    %concatenate3A = tpu.concatenate %max3A_31, %max3A_63 in 1 : vector<2000x128xf32>, vector<2000x128xf32> -> vector<2000x256xf32>
    %get3A_64 = arith.constant 0 : index
    %get3A_65 = arith.constant 0 : index
    %get3A_66 = vector.load %arg5[%get3A_64, %get3A_65] : memref<256x128xf32, #tpu.memory_space<vmem>>, vector<256x128xf32>
    %dot_general3A = arith.constant dense<0.000000e+00> : vector<2000x128xf32>
    %dot_general3A_67 = tpu.matmul %concatenate3A, %get3A_66, %dot_general3A {dimension_numbers = #tpu.dot_dimension_numbers<[1], [0], [0], [1], [0, 0, 1, 1], [], []>, transpose_lhs_hint = false} : vector<2000x256xf32>, vector<256x128xf32>, vector<2000x128xf32> -> vector<2000x128xf32>
    %mul3A_68 = vector.broadcast %get3A_3 : vector<2000x1xf32> to vector<2000x128xf32>
    %mul3A_69 = arith.mulf %dot_general3A_67, %mul3A_68 : vector<2000x128xf32>
    %swap3A = arith.constant 0 : index
    %swap3A_70 = arith.constant 0 : index
    %swap3A_71 = arith.constant 0 : index
    %swap3A_72 = vector.load %arg7[%swap3A, %swap3A_70, %swap3A_71] : memref<1x2000x128xf32, #tpu.memory_space<vmem>>, vector<1x2000x128xf32>
    %swap3A_73 = vector.shape_cast %swap3A_72 : vector<1x2000x128xf32> to vector<2000x128xf32>
    %swap3A_74 = vector.shape_cast %mul3A_69 : vector<2000x128xf32> to vector<1x2000x128xf32>
    tpu.vector_store %arg7[%swap3A, %swap3A_70, %swap3A_71], %swap3A_74 {strides = array<i32>} : memref<1x2000x128xf32, #tpu.memory_space<vmem>>, vector<1x2000x128xf32>,
    return
  }
  func.func @transform_0(%arg0: i32, %arg1: i32) -> (i32, i32, i32, i32) {
    %c0_i32 = arith.constant 0 : i32
    %c0_i32_0 = arith.constant 0 : i32
    %c0_i32_1 = arith.constant 0 : i32
    return %arg0, %c0_i32, %arg1, %c0_i32_0 : i32, i32, i32, i32
  }
  func.func @transform_1(%arg0: i32, %arg1: i32) -> (i32, i32, i32, i32) {
    %c0_i32 = arith.constant 0 : i32
    %c0_i32_0 = arith.constant 0 : i32
    %c0_i32_1 = arith.constant 0 : i32
    return %arg0, %c0_i32, %arg1, %c0_i32_0 : i32, i32, i32, i32
  }
  func.func @transform_2(%arg0: i32, %arg1: i32) -> (i32, i32, i32) {
    %c0_i32 = arith.constant 0 : i32
    %c0_i32_0 = arith.constant 0 : i32
    return %arg0, %arg1, %c0_i32 : i32, i32, i32
  }
  func.func @transform_3(%arg0: i32, %arg1: i32) -> (i32, i32) {
    %c0_i32 = arith.constant 0 : i32
    %c0_i32_0 = arith.constant 0 : i32
    %c0_i32_1 = arith.constant 0 : i32
    return %c0_i32, %c0_i32_0 : i32, i32
  }
  func.func @transform_4(%arg0: i32, %arg1: i32) -> (i32, i32) {
    %c0_i32 = arith.constant 0 : i32
    %c0_i32_0 = arith.constant 0 : i32
    %c0_i32_1 = arith.constant 0 : i32
    return %c0_i32, %c0_i32_0 : i32, i32
  }
  func.func @transform_5(%arg0: i32, %arg1: i32) -> (i32, i32, i32) {
    %c0_i32 = arith.constant 0 : i32
    %c0_i32_0 = arith.constant 0 : i32
    return %arg0, %arg1, %c0_i32 : i32, i32, i32
  }
}

module attributes {stable_mosaic.version = 14 : i64} {
  func.func @_k6_body(%arg0: i32, %arg1: i32, %arg2: memref<1x2x2000x128xf32, #tpu.memory_space<vmem>>, %arg3: memref<1x2000x128xf32, #tpu.memory_space<vmem>>, %arg4: memref<1x2000x1xf32, #tpu.memory_space<vmem>>, %arg5: memref<128xf32, #tpu.memory_space<vmem>>, %arg6: memref<128x128xf32, #tpu.memory_space<vmem>>, %arg7: memref<128xf32, #tpu.memory_space<vmem>>, %arg8: memref<128x128xf32, #tpu.memory_space<vmem>>, %arg9: memref<128xf32, #tpu.memory_space<vmem>>, %arg10: memref<128x128xf32, #tpu.memory_space<vmem>>, %arg11: memref<128xf32, #tpu.memory_space<vmem>>, %arg12: memref<128x128xf32, #tpu.memory_space<vmem>>, %arg13: memref<128xf32, #tpu.memory_space<vmem>>, %arg14: memref<1x2000x128xf32, #tpu.memory_space<vmem>>, %arg15: memref<1x2000x128xf32, #tpu.memory_space<vmem>>) attributes {dimension_semantics = [#tpu.dimension_semantics<arbitrary>, #tpu.dimension_semantics<arbitrary>], iteration_bounds = array<i64: 1, 5>, scalar_prefetch = 0 : i64, scratch_operands = 0 : i64, tpu.core_type = #tpu.core_type<tc>, window_params = [{transform_indices = @transform_0, window_bounds = array<i64: 1, 2, 2000, 128>}, {transform_indices = @transform_1, window_bounds = array<i64: 1, 2000, 128>}, {transform_indices = @transform_2, window_bounds = array<i64: 1, 2000, 1>}, {pipeline_mode = #tpu.pipeline_mode<synchronous>, transform_indices = @transform_3, window_bounds = array<i64: 128>}, {pipeline_mode = #tpu.pipeline_mode<synchronous>, transform_indices = @transform_4, window_bounds = array<i64: 128, 128>}, {pipeline_mode = #tpu.pipeline_mode<synchronous>, transform_indices = @transform_5, window_bounds = array<i64: 128>}, {pipeline_mode = #tpu.pipeline_mode<synchronous>, transform_indices = @transform_6, window_bounds = array<i64: 128, 128>}, {pipeline_mode = #tpu.pipeline_mode<synchronous>, transform_indices = @transform_7, window_bounds = array<i64: 128>}, {pipeline_mode = #tpu.pipeline_mode<synchronous>, transform_indices = @transform_8, window_bounds = array<i64: 128, 128>}, {pipeline_mode = #tpu.pipeline_mode<synchronous>, transform_indices = @transform_9, window_bounds = array<i64: 128>}, {pipeline_mode = #tpu.pipeline_mode<synchronous>, transform_indices = @transform_10, window_bounds = array<i64: 128, 128>}, {pipeline_mode = #tpu.pipeline_mode<synchronous>, transform_indices = @transform_11, window_bounds = array<i64: 128>}, {transform_indices = @transform_12, window_bounds = array<i64: 1, 2000, 128>}, {transform_indices = @transform_13, window_bounds = array<i64: 1, 2000, 128>}]} {
    %get3A = arith.constant 0 : index
    %get3A_0 = arith.constant 0 : index
    %get3A_1 = arith.constant 0 : index
    %get3A_2 = vector.load %arg4[%get3A, %get3A_0, %get3A_1] : memref<1x2000x1xf32, #tpu.memory_space<vmem>>, vector<1x2000x1xf32>
    %get3A_3 = vector.shape_cast %get3A_2 : vector<1x2000x1xf32> to vector<2000x1xf32>
    %get3A_4 = arith.constant 0 : index
    %get3A_5 = arith.constant 0 : index
    %get3A_6 = arith.constant 0 : index
    %get3A_7 = arith.constant 0 : index
    %get3A_8 = vector.load %arg2[%get3A_4, %get3A_5, %get3A_6, %get3A_7] : memref<1x2x2000x128xf32, #tpu.memory_space<vmem>>, vector<1x1x2000x128xf32>
    %get3A_9 = vector.shape_cast %get3A_8 : vector<1x1x2000x128xf32> to vector<2000x128xf32>
    %get3A_10 = arith.constant 0 : index
    %get3A_11 = arith.constant 1 : index
    %get3A_12 = arith.constant 0 : index
    %get3A_13 = arith.constant 0 : index
    %get3A_14 = vector.load %arg2[%get3A_10, %get3A_11, %get3A_12, %get3A_13] : memref<1x2x2000x128xf32, #tpu.memory_space<vmem>>, vector<1x1x2000x128xf32>
    %get3A_15 = vector.shape_cast %get3A_14 : vector<1x1x2000x128xf32> to vector<2000x128xf32>
    %add3A = arith.addf %get3A_9, %get3A_15 : vector<2000x128xf32>
    %get3A_16 = arith.constant 0 : index
    %get3A_17 = arith.constant 0 : index
    %get3A_18 = arith.constant 0 : index
    %get3A_19 = vector.load %arg3[%get3A_16, %get3A_17, %get3A_18] : memref<1x2000x128xf32, #tpu.memory_space<vmem>>, vector<1x2000x128xf32>
    %get3A_20 = vector.shape_cast %get3A_19 : vector<1x2000x128xf32> to vector<2000x128xf32>
    %add3A_21 = arith.addf %add3A, %get3A_20 : vector<2000x128xf32>
    %mul3A = vector.broadcast %get3A_3 : vector<2000x1xf32> to vector<2000x128xf32>
    %mul3A_22 = arith.mulf %mul3A, %add3A_21 : vector<2000x128xf32>
    %get3A_23 = arith.constant 0 : index
    %get3A_24 = vector.load %arg5[%get3A_23] : memref<128xf32, #tpu.memory_space<vmem>>, vector<128xf32>
    %broadcast_in_dim3A = vector.shape_cast %get3A_24 : vector<128xf32> to vector<1x128xf32>
    %add3A_25 = vector.broadcast %broadcast_in_dim3A : vector<1x128xf32> to vector<2000x128xf32>
    %add3A_26 = arith.addf %mul3A_22, %add3A_25 : vector<2000x128xf32>
    %max3A = arith.constant 0.000000e+00 : f32
    %max3A_27 = vector.broadcast %max3A : f32 to vector<2000x128xf32>
    %max3A_28 = arith.maximumf %add3A_26, %max3A_27 : vector<2000x128xf32>
    %get3A_29 = arith.constant 0 : index
    %get3A_30 = arith.constant 0 : index
    %get3A_31 = vector.load %arg6[%get3A_29, %get3A_30] : memref<128x128xf32, #tpu.memory_space<vmem>>, vector<128x128xf32>
    %dot_general3A = arith.constant dense<0.000000e+00> : vector<2000x128xf32>
    %dot_general3A_32 = tpu.matmul %max3A_28, %get3A_31, %dot_general3A {dimension_numbers = #tpu.dot_dimension_numbers<[1], [0], [0], [1], [0, 0, 1, 1], [], []>, transpose_lhs_hint = false} : vector<2000x128xf32>, vector<128x128xf32>, vector<2000x128xf32> -> vector<2000x128xf32>
    %get3A_33 = arith.constant 0 : index
    %get3A_34 = vector.load %arg7[%get3A_33] : memref<128xf32, #tpu.memory_space<vmem>>, vector<128xf32>
    %broadcast_in_dim3A_35 = vector.shape_cast %get3A_34 : vector<128xf32> to vector<1x128xf32>
    %add3A_36 = vector.broadcast %broadcast_in_dim3A_35 : vector<1x128xf32> to vector<2000x128xf32>
    %add3A_37 = arith.addf %dot_general3A_32, %add3A_36 : vector<2000x128xf32>
    %max3A_38 = arith.constant 0.000000e+00 : f32
    %max3A_39 = vector.broadcast %max3A_38 : f32 to vector<2000x128xf32>
    %max3A_40 = arith.maximumf %add3A_37, %max3A_39 : vector<2000x128xf32>
    %get3A_41 = arith.constant 0 : index
    %get3A_42 = arith.constant 0 : index
    %get3A_43 = vector.load %arg8[%get3A_41, %get3A_42] : memref<128x128xf32, #tpu.memory_space<vmem>>, vector<128x128xf32>
    %dot_general3A_44 = arith.constant dense<0.000000e+00> : vector<2000x128xf32>
    %dot_general3A_45 = tpu.matmul %max3A_40, %get3A_43, %dot_general3A_44 {dimension_numbers = #tpu.dot_dimension_numbers<[1], [0], [0], [1], [0, 0, 1, 1], [], []>, transpose_lhs_hint = false} : vector<2000x128xf32>, vector<128x128xf32>, vector<2000x128xf32> -> vector<2000x128xf32>
    %get3A_46 = arith.constant 0 : index
    %get3A_47 = vector.load %arg9[%get3A_46] : memref<128xf32, #tpu.memory_space<vmem>>, vector<128xf32>
    %broadcast_in_dim3A_48 = vector.shape_cast %get3A_47 : vector<128xf32> to vector<1x128xf32>
    %add3A_49 = vector.broadcast %broadcast_in_dim3A_48 : vector<1x128xf32> to vector<2000x128xf32>
    %add3A_50 = arith.addf %dot_general3A_45, %add3A_49 : vector<2000x128xf32>
    %mul3A_51 = arith.mulf %add3A_50, %add3A_50 : vector<2000x128xf32>
    %reduce_sum3A = arith.constant dense<0.000000e+00> : vector<2000xf32>
    %reduce_sum3A_52 = vector.multi_reduction <add>, %mul3A_51, %reduce_sum3A [1] : vector<2000x128xf32> to vector<2000xf32>
    %broadcast_in_dim3A_53 = vector.shape_cast %reduce_sum3A_52 : vector<2000xf32> to vector<2000x1xf32>
    %sqrt3A = math.sqrt %broadcast_in_dim3A_53 : vector<2000x1xf32>
    %max3A_54 = arith.constant 9.99999996E-13 : f32
    %max3A_55 = vector.broadcast %max3A_54 : f32 to vector<2000x1xf32>
    %max3A_56 = arith.maximumf %sqrt3A, %max3A_55 : vector<2000x1xf32>
    %div3A = vector.broadcast %max3A_56 : vector<2000x1xf32> to vector<2000x128xf32>
    %div3A_57 = arith.divf %add3A_50, %div3A : vector<2000x128xf32>
    %swap3A = arith.constant 0 : index
    %swap3A_58 = arith.constant 0 : index
    %swap3A_59 = arith.constant 0 : index
    %swap3A_60 = vector.load %arg14[%swap3A, %swap3A_58, %swap3A_59] : memref<1x2000x128xf32, #tpu.memory_space<vmem>>, vector<1x2000x128xf32>
    %swap3A_61 = vector.shape_cast %swap3A_60 : vector<1x2000x128xf32> to vector<2000x128xf32>
    %swap3A_62 = vector.shape_cast %div3A_57 : vector<2000x128xf32> to vector<1x2000x128xf32>
    tpu.vector_store %arg14[%swap3A, %swap3A_58, %swap3A_59], %swap3A_62 {strides = array<i32>} : memref<1x2000x128xf32, #tpu.memory_space<vmem>>, vector<1x2000x128xf32>,
    %get3A_63 = arith.constant 0 : index
    %get3A_64 = arith.constant 0 : index
    %get3A_65 = vector.load %arg10[%get3A_63, %get3A_64] : memref<128x128xf32, #tpu.memory_space<vmem>>, vector<128x128xf32>
    %dot_general3A_66 = arith.constant dense<0.000000e+00> : vector<2000x128xf32>
    %dot_general3A_67 = tpu.matmul %max3A_28, %get3A_65, %dot_general3A_66 {dimension_numbers = #tpu.dot_dimension_numbers<[1], [0], [0], [1], [0, 0, 1, 1], [], []>, transpose_lhs_hint = false} : vector<2000x128xf32>, vector<128x128xf32>, vector<2000x128xf32> -> vector<2000x128xf32>
    %get3A_68 = arith.constant 0 : index
    %get3A_69 = vector.load %arg11[%get3A_68] : memref<128xf32, #tpu.memory_space<vmem>>, vector<128xf32>
    %broadcast_in_dim3A_70 = vector.shape_cast %get3A_69 : vector<128xf32> to vector<1x128xf32>
    %add3A_71 = vector.broadcast %broadcast_in_dim3A_70 : vector<1x128xf32> to vector<2000x128xf32>
    %add3A_72 = arith.addf %dot_general3A_67, %add3A_71 : vector<2000x128xf32>
    %max3A_73 = arith.constant 0.000000e+00 : f32
    %max3A_74 = vector.broadcast %max3A_73 : f32 to vector<2000x128xf32>
    %max3A_75 = arith.maximumf %add3A_72, %max3A_74 : vector<2000x128xf32>
    %get3A_76 = arith.constant 0 : index
    %get3A_77 = arith.constant 0 : index
    %get3A_78 = vector.load %arg12[%get3A_76, %get3A_77] : memref<128x128xf32, #tpu.memory_space<vmem>>, vector<128x128xf32>
    %dot_general3A_79 = arith.constant dense<0.000000e+00> : vector<2000x128xf32>
    %dot_general3A_80 = tpu.matmul %max3A_75, %get3A_78, %dot_general3A_79 {dimension_numbers = #tpu.dot_dimension_numbers<[1], [0], [0], [1], [0, 0, 1, 1], [], []>, transpose_lhs_hint = false} : vector<2000x128xf32>, vector<128x128xf32>, vector<2000x128xf32> -> vector<2000x128xf32>
    %get3A_81 = arith.constant 0 : index
    %get3A_82 = vector.load %arg13[%get3A_81] : memref<128xf32, #tpu.memory_space<vmem>>, vector<128xf32>
    %broadcast_in_dim3A_83 = vector.shape_cast %get3A_82 : vector<128xf32> to vector<1x128xf32>
    %add3A_84 = vector.broadcast %broadcast_in_dim3A_83 : vector<1x128xf32> to vector<2000x128xf32>
    %add3A_85 = arith.addf %dot_general3A_80, %add3A_84 : vector<2000x128xf32>
    %iota3A = tpu.iota {dimensions = array<i32: 1>} : vector<2000x128xi32>
    %lt3A = arith.constant 3 : i32
    %lt3A_86 = vector.broadcast %lt3A : i32 to vector<2000x128xi32>
    %lt3A_87 = arith.cmpi slt, %iota3A, %lt3A_86 : vector<2000x128xi32>
    %jit3A = arith.constant -1.000000e+30 : f32
    %broadcast_in_dim3A_88 = vector.broadcast %jit3A : f32 to vector<2000x128xf32>
    %select_n3A = arith.select %lt3A_87, %add3A_85, %broadcast_in_dim3A_88 : vector<2000x128xi1>, vector<2000x128xf32>
    %reduce_max3A = arith.constant dense<0xFF800000> : vector<2000xf32>
    %reduce_max3A_89 = vector.multi_reduction <maximumf>, %select_n3A, %reduce_max3A [1] : vector<2000x128xf32> to vector<2000xf32>
    %broadcast_in_dim3A_90 = vector.shape_cast %reduce_max3A_89 : vector<2000xf32> to vector<2000x1xf32>
    %sub3A = vector.broadcast %broadcast_in_dim3A_90 : vector<2000x1xf32> to vector<2000x128xf32>
    %sub3A_91 = arith.subf %select_n3A, %sub3A : vector<2000x128xf32>
    %exp3A = math.exp %sub3A_91 : vector<2000x128xf32>
    %reduce_sum3A_92 = arith.constant dense<0.000000e+00> : vector<2000xf32>
    %reduce_sum3A_93 = vector.multi_reduction <add>, %exp3A, %reduce_sum3A_92 [1] : vector<2000x128xf32> to vector<2000xf32>
    %broadcast_in_dim3A_94 = vector.shape_cast %reduce_sum3A_93 : vector<2000xf32> to vector<2000x1xf32>
    %div3A_95 = vector.broadcast %broadcast_in_dim3A_94 : vector<2000x1xf32> to vector<2000x128xf32>
    %div3A_96 = arith.divf %exp3A, %div3A_95 : vector<2000x128xf32>
    %swap3A_97 = arith.constant 0 : index
    %swap3A_98 = arith.constant 0 : index
    %swap3A_99 = arith.constant 0 : index
    %swap3A_100 = vector.load %arg15[%swap3A_97, %swap3A_98, %swap3A_99] : memref<1x2000x128xf32, #tpu.memory_space<vmem>>, vector<1x2000x128xf32>
    %swap3A_101 = vector.shape_cast %swap3A_100 : vector<1x2000x128xf32> to vector<2000x128xf32>
    %swap3A_102 = vector.shape_cast %div3A_96 : vector<2000x128xf32> to vector<1x2000x128xf32>
    tpu.vector_store %arg15[%swap3A_97, %swap3A_98, %swap3A_99], %swap3A_102 {strides = array<i32>} : memref<1x2000x128xf32, #tpu.memory_space<vmem>>, vector<1x2000x128xf32>,
    return
  }
  func.func @transform_0(%arg0: i32, %arg1: i32) -> (i32, i32, i32, i32) {
    %c0_i32 = arith.constant 0 : i32
    %c0_i32_0 = arith.constant 0 : i32
    %c0_i32_1 = arith.constant 0 : i32
    return %arg0, %c0_i32, %arg1, %c0_i32_0 : i32, i32, i32, i32
  }
  func.func @transform_1(%arg0: i32, %arg1: i32) -> (i32, i32, i32) {
    %c0_i32 = arith.constant 0 : i32
    %c0_i32_0 = arith.constant 0 : i32
    return %arg0, %arg1, %c0_i32 : i32, i32, i32
  }
  func.func @transform_2(%arg0: i32, %arg1: i32) -> (i32, i32, i32) {
    %c0_i32 = arith.constant 0 : i32
    %c0_i32_0 = arith.constant 0 : i32
    return %arg0, %arg1, %c0_i32 : i32, i32, i32
  }
  func.func @transform_3(%arg0: i32, %arg1: i32) -> i32 {
    %c0_i32 = arith.constant 0 : i32
    %c0_i32_0 = arith.constant 0 : i32
    return %c0_i32 : i32
  }
  func.func @transform_4(%arg0: i32, %arg1: i32) -> (i32, i32) {
    %c0_i32 = arith.constant 0 : i32
    %c0_i32_0 = arith.constant 0 : i32
    %c0_i32_1 = arith.constant 0 : i32
    return %c0_i32, %c0_i32_0 : i32, i32
  }
  func.func @transform_5(%arg0: i32, %arg1: i32) -> i32 {
    %c0_i32 = arith.constant 0 : i32
    %c0_i32_0 = arith.constant 0 : i32
    return %c0_i32 : i32
  }
  func.func @transform_6(%arg0: i32, %arg1: i32) -> (i32, i32) {
    %c0_i32 = arith.constant 0 : i32
    %c0_i32_0 = arith.constant 0 : i32
    %c0_i32_1 = arith.constant 0 : i32
    return %c0_i32, %c0_i32_0 : i32, i32
  }
  func.func @transform_7(%arg0: i32, %arg1: i32) -> i32 {
    %c0_i32 = arith.constant 0 : i32
    %c0_i32_0 = arith.constant 0 : i32
    return %c0_i32 : i32
  }
  func.func @transform_8(%arg0: i32, %arg1: i32) -> (i32, i32) {
    %c0_i32 = arith.constant 0 : i32
    %c0_i32_0 = arith.constant 0 : i32
    %c0_i32_1 = arith.constant 0 : i32
    return %c0_i32, %c0_i32_0 : i32, i32
  }
  func.func @transform_9(%arg0: i32, %arg1: i32) -> i32 {
    %c0_i32 = arith.constant 0 : i32
    %c0_i32_0 = arith.constant 0 : i32
    return %c0_i32 : i32
  }
  func.func @transform_10(%arg0: i32, %arg1: i32) -> (i32, i32) {
    %c0_i32 = arith.constant 0 : i32
    %c0_i32_0 = arith.constant 0 : i32
    %c0_i32_1 = arith.constant 0 : i32
    return %c0_i32, %c0_i32_0 : i32, i32
  }
  func.func @transform_11(%arg0: i32, %arg1: i32) -> i32 {
    %c0_i32 = arith.constant 0 : i32
    %c0_i32_0 = arith.constant 0 : i32
    return %c0_i32 : i32
  }
  func.func @transform_12(%arg0: i32, %arg1: i32) -> (i32, i32, i32) {
    %c0_i32 = arith.constant 0 : i32
    %c0_i32_0 = arith.constant 0 : i32
    return %arg0, %arg1, %c0_i32 : i32, i32, i32
  }
  func.func @transform_13(%arg0: i32, %arg1: i32) -> (i32, i32, i32) {
    %c0_i32 = arith.constant 0 : i32
    %c0_i32_0 = arith.constant 0 : i32
    return %arg0, %arg1, %c0_i32 : i32, i32, i32
  }
}

</mosaic_0001>

<sc_bundles>
// kernel: kernel.14.cloned.1.call-start
scs
__scs_entry_jumppad:
0x0: {  	(pc) =	sbr.rel $0x88, $3  }
0x1: {  	(tag) =	ssettag $0x0;
	lr =	simm.s32 $0x1  }
0x2: {  	[smem:$0x3F91] =	sst lr;
	_ =	strace $0xD0000000  }
0x3: {  	_ = 	snop  }
0x4: {  	_ = 	snop  }
0x5: {  	_ = 	snop  }
0x6: {  	_ = 	snop  }
0x7: {  	_ = 	snop  }
__scs_overlays_trampoline_lowered:
0x8: {  	[smem:$0x3FA0] =	sst s0  }
0x9: {  	[smem:$0x3FA1] =	sst s1  }
0xa: {  	[smem:$0x3FA2] =	sst s2  }
0xb: {  	[smem:$0x3FA3] =	sst s3  }
0xc: {  	[smem:$0x3FA4] =	sst s4  }
0xd: {  	[smem:$0x3FA5] =	sst s5  }
0xe: {  	[smem:$0x3FA6] =	sst s6  }
0xf: {  	[smem:$0x3FA7] =	sst s7  }
0x10: {  	[smem:$0x3FA8] =	sst s8  }
0x11: {  	[smem:$0x3FA9] =	sst s9;
	s0 =	simm.s32 @!p0 $0x0  }
0x12: {  	s1 =	sld [smem:$0x3F8F];
	s0 =	simm.s32 @p0 $0x1  }
0x13: {  	[smem:$0x3FAA] =	sst s0;
	s0 =	simm.s32 @!p1 $0x0  }
0x14: {  	s2 =	sld [smem:$0x3F8E];
	s0 =	simm.s32 @p1 $0x1  }
0x15: {  	[smem:$0x3FAB] =	sst s0;
	s0 =	simm.s32 @!p2 $0x0  }
0x16: {  	s3 =	sld [smem:$0x3FDB];
	s0 =	simm.s32 @p2 $0x1  }
0x17: {  	s4 =	simm.s32 $0x1BF5;
	[smem:$0x3FAD] =	sst s0  }
0x18: {  	s0 =	sld [smem:$0x3F90];
	_ =	swait.ge [sflag:s4], $0x0  }
0x19: {  	s7 =	sld [smem:$0x3F91]  }
0x1a: {  	s8 =	sadd.s32 $0xFFFFE003, lr  }
0x1b: {  	s9 =	sadd.s32 $0xFFFFFEF7, lr;
	s5 =	simm.s32 $0xFFFFFFFF;
	p2 =	slt.u32 s8, $0xFFFFF086  }
0x1c: {  	p1 =	slt.u32 s9, $0xF7A;
	s5 =	simm.s32 @!p2 $0x0  }
0x1d: {  	s5 =	simm.s32 @p1 $0x1;
	p0 =	seq.s32 s7, s2  }
0x1e: {  	s7 =	smul.u32 @!p0 $0xF7A, s2;
	p2 =	seq.s32 @!p0 s5, $0x0  }
0x1f: {  	s9 =	smul.u32 $0xF7A, s1;
	s8 =	simm.s32 @!p0 $0x1BF5;
	p2 =	por !p2, p0  }
0x20: {  	[sflag:s8] =	ssyncset.s32 @!p0 $0xFFFFF086;
	s6 =	sadd.s32 @!p0 s3, s7;
	s7 =	simm.s32 @!p0 $0x108  }
0x21: {  	s3 =	sadd.s32 s3, s9;
	s6 =	sadd.s32 @!p0 $0x88, s6;
	s7 =	simm.s32 @p2 $0x1082  }
0x22: {  	[simem:s7], [sflag:s8] =	dma.local @!p0 [hbm:s6], $0xF7A  }
0x23: {  	s9 =	sor.u32 $0xD0000000, s2;
	s6 =	simm.s32 $0x108;
	_ =	swait.ge @!p0 [sflag:s8], $0x0  }
0x24: {  	s3 =	sadd.s32 $0x88, s3;
	s6 =	simm.s32 @!p1 $0x1082;
	[sflag:s4] =	ssyncset.s32 $0xFFFFF086  }
0x25: {  	[simem:s6], [sflag:s4] =	dma.local [hbm:s3], $0xF7A  }
0x26: {  	[smem:$0x3F91] =	sst s1;
	(tag) =	ssettag s2;
	_ =	strace s9  }
0x27: {  	s1 =	sld [smem:$0x3FA1]  }
0x28: {  	s2 =	sld [smem:$0x3FA2]  }
0x29: {  	s4 =	sld [smem:$0x3FA4]  }
0x2a: {  	p0 =	seq.s32 s5, $0x0;
	s5 =	sld [smem:$0x3FA5]  }
0x2b: {  	s6 =	sld [smem:$0x3FA6]  }
0x2c: {  	s7 =	sld [smem:$0x3FA7]  }
0x2d: {  	s3 =	simm.s32 $0x108;
	s8 =	sld [smem:$0x3FA8]  }
0x2e: {  	s3 =	simm.s32 @!p0 $0x1082;
	s9 =	sld [smem:$0x3FA9]  }
0x2f: {  	lr =	sadd.s32 s0, s3;
	s0 =	sld [smem:$0x3FA0]  }
0x30: {  	s3 =	sld [smem:$0x3FA3]  }
0x31: {  	[smem:$0x3FAC] =	sst s10  }
0x32: {  	s10 =	sld [smem:$0x3FAA];
	_ =	sdelay $0x3  }
0x33: {  	p0 =	seq.s32 s10, $0x1;
	s10 =	sld [smem:$0x3FAC];
	_ =	sdelay $0x3  }
0x34: {  	[smem:$0x3FAC] =	sst s10  }
0x35: {  	s10 =	sld [smem:$0x3FAB];
	_ =	sdelay $0x3  }
0x36: {  	p1 =	seq.s32 s10, $0x1;
	s10 =	sld [smem:$0x3FAC];
	_ =	sdelay $0x3  }
0x37: {  	[smem:$0x3FAC] =	sst s10  }
0x38: {  	s10 =	sld [smem:$0x3FAD]  }
0x39: {  	_ = 	snop;
	(pc) =	sbr.ind lr, $3  }
0x3a: {  	_ = 	snop  }
0x3b: {  	_ = 	snop  }
0x3c: {  	p2 =	seq.s32 s10, $0x1;
	s10 =	sld [smem:$0x3FAC]  }
0x3d: {  	_ =	shalt  }
0x3e: {  	_ =	shalt  }
0x3f: {  	_ =	shalt  }
0x40: {  	_ =	shalt  }
0x41: {  	_ =	shalt  }
0x42: {  	_ =	shalt  }
0x43: {  	_ =	shalt  }
0x44: {  	_ =	shalt  }
0x45: {  	_ =	shalt  }
0x46: {  	_ =	shalt  }
0x47: {  	_ =	shalt  }
0x48: {  	_ =	shalt  }
0x49: {  	_ =	shalt  }
0x4a: {  	_ =	shalt  }
0x4b: {  	_ =	shalt  }
0x4c: {  	_ =	shalt  }
0x4d: {  	_ =	shalt  }
0x4e: {  	_ =	shalt  }
0x4f: {  	_ =	shalt  }
0x50: {  	_ =	shalt  }
0x51: {  	_ =	shalt  }
0x52: {  	_ =	shalt  }
0x53: {  	_ =	shalt  }
0x54: {  	_ =	shalt  }
0x55: {  	_ =	shalt  }
0x56: {  	_ =	shalt  }
0x57: {  	_ =	shalt  }
0x58: {  	_ =	shalt  }
0x59: {  	_ =	shalt  }
0x5a: {  	_ =	shalt  }
0x5b: {  	_ =	shalt  }
0x5c: {  	_ =	shalt  }
0x5d: {  	_ =	shalt  }
0x5e: {  	_ =	shalt  }
0x5f: {  	_ =	shalt  }
0x60: {  	_ =	shalt  }
0x61: {  	_ =	shalt  }
0x62: {  	_ =	shalt  }
0x63: {  	_ =	shalt  }
0x64: {  	_ =	shalt  }
0x65: {  	_ =	shalt  }
0x66: {  	_ =	shalt  }
0x67: {  	_ =	shalt  }
0x68: {  	_ =	shalt  }
0x69: {  	_ =	shalt  }
0x6a: {  	_ =	shalt  }
0x6b: {  	_ =	shalt  }
0x6c: {  	_ =	shalt  }
0x6d: {  	_ =	shalt  }
0x6e: {  	_ =	shalt  }
0x6f: {  	_ =	shalt  }
0x70: {  	_ =	shalt  }
0x71: {  	_ =	shalt  }
0x72: {  	_ =	shalt  }
0x73: {  	_ =	shalt  }
0x74: {  	_ =	shalt  }
0x75: {  	_ =	shalt  }
0x76: {  	_ =	shalt  }
0x77: {  	_ =	shalt  }
0x78: {  	_ =	shalt  }
0x79: {  	_ =	shalt  }
0x7a: {  	_ =	shalt  }
0x7b: {  	_ =	shalt  }
0x7c: {  	_ =	shalt  }
0x7d: {  	_ =	shalt  }
0x7e: {  	_ =	shalt  }
0x7f: {  	_ =	shalt  }
0x80: {  	_ =	shalt  }
0x81: {  	_ =	shalt  }
0x82: {  	_ =	shalt  }
0x83: {  	_ =	shalt  }
0x84: {  	_ =	shalt  }
0x85: {  	_ =	shalt  }
0x86: {  	_ =	shalt  }
0x87: {  	_ =	shalt  }
.Lfunc_end0:
.L_simem_size_0:
called_computation_lowered:
.L_overlay_start_0:
0x88: {  	s2 =	sld [smem:$0x3FD9]  }
0x89: {  	s3 =	sld [smem:$0x3FFE];
	_ =	sdelay $0x1  }
0x8a: {  	s1 =	srdreg.scid  }
0x8b: {  	s0 =	sand.u32 $0x1, s1  }
0x8c: {  	s14 =	sshll.u32 s0, $0xA;
	s2 =	sadd.s32 s3, s2  }
0x8d: {  	s2 =	sadd.s32 s2, s14  }
0x8e: {  	[smem:$0x3FB8] =	sst s2  }
0x8f: {  	_ = 	snop  }
0x90: {  	s2 =	sld [smem:$0x3FD0];
	_ =	sdelay $0x2  }
0x91: {  	s15 =	simm.s32 $0xB;
	s4 =	simm.s32 $0x10  }
0x92: {  	[smem:s4], [sflag:s15] =	dma.local [hbm:s2], $0x1  }
0x93: {  	_ =	swait.eq [sflag:s15], $0x1  }
0x94: {  	[sflag:s15] =	ssyncset.done $0x0  }
0x95: {  	[sflag:s15] =	ssyncadd.s32 $0xFFFFFFFF  }
0x96: {  	s16 =	sld [smem:$0x11];
	(tm) =	ssettm $0x1  }
0x97: {  	s17 =	sld [smem:$0x3FFB];
	_ =	sdelay $0x3  }
0x98: {  	_ =	strace s17  }
0x99: {  	s3 =	sld [smem:$0x3FFC];
	_ =	sdelay $0x3  }
0x9a: {  	_ =	strace s3  }
0x9b: {  	s3 =	sld [smem:$0x3FFD];
	_ =	sdelay $0x3  }
0x9c: {  	_ =	strace s3  }
0x9d: {  	_ =	strace $0x8FFFFFFF  }
0x9e: {  	s18 =	sld [smem:$0x3FDB];
	_ =	sdelay $0x1  }
0x9f: {  	s19 =	simm.s32 $_scs_section_size  }
0xa0: {  	s5 =	simm.s32 $_size__tile_overlayer_lowered;
	s6 =	simm.s32 $_tile_overlayer_lowered  }
0xa1: {  	s22 =	simm.s32 $0x1BFF;
	s21 =	sshll.u32 s6, $0x1;
	s3 =	sadd.s32 s19, s18  }
0xa2: {  	s7 =	simm.s32 $0x0;
	s20 =	sshll.u32 s5, $0x1;
	s5 =	sadd.s32 s21, s3  }
0xa3: {  	[timem:s7], [sflag:s22] =	dma.local [hbm:s5], s20  }
0xa4: {  	_ =	swait.ge [sflag:s22], s20  }
0xa5: {  	s4 =	ssub.s32 $0x0, s20;
	[sflag:s22] =	ssyncset.done $0x0  }
0xa6: {  	[sflag:s22] =	ssyncadd.s32 s4;
	_ =	sdelay $0x1  }
0xa7: {  	s23 =	simm.s32 $0x1B8B  }
0xa8: {  	_ =	swait.ge [sflag:s23], $0x1  }
0xa9: {  	[sflag:s23] =	ssyncset.done $0x0  }
0xaa: {  	s25 =	simm.s32 $0x1B8E;
	s24 =	sld [smem:$0x3FFE];
	[sflag:s23] =	ssyncadd.s32 $0xFFFFFFFF  }
0xab: {  	s26 =	simm.s32 $execute0_lowered;
	[smem:$0x3FD2] =	sst s25  }
0xac: {  	s5 =	sshll.u32 s26, $0x1;
	_ =	strace $0x80000046;
	[dreg:$0x1] =	wrdreg $0xFFFFFFFF  }
0xad: {  	s28 =	simm.s32 $_size_execute0_lowered;
	s3 =	sadd.s32 s3, s5;
	[dreg:$0x0] =	wrdreg $0x0  }
0xae: {  	s5 =	sshll.u32 s28, $0x1;
	[dreg:$0x2] =	wrdreg s3  }
0xaf: {  	[dreg:$0x3] =	wrdreg s5  }
0xb0: {  	[dreg:$0x4] =	wrdreg $0xC0  }
0xb1: {  	_ =	task [dreg:s7], $0x5FFFF  }
0xb2: {  	[dreg:$0x1] =	wrdreg $0xFFFFFFFF  }
0xb3: {  	[dreg:$0x0] =	wrdreg $0x60  }
0xb4: {  	[dreg:$0x2] =	wrdreg s24  }
0xb5: {  	[dreg:$0x3] =	wrdreg s16  }
0xb6: {  	[dreg:$0x4] =	wrdreg $0x0  }
0xb7: {  	[dreg:$0x5] =	wrdreg $0x9  }
0xb8: {  	_ =	task.clear_ibuf [dreg:s7], $0x6FFFF;
	_ =	strace $0x90000046  }
0xb9: {  	s29 =	simm.s32 $0x9;
	_ =	strace $0x80000048  }
0xba: {  	_ =	swait.ge [sflag:s29], $0x1  }
0xbb: {  	[sflag:s29] =	ssyncadd.s32 $0xFFFFFFFF  }
0xbc: {  	_ =	strace $0x90000048  }
0xbd: {  	_ =	sfence  }
0xbe: {  	s30 =	sld [smem:$0x0];
	_ =	sdelay $0x2  }
0xbf: {  	s31 =	sshll.u32 s1, $0xD;
	s1 =	sshrl.u32 s1, $0x2  }
0xc0: {  	s3 =	sand.u32 $0x4000, s31;
	s1 =	sadd.s32 s1, s30  }
0xc1: {  	s0 =	sor.u32 s3, s0;
	s1 =	sshll.u32 s1, $0x11  }
0xc2: {  	s0 =	sor.u32 s1, s0  }
0xc3: {  	s0 =	sadd.s32 $0x8F2B, s0  }
0xc4: {  	[sflag:s0] =	ssyncadd.remote.s32 $0x1  }
0xc5: {  	_ =	sfence.sel $0xFFFF  }
0xc6: {  	[dreg:$0x0] =	wrdreg $0xFFFFFFFF;
	(pc) =	sbr.abs _section_cstart, $3  }
0xc7: {  	[dreg:$0x1] =	wrdreg $0xFFFFFFFF  }
0xc8: {  	_ =	task.clear_ibuf [dreg:s7], $0x2FFFF;
	_ =	strace $0x9FFFFFFF  }
0xc9: {  	(tm) =	ssettm $0x7FFFFFFF  }
tec
execute0_lowered:
.L_overlay_start_1:
0x0: {  	(tag) =	ssettag $0x1  }
0x1: {  	s4 =	rddreg [dreg:$0x0]  }
0x2: {  	s6 =	rddreg [dreg:$0x1]  }
0x3: {  	s2 =	rddreg [dreg:$0x2]  }
0x4: {  	s0 =	rddreg [dreg:$0x3]  }
0x5: {  	s3 =	srdreg.scid;
	s1 =	stileid.u32  }
0x6: {  	s11 =	simm.s32 $0x1;
	s12 =	simm.s32 $0x280;
	s13 =	simm.s32 $0x80  }
0x7: {  	s14 =	simm.s32 $0x2A80;
	s17 =	simm.s32 $0x0;
	s5 =	sand.u32 $0x1, s3  }
0x8: {  	s7 =	sshll.u32 s1, $0x1;
	s8 =	smul.u32 $0x280, s1;
	s3 =	simm.s32 $0x0  }
0x9: {  	s15 =	sshll.u32 s1, $0x6;
	s7 =	sor.u32 s5, s7;
	s9 =	smul.u32 $0x2800, s5  }
0xa: {  	[smem:$0x7FF] =	sst s3;
	s5 =	ssub.s32 $0x2, s5;
	s7 =	smul.u32 $0x500, s7  }
0xb: {  	s15 =	sor.u32 $0x1C01, s15;
	_ =	strace $0x80000047;
	s10 =	sshrl.u32 s5, $0x1  }
0xc: {  	s9 =	sadd.s32 s8, s9;
	s10 =	ssub.s32 s5, s10;
	s7 =	sadd.s32 s7, s4  }
0xd: {  	s9 =	sshrl.u32 s9, $0x3;
	s4 =	sadd.s32 s8, s2;
	s5 =	sadd.s32 $0x1B200, s7  }
0xe: {  	s6 =	sadd.s32 s6, s9;
	s7 =	sadd.s32 $0x7200, s7;
	s9 =	smax.u32 s10, $0x1  }
0xf: {  	v0 =	vimm.f32 $1.000000000e+00;
	v1 =	vimm.f32 $0.0e+00;
	s10 =	simm.s32 $0x2B00;
	s16 =	sshrl.u32 s4, $0x3;
	s8 =	sadd.s32 $0xA00, s6  }
.LBB2_1:
0x10: {  	[tilespmem:$0x2A80] =	vst v0  }
0x11: {  	[tilespmem:$0x2A90] =	vst v0  }
0x12: {  	[tilespmem:$0x2AA0] =	vst v0  }
0x13: {  	[tilespmem:$0x2AB0] =	vst v0  }
0x14: {  	[tilespmem:$0x2AC0] =	vst v0  }
0x15: {  	[tilespmem:$0x2AD0] =	vst v0  }
0x16: {  	[tilespmem:$0x2AE0] =	vst v0  }
0x17: {  	[tilespmem:$0x2AF0] =	vst v0  }
0x18: {  	[tilespmem:$0x2B00] =	vst v1  }
0x19: {  	[tilespmem:$0x2B10] =	vst v1  }
0x1a: {  	[tilespmem:$0x2B20] =	vst v1  }
0x1b: {  	[tilespmem:$0x2B30] =	vst v1  }
0x1c: {  	[tilespmem:$0x2B40] =	vst v1  }
0x1d: {  	[tilespmem:$0x2B50] =	vst v1  }
0x1e: {  	[tilespmem:$0x2B60] =	vst v1  }
0x1f: {  	[tilespmem:$0x2B70] =	vst v1  }
0x20: {  	[tilespmem:$0x2B80] =	vst v1  }
0x21: {  	[tilespmem:$0x2B90] =	vst v1  }
0x22: {  	[tilespmem:$0x2BA0] =	vst v1  }
0x23: {  	[tilespmem:$0x2BB0] =	vst v1  }
0x24: {  	[tilespmem:$0x2BC0] =	vst v1  }
0x25: {  	[tilespmem:$0x2BD0] =	vst v1  }
0x26: {  	[tilespmem:$0x2BE0] =	vst v1  }
0x27: {  	[tilespmem:$0x2BF0] =	vst v1  }
0x28: {  	[tilespmem:$0x2C00] =	vst v1  }
0x29: {  	[tilespmem:$0x2C10] =	vst v1  }
0x2a: {  	[tilespmem:$0x2C20] =	vst v1  }
0x2b: {  	[tilespmem:$0x2C30] =	vst v1  }
0x2c: {  	[tilespmem:$0x2C40] =	vst v1  }
0x2d: {  	[tilespmem:$0x2C50] =	vst v1  }
0x2e: {  	[tilespmem:$0x2C60] =	vst v1  }
0x2f: {  	[tilespmem:$0x2C70] =	vst v1  }
0x30: {  	[tilespmem:$0x2C80] =	vst v1  }
0x31: {  	[tilespmem:$0x2C90] =	vst v1  }
0x32: {  	[tilespmem:$0x2CA0] =	vst v1  }
0x33: {  	[tilespmem:$0x2CB0] =	vst v1  }
0x34: {  	[tilespmem:$0x2CC0] =	vst v1  }
0x35: {  	[tilespmem:$0x2CD0] =	vst v1  }
0x36: {  	[tilespmem:$0x2CE0] =	vst v1  }
0x37: {  	[tilespmem:$0x2CF0] =	vst v1  }
0x38: {  	[tilespmem:$0x2D00] =	vst v1  }
0x39: {  	[tilespmem:$0x2D10] =	vst v1  }
0x3a: {  	[tilespmem:$0x2D20] =	vst v1  }
0x3b: {  	[tilespmem:$0x2D30] =	vst v1  }
0x3c: {  	[tilespmem:$0x2D40] =	vst v1  }
0x3d: {  	[tilespmem:$0x2D50] =	vst v1  }
0x3e: {  	[tilespmem:$0x2D60] =	vst v1  }
0x3f: {  	[tilespmem:$0x2D70] =	vst v1  }
0x40: {  	[spmem:s4] =	stream.linear.scatter [tilespmem:s10], [sflag:$0x1], $0x280, $0x38;
	[tilespmem:$0x2D80] =	vst v63  }
0x41: {  	_ =	swait.ge [sflag:s11], $0x280  }
0x42: {  	[sflag:s11] =	ssyncset.done $0x0  }
0x43: {  	[sflag:s11] =	ssyncadd.s32 $0xFFFFFD80  }
0x44: {  	[tilespmem:s12], [sflag:$0x1] =	stream.linear.gather [hbm4b:s5+s3], $0x2800, $0x38;
	[tilespmem:$0x2D80] =	vst v63  }
0x45: {  	_ =	swait.ge [sflag:s11], $0x2800  }
0x46: {  	[sflag:s11] =	ssyncset.done $0x0  }
0x47: {  	[sflag:s11] =	ssyncadd.s32 $0xFFFFD800  }
0x48: {  	s18 =	simm.s32 $0x280;
	[bflag:$0x0] =	sbarrier.arrive $0xFFFF  }
0x49: {  	[spmem:s2] =	stream.indirect.scatter.add.f32 [tilespmem:s14], [sflag:$0x1], $0x1, s18, s13, $0xb8;
	[tilespmem:$0x2D80] =	vst v63  }
0x4a: {  	s18 =	simm.s32 $0x200;
	_ =	swait.ge [sflag:s11], $0x80  }
.LBB2_2:
0x4b: {  	s19 =	sshra.s32 s18, $0x2;
	[sflag:s11] =	ssyncset.done $0x0;
	p0 =	sne.s32 s18, $0x9E00  }
.Ltmp0:
0x4c: {  	s19 =	sadd.s32 $0x280, s19;
	[sflag:s11] =	ssyncadd.s32 $0xFFFFFF80;
	(pc) =	sbr.rel @p0 .LBB2_2-.Ltmp0, $3  }
0x4d: {  	[spmem:s2] =	stream.indirect.scatter.add.f32 [tilespmem:s14], [sflag:$0x1], $0x1, s19, s13, $0xb8;
	[tilespmem:$0x2D80] =	vst v63  }
0x4e: {  	s18 =	sadd.s32 $0x200, s18;
	_ =	sdelay $0x1  }
0x4f: {  	_ =	swait.ge [sflag:s11], $0x80  }
0x50: {  	[sflag:s11] =	ssyncset.done $0x0  }
0x51: {  	[sflag:s11] =	ssyncadd.s32 $0xFFFFFF80  }
0x52: {  	[bflag:$0x0] =	sbarrier.arrive $0xFFFF  }
0x53: {  	[hbm:s6], [sflag:s15] =	dma.local [spmem:s16], $0x50  }
0x54: {  	_ =	swait.ge [sflag:s11], $0x50  }
0x55: {  	[sflag:s11] =	ssyncset.done $0x0  }
0x56: {  	[sflag:s11] =	ssyncadd.s32 $0xFFFFFFB0  }
0x57: {  	[bflag:$0x0] =	sbarrier.arrive $0xFFFF  }
0x58: {  	[spmem:s4] =	stream.linear.scatter [tilespmem:s10], [sflag:$0x1], $0x280, $0x38;
	[tilespmem:$0x2D80] =	vst v63  }
0x59: {  	_ =	swait.ge [sflag:s11], $0x280  }
0x5a: {  	[sflag:s11] =	ssyncset.done $0x0  }
0x5b: {  	s18 =	simm.s32 $0x0;
	[sflag:s11] =	ssyncadd.s32 $0xFFFFFD80  }
0x5c: {  	[tilespmem:s12], [sflag:$0x1] =	stream.linear.gather [hbm4b:s7+s18], $0x2800, $0x38;
	[tilespmem:$0x2D80] =	vst v63  }
0x5d: {  	_ =	swait.ge [sflag:s11], $0x2800  }
0x5e: {  	[sflag:s11] =	ssyncset.done $0x0  }
0x5f: {  	[sflag:s11] =	ssyncadd.s32 $0xFFFFD800  }
0x60: {  	s31 =	simm.s32 $0x280;
	[bflag:$0x0] =	sbarrier.arrive $0xFFFF  }
0x61: {  	[spmem:s2] =	stream.indirect.scatter.add.f32 [tilespmem:s14], [sflag:$0x1], $0x1, s31, s13, $0xb8;
	[tilespmem:$0x2D80] =	vst v63  }
0x62: {  	s18 =	simm.s32 $0x200;
	_ =	swait.ge [sflag:s11], $0x80  }
.LBB2_4:
0x63: {  	s19 =	sshra.s32 s18, $0x2;
	[sflag:s11] =	ssyncset.done $0x0;
	p0 =	sne.s32 s18, $0x9E00  }
.Ltmp1:
0x64: {  	s19 =	sadd.s32 $0x280, s19;
	[sflag:s11] =	ssyncadd.s32 $0xFFFFFF80;
	(pc) =	sbr.rel @p0 .LBB2_4-.Ltmp1, $3  }
0x65: {  	[spmem:s2] =	stream.indirect.scatter.add.f32 [tilespmem:s14], [sflag:$0x1], $0x1, s19, s13, $0xb8;
	[tilespmem:$0x2D80] =	vst v63  }
0x66: {  	s18 =	sadd.s32 $0x200, s18;
	_ =	sdelay $0x1  }
0x67: {  	_ =	swait.ge [sflag:s11], $0x80  }
0x68: {  	[sflag:s11] =	ssyncset.done $0x0  }
0x69: {  	s17 =	sadd.s32 $0x1, s17;
	[sflag:s11] =	ssyncadd.s32 $0xFFFFFF80  }
0x6a: {  	p0 =	sne.s32 s17, s9;
	[bflag:$0x0] =	sbarrier.arrive $0xFFFF  }
0x6b: {  	[hbm:s8], [sflag:s15] =	dma.local [spmem:s16], $0x50  }
.Ltmp2:
0x6c: {  	_ =	swait.ge [sflag:s11], $0x50;
	(pc) =	sbr.rel @p0 .LBB2_1-.Ltmp2, $3  }
0x6d: {  	[sflag:s11] =	ssyncset.done $0x0  }
0x6e: {  	[sflag:s11] =	ssyncadd.s32 $0xFFFFFFB0  }
0x6f: {  	[bflag:$0x0] =	sbarrier.arrive $0xFFFF;
	_ =	sdelay $0x1  }
0x70: {  	_ =	sfence.sel $0x180000  }
0x71: {  	[bflag:$0x0] =	sbarrier.arrive $0xFFFF  }
0x72: {  	p0 =	sne.s32 s1, $0x0;
	_ =	strace $0x90000047  }
0x73: {  	s0 =	sadd.s32 @!p0 $0x100000, s0;
	[bflag:$0x2] =	sbarrier.arrive $0xFFFF  }
0x74: {  	[sflag:s0] =	ssyncadd.tile.s32 @!p0 $0x1;
	_ =	shalt  }
.Lfunc_end2:
_tile_overlayer_lowered:
.L_overlay_start_2:
0x75: {  	(tag) =	ssettag $0x2  }
0x76: {  	s0 =	rddreg [dreg:$0x0];
	s2 =	stileid.u32  }
0x77: {  	s1 =	rddreg [dreg:$0x1];
	p0 =	sne.s32 s2, $0x0  }
0x78: {  	s3 =	rddreg [dreg:$0x2];
	[bflag:$0x3] =	sbarrier.arrive $0xFFFF;
	s2 =	simm.s32 @!p0 $0x1C01  }
0x79: {  	[timem:s3], [sflag:s2] =	dma.local @!p0 [hbm:s0], s1  }
0x7a: {  	s0 =	simm.s32 @!p0 $0x1  }
0x7b: {  	_ =	swait.ge @!p0 [sflag:s0], s1  }
0x7c: {  	s1 =	ssub.s32 @!p0 $0x0, s1;
	[sflag:s0] =	ssyncset.done @!p0 $0x0  }
0x7d: {  	[sflag:s0] =	ssyncadd.s32 @!p0 s1  }
0x7e: {  	[bflag:$0x3] =	sbarrier.arrive $0xFFFF  }
0x7f: {  	_ =	shalt  }

// kernel: kernel.17.cloned.1.call-start
scs
__scs_entry_jumppad:
0x0: {  	(pc) =	sbr.rel $0x88, $3  }
0x1: {  	(tag) =	ssettag $0x0;
	lr =	simm.s32 $0x1  }
0x2: {  	[smem:$0x3F91] =	sst lr;
	_ =	strace $0xD0000000  }
0x3: {  	_ = 	snop  }
0x4: {  	_ = 	snop  }
0x5: {  	_ = 	snop  }
0x6: {  	_ = 	snop  }
0x7: {  	_ = 	snop  }
__scs_overlays_trampoline_lowered:
0x8: {  	[smem:$0x3FA0] =	sst s0  }
0x9: {  	[smem:$0x3FA1] =	sst s1  }
0xa: {  	[smem:$0x3FA2] =	sst s2  }
0xb: {  	[smem:$0x3FA3] =	sst s3  }
0xc: {  	[smem:$0x3FA4] =	sst s4  }
0xd: {  	[smem:$0x3FA5] =	sst s5  }
0xe: {  	[smem:$0x3FA6] =	sst s6  }
0xf: {  	[smem:$0x3FA7] =	sst s7  }
0x10: {  	[smem:$0x3FA8] =	sst s8  }
0x11: {  	[smem:$0x3FA9] =	sst s9;
	s0 =	simm.s32 @!p0 $0x0  }
0x12: {  	s1 =	sld [smem:$0x3F8F];
	s0 =	simm.s32 @p0 $0x1  }
0x13: {  	[smem:$0x3FAA] =	sst s0;
	s0 =	simm.s32 @!p1 $0x0  }
0x14: {  	s2 =	sld [smem:$0x3F8E];
	s0 =	simm.s32 @p1 $0x1  }
0x15: {  	[smem:$0x3FAB] =	sst s0;
	s0 =	simm.s32 @!p2 $0x0  }
0x16: {  	s3 =	sld [smem:$0x3FDB];
	s0 =	simm.s32 @p2 $0x1  }
0x17: {  	s4 =	simm.s32 $0x1BF5;
	[smem:$0x3FAD] =	sst s0  }
0x18: {  	s0 =	sld [smem:$0x3F90];
	_ =	swait.ge [sflag:s4], $0x0  }
0x19: {  	s7 =	sld [smem:$0x3F91]  }
0x1a: {  	s8 =	sadd.s32 $0xFFFFE003, lr  }
0x1b: {  	s9 =	sadd.s32 $0xFFFFFEF7, lr;
	s5 =	simm.s32 $0xFFFFFFFF;
	p2 =	slt.u32 s8, $0xFFFFF086  }
0x1c: {  	p1 =	slt.u32 s9, $0xF7A;
	s5 =	simm.s32 @!p2 $0x0  }
0x1d: {  	s5 =	simm.s32 @p1 $0x1;
	p0 =	seq.s32 s7, s2  }
0x1e: {  	s7 =	smul.u32 @!p0 $0xF7A, s2;
	p2 =	seq.s32 @!p0 s5, $0x0  }
0x1f: {  	s9 =	smul.u32 $0xF7A, s1;
	s8 =	simm.s32 @!p0 $0x1BF5;
	p2 =	por !p2, p0  }
0x20: {  	[sflag:s8] =	ssyncset.s32 @!p0 $0xFFFFF086;
	s6 =	sadd.s32 @!p0 s3, s7;
	s7 =	simm.s32 @!p0 $0x108  }
0x21: {  	s3 =	sadd.s32 s3, s9;
	s6 =	sadd.s32 @!p0 $0x88, s6;
	s7 =	simm.s32 @p2 $0x1082  }
0x22: {  	[simem:s7], [sflag:s8] =	dma.local @!p0 [hbm:s6], $0xF7A  }
0x23: {  	s9 =	sor.u32 $0xD0000000, s2;
	s6 =	simm.s32 $0x108;
	_ =	swait.ge @!p0 [sflag:s8], $0x0  }
0x24: {  	s3 =	sadd.s32 $0x88, s3;
	s6 =	simm.s32 @!p1 $0x1082;
	[sflag:s4] =	ssyncset.s32 $0xFFFFF086  }
0x25: {  	[simem:s6], [sflag:s4] =	dma.local [hbm:s3], $0xF7A  }
0x26: {  	[smem:$0x3F91] =	sst s1;
	(tag) =	ssettag s2;
	_ =	strace s9  }
0x27: {  	s1 =	sld [smem:$0x3FA1]  }
0x28: {  	s2 =	sld [smem:$0x3FA2]  }
0x29: {  	s4 =	sld [smem:$0x3FA4]  }
0x2a: {  	p0 =	seq.s32 s5, $0x0;
	s5 =	sld [smem:$0x3FA5]  }
0x2b: {  	s6 =	sld [smem:$0x3FA6]  }
0x2c: {  	s7 =	sld [smem:$0x3FA7]  }
0x2d: {  	s3 =	simm.s32 $0x108;
	s8 =	sld [smem:$0x3FA8]  }
0x2e: {  	s3 =	simm.s32 @!p0 $0x1082;
	s9 =	sld [smem:$0x3FA9]  }
0x2f: {  	lr =	sadd.s32 s0, s3;
	s0 =	sld [smem:$0x3FA0]  }
0x30: {  	s3 =	sld [smem:$0x3FA3]  }
0x31: {  	[smem:$0x3FAC] =	sst s10  }
0x32: {  	s10 =	sld [smem:$0x3FAA];
	_ =	sdelay $0x3  }
0x33: {  	p0 =	seq.s32 s10, $0x1;
	s10 =	sld [smem:$0x3FAC];
	_ =	sdelay $0x3  }
0x34: {  	[smem:$0x3FAC] =	sst s10  }
0x35: {  	s10 =	sld [smem:$0x3FAB];
	_ =	sdelay $0x3  }
0x36: {  	p1 =	seq.s32 s10, $0x1;
	s10 =	sld [smem:$0x3FAC];
	_ =	sdelay $0x3  }
0x37: {  	[smem:$0x3FAC] =	sst s10  }
0x38: {  	s10 =	sld [smem:$0x3FAD]  }
0x39: {  	_ = 	snop;
	(pc) =	sbr.ind lr, $3  }
0x3a: {  	_ = 	snop  }
0x3b: {  	_ = 	snop  }
0x3c: {  	p2 =	seq.s32 s10, $0x1;
	s10 =	sld [smem:$0x3FAC]  }
0x3d: {  	_ =	shalt  }
0x3e: {  	_ =	shalt  }
0x3f: {  	_ =	shalt  }
0x40: {  	_ =	shalt  }
0x41: {  	_ =	shalt  }
0x42: {  	_ =	shalt  }
0x43: {  	_ =	shalt  }
0x44: {  	_ =	shalt  }
0x45: {  	_ =	shalt  }
0x46: {  	_ =	shalt  }
0x47: {  	_ =	shalt  }
0x48: {  	_ =	shalt  }
0x49: {  	_ =	shalt  }
0x4a: {  	_ =	shalt  }
0x4b: {  	_ =	shalt  }
0x4c: {  	_ =	shalt  }
0x4d: {  	_ =	shalt  }
0x4e: {  	_ =	shalt  }
0x4f: {  	_ =	shalt  }
0x50: {  	_ =	shalt  }
0x51: {  	_ =	shalt  }
0x52: {  	_ =	shalt  }
0x53: {  	_ =	shalt  }
0x54: {  	_ =	shalt  }
0x55: {  	_ =	shalt  }
0x56: {  	_ =	shalt  }
0x57: {  	_ =	shalt  }
0x58: {  	_ =	shalt  }
0x59: {  	_ =	shalt  }
0x5a: {  	_ =	shalt  }
0x5b: {  	_ =	shalt  }
0x5c: {  	_ =	shalt  }
0x5d: {  	_ =	shalt  }
0x5e: {  	_ =	shalt  }
0x5f: {  	_ =	shalt  }
0x60: {  	_ =	shalt  }
0x61: {  	_ =	shalt  }
0x62: {  	_ =	shalt  }
0x63: {  	_ =	shalt  }
0x64: {  	_ =	shalt  }
0x65: {  	_ =	shalt  }
0x66: {  	_ =	shalt  }
0x67: {  	_ =	shalt  }
0x68: {  	_ =	shalt  }
0x69: {  	_ =	shalt  }
0x6a: {  	_ =	shalt  }
0x6b: {  	_ =	shalt  }
0x6c: {  	_ =	shalt  }
0x6d: {  	_ =	shalt  }
0x6e: {  	_ =	shalt  }
0x6f: {  	_ =	shalt  }
0x70: {  	_ =	shalt  }
0x71: {  	_ =	shalt  }
0x72: {  	_ =	shalt  }
0x73: {  	_ =	shalt  }
0x74: {  	_ =	shalt  }
0x75: {  	_ =	shalt  }
0x76: {  	_ =	shalt  }
0x77: {  	_ =	shalt  }
0x78: {  	_ =	shalt  }
0x79: {  	_ =	shalt  }
0x7a: {  	_ =	shalt  }
0x7b: {  	_ =	shalt  }
0x7c: {  	_ =	shalt  }
0x7d: {  	_ =	shalt  }
0x7e: {  	_ =	shalt  }
0x7f: {  	_ =	shalt  }
0x80: {  	_ =	shalt  }
0x81: {  	_ =	shalt  }
0x82: {  	_ =	shalt  }
0x83: {  	_ =	shalt  }
0x84: {  	_ =	shalt  }
0x85: {  	_ =	shalt  }
0x86: {  	_ =	shalt  }
0x87: {  	_ =	shalt  }
.Lfunc_end0:
.L_simem_size_0:
called_computation.1_lowered:
.L_overlay_start_0:
0x88: {  	s2 =	sld [smem:$0x3FD9]  }
0x89: {  	s3 =	sld [smem:$0x3FFE];
	_ =	sdelay $0x1  }
0x8a: {  	s1 =	srdreg.scid  }
0x8b: {  	s0 =	sand.u32 $0x1, s1  }
0x8c: {  	s15 =	sshll.u32 s0, $0xA;
	s2 =	sadd.s32 s3, s2  }
0x8d: {  	s2 =	sadd.s32 s2, s15  }
0x8e: {  	[smem:$0x3FB8] =	sst s2  }
0x8f: {  	_ = 	snop  }
0x90: {  	s2 =	sld [smem:$0x3FD0];
	_ =	sdelay $0x2  }
0x91: {  	s4 =	simm.s32 $0xB;
	s16 =	simm.s32 $0x10  }
0x92: {  	[smem:s16], [sflag:s4] =	dma.local [hbm:s2], $0x1  }
0x93: {  	_ =	swait.eq [sflag:s4], $0x1  }
0x94: {  	[sflag:s4] =	ssyncset.done $0x0  }
0x95: {  	s17 =	sld [smem:$0x10];
	[sflag:s4] =	ssyncadd.s32 $0xFFFFFFFF  }
0x96: {  	s18 =	sld [smem:$0x11];
	(tm) =	ssettm $0x1  }
0x97: {  	s19 =	sld [smem:$0x3FFB];
	_ =	sdelay $0x3  }
0x98: {  	_ =	strace s19  }
0x99: {  	s2 =	sld [smem:$0x3FFC];
	_ =	sdelay $0x3  }
0x9a: {  	_ =	strace s2  }
0x9b: {  	s2 =	sld [smem:$0x3FFD];
	_ =	sdelay $0x3  }
0x9c: {  	_ =	strace s2  }
0x9d: {  	_ =	strace $0x8FFFFFFF  }
0x9e: {  	s20 =	sld [smem:$0x3FDB];
	_ =	sdelay $0x1  }
0x9f: {  	s5 =	simm.s32 $_scs_section_size  }
0xa0: {  	s6 =	simm.s32 $_size__tile_overlayer_lowered;
	s7 =	simm.s32 $_tile_overlayer_lowered  }
0xa1: {  	s8 =	simm.s32 $0x1BFF;
	s21 =	sshll.u32 s7, $0x1;
	s5 =	sadd.s32 s5, s20  }
0xa2: {  	s22 =	simm.s32 $0x0;
	s6 =	sshll.u32 s6, $0x1;
	s7 =	sadd.s32 s21, s5  }
0xa3: {  	[timem:s22], [sflag:s8] =	dma.local [hbm:s7], s6  }
0xa4: {  	_ =	swait.ge [sflag:s8], s6  }
0xa5: {  	s6 =	ssub.s32 $0x0, s6;
	[sflag:s8] =	ssyncset.done $0x0  }
0xa6: {  	[sflag:s8] =	ssyncadd.s32 s6;
	_ =	sdelay $0x1  }
0xa7: {  	s23 =	simm.s32 $0x1B8B  }
0xa8: {  	_ =	swait.ge [sflag:s23], $0x1  }
0xa9: {  	[sflag:s23] =	ssyncset.done $0x0  }
0xaa: {  	[sflag:s23] =	ssyncadd.s32 $0xFFFFFFFF  }
0xab: {  	s6 =	sld [smem:$0x0]  }
0xac: {  	s7 =	sand.u32 $0xFFFFFFFE, s1  }
0xad: {  	p0 =	sne.s32 s1, s7  }
0xae: {  	s7 =	sshll.u32 @p0 s7, $0xE  }
0xaf: {  	s7 =	sadd.s32 @p0 $0x11B8D, s7;
	s8 =	sshll.u32 @p0 s6, $0x11  }
0xb0: {  	s7 =	sor.u32 @p0 s8, s7  }
0xb1: {  	[sflag:s7] =	ssyncadd.remote.s32 @p0 $0x1;
	_ =	sdelay $0x1  }
0xb2: {  	s7 =	simm.s32 @p0 $0x1B8D  }
0xb3: {  	_ =	swait.eq @p0 [sflag:s7], $0x1  }
0xb4: {  	[sflag:s7] =	ssyncadd.s32 @p0 $0xFFFFFFFF  }
0xb5: {  	s8 =	sshll.u32 @!p0 s1, $0xE  }
0xb6: {  	s8 =	sor.u32 @!p0 $0x4000, s8;
	s7 =	simm.s32 @!p0 $0x1B8D  }
0xb7: {  	s6 =	sshll.u32 @!p0 s6, $0x11;
	s8 =	sadd.s32 @!p0 $0x11B8D, s8;
	_ =	swait.eq @!p0 [sflag:s7], $0x1  }
0xb8: {  	s6 =	sor.u32 @!p0 s6, s8;
	[sflag:s7] =	ssyncadd.s32 @!p0 $0xFFFFFFFF  }
0xb9: {  	s25 =	simm.s32 $0x1B8E;
	s24 =	sld [smem:$0x3FFE];
	[sflag:s6] =	ssyncadd.remote.s32 @!p0 $0x1  }
0xba: {  	s26 =	simm.s32 $execute0_lowered;
	[smem:$0x3FD2] =	sst s25  }
0xbb: {  	s7 =	sshll.u32 s26, $0x1;
	_ =	strace $0x8000004C;
	[dreg:$0x1] =	wrdreg $0xFFFFFFFF  }
0xbc: {  	s28 =	simm.s32 $_size_execute0_lowered;
	s5 =	sadd.s32 s5, s7;
	[dreg:$0x0] =	wrdreg $0x0  }
0xbd: {  	s7 =	sshll.u32 s28, $0x1;
	[dreg:$0x2] =	wrdreg s5  }
0xbe: {  	[dreg:$0x3] =	wrdreg s7  }
0xbf: {  	[dreg:$0x4] =	wrdreg $0xC0  }
0xc0: {  	_ =	task [dreg:s22], $0x5FFFF  }
0xc1: {  	[dreg:$0x1] =	wrdreg $0xFFFFFFFF  }
0xc2: {  	[dreg:$0x0] =	wrdreg $0x60  }
0xc3: {  	[dreg:$0x2] =	wrdreg s17  }
0xc4: {  	[dreg:$0x3] =	wrdreg s18  }
0xc5: {  	[dreg:$0x4] =	wrdreg s24  }
0xc6: {  	[dreg:$0x5] =	wrdreg $0x0  }
0xc7: {  	[dreg:$0x6] =	wrdreg $0x9  }
0xc8: {  	_ =	task.clear_ibuf [dreg:s22], $0x7FFFF;
	_ =	strace $0x9000004C  }
0xc9: {  	s29 =	simm.s32 $0x9;
	_ =	strace $0x8000004E  }
0xca: {  	_ =	swait.ge [sflag:s29], $0x1  }
0xcb: {  	[sflag:s29] =	ssyncadd.s32 $0xFFFFFFFF  }
0xcc: {  	_ =	strace $0x9000004E  }
0xcd: {  	_ =	sfence  }
0xce: {  	s30 =	sld [smem:$0x0];
	_ =	sdelay $0x2  }
0xcf: {  	s31 =	sshll.u32 s1, $0xD;
	s1 =	sshrl.u32 s1, $0x2  }
0xd0: {  	s4 =	sand.u32 $0x4000, s31;
	s1 =	sadd.s32 s1, s30  }
0xd1: {  	s0 =	sor.u32 s4, s0;
	s1 =	sshll.u32 s1, $0x11  }
0xd2: {  	s0 =	sor.u32 s1, s0  }
0xd3: {  	s0 =	sadd.s32 $0x8F2B, s0  }
0xd4: {  	[sflag:s0] =	ssyncadd.remote.s32 $0x1  }
0xd5: {  	_ =	sfence.sel $0xFFFF  }
0xd6: {  	[dreg:$0x0] =	wrdreg $0xFFFFFFFF;
	(pc) =	sbr.abs _section_cstart, $3  }
0xd7: {  	[dreg:$0x1] =	wrdreg $0xFFFFFFFF  }
0xd8: {  	_ =	task.clear_ibuf [dreg:s22], $0x2FFFF;
	_ =	strace $0x9FFFFFFF  }
0xd9: {  	(tm) =	ssettm $0x7FFFFFFF  }
tec
execute0_lowered:
.L_overlay_start_1:
0x0: {  	(tag) =	ssettag $0x1  }
0x1: {  	s1 =	rddreg [dreg:$0x0]  }
0x2: {  	s2 =	rddreg [dreg:$0x1]  }
0x3: {  	s7 =	rddreg [dreg:$0x2]  }
0x4: {  	s3 =	rddreg [dreg:$0x3];
	s4 =	srdreg.scid;
	s5 =	simm.s32 $0x0  }
0x5: {  	s0 =	stileid.u32;
	s17 =	simm.s32 $0x14000;
	s18 =	simm.s32 $0x15400  }
0x6: {  	s19 =	simm.s32 $0x80;
	s20 =	simm.s32 $0x16800;
	s21 =	simm.s32 $0x1A800  }
0x7: {  	s22 =	simm.s32 $0x1;
	s23 =	simm.s32 $0x2;
	s24 =	simm.s32 $0x15380  }
0x8: {  	s28 =	simm.s32 $0x0;
	s8 =	sand.u32 $0x1, s4;
	[smem:$0x7FF] =	sst s5  }
0x9: {  	s9 =	smul.u32 $0x14000, s0;
	s10 =	sadd.s32 $0x25200, s7;
	s11 =	sadd.s32 $0x1B200, s7  }
0xa: {  	s12 =	sshll.u32 s0, $0x1;
	s25 =	smul.u32 $0x50000, s0;
	s30 =	sshll.u32 s0, $0x6  }
0xb: {  	s6 =	smul.u32 $0x140000, s8;
	s13 =	ssub.s32 $0x2, s8;
	s8 =	sor.u32 s8, s12  }
0xc: {  	_ =	strace $0x8000004D;
	s26 =	sshrl.u32 s13, $0x1;
	s8 =	smul.u32 $0x2800, s8  }
0xd: {  	s29 =	sshrl.u32 s25, $0x2;
	s25 =	simm.s32 $0x16700;
	s9 =	sadd.s32 s9, s6  }
0xe: {  	s6 =	sadd.s32 $0x11B800, s7;
	s15 =	ssub.s32 s13, s26;
	s16 =	sadd.s32 s29, s3  }
0xf: {  	s26 =	simm.s32 $0x16780;
	s9 =	sshrl.u32 s9, $0x3;
	s31 =	sshrl.u32 s8, $0x3  }
0x10: {  	s14 =	sadd.s32 s9, s7;
	s7 =	sor.u32 $0x1C03, s30;
	s12 =	sadd.s32 $0x280, s31  }
0x11: {  	s8 =	sadd.s32 s10, s31;
	s9 =	sadd.s32 s11, s31;
	s10 =	sadd.s32 s10, s12  }
0x12: {  	s11 =	sadd.s32 s11, s12;
	s12 =	sadd.s32 $0x1BE000, s14;
	s13 =	sadd.s32 $0x20E000, s14  }
0x13: {  	s14 =	smax.u32 s15, $0x1;
	s15 =	sshrl.u32 s16, $0x3;
	s16 =	simm.s32 $0x3  }
.LBB2_1:
0x14: {  	[spmem:s15], [sflag:s7] =	dma.local [hbm:s6], $0x2800  }
0x15: {  	_ =	swait.ge [sflag:s16], $0x2800  }
0x16: {  	[sflag:s16] =	ssyncset.done $0x0  }
0x17: {  	[sflag:s16] =	ssyncadd.s32 $0xFFFFD800  }
0x18: {  	[bflag:$0x0] =	sbarrier.arrive $0xFFFF  }
0x19: {  	[tilespmem:s17], [sflag:$0x3] =	stream.linear.gather [hbm4b:s8+s5], $0x1400, $0x38;
	[tilespmem:$0x1E800] =	vst v63  }
0x1a: {  	_ =	swait.ge [sflag:s16], $0x1400  }
0x1b: {  	[sflag:s16] =	ssyncset.done $0x0  }
0x1c: {  	[sflag:s16] =	ssyncadd.s32 $0xFFFFEC00  }
0x1d: {  	[tilespmem:s18], [sflag:$0x3] =	stream.linear.gather [hbm4b:s9+s5], $0x1400, $0x38;
	[tilespmem:$0x1E800] =	vst v63  }
0x1e: {  	_ =	swait.ge [sflag:s16], $0x1400  }
0x1f: {  	[sflag:s16] =	ssyncset.done $0x0  }
0x20: {  	[sflag:s16] =	ssyncadd.s32 $0xFFFFEC00  }
0x21: {  	[tilespmem:s20], [sflag:$0x1] =	stream.indirect.gather [hbm4b:s1+s19], $0x80, s17, s19, $0xb8;
	[tilespmem:$0x1E800] =	vst v63  }
0x22: {  	s29 =	simm.s32 $0x14080  }
0x23: {  	[tilespmem:s21], [sflag:$0x2] =	stream.indirect.gather [hbm4b:s1+s19], $0x80, s29, s19, $0xb8;
	[tilespmem:$0x1E800] =	vst v63  }
0x24: {  	_ =	swait.ge [sflag:s22], $0x4000  }
0x25: {  	[sflag:s22] =	ssyncset.done $0x0  }
0x26: {  	s29 =	simm.s32 $0x15400;
	[sflag:s22] =	ssyncadd.s32 $0xFFFFC000  }
0x27: {  	[spmem:s3] =	stream.indirect.scatter.add.f32 [tilespmem:s20], [sflag:$0x3], $0x80, s29, s19, $0xb8;
	[tilespmem:$0x1E800] =	vst v63  }
0x28: {  	_ =	swait.ge [sflag:s16], $0x4000  }
0x29: {  	[sflag:s16] =	ssyncset.done $0x0  }
0x2a: {  	s29 =	simm.s32 $0x14100;
	[sflag:s16] =	ssyncadd.s32 $0xFFFFC000  }
0x2b: {  	[tilespmem:s20], [sflag:$0x1] =	stream.indirect.gather [hbm4b:s1+s19], $0x80, s29, s19, $0xb8;
	[tilespmem:$0x1E800] =	vst v63  }
0x2c: {  	_ =	swait.ge [sflag:s23], $0x4000  }
0x2d: {  	[sflag:s23] =	ssyncset.done $0x0  }
0x2e: {  	s29 =	simm.s32 $0x15480;
	[sflag:s23] =	ssyncadd.s32 $0xFFFFC000  }
0x2f: {  	[spmem:s3] =	stream.indirect.scatter.add.f32 [tilespmem:s21], [sflag:$0x3], $0x80, s29, s19, $0xb8;
	[tilespmem:$0x1E800] =	vst v63  }
0x30: {  	_ =	swait.ge [sflag:s16], $0x4000  }
0x31: {  	s30 =	simm.s32 $0x800;
	s29 =	simm.s32 $0x100;
	[sflag:s16] =	ssyncset.done $0x0  }
.LBB2_2:
0x32: {  	s31 =	sadd.s32 $0x14080, s29  }
0x33: {  	[sflag:s16] =	ssyncadd.s32 $0xFFFFC000;
	s0 =	smov.u32 s30;
	s4 =	sadd.s32 $0x400, s30  }
0x34: {  	[tilespmem:s21], [sflag:$0x2] =	stream.indirect.gather [hbm4b:s1+s19], $0x80, s31, s19, $0xb8;
	[tilespmem:$0x1E800] =	vst v63  }
0x35: {  	p0 =	sne.s32 s30, $0x4800;
	_ =	swait.ge [sflag:s22], $0x4000  }
0x36: {  	[sflag:s22] =	ssyncset.done $0x0  }
0x37: {  	s30 =	sadd.s32 $0x15400, s29;
	[sflag:s22] =	ssyncadd.s32 $0xFFFFC000  }
0x38: {  	[spmem:s3] =	stream.indirect.scatter.add.f32 [tilespmem:s20], [sflag:$0x3], $0x80, s30, s19, $0xb8;
	[tilespmem:$0x1E800] =	vst v63  }
0x39: {  	_ =	swait.ge [sflag:s16], $0x4000  }
0x3a: {  	[sflag:s16] =	ssyncset.done $0x0  }
0x3b: {  	s30 =	sadd.s32 $0x14100, s29;
	[sflag:s16] =	ssyncadd.s32 $0xFFFFC000  }
0x3c: {  	[tilespmem:s20], [sflag:$0x1] =	stream.indirect.gather [hbm4b:s1+s19], $0x80, s30, s19, $0xb8;
	[tilespmem:$0x1E800] =	vst v63  }
0x3d: {  	_ =	swait.ge [sflag:s23], $0x4000  }
.Ltmp0:
0x3e: {  	[sflag:s23] =	ssyncset.done $0x0;
	(pc) =	sbr.rel @p0 .LBB2_2-.Ltmp0, $4  }
0x3f: {  	s29 =	sadd.s32 $0x15480, s29;
	[sflag:s23] =	ssyncadd.s32 $0xFFFFC000  }
0x40: {  	[spmem:s3] =	stream.indirect.scatter.add.f32 [tilespmem:s21], [sflag:$0x3], $0x80, s29, s19, $0xb8;
	[tilespmem:$0x1E800] =	vst v63  }
0x41: {  	_ =	swait.ge [sflag:s16], $0x4000  }
0x42: {  	s30 =	smov.u32 s4;
	s29 =	sshra.s32 s0, $0x2;
	[sflag:s16] =	ssyncset.done $0x0  }
0x43: {  	s0 =	sadd.s32 $0x14080, s29;
	[sflag:s16] =	ssyncadd.s32 $0xFFFFC000  }
0x44: {  	[tilespmem:s21], [sflag:$0x2] =	stream.indirect.gather [hbm4b:s1+s19], $0x80, s0, s19, $0xb8;
	[tilespmem:$0x1E800] =	vst v63  }
0x45: {  	_ =	swait.ge [sflag:s22], $0x4000  }
0x46: {  	[sflag:s22] =	ssyncset.done $0x0  }
0x47: {  	s4 =	sadd.s32 $0x15400, s29;
	[sflag:s22] =	ssyncadd.s32 $0xFFFFC000  }
0x48: {  	[spmem:s3] =	stream.indirect.scatter.add.f32 [tilespmem:s20], [sflag:$0x3], $0x80, s4, s19, $0xb8;
	[tilespmem:$0x1E800] =	vst v63  }
0x49: {  	_ =	swait.ge [sflag:s16], $0x4000  }
0x4a: {  	[sflag:s16] =	ssyncset.done $0x0  }
0x4b: {  	s31 =	sadd.s32 $0x14100, s29;
	[sflag:s16] =	ssyncadd.s32 $0xFFFFC000  }
0x4c: {  	[tilespmem:s20], [sflag:$0x1] =	stream.indirect.gather [hbm4b:s1+s19], $0x80, s31, s19, $0xb8;
	[tilespmem:$0x1E800] =	vst v63  }
0x4d: {  	_ =	swait.ge [sflag:s23], $0x4000  }
0x4e: {  	[sflag:s23] =	ssyncset.done $0x0  }
0x4f: {  	s4 =	sadd.s32 $0x15480, s29;
	[sflag:s23] =	ssyncadd.s32 $0xFFFFC000  }
0x50: {  	[spmem:s3] =	stream.indirect.scatter.add.f32 [tilespmem:s21], [sflag:$0x3], $0x80, s4, s19, $0xb8;
	[tilespmem:$0x1E800] =	vst v63  }
0x51: {  	_ =	swait.ge [sflag:s16], $0x4000  }
0x52: {  	[sflag:s16] =	ssyncset.done $0x0  }
0x53: {  	[sflag:s16] =	ssyncadd.s32 $0xFFFFC000  }
0x54: {  	[tilespmem:s21], [sflag:$0x2] =	stream.indirect.gather [hbm4b:s1+s19], $0x80, s24, s19, $0xb8;
	[tilespmem:$0x1E800] =	vst v63  }
0x55: {  	_ =	swait.ge [sflag:s22], $0x4000  }
0x56: {  	[sflag:s22] =	ssyncset.done $0x0  }
0x57: {  	[sflag:s22] =	ssyncadd.s32 $0xFFFFC000  }
0x58: {  	[spmem:s3] =	stream.indirect.scatter.add.f32 [tilespmem:s20], [sflag:$0x3], $0x80, s25, s19, $0xb8;
	[tilespmem:$0x1E800] =	vst v63  }
0x59: {  	_ =	swait.ge [sflag:s16], $0x4000  }
0x5a: {  	[sflag:s16] =	ssyncset.done $0x0  }
0x5b: {  	[sflag:s16] =	ssyncadd.s32 $0xFFFFC000  }
0x5c: {  	_ =	swait.ge [sflag:s23], $0x4000  }
0x5d: {  	[sflag:s23] =	ssyncset.done $0x0  }
0x5e: {  	[sflag:s23] =	ssyncadd.s32 $0xFFFFC000  }
0x5f: {  	[spmem:s3] =	stream.indirect.scatter.add.f32 [tilespmem:s21], [sflag:$0x3], $0x80, s26, s19, $0xb8;
	[tilespmem:$0x1E800] =	vst v63  }
0x60: {  	_ =	swait.ge [sflag:s16], $0x4000  }
0x61: {  	[sflag:s16] =	ssyncset.done $0x0  }
0x62: {  	s31 =	simm.s32 $0x0;
	[sflag:s16] =	ssyncadd.s32 $0xFFFFC000  }
0x63: {  	[tilespmem:s17], [sflag:$0x3] =	stream.linear.gather [hbm4b:s10+s31], $0x1400, $0x38;
	[tilespmem:$0x1E800] =	vst v63  }
0x64: {  	_ =	swait.ge [sflag:s16], $0x1400  }
0x65: {  	[sflag:s16] =	ssyncset.done $0x0  }
0x66: {  	[sflag:s16] =	ssyncadd.s32 $0xFFFFEC00  }
0x67: {  	[tilespmem:s18], [sflag:$0x3] =	stream.linear.gather [hbm4b:s11+s31], $0x1400, $0x38;
	[tilespmem:$0x1E800] =	vst v63  }
0x68: {  	_ =	swait.ge [sflag:s16], $0x1400  }
0x69: {  	[sflag:s16] =	ssyncset.done $0x0  }
0x6a: {  	[sflag:s16] =	ssyncadd.s32 $0xFFFFEC00  }
0x6b: {  	[tilespmem:s20], [sflag:$0x1] =	stream.indirect.gather [hbm4b:s1+s19], $0x80, s17, s19, $0xb8;
	[tilespmem:$0x1E800] =	vst v63  }
0x6c: {  	s4 =	simm.s32 $0x14080  }
0x6d: {  	[tilespmem:s21], [sflag:$0x2] =	stream.indirect.gather [hbm4b:s1+s19], $0x80, s4, s19, $0xb8;
	[tilespmem:$0x1E800] =	vst v63  }
0x6e: {  	_ =	swait.ge [sflag:s22], $0x4000  }
0x6f: {  	[sflag:s22] =	ssyncset.done $0x0  }
0x70: {  	s31 =	simm.s32 $0x15400;
	[sflag:s22] =	ssyncadd.s32 $0xFFFFC000  }
0x71: {  	[spmem:s3] =	stream.indirect.scatter.add.f32 [tilespmem:s20], [sflag:$0x3], $0x80, s31, s19, $0xb8;
	[tilespmem:$0x1E800] =	vst v63  }
0x72: {  	_ =	swait.ge [sflag:s16], $0x4000  }
0x73: {  	[sflag:s16] =	ssyncset.done $0x0  }
0x74: {  	s4 =	simm.s32 $0x14100;
	[sflag:s16] =	ssyncadd.s32 $0xFFFFC000  }
0x75: {  	[tilespmem:s20], [sflag:$0x1] =	stream.indirect.gather [hbm4b:s1+s19], $0x80, s4, s19, $0xb8;
	[tilespmem:$0x1E800] =	vst v63  }
0x76: {  	_ =	swait.ge [sflag:s23], $0x4000  }
0x77: {  	[sflag:s23] =	ssyncset.done $0x0  }
0x78: {  	s31 =	simm.s32 $0x15480;
	[sflag:s23] =	ssyncadd.s32 $0xFFFFC000  }
0x79: {  	[spmem:s3] =	stream.indirect.scatter.add.f32 [tilespmem:s21], [sflag:$0x3], $0x80, s31, s19, $0xb8;
	[tilespmem:$0x1E800] =	vst v63  }
0x7a: {  	_ =	swait.ge [sflag:s16], $0x4000  }
0x7b: {  	s30 =	simm.s32 $0x800;
	s29 =	simm.s32 $0x100;
	[sflag:s16] =	ssyncset.done $0x0  }
.LBB2_4:
0x7c: {  	s0 =	sadd.s32 $0x14080, s29  }
0x7d: {  	[sflag:s16] =	ssyncadd.s32 $0xFFFFC000;
	s4 =	smov.u32 s30;
	s31 =	sadd.s32 $0x400, s30  }
0x7e: {  	[tilespmem:s21], [sflag:$0x2] =	stream.indirect.gather [hbm4b:s1+s19], $0x80, s0, s19, $0xb8;
	[tilespmem:$0x1E800] =	vst v63  }
0x7f: {  	p0 =	sne.s32 s30, $0x4800;
	_ =	swait.ge [sflag:s22], $0x4000  }
0x80: {  	[sflag:s22] =	ssyncset.done $0x0  }
0x81: {  	s0 =	sadd.s32 $0x15400, s29;
	[sflag:s22] =	ssyncadd.s32 $0xFFFFC000  }
0x82: {  	[spmem:s3] =	stream.indirect.scatter.add.f32 [tilespmem:s20], [sflag:$0x3], $0x80, s0, s19, $0xb8;
	[tilespmem:$0x1E800] =	vst v63  }
0x83: {  	_ =	swait.ge [sflag:s16], $0x4000  }
0x84: {  	[sflag:s16] =	ssyncset.done $0x0  }
0x85: {  	s0 =	sadd.s32 $0x14100, s29;
	[sflag:s16] =	ssyncadd.s32 $0xFFFFC000  }
0x86: {  	[tilespmem:s20], [sflag:$0x1] =	stream.indirect.gather [hbm4b:s1+s19], $0x80, s0, s19, $0xb8;
	[tilespmem:$0x1E800] =	vst v63  }
0x87: {  	_ =	swait.ge [sflag:s23], $0x4000  }
.Ltmp1:
0x88: {  	[sflag:s23] =	ssyncset.done $0x0;
	(pc) =	sbr.rel @p0 .LBB2_4-.Ltmp1, $4  }
0x89: {  	s0 =	sadd.s32 $0x15480, s29;
	[sflag:s23] =	ssyncadd.s32 $0xFFFFC000  }
0x8a: {  	[spmem:s3] =	stream.indirect.scatter.add.f32 [tilespmem:s21], [sflag:$0x3], $0x80, s0, s19, $0xb8;
	[tilespmem:$0x1E800] =	vst v63  }
0x8b: {  	_ =	swait.ge [sflag:s16], $0x4000  }
0x8c: {  	s30 =	smov.u32 s31;
	s29 =	sshra.s32 s4, $0x2;
	[sflag:s16] =	ssyncset.done $0x0  }
0x8d: {  	s0 =	sadd.s32 $0x14080, s29;
	[sflag:s16] =	ssyncadd.s32 $0xFFFFC000  }
0x8e: {  	[tilespmem:s21], [sflag:$0x2] =	stream.indirect.gather [hbm4b:s1+s19], $0x80, s0, s19, $0xb8;
	[tilespmem:$0x1E800] =	vst v63  }
0x8f: {  	_ =	swait.ge [sflag:s22], $0x4000  }
0x90: {  	[sflag:s22] =	ssyncset.done $0x0  }
0x91: {  	s4 =	sadd.s32 $0x15400, s29;
	[sflag:s22] =	ssyncadd.s32 $0xFFFFC000  }
0x92: {  	[spmem:s3] =	stream.indirect.scatter.add.f32 [tilespmem:s20], [sflag:$0x3], $0x80, s4, s19, $0xb8;
	[tilespmem:$0x1E800] =	vst v63  }
0x93: {  	_ =	swait.ge [sflag:s16], $0x4000  }
0x94: {  	[sflag:s16] =	ssyncset.done $0x0  }
0x95: {  	s31 =	sadd.s32 $0x14100, s29;
	[sflag:s16] =	ssyncadd.s32 $0xFFFFC000  }
0x96: {  	[tilespmem:s20], [sflag:$0x1] =	stream.indirect.gather [hbm4b:s1+s19], $0x80, s31, s19, $0xb8;
	[tilespmem:$0x1E800] =	vst v63  }
0x97: {  	_ =	swait.ge [sflag:s23], $0x4000  }
0x98: {  	[sflag:s23] =	ssyncset.done $0x0  }
0x99: {  	s4 =	sadd.s32 $0x15480, s29;
	[sflag:s23] =	ssyncadd.s32 $0xFFFFC000  }
0x9a: {  	[spmem:s3] =	stream.indirect.scatter.add.f32 [tilespmem:s21], [sflag:$0x3], $0x80, s4, s19, $0xb8;
	[tilespmem:$0x1E800] =	vst v63  }
0x9b: {  	_ =	swait.ge [sflag:s16], $0x4000  }
0x9c: {  	[sflag:s16] =	ssyncset.done $0x0  }
0x9d: {  	[sflag:s16] =	ssyncadd.s32 $0xFFFFC000  }
0x9e: {  	[tilespmem:s21], [sflag:$0x2] =	stream.indirect.gather [hbm4b:s1+s19], $0x80, s24, s19, $0xb8;
	[tilespmem:$0x1E800] =	vst v63  }
0x9f: {  	_ =	swait.ge [sflag:s22], $0x4000  }
0xa0: {  	[sflag:s22] =	ssyncset.done $0x0  }
0xa1: {  	[sflag:s22] =	ssyncadd.s32 $0xFFFFC000  }
0xa2: {  	[spmem:s3] =	stream.indirect.scatter.add.f32 [tilespmem:s20], [sflag:$0x3], $0x80, s25, s19, $0xb8;
	[tilespmem:$0x1E800] =	vst v63  }
0xa3: {  	_ =	swait.ge [sflag:s16], $0x4000  }
0xa4: {  	[sflag:s16] =	ssyncset.done $0x0  }
0xa5: {  	[sflag:s16] =	ssyncadd.s32 $0xFFFFC000  }
0xa6: {  	_ =	swait.ge [sflag:s23], $0x4000  }
0xa7: {  	[sflag:s23] =	ssyncset.done $0x0  }
0xa8: {  	[sflag:s23] =	ssyncadd.s32 $0xFFFFC000  }
0xa9: {  	[spmem:s3] =	stream.indirect.scatter.add.f32 [tilespmem:s21], [sflag:$0x3], $0x80, s26, s19, $0xb8;
	[tilespmem:$0x1E800] =	vst v63  }
0xaa: {  	_ =	swait.ge [sflag:s16], $0x4000  }
0xab: {  	[sflag:s16] =	ssyncset.done $0x0  }
0xac: {  	[sflag:s16] =	ssyncadd.s32 $0xFFFFC000  }
0xad: {  	[bflag:$0x0] =	sbarrier.arrive $0xFFFF  }
0xae: {  	[hbm:s12], [sflag:s7] =	dma.local [spmem:s15], $0x2800  }
0xaf: {  	_ =	swait.ge [sflag:s16], $0x2800  }
0xb0: {  	[sflag:s16] =	ssyncset.done $0x0  }
0xb1: {  	[sflag:s16] =	ssyncadd.s32 $0xFFFFD800  }
0xb2: {  	[spmem:s15], [sflag:s7] =	dma.local [hbm:s6], $0x2800  }
0xb3: {  	_ =	swait.ge [sflag:s16], $0x2800  }
0xb4: {  	[sflag:s16] =	ssyncset.done $0x0  }
0xb5: {  	[sflag:s16] =	ssyncadd.s32 $0xFFFFD800  }
0xb6: {  	s31 =	simm.s32 $0x0;
	[bflag:$0x0] =	sbarrier.arrive $0xFFFF  }
0xb7: {  	[tilespmem:s17], [sflag:$0x3] =	stream.linear.gather [hbm4b:s8+s31], $0x1400, $0x38;
	[tilespmem:$0x1E800] =	vst v63  }
0xb8: {  	_ =	swait.ge [sflag:s16], $0x1400  }
0xb9: {  	[sflag:s16] =	ssyncset.done $0x0  }
0xba: {  	[sflag:s16] =	ssyncadd.s32 $0xFFFFEC00  }
0xbb: {  	[tilespmem:s18], [sflag:$0x3] =	stream.linear.gather [hbm4b:s9+s31], $0x1400, $0x38;
	[tilespmem:$0x1E800] =	vst v63  }
0xbc: {  	_ =	swait.ge [sflag:s16], $0x1400  }
0xbd: {  	[sflag:s16] =	ssyncset.done $0x0  }
0xbe: {  	[sflag:s16] =	ssyncadd.s32 $0xFFFFEC00  }
0xbf: {  	[tilespmem:s20], [sflag:$0x1] =	stream.indirect.gather [hbm4b:s2+s19], $0x80, s17, s19, $0xb8;
	[tilespmem:$0x1E800] =	vst v63  }
0xc0: {  	s4 =	simm.s32 $0x14080  }
0xc1: {  	[tilespmem:s21], [sflag:$0x2] =	stream.indirect.gather [hbm4b:s2+s19], $0x80, s4, s19, $0xb8;
	[tilespmem:$0x1E800] =	vst v63  }
0xc2: {  	_ =	swait.ge [sflag:s22], $0x4000  }
0xc3: {  	[sflag:s22] =	ssyncset.done $0x0  }
0xc4: {  	s31 =	simm.s32 $0x15400;
	[sflag:s22] =	ssyncadd.s32 $0xFFFFC000  }
0xc5: {  	[spmem:s3] =	stream.indirect.scatter.add.f32 [tilespmem:s20], [sflag:$0x3], $0x80, s31, s19, $0xb8;
	[tilespmem:$0x1E800] =	vst v63  }
0xc6: {  	_ =	swait.ge [sflag:s16], $0x4000  }
0xc7: {  	[sflag:s16] =	ssyncset.done $0x0  }
0xc8: {  	s4 =	simm.s32 $0x14100;
	[sflag:s16] =	ssyncadd.s32 $0xFFFFC000  }
0xc9: {  	[tilespmem:s20], [sflag:$0x1] =	stream.indirect.gather [hbm4b:s2+s19], $0x80, s4, s19, $0xb8;
	[tilespmem:$0x1E800] =	vst v63  }
0xca: {  	_ =	swait.ge [sflag:s23], $0x4000  }
0xcb: {  	[sflag:s23] =	ssyncset.done $0x0  }
0xcc: {  	s31 =	simm.s32 $0x15480;
	[sflag:s23] =	ssyncadd.s32 $0xFFFFC000  }
0xcd: {  	[spmem:s3] =	stream.indirect.scatter.add.f32 [tilespmem:s21], [sflag:$0x3], $0x80, s31, s19, $0xb8;
	[tilespmem:$0x1E800] =	vst v63  }
0xce: {  	_ =	swait.ge [sflag:s16], $0x4000  }
0xcf: {  	s30 =	simm.s32 $0x800;
	s29 =	simm.s32 $0x100;
	[sflag:s16] =	ssyncset.done $0x0  }
.LBB2_6:
0xd0: {  	s0 =	sadd.s32 $0x14080, s29  }
0xd1: {  	[sflag:s16] =	ssyncadd.s32 $0xFFFFC000;
	s4 =	smov.u32 s30;
	s31 =	sadd.s32 $0x400, s30  }
0xd2: {  	[tilespmem:s21], [sflag:$0x2] =	stream.indirect.gather [hbm4b:s2+s19], $0x80, s0, s19, $0xb8;
	[tilespmem:$0x1E800] =	vst v63  }
0xd3: {  	p0 =	sne.s32 s30, $0x4800;
	_ =	swait.ge [sflag:s22], $0x4000  }
0xd4: {  	[sflag:s22] =	ssyncset.done $0x0  }
0xd5: {  	s0 =	sadd.s32 $0x15400, s29;
	[sflag:s22] =	ssyncadd.s32 $0xFFFFC000  }
0xd6: {  	[spmem:s3] =	stream.indirect.scatter.add.f32 [tilespmem:s20], [sflag:$0x3], $0x80, s0, s19, $0xb8;
	[tilespmem:$0x1E800] =	vst v63  }
0xd7: {  	_ =	swait.ge [sflag:s16], $0x4000  }
0xd8: {  	[sflag:s16] =	ssyncset.done $0x0  }
0xd9: {  	s0 =	sadd.s32 $0x14100, s29;
	[sflag:s16] =	ssyncadd.s32 $0xFFFFC000  }
0xda: {  	[tilespmem:s20], [sflag:$0x1] =	stream.indirect.gather [hbm4b:s2+s19], $0x80, s0, s19, $0xb8;
	[tilespmem:$0x1E800] =	vst v63  }
0xdb: {  	_ =	swait.ge [sflag:s23], $0x4000  }
.Ltmp2:
0xdc: {  	[sflag:s23] =	ssyncset.done $0x0;
	(pc) =	sbr.rel @p0 .LBB2_6-.Ltmp2, $4  }
0xdd: {  	s0 =	sadd.s32 $0x15480, s29;
	[sflag:s23] =	ssyncadd.s32 $0xFFFFC000  }
0xde: {  	[spmem:s3] =	stream.indirect.scatter.add.f32 [tilespmem:s21], [sflag:$0x3], $0x80, s0, s19, $0xb8;
	[tilespmem:$0x1E800] =	vst v63  }
0xdf: {  	_ =	swait.ge [sflag:s16], $0x4000  }
0xe0: {  	s30 =	smov.u32 s31;
	s29 =	sshra.s32 s4, $0x2;
	[sflag:s16] =	ssyncset.done $0x0  }
0xe1: {  	s0 =	sadd.s32 $0x14080, s29;
	[sflag:s16] =	ssyncadd.s32 $0xFFFFC000  }
0xe2: {  	[tilespmem:s21], [sflag:$0x2] =	stream.indirect.gather [hbm4b:s2+s19], $0x80, s0, s19, $0xb8;
	[tilespmem:$0x1E800] =	vst v63  }
0xe3: {  	_ =	swait.ge [sflag:s22], $0x4000  }
0xe4: {  	[sflag:s22] =	ssyncset.done $0x0  }
0xe5: {  	s4 =	sadd.s32 $0x15400, s29;
	[sflag:s22] =	ssyncadd.s32 $0xFFFFC000  }
0xe6: {  	[spmem:s3] =	stream.indirect.scatter.add.f32 [tilespmem:s20], [sflag:$0x3], $0x80, s4, s19, $0xb8;
	[tilespmem:$0x1E800] =	vst v63  }
0xe7: {  	_ =	swait.ge [sflag:s16], $0x4000  }
0xe8: {  	[sflag:s16] =	ssyncset.done $0x0  }
0xe9: {  	s31 =	sadd.s32 $0x14100, s29;
	[sflag:s16] =	ssyncadd.s32 $0xFFFFC000  }
0xea: {  	[tilespmem:s20], [sflag:$0x1] =	stream.indirect.gather [hbm4b:s2+s19], $0x80, s31, s19, $0xb8;
	[tilespmem:$0x1E800] =	vst v63  }
0xeb: {  	_ =	swait.ge [sflag:s23], $0x4000  }
0xec: {  	[sflag:s23] =	ssyncset.done $0x0  }
0xed: {  	s4 =	sadd.s32 $0x15480, s29;
	[sflag:s23] =	ssyncadd.s32 $0xFFFFC000  }
0xee: {  	[spmem:s3] =	stream.indirect.scatter.add.f32 [tilespmem:s21], [sflag:$0x3], $0x80, s4, s19, $0xb8;
	[tilespmem:$0x1E800] =	vst v63  }
0xef: {  	_ =	swait.ge [sflag:s16], $0x4000  }
0xf0: {  	[sflag:s16] =	ssyncset.done $0x0  }
0xf1: {  	[sflag:s16] =	ssyncadd.s32 $0xFFFFC000  }
0xf2: {  	[tilespmem:s21], [sflag:$0x2] =	stream.indirect.gather [hbm4b:s2+s19], $0x80, s24, s19, $0xb8;
	[tilespmem:$0x1E800] =	vst v63  }
0xf3: {  	_ =	swait.ge [sflag:s22], $0x4000  }
0xf4: {  	[sflag:s22] =	ssyncset.done $0x0  }
0xf5: {  	[sflag:s22] =	ssyncadd.s32 $0xFFFFC000  }
0xf6: {  	[spmem:s3] =	stream.indirect.scatter.add.f32 [tilespmem:s20], [sflag:$0x3], $0x80, s25, s19, $0xb8;
	[tilespmem:$0x1E800] =	vst v63  }
0xf7: {  	_ =	swait.ge [sflag:s16], $0x4000  }
0xf8: {  	[sflag:s16] =	ssyncset.done $0x0  }
0xf9: {  	[sflag:s16] =	ssyncadd.s32 $0xFFFFC000  }
0xfa: {  	_ =	swait.ge [sflag:s23], $0x4000  }
0xfb: {  	[sflag:s23] =	ssyncset.done $0x0  }
0xfc: {  	[sflag:s23] =	ssyncadd.s32 $0xFFFFC000  }
0xfd: {  	[spmem:s3] =	stream.indirect.scatter.add.f32 [tilespmem:s21], [sflag:$0x3], $0x80, s26, s19, $0xb8;
	[tilespmem:$0x1E800] =	vst v63  }
0xfe: {  	_ =	swait.ge [sflag:s16], $0x4000  }
0xff: {  	[sflag:s16] =	ssyncset.done $0x0  }
0x100: {  	s31 =	simm.s32 $0x0;
	[sflag:s16] =	ssyncadd.s32 $0xFFFFC000  }
0x101: {  	[tilespmem:s17], [sflag:$0x3] =	stream.linear.gather [hbm4b:s10+s31], $0x1400, $0x38;
	[tilespmem:$0x1E800] =	vst v63  }
0x102: {  	_ =	swait.ge [sflag:s16], $0x1400  }
0x103: {  	[sflag:s16] =	ssyncset.done $0x0  }
0x104: {  	[sflag:s16] =	ssyncadd.s32 $0xFFFFEC00  }
0x105: {  	[tilespmem:s18], [sflag:$0x3] =	stream.linear.gather [hbm4b:s11+s31], $0x1400, $0x38;
	[tilespmem:$0x1E800] =	vst v63  }
0x106: {  	_ =	swait.ge [sflag:s16], $0x1400  }
0x107: {  	[sflag:s16] =	ssyncset.done $0x0  }
0x108: {  	[sflag:s16] =	ssyncadd.s32 $0xFFFFEC00  }
0x109: {  	[tilespmem:s20], [sflag:$0x1] =	stream.indirect.gather [hbm4b:s2+s19], $0x80, s17, s19, $0xb8;
	[tilespmem:$0x1E800] =	vst v63  }
0x10a: {  	s4 =	simm.s32 $0x14080  }
0x10b: {  	[tilespmem:s21], [sflag:$0x2] =	stream.indirect.gather [hbm4b:s2+s19], $0x80, s4, s19, $0xb8;
	[tilespmem:$0x1E800] =	vst v63  }
0x10c: {  	_ =	swait.ge [sflag:s22], $0x4000  }
0x10d: {  	[sflag:s22] =	ssyncset.done $0x0  }
0x10e: {  	s31 =	simm.s32 $0x15400;
	[sflag:s22] =	ssyncadd.s32 $0xFFFFC000  }
0x10f: {  	[spmem:s3] =	stream.indirect.scatter.add.f32 [tilespmem:s20], [sflag:$0x3], $0x80, s31, s19, $0xb8;
	[tilespmem:$0x1E800] =	vst v63  }
0x110: {  	_ =	swait.ge [sflag:s16], $0x4000  }
0x111: {  	[sflag:s16] =	ssyncset.done $0x0  }
0x112: {  	s4 =	simm.s32 $0x14100;
	[sflag:s16] =	ssyncadd.s32 $0xFFFFC000  }
0x113: {  	[tilespmem:s20], [sflag:$0x1] =	stream.indirect.gather [hbm4b:s2+s19], $0x80, s4, s19, $0xb8;
	[tilespmem:$0x1E800] =	vst v63  }
0x114: {  	_ =	swait.ge [sflag:s23], $0x4000  }
0x115: {  	[sflag:s23] =	ssyncset.done $0x0  }
0x116: {  	s31 =	simm.s32 $0x15480;
	[sflag:s23] =	ssyncadd.s32 $0xFFFFC000  }
0x117: {  	[spmem:s3] =	stream.indirect.scatter.add.f32 [tilespmem:s21], [sflag:$0x3], $0x80, s31, s19, $0xb8;
	[tilespmem:$0x1E800] =	vst v63  }
0x118: {  	_ =	swait.ge [sflag:s16], $0x4000  }
0x119: {  	s30 =	simm.s32 $0x800;
	s29 =	simm.s32 $0x100;
	[sflag:s16] =	ssyncset.done $0x0  }
.LBB2_8:
0x11a: {  	s0 =	sadd.s32 $0x14080, s29  }
0x11b: {  	[sflag:s16] =	ssyncadd.s32 $0xFFFFC000;
	s4 =	smov.u32 s30;
	s31 =	sadd.s32 $0x400, s30  }
0x11c: {  	[tilespmem:s21], [sflag:$0x2] =	stream.indirect.gather [hbm4b:s2+s19], $0x80, s0, s19, $0xb8;
	[tilespmem:$0x1E800] =	vst v63  }
0x11d: {  	p0 =	sne.s32 s30, $0x4800;
	_ =	swait.ge [sflag:s22], $0x4000  }
0x11e: {  	[sflag:s22] =	ssyncset.done $0x0  }
0x11f: {  	s0 =	sadd.s32 $0x15400, s29;
	[sflag:s22] =	ssyncadd.s32 $0xFFFFC000  }
0x120: {  	[spmem:s3] =	stream.indirect.scatter.add.f32 [tilespmem:s20], [sflag:$0x3], $0x80, s0, s19, $0xb8;
	[tilespmem:$0x1E800] =	vst v63  }
0x121: {  	_ =	swait.ge [sflag:s16], $0x4000  }
0x122: {  	[sflag:s16] =	ssyncset.done $0x0  }
0x123: {  	s0 =	sadd.s32 $0x14100, s29;
	[sflag:s16] =	ssyncadd.s32 $0xFFFFC000  }
0x124: {  	[tilespmem:s20], [sflag:$0x1] =	stream.indirect.gather [hbm4b:s2+s19], $0x80, s0, s19, $0xb8;
	[tilespmem:$0x1E800] =	vst v63  }
0x125: {  	_ =	swait.ge [sflag:s23], $0x4000  }
.Ltmp3:
0x126: {  	[sflag:s23] =	ssyncset.done $0x0;
	(pc) =	sbr.rel @p0 .LBB2_8-.Ltmp3, $4  }
0x127: {  	s0 =	sadd.s32 $0x15480, s29;
	[sflag:s23] =	ssyncadd.s32 $0xFFFFC000  }
0x128: {  	[spmem:s3] =	stream.indirect.scatter.add.f32 [tilespmem:s21], [sflag:$0x3], $0x80, s0, s19, $0xb8;
	[tilespmem:$0x1E800] =	vst v63  }
0x129: {  	_ =	swait.ge [sflag:s16], $0x4000  }
0x12a: {  	s30 =	smov.u32 s31;
	s29 =	sshra.s32 s4, $0x2;
	[sflag:s16] =	ssyncset.done $0x0  }
0x12b: {  	s0 =	sadd.s32 $0x14080, s29;
	[sflag:s16] =	ssyncadd.s32 $0xFFFFC000  }
0x12c: {  	[tilespmem:s21], [sflag:$0x2] =	stream.indirect.gather [hbm4b:s2+s19], $0x80, s0, s19, $0xb8;
	[tilespmem:$0x1E800] =	vst v63  }
0x12d: {  	_ =	swait.ge [sflag:s22], $0x4000  }
0x12e: {  	[sflag:s22] =	ssyncset.done $0x0  }
0x12f: {  	s4 =	sadd.s32 $0x15400, s29;
	[sflag:s22] =	ssyncadd.s32 $0xFFFFC000  }
0x130: {  	[spmem:s3] =	stream.indirect.scatter.add.f32 [tilespmem:s20], [sflag:$0x3], $0x80, s4, s19, $0xb8;
	[tilespmem:$0x1E800] =	vst v63  }
0x131: {  	_ =	swait.ge [sflag:s16], $0x4000  }
0x132: {  	[sflag:s16] =	ssyncset.done $0x0  }
0x133: {  	s30 =	sadd.s32 $0x14100, s29;
	[sflag:s16] =	ssyncadd.s32 $0xFFFFC000  }
0x134: {  	[tilespmem:s20], [sflag:$0x1] =	stream.indirect.gather [hbm4b:s2+s19], $0x80, s30, s19, $0xb8;
	[tilespmem:$0x1E800] =	vst v63  }
0x135: {  	_ =	swait.ge [sflag:s23], $0x4000  }
0x136: {  	[sflag:s23] =	ssyncset.done $0x0  }
0x137: {  	s31 =	sadd.s32 $0x15480, s29;
	[sflag:s23] =	ssyncadd.s32 $0xFFFFC000  }
0x138: {  	[spmem:s3] =	stream.indirect.scatter.add.f32 [tilespmem:s21], [sflag:$0x3], $0x80, s31, s19, $0xb8;
	[tilespmem:$0x1E800] =	vst v63  }
0x139: {  	_ =	swait.ge [sflag:s16], $0x4000  }
0x13a: {  	[sflag:s16] =	ssyncset.done $0x0  }
0x13b: {  	[sflag:s16] =	ssyncadd.s32 $0xFFFFC000  }
0x13c: {  	[tilespmem:s21], [sflag:$0x2] =	stream.indirect.gather [hbm4b:s2+s19], $0x80, s24, s19, $0xb8;
	[tilespmem:$0x1E800] =	vst v63  }
0x13d: {  	_ =	swait.ge [sflag:s22], $0x4000  }
0x13e: {  	[sflag:s22] =	ssyncset.done $0x0  }
0x13f: {  	[sflag:s22] =	ssyncadd.s32 $0xFFFFC000  }
0x140: {  	[spmem:s3] =	stream.indirect.scatter.add.f32 [tilespmem:s20], [sflag:$0x3], $0x80, s25, s19, $0xb8;
	[tilespmem:$0x1E800] =	vst v63  }
0x141: {  	_ =	swait.ge [sflag:s16], $0x4000  }
0x142: {  	[sflag:s16] =	ssyncset.done $0x0  }
0x143: {  	[sflag:s16] =	ssyncadd.s32 $0xFFFFC000  }
0x144: {  	_ =	swait.ge [sflag:s23], $0x4000  }
0x145: {  	[sflag:s23] =	ssyncset.done $0x0  }
0x146: {  	[sflag:s23] =	ssyncadd.s32 $0xFFFFC000  }
0x147: {  	[spmem:s3] =	stream.indirect.scatter.add.f32 [tilespmem:s21], [sflag:$0x3], $0x80, s26, s19, $0xb8;
	[tilespmem:$0x1E800] =	vst v63  }
0x148: {  	_ =	swait.ge [sflag:s16], $0x4000  }
0x149: {  	[sflag:s16] =	ssyncset.done $0x0  }
0x14a: {  	s28 =	sadd.s32 $0x1, s28;
	[sflag:s16] =	ssyncadd.s32 $0xFFFFC000  }
0x14b: {  	p0 =	sne.s32 s28, s14;
	[bflag:$0x0] =	sbarrier.arrive $0xFFFF  }
0x14c: {  	[hbm:s13], [sflag:s7] =	dma.local [spmem:s15], $0x2800  }
.Ltmp4:
0x14d: {  	_ =	swait.ge [sflag:s16], $0x2800;
	(pc) =	sbr.rel @p0 .LBB2_1-.Ltmp4, $3  }
0x14e: {  	[sflag:s16] =	ssyncset.done $0x0  }
0x14f: {  	[sflag:s16] =	ssyncadd.s32 $0xFFFFD800  }
0x150: {  	[bflag:$0x0] =	sbarrier.arrive $0xFFFF;
	_ =	sdelay $0x1  }
0x151: {  	_ =	sfence.sel $0x180000  }
0x152: {  	[bflag:$0x0] =	sbarrier.arrive $0xFFFF  }
0x153: {  	_ =	strace $0x9000004D  }
0x154: {  	s0 =	stileid.u32;
	[bflag:$0x2] =	sbarrier.arrive $0xFFFF  }
0x155: {  	p0 =	sne.s32 s0, $0x0;
	s0 =	rddreg [dreg:$0x4]  }
0x156: {  	s0 =	sadd.s32 @!p0 $0x100000, s0  }
0x157: {  	[sflag:s0] =	ssyncadd.tile.s32 @!p0 $0x1;
	_ =	shalt  }
.Lfunc_end2:
_tile_overlayer_lowered:
.L_overlay_start_2:
0x158: {  	(tag) =	ssettag $0x2  }
0x159: {  	s0 =	rddreg [dreg:$0x0];
	s2 =	stileid.u32  }
0x15a: {  	s1 =	rddreg [dreg:$0x1];
	p0 =	sne.s32 s2, $0x0  }
0x15b: {  	s3 =	rddreg [dreg:$0x2];
	[bflag:$0x3] =	sbarrier.arrive $0xFFFF;
	s2 =	simm.s32 @!p0 $0x1C03  }
0x15c: {  	[timem:s3], [sflag:s2] =	dma.local @!p0 [hbm:s0], s1  }
0x15d: {  	s0 =	simm.s32 @!p0 $0x3  }
0x15e: {  	_ =	swait.ge @!p0 [sflag:s0], s1  }
0x15f: {  	s1 =	ssub.s32 @!p0 $0x0, s1;
	[sflag:s0] =	ssyncset.done @!p0 $0x0  }
0x160: {  	[sflag:s0] =	ssyncadd.s32 @!p0 s1  }
0x161: {  	[bflag:$0x3] =	sbarrier.arrive $0xFFFF  }
0x162: {  	_ =	shalt  }

// kernel: kernel.20.cloned.1.call-start
scs
__scs_entry_jumppad:
0x0: {  	(pc) =	sbr.rel $0x88, $3  }
0x1: {  	(tag) =	ssettag $0x0;
	lr =	simm.s32 $0x1  }
0x2: {  	[smem:$0x3F91] =	sst lr;
	_ =	strace $0xD0000000  }
0x3: {  	_ = 	snop  }
0x4: {  	_ = 	snop  }
0x5: {  	_ = 	snop  }
0x6: {  	_ = 	snop  }
0x7: {  	_ = 	snop  }
__scs_overlays_trampoline_lowered:
0x8: {  	[smem:$0x3FA0] =	sst s0  }
0x9: {  	[smem:$0x3FA1] =	sst s1  }
0xa: {  	[smem:$0x3FA2] =	sst s2  }
0xb: {  	[smem:$0x3FA3] =	sst s3  }
0xc: {  	[smem:$0x3FA4] =	sst s4  }
0xd: {  	[smem:$0x3FA5] =	sst s5  }
0xe: {  	[smem:$0x3FA6] =	sst s6  }
0xf: {  	[smem:$0x3FA7] =	sst s7  }
0x10: {  	[smem:$0x3FA8] =	sst s8  }
0x11: {  	[smem:$0x3FA9] =	sst s9;
	s0 =	simm.s32 @!p0 $0x0  }
0x12: {  	s1 =	sld [smem:$0x3F8F];
	s0 =	simm.s32 @p0 $0x1  }
0x13: {  	[smem:$0x3FAA] =	sst s0;
	s0 =	simm.s32 @!p1 $0x0  }
0x14: {  	s2 =	sld [smem:$0x3F8E];
	s0 =	simm.s32 @p1 $0x1  }
0x15: {  	[smem:$0x3FAB] =	sst s0;
	s0 =	simm.s32 @!p2 $0x0  }
0x16: {  	s3 =	sld [smem:$0x3FDB];
	s0 =	simm.s32 @p2 $0x1  }
0x17: {  	s4 =	simm.s32 $0x1BF5;
	[smem:$0x3FAD] =	sst s0  }
0x18: {  	s0 =	sld [smem:$0x3F90];
	_ =	swait.ge [sflag:s4], $0x0  }
0x19: {  	s7 =	sld [smem:$0x3F91]  }
0x1a: {  	s8 =	sadd.s32 $0xFFFFE003, lr  }
0x1b: {  	s9 =	sadd.s32 $0xFFFFFEF7, lr;
	s5 =	simm.s32 $0xFFFFFFFF;
	p2 =	slt.u32 s8, $0xFFFFF086  }
0x1c: {  	p1 =	slt.u32 s9, $0xF7A;
	s5 =	simm.s32 @!p2 $0x0  }
0x1d: {  	s5 =	simm.s32 @p1 $0x1;
	p0 =	seq.s32 s7, s2  }
0x1e: {  	s7 =	smul.u32 @!p0 $0xF7A, s2;
	p2 =	seq.s32 @!p0 s5, $0x0  }
0x1f: {  	s9 =	smul.u32 $0xF7A, s1;
	s8 =	simm.s32 @!p0 $0x1BF5;
	p2 =	por !p2, p0  }
0x20: {  	[sflag:s8] =	ssyncset.s32 @!p0 $0xFFFFF086;
	s6 =	sadd.s32 @!p0 s3, s7;
	s7 =	simm.s32 @!p0 $0x108  }
0x21: {  	s3 =	sadd.s32 s3, s9;
	s6 =	sadd.s32 @!p0 $0x88, s6;
	s7 =	simm.s32 @p2 $0x1082  }
0x22: {  	[simem:s7], [sflag:s8] =	dma.local @!p0 [hbm:s6], $0xF7A  }
0x23: {  	s9 =	sor.u32 $0xD0000000, s2;
	s6 =	simm.s32 $0x108;
	_ =	swait.ge @!p0 [sflag:s8], $0x0  }
0x24: {  	s3 =	sadd.s32 $0x88, s3;
	s6 =	simm.s32 @!p1 $0x1082;
	[sflag:s4] =	ssyncset.s32 $0xFFFFF086  }
0x25: {  	[simem:s6], [sflag:s4] =	dma.local [hbm:s3], $0xF7A  }
0x26: {  	[smem:$0x3F91] =	sst s1;
	(tag) =	ssettag s2;
	_ =	strace s9  }
0x27: {  	s1 =	sld [smem:$0x3FA1]  }
0x28: {  	s2 =	sld [smem:$0x3FA2]  }
0x29: {  	s4 =	sld [smem:$0x3FA4]  }
0x2a: {  	p0 =	seq.s32 s5, $0x0;
	s5 =	sld [smem:$0x3FA5]  }
0x2b: {  	s6 =	sld [smem:$0x3FA6]  }
0x2c: {  	s7 =	sld [smem:$0x3FA7]  }
0x2d: {  	s3 =	simm.s32 $0x108;
	s8 =	sld [smem:$0x3FA8]  }
0x2e: {  	s3 =	simm.s32 @!p0 $0x1082;
	s9 =	sld [smem:$0x3FA9]  }
0x2f: {  	lr =	sadd.s32 s0, s3;
	s0 =	sld [smem:$0x3FA0]  }
0x30: {  	s3 =	sld [smem:$0x3FA3]  }
0x31: {  	[smem:$0x3FAC] =	sst s10  }
0x32: {  	s10 =	sld [smem:$0x3FAA];
	_ =	sdelay $0x3  }
0x33: {  	p0 =	seq.s32 s10, $0x1;
	s10 =	sld [smem:$0x3FAC];
	_ =	sdelay $0x3  }
0x34: {  	[smem:$0x3FAC] =	sst s10  }
0x35: {  	s10 =	sld [smem:$0x3FAB];
	_ =	sdelay $0x3  }
0x36: {  	p1 =	seq.s32 s10, $0x1;
	s10 =	sld [smem:$0x3FAC];
	_ =	sdelay $0x3  }
0x37: {  	[smem:$0x3FAC] =	sst s10  }
0x38: {  	s10 =	sld [smem:$0x3FAD]  }
0x39: {  	_ = 	snop;
	(pc) =	sbr.ind lr, $3  }
0x3a: {  	_ = 	snop  }
0x3b: {  	_ = 	snop  }
0x3c: {  	p2 =	seq.s32 s10, $0x1;
	s10 =	sld [smem:$0x3FAC]  }
0x3d: {  	_ =	shalt  }
0x3e: {  	_ =	shalt  }
0x3f: {  	_ =	shalt  }
0x40: {  	_ =	shalt  }
0x41: {  	_ =	shalt  }
0x42: {  	_ =	shalt  }
0x43: {  	_ =	shalt  }
0x44: {  	_ =	shalt  }
0x45: {  	_ =	shalt  }
0x46: {  	_ =	shalt  }
0x47: {  	_ =	shalt  }
0x48: {  	_ =	shalt  }
0x49: {  	_ =	shalt  }
0x4a: {  	_ =	shalt  }
0x4b: {  	_ =	shalt  }
0x4c: {  	_ =	shalt  }
0x4d: {  	_ =	shalt  }
0x4e: {  	_ =	shalt  }
0x4f: {  	_ =	shalt  }
0x50: {  	_ =	shalt  }
0x51: {  	_ =	shalt  }
0x52: {  	_ =	shalt  }
0x53: {  	_ =	shalt  }
0x54: {  	_ =	shalt  }
0x55: {  	_ =	shalt  }
0x56: {  	_ =	shalt  }
0x57: {  	_ =	shalt  }
0x58: {  	_ =	shalt  }
0x59: {  	_ =	shalt  }
0x5a: {  	_ =	shalt  }
0x5b: {  	_ =	shalt  }
0x5c: {  	_ =	shalt  }
0x5d: {  	_ =	shalt  }
0x5e: {  	_ =	shalt  }
0x5f: {  	_ =	shalt  }
0x60: {  	_ =	shalt  }
0x61: {  	_ =	shalt  }
0x62: {  	_ =	shalt  }
0x63: {  	_ =	shalt  }
0x64: {  	_ =	shalt  }
0x65: {  	_ =	shalt  }
0x66: {  	_ =	shalt  }
0x67: {  	_ =	shalt  }
0x68: {  	_ =	shalt  }
0x69: {  	_ =	shalt  }
0x6a: {  	_ =	shalt  }
0x6b: {  	_ =	shalt  }
0x6c: {  	_ =	shalt  }
0x6d: {  	_ =	shalt  }
0x6e: {  	_ =	shalt  }
0x6f: {  	_ =	shalt  }
0x70: {  	_ =	shalt  }
0x71: {  	_ =	shalt  }
0x72: {  	_ =	shalt  }
0x73: {  	_ =	shalt  }
0x74: {  	_ =	shalt  }
0x75: {  	_ =	shalt  }
0x76: {  	_ =	shalt  }
0x77: {  	_ =	shalt  }
0x78: {  	_ =	shalt  }
0x79: {  	_ =	shalt  }
0x7a: {  	_ =	shalt  }
0x7b: {  	_ =	shalt  }
0x7c: {  	_ =	shalt  }
0x7d: {  	_ =	shalt  }
0x7e: {  	_ =	shalt  }
0x7f: {  	_ =	shalt  }
0x80: {  	_ =	shalt  }
0x81: {  	_ =	shalt  }
0x82: {  	_ =	shalt  }
0x83: {  	_ =	shalt  }
0x84: {  	_ =	shalt  }
0x85: {  	_ =	shalt  }
0x86: {  	_ =	shalt  }
0x87: {  	_ =	shalt  }
.Lfunc_end0:
.L_simem_size_0:
called_computation.2_lowered:
.L_overlay_start_0:
0x88: {  	s2 =	sld [smem:$0x3FD9]  }
0x89: {  	s3 =	sld [smem:$0x3FFE];
	_ =	sdelay $0x1  }
0x8a: {  	s1 =	srdreg.scid  }
0x8b: {  	s0 =	sand.u32 $0x1, s1  }
0x8c: {  	s15 =	sshll.u32 s0, $0xA;
	s2 =	sadd.s32 s3, s2  }
0x8d: {  	s2 =	sadd.s32 s2, s15  }
0x8e: {  	[smem:$0x3FB8] =	sst s2  }
0x8f: {  	_ = 	snop  }
0x90: {  	s2 =	sld [smem:$0x3FD0];
	_ =	sdelay $0x2  }
0x91: {  	s16 =	simm.s32 $0xB;
	s4 =	simm.s32 $0x10  }
0x92: {  	[smem:s4], [sflag:s16] =	dma.local [hbm:s2], $0x1  }
0x93: {  	_ =	swait.eq [sflag:s16], $0x1  }
0x94: {  	[sflag:s16] =	ssyncset.done $0x0  }
0x95: {  	[sflag:s16] =	ssyncadd.s32 $0xFFFFFFFF  }
0x96: {  	s17 =	sld [smem:$0x10];
	(tm) =	ssettm $0x1  }
0x97: {  	s18 =	sld [smem:$0x3FFB];
	_ =	sdelay $0x3  }
0x98: {  	_ =	strace s18  }
0x99: {  	s2 =	sld [smem:$0x3FFC];
	_ =	sdelay $0x3  }
0x9a: {  	_ =	strace s2  }
0x9b: {  	s2 =	sld [smem:$0x3FFD];
	_ =	sdelay $0x3  }
0x9c: {  	_ =	strace s2  }
0x9d: {  	_ =	strace $0x8FFFFFFF  }
0x9e: {  	s19 =	sld [smem:$0x3FDB];
	_ =	sdelay $0x1  }
0x9f: {  	s20 =	simm.s32 $_scs_section_size  }
0xa0: {  	s5 =	simm.s32 $_size__tile_overlayer_lowered;
	s6 =	simm.s32 $_tile_overlayer_lowered  }
0xa1: {  	s7 =	simm.s32 $0x1BFF;
	s21 =	sshll.u32 s6, $0x1;
	s4 =	sadd.s32 s20, s19  }
0xa2: {  	s22 =	simm.s32 $0x0;
	s5 =	sshll.u32 s5, $0x1;
	s6 =	sadd.s32 s21, s4  }
0xa3: {  	[timem:s22], [sflag:s7] =	dma.local [hbm:s6], s5  }
0xa4: {  	_ =	swait.ge [sflag:s7], s5  }
0xa5: {  	s5 =	ssub.s32 $0x0, s5;
	[sflag:s7] =	ssyncset.done $0x0  }
0xa6: {  	[sflag:s7] =	ssyncadd.s32 s5;
	_ =	sdelay $0x1  }
0xa7: {  	s23 =	simm.s32 $0x1B8B  }
0xa8: {  	_ =	swait.ge [sflag:s23], $0x1  }
0xa9: {  	[sflag:s23] =	ssyncset.done $0x0  }
0xaa: {  	[sflag:s23] =	ssyncadd.s32 $0xFFFFFFFF  }
0xab: {  	s5 =	sld [smem:$0x0]  }
0xac: {  	s6 =	sand.u32 $0xFFFFFFFE, s1  }
0xad: {  	p0 =	sne.s32 s1, s6  }
0xae: {  	s6 =	sshll.u32 @p0 s6, $0xE  }
0xaf: {  	s6 =	sadd.s32 @p0 $0x11B8D, s6;
	s7 =	sshll.u32 @p0 s5, $0x11  }
0xb0: {  	s6 =	sor.u32 @p0 s7, s6  }
0xb1: {  	[sflag:s6] =	ssyncadd.remote.s32 @p0 $0x1;
	_ =	sdelay $0x1  }
0xb2: {  	s6 =	simm.s32 @p0 $0x1B8D  }
0xb3: {  	_ =	swait.eq @p0 [sflag:s6], $0x1  }
0xb4: {  	[sflag:s6] =	ssyncadd.s32 @p0 $0xFFFFFFFF  }
0xb5: {  	s7 =	sshll.u32 @!p0 s1, $0xE  }
0xb6: {  	s7 =	sor.u32 @!p0 $0x4000, s7;
	s6 =	simm.s32 @!p0 $0x1B8D  }
0xb7: {  	s5 =	sshll.u32 @!p0 s5, $0x11;
	s7 =	sadd.s32 @!p0 $0x11B8D, s7;
	_ =	swait.eq @!p0 [sflag:s6], $0x1  }
0xb8: {  	s5 =	sor.u32 @!p0 s5, s7;
	[sflag:s6] =	ssyncadd.s32 @!p0 $0xFFFFFFFF  }
0xb9: {  	s25 =	simm.s32 $0x1B8E;
	s24 =	sld [smem:$0x3FFE];
	[sflag:s5] =	ssyncadd.remote.s32 @!p0 $0x1  }
0xba: {  	s26 =	simm.s32 $execute0_lowered;
	[smem:$0x3FD2] =	sst s25  }
0xbb: {  	s6 =	sshll.u32 s26, $0x1;
	_ =	strace $0x80000052;
	[dreg:$0x1] =	wrdreg $0xFFFFFFFF  }
0xbc: {  	s28 =	simm.s32 $_size_execute0_lowered;
	s4 =	sadd.s32 s4, s6;
	[dreg:$0x0] =	wrdreg $0x0  }
0xbd: {  	s6 =	sshll.u32 s28, $0x1;
	[dreg:$0x2] =	wrdreg s4  }
0xbe: {  	[dreg:$0x3] =	wrdreg s6  }
0xbf: {  	[dreg:$0x4] =	wrdreg $0xC0  }
0xc0: {  	_ =	task [dreg:s22], $0x5FFFF  }
0xc1: {  	[dreg:$0x1] =	wrdreg $0xFFFFFFFF  }
0xc2: {  	[dreg:$0x0] =	wrdreg $0x60  }
0xc3: {  	[dreg:$0x2] =	wrdreg s17  }
0xc4: {  	[dreg:$0x3] =	wrdreg s24  }
0xc5: {  	[dreg:$0x4] =	wrdreg $0x0  }
0xc6: {  	[dreg:$0x5] =	wrdreg $0x9  }
0xc7: {  	_ =	task.clear_ibuf [dreg:s22], $0x6FFFF;
	_ =	strace $0x90000052  }
0xc8: {  	s29 =	simm.s32 $0x9;
	_ =	strace $0x80000054  }
0xc9: {  	_ =	swait.ge [sflag:s29], $0x1  }
0xca: {  	[sflag:s29] =	ssyncadd.s32 $0xFFFFFFFF  }
0xcb: {  	_ =	strace $0x90000054  }
0xcc: {  	_ =	sfence  }
0xcd: {  	s30 =	sld [smem:$0x0];
	_ =	sdelay $0x2  }
0xce: {  	s31 =	sshll.u32 s1, $0xD;
	s1 =	sshrl.u32 s1, $0x2  }
0xcf: {  	s4 =	sand.u32 $0x4000, s31;
	s1 =	sadd.s32 s1, s30  }
0xd0: {  	s0 =	sor.u32 s4, s0;
	s1 =	sshll.u32 s1, $0x11  }
0xd1: {  	s0 =	sor.u32 s1, s0  }
0xd2: {  	s0 =	sadd.s32 $0x8F2B, s0  }
0xd3: {  	[sflag:s0] =	ssyncadd.remote.s32 $0x1  }
0xd4: {  	_ =	sfence.sel $0xFFFF  }
0xd5: {  	[dreg:$0x0] =	wrdreg $0xFFFFFFFF;
	(pc) =	sbr.abs _section_cstart, $3  }
0xd6: {  	[dreg:$0x1] =	wrdreg $0xFFFFFFFF  }
0xd7: {  	_ =	task.clear_ibuf [dreg:s22], $0x2FFFF;
	_ =	strace $0x9FFFFFFF  }
0xd8: {  	(tm) =	ssettm $0x7FFFFFFF  }
0xd9: {  	_ =	shalt  }
tec
execute0_lowered:
.L_overlay_start_1:
0x0: {  	(tag) =	ssettag $0x1  }
0x1: {  	s1 =	rddreg [dreg:$0x0]  }
0x2: {  	s6 =	rddreg [dreg:$0x1]  }
0x3: {  	s2 =	rddreg [dreg:$0x2]  }
0x4: {  	s3 =	srdreg.scid;
	s0 =	rddreg [dreg:$0x3]  }
0x5: {  	s4 =	simm.s32 $0x0;
	s16 =	simm.s32 $0x15400;
	s17 =	simm.s32 $0x80  }
0x6: {  	s18 =	simm.s32 $0x16800;
	s19 =	simm.s32 $0x1A800;
	s20 =	simm.s32 $0x1  }
0x7: {  	s21 =	simm.s32 $0x2;
	s22 =	simm.s32 $0x15380;
	s23 =	simm.s32 $0x16700  }
0x8: {  	s24 =	simm.s32 $0x16780;
	s7 =	sand.u32 $0x1, s3;
	s3 =	stileid.u32  }
0x9: {  	[smem:$0x7FF] =	sst s4;
	s10 =	sadd.s32 $0x25200, s6;
	s8 =	smul.u32 $0x140000, s7  }
0xa: {  	s11 =	sadd.s32 $0x1B200, s6;
	s5 =	sadd.s32 $0x11B800, s6;
	s9 =	smul.u32 $0x14000, s3  }
0xb: {  	_ =	strace $0x80000053;
	s25 =	sshll.u32 s3, $0x1;
	s12 =	ssub.s32 $0x2, s7  }
0xc: {  	s26 =	smul.u32 $0x50000, s3;
	s30 =	sshll.u32 s3, $0x6;
	s7 =	sor.u32 s7, s25  }
0xd: {  	s13 =	sshrl.u32 s12, $0x1;
	s25 =	simm.s32 $0x0;
	s8 =	sadd.s32 s9, s8  }
0xe: {  	s7 =	smul.u32 $0x2800, s7;
	s12 =	ssub.s32 s12, s13;
	s28 =	sshrl.u32 s26, $0x2  }
0xf: {  	s8 =	sshrl.u32 s8, $0x3;
	s29 =	sadd.s32 s28, s2;
	s12 =	smax.u32 s12, $0x1  }
0x10: {  	s14 =	sadd.s32 s8, s6;
	s31 =	sshrl.u32 s7, $0x3;
	s6 =	sor.u32 $0x1C03, s30  }
0x11: {  	s13 =	sshrl.u32 s29, $0x3;
	s7 =	sadd.s32 s10, s31;
	s15 =	sadd.s32 $0x280, s31  }
0x12: {  	s8 =	sadd.s32 s11, s31;
	s9 =	sadd.s32 s10, s15;
	s10 =	sadd.s32 s11, s15  }
0x13: {  	s11 =	sadd.s32 $0x11E000, s14;
	s14 =	simm.s32 $0x3;
	s15 =	simm.s32 $0x14000  }
.LBB2_1:
0x14: {  	[spmem:s13], [sflag:s6] =	dma.local [hbm:s5], $0x2800  }
0x15: {  	_ =	swait.ge [sflag:s14], $0x2800  }
0x16: {  	[sflag:s14] =	ssyncset.done $0x0  }
0x17: {  	[sflag:s14] =	ssyncadd.s32 $0xFFFFD800  }
0x18: {  	[bflag:$0x0] =	sbarrier.arrive $0xFFFF  }
0x19: {  	[tilespmem:s15], [sflag:$0x3] =	stream.linear.gather [hbm4b:s7+s4], $0x1400, $0x38;
	[tilespmem:$0x1E800] =	vst v63  }
0x1a: {  	_ =	swait.ge [sflag:s14], $0x1400  }
0x1b: {  	[sflag:s14] =	ssyncset.done $0x0  }
0x1c: {  	[sflag:s14] =	ssyncadd.s32 $0xFFFFEC00  }
0x1d: {  	[tilespmem:s16], [sflag:$0x3] =	stream.linear.gather [hbm4b:s8+s4], $0x1400, $0x38;
	[tilespmem:$0x1E800] =	vst v63  }
0x1e: {  	_ =	swait.ge [sflag:s14], $0x1400  }
0x1f: {  	[sflag:s14] =	ssyncset.done $0x0  }
0x20: {  	[sflag:s14] =	ssyncadd.s32 $0xFFFFEC00  }
0x21: {  	[tilespmem:s18], [sflag:$0x1] =	stream.indirect.gather [hbm4b:s1+s17], $0x80, s15, s17, $0xb8;
	[tilespmem:$0x1E800] =	vst v63  }
0x22: {  	s26 =	simm.s32 $0x14080  }
0x23: {  	[tilespmem:s19], [sflag:$0x2] =	stream.indirect.gather [hbm4b:s1+s17], $0x80, s26, s17, $0xb8;
	[tilespmem:$0x1E800] =	vst v63  }
0x24: {  	_ =	swait.ge [sflag:s20], $0x4000  }
0x25: {  	[sflag:s20] =	ssyncset.done $0x0  }
0x26: {  	s29 =	simm.s32 $0x15400;
	[sflag:s20] =	ssyncadd.s32 $0xFFFFC000  }
0x27: {  	[spmem:s2] =	stream.indirect.scatter.add.f32 [tilespmem:s18], [sflag:$0x3], $0x80, s29, s17, $0xb8;
	[tilespmem:$0x1E800] =	vst v63  }
0x28: {  	_ =	swait.ge [sflag:s14], $0x4000  }
0x29: {  	[sflag:s14] =	ssyncset.done $0x0  }
0x2a: {  	s30 =	simm.s32 $0x14100;
	[sflag:s14] =	ssyncadd.s32 $0xFFFFC000  }
0x2b: {  	[tilespmem:s18], [sflag:$0x1] =	stream.indirect.gather [hbm4b:s1+s17], $0x80, s30, s17, $0xb8;
	[tilespmem:$0x1E800] =	vst v63  }
0x2c: {  	_ =	swait.ge [sflag:s21], $0x4000  }
0x2d: {  	[sflag:s21] =	ssyncset.done $0x0  }
0x2e: {  	s31 =	simm.s32 $0x15480;
	[sflag:s21] =	ssyncadd.s32 $0xFFFFC000  }
0x2f: {  	[spmem:s2] =	stream.indirect.scatter.add.f32 [tilespmem:s19], [sflag:$0x3], $0x80, s31, s17, $0xb8;
	[tilespmem:$0x1E800] =	vst v63  }
0x30: {  	_ =	swait.ge [sflag:s14], $0x4000  }
0x31: {  	s28 =	simm.s32 $0x800;
	s26 =	simm.s32 $0x100;
	[sflag:s14] =	ssyncset.done $0x0  }
.LBB2_2:
0x32: {  	s29 =	sadd.s32 $0x14080, s26  }
0x33: {  	[sflag:s14] =	ssyncadd.s32 $0xFFFFC000;
	s30 =	smov.u32 s28;
	s31 =	sadd.s32 $0x400, s28  }
0x34: {  	[tilespmem:s19], [sflag:$0x2] =	stream.indirect.gather [hbm4b:s1+s17], $0x80, s29, s17, $0xb8;
	[tilespmem:$0x1E800] =	vst v63  }
0x35: {  	p0 =	sne.s32 s28, $0x4800;
	_ =	swait.ge [sflag:s20], $0x4000  }
0x36: {  	[sflag:s20] =	ssyncset.done $0x0  }
0x37: {  	s28 =	sadd.s32 $0x15400, s26;
	[sflag:s20] =	ssyncadd.s32 $0xFFFFC000  }
0x38: {  	[spmem:s2] =	stream.indirect.scatter.add.f32 [tilespmem:s18], [sflag:$0x3], $0x80, s28, s17, $0xb8;
	[tilespmem:$0x1E800] =	vst v63  }
0x39: {  	_ =	swait.ge [sflag:s14], $0x4000  }
0x3a: {  	[sflag:s14] =	ssyncset.done $0x0  }
0x3b: {  	s28 =	sadd.s32 $0x14100, s26;
	[sflag:s14] =	ssyncadd.s32 $0xFFFFC000  }
0x3c: {  	[tilespmem:s18], [sflag:$0x1] =	stream.indirect.gather [hbm4b:s1+s17], $0x80, s28, s17, $0xb8;
	[tilespmem:$0x1E800] =	vst v63  }
0x3d: {  	_ =	swait.ge [sflag:s21], $0x4000  }
.Ltmp0:
0x3e: {  	[sflag:s21] =	ssyncset.done $0x0;
	(pc) =	sbr.rel @p0 .LBB2_2-.Ltmp0, $4  }
0x3f: {  	s26 =	sadd.s32 $0x15480, s26;
	[sflag:s21] =	ssyncadd.s32 $0xFFFFC000  }
0x40: {  	[spmem:s2] =	stream.indirect.scatter.add.f32 [tilespmem:s19], [sflag:$0x3], $0x80, s26, s17, $0xb8;
	[tilespmem:$0x1E800] =	vst v63  }
0x41: {  	_ =	swait.ge [sflag:s14], $0x4000  }
0x42: {  	s28 =	smov.u32 s31;
	s26 =	sshra.s32 s30, $0x2;
	[sflag:s14] =	ssyncset.done $0x0  }
0x43: {  	s28 =	sadd.s32 $0x14080, s26;
	[sflag:s14] =	ssyncadd.s32 $0xFFFFC000  }
0x44: {  	[tilespmem:s19], [sflag:$0x2] =	stream.indirect.gather [hbm4b:s1+s17], $0x80, s28, s17, $0xb8;
	[tilespmem:$0x1E800] =	vst v63  }
0x45: {  	_ =	swait.ge [sflag:s20], $0x4000  }
0x46: {  	[sflag:s20] =	ssyncset.done $0x0  }
0x47: {  	s28 =	sadd.s32 $0x15400, s26;
	[sflag:s20] =	ssyncadd.s32 $0xFFFFC000  }
0x48: {  	[spmem:s2] =	stream.indirect.scatter.add.f32 [tilespmem:s18], [sflag:$0x3], $0x80, s28, s17, $0xb8;
	[tilespmem:$0x1E800] =	vst v63  }
0x49: {  	_ =	swait.ge [sflag:s14], $0x4000  }
0x4a: {  	[sflag:s14] =	ssyncset.done $0x0  }
0x4b: {  	s28 =	sadd.s32 $0x14100, s26;
	[sflag:s14] =	ssyncadd.s32 $0xFFFFC000  }
0x4c: {  	[tilespmem:s18], [sflag:$0x1] =	stream.indirect.gather [hbm4b:s1+s17], $0x80, s28, s17, $0xb8;
	[tilespmem:$0x1E800] =	vst v63  }
0x4d: {  	_ =	swait.ge [sflag:s21], $0x4000  }
0x4e: {  	[sflag:s21] =	ssyncset.done $0x0  }
0x4f: {  	s29 =	sadd.s32 $0x15480, s26;
	[sflag:s21] =	ssyncadd.s32 $0xFFFFC000  }
0x50: {  	[spmem:s2] =	stream.indirect.scatter.add.f32 [tilespmem:s19], [sflag:$0x3], $0x80, s29, s17, $0xb8;
	[tilespmem:$0x1E800] =	vst v63  }
0x51: {  	_ =	swait.ge [sflag:s14], $0x4000  }
0x52: {  	[sflag:s14] =	ssyncset.done $0x0  }
0x53: {  	[sflag:s14] =	ssyncadd.s32 $0xFFFFC000  }
0x54: {  	[tilespmem:s19], [sflag:$0x2] =	stream.indirect.gather [hbm4b:s1+s17], $0x80, s22, s17, $0xb8;
	[tilespmem:$0x1E800] =	vst v63  }
0x55: {  	_ =	swait.ge [sflag:s20], $0x4000  }
0x56: {  	[sflag:s20] =	ssyncset.done $0x0  }
0x57: {  	[sflag:s20] =	ssyncadd.s32 $0xFFFFC000  }
0x58: {  	[spmem:s2] =	stream.indirect.scatter.add.f32 [tilespmem:s18], [sflag:$0x3], $0x80, s23, s17, $0xb8;
	[tilespmem:$0x1E800] =	vst v63  }
0x59: {  	_ =	swait.ge [sflag:s14], $0x4000  }
0x5a: {  	[sflag:s14] =	ssyncset.done $0x0  }
0x5b: {  	[sflag:s14] =	ssyncadd.s32 $0xFFFFC000  }
0x5c: {  	_ =	swait.ge [sflag:s21], $0x4000  }
0x5d: {  	[sflag:s21] =	ssyncset.done $0x0  }
0x5e: {  	[sflag:s21] =	ssyncadd.s32 $0xFFFFC000  }
0x5f: {  	[spmem:s2] =	stream.indirect.scatter.add.f32 [tilespmem:s19], [sflag:$0x3], $0x80, s24, s17, $0xb8;
	[tilespmem:$0x1E800] =	vst v63  }
0x60: {  	_ =	swait.ge [sflag:s14], $0x4000  }
0x61: {  	[sflag:s14] =	ssyncset.done $0x0  }
0x62: {  	s30 =	simm.s32 $0x0;
	[sflag:s14] =	ssyncadd.s32 $0xFFFFC000  }
0x63: {  	[tilespmem:s15], [sflag:$0x3] =	stream.linear.gather [hbm4b:s9+s30], $0x1400, $0x38;
	[tilespmem:$0x1E800] =	vst v63  }
0x64: {  	_ =	swait.ge [sflag:s14], $0x1400  }
0x65: {  	[sflag:s14] =	ssyncset.done $0x0  }
0x66: {  	[sflag:s14] =	ssyncadd.s32 $0xFFFFEC00  }
0x67: {  	[tilespmem:s16], [sflag:$0x3] =	stream.linear.gather [hbm4b:s10+s30], $0x1400, $0x38;
	[tilespmem:$0x1E800] =	vst v63  }
0x68: {  	_ =	swait.ge [sflag:s14], $0x1400  }
0x69: {  	[sflag:s14] =	ssyncset.done $0x0  }
0x6a: {  	[sflag:s14] =	ssyncadd.s32 $0xFFFFEC00  }
0x6b: {  	[tilespmem:s18], [sflag:$0x1] =	stream.indirect.gather [hbm4b:s1+s17], $0x80, s15, s17, $0xb8;
	[tilespmem:$0x1E800] =	vst v63  }
0x6c: {  	s31 =	simm.s32 $0x14080  }
0x6d: {  	[tilespmem:s19], [sflag:$0x2] =	stream.indirect.gather [hbm4b:s1+s17], $0x80, s31, s17, $0xb8;
	[tilespmem:$0x1E800] =	vst v63  }
0x6e: {  	_ =	swait.ge [sflag:s20], $0x4000  }
0x6f: {  	[sflag:s20] =	ssyncset.done $0x0  }
0x70: {  	s29 =	simm.s32 $0x15400;
	[sflag:s20] =	ssyncadd.s32 $0xFFFFC000  }
0x71: {  	[spmem:s2] =	stream.indirect.scatter.add.f32 [tilespmem:s18], [sflag:$0x3], $0x80, s29, s17, $0xb8;
	[tilespmem:$0x1E800] =	vst v63  }
0x72: {  	_ =	swait.ge [sflag:s14], $0x4000  }
0x73: {  	[sflag:s14] =	ssyncset.done $0x0  }
0x74: {  	s30 =	simm.s32 $0x14100;
	[sflag:s14] =	ssyncadd.s32 $0xFFFFC000  }
0x75: {  	[tilespmem:s18], [sflag:$0x1] =	stream.indirect.gather [hbm4b:s1+s17], $0x80, s30, s17, $0xb8;
	[tilespmem:$0x1E800] =	vst v63  }
0x76: {  	_ =	swait.ge [sflag:s21], $0x4000  }
0x77: {  	[sflag:s21] =	ssyncset.done $0x0  }
0x78: {  	s31 =	simm.s32 $0x15480;
	[sflag:s21] =	ssyncadd.s32 $0xFFFFC000  }
0x79: {  	[spmem:s2] =	stream.indirect.scatter.add.f32 [tilespmem:s19], [sflag:$0x3], $0x80, s31, s17, $0xb8;
	[tilespmem:$0x1E800] =	vst v63  }
0x7a: {  	_ =	swait.ge [sflag:s14], $0x4000  }
0x7b: {  	s26 =	simm.s32 $0x100;
	s28 =	simm.s32 $0x800;
	[sflag:s14] =	ssyncset.done $0x0  }
.LBB2_4:
0x7c: {  	s29 =	sadd.s32 $0x14080, s26  }
0x7d: {  	[sflag:s14] =	ssyncadd.s32 $0xFFFFC000;
	s30 =	smov.u32 s28;
	s31 =	sadd.s32 $0x400, s28  }
0x7e: {  	[tilespmem:s19], [sflag:$0x2] =	stream.indirect.gather [hbm4b:s1+s17], $0x80, s29, s17, $0xb8;
	[tilespmem:$0x1E800] =	vst v63  }
0x7f: {  	p0 =	sne.s32 s28, $0x4800;
	_ =	swait.ge [sflag:s20], $0x4000  }
0x80: {  	[sflag:s20] =	ssyncset.done $0x0  }
0x81: {  	s28 =	sadd.s32 $0x15400, s26;
	[sflag:s20] =	ssyncadd.s32 $0xFFFFC000  }
0x82: {  	[spmem:s2] =	stream.indirect.scatter.add.f32 [tilespmem:s18], [sflag:$0x3], $0x80, s28, s17, $0xb8;
	[tilespmem:$0x1E800] =	vst v63  }
0x83: {  	_ =	swait.ge [sflag:s14], $0x4000  }
0x84: {  	[sflag:s14] =	ssyncset.done $0x0  }
0x85: {  	s28 =	sadd.s32 $0x14100, s26;
	[sflag:s14] =	ssyncadd.s32 $0xFFFFC000  }
0x86: {  	[tilespmem:s18], [sflag:$0x1] =	stream.indirect.gather [hbm4b:s1+s17], $0x80, s28, s17, $0xb8;
	[tilespmem:$0x1E800] =	vst v63  }
0x87: {  	_ =	swait.ge [sflag:s21], $0x4000  }
.Ltmp1:
0x88: {  	[sflag:s21] =	ssyncset.done $0x0;
	(pc) =	sbr.rel @p0 .LBB2_4-.Ltmp1, $4  }
0x89: {  	s26 =	sadd.s32 $0x15480, s26;
	[sflag:s21] =	ssyncadd.s32 $0xFFFFC000  }
0x8a: {  	[spmem:s2] =	stream.indirect.scatter.add.f32 [tilespmem:s19], [sflag:$0x3], $0x80, s26, s17, $0xb8;
	[tilespmem:$0x1E800] =	vst v63  }
0x8b: {  	_ =	swait.ge [sflag:s14], $0x4000  }
0x8c: {  	s28 =	smov.u32 s31;
	s26 =	sshra.s32 s30, $0x2;
	[sflag:s14] =	ssyncset.done $0x0  }
0x8d: {  	s28 =	sadd.s32 $0x14080, s26;
	[sflag:s14] =	ssyncadd.s32 $0xFFFFC000  }
0x8e: {  	[tilespmem:s19], [sflag:$0x2] =	stream.indirect.gather [hbm4b:s1+s17], $0x80, s28, s17, $0xb8;
	[tilespmem:$0x1E800] =	vst v63  }
0x8f: {  	_ =	swait.ge [sflag:s20], $0x4000  }
0x90: {  	[sflag:s20] =	ssyncset.done $0x0  }
0x91: {  	s29 =	sadd.s32 $0x15400, s26;
	[sflag:s20] =	ssyncadd.s32 $0xFFFFC000  }
0x92: {  	[spmem:s2] =	stream.indirect.scatter.add.f32 [tilespmem:s18], [sflag:$0x3], $0x80, s29, s17, $0xb8;
	[tilespmem:$0x1E800] =	vst v63  }
0x93: {  	_ =	swait.ge [sflag:s14], $0x4000  }
0x94: {  	[sflag:s14] =	ssyncset.done $0x0  }
0x95: {  	s30 =	sadd.s32 $0x14100, s26;
	[sflag:s14] =	ssyncadd.s32 $0xFFFFC000  }
0x96: {  	[tilespmem:s18], [sflag:$0x1] =	stream.indirect.gather [hbm4b:s1+s17], $0x80, s30, s17, $0xb8;
	[tilespmem:$0x1E800] =	vst v63  }
0x97: {  	_ =	swait.ge [sflag:s21], $0x4000  }
0x98: {  	[sflag:s21] =	ssyncset.done $0x0  }
0x99: {  	s31 =	sadd.s32 $0x15480, s26;
	[sflag:s21] =	ssyncadd.s32 $0xFFFFC000  }
0x9a: {  	[spmem:s2] =	stream.indirect.scatter.add.f32 [tilespmem:s19], [sflag:$0x3], $0x80, s31, s17, $0xb8;
	[tilespmem:$0x1E800] =	vst v63  }
0x9b: {  	_ =	swait.ge [sflag:s14], $0x4000  }
0x9c: {  	[sflag:s14] =	ssyncset.done $0x0  }
0x9d: {  	[sflag:s14] =	ssyncadd.s32 $0xFFFFC000  }
0x9e: {  	[tilespmem:s19], [sflag:$0x2] =	stream.indirect.gather [hbm4b:s1+s17], $0x80, s22, s17, $0xb8;
	[tilespmem:$0x1E800] =	vst v63  }
0x9f: {  	_ =	swait.ge [sflag:s20], $0x4000  }
0xa0: {  	[sflag:s20] =	ssyncset.done $0x0  }
0xa1: {  	[sflag:s20] =	ssyncadd.s32 $0xFFFFC000  }
0xa2: {  	[spmem:s2] =	stream.indirect.scatter.add.f32 [tilespmem:s18], [sflag:$0x3], $0x80, s23, s17, $0xb8;
	[tilespmem:$0x1E800] =	vst v63  }
0xa3: {  	_ =	swait.ge [sflag:s14], $0x4000  }
0xa4: {  	[sflag:s14] =	ssyncset.done $0x0  }
0xa5: {  	[sflag:s14] =	ssyncadd.s32 $0xFFFFC000  }
0xa6: {  	_ =	swait.ge [sflag:s21], $0x4000  }
0xa7: {  	[sflag:s21] =	ssyncset.done $0x0  }
0xa8: {  	[sflag:s21] =	ssyncadd.s32 $0xFFFFC000  }
0xa9: {  	[spmem:s2] =	stream.indirect.scatter.add.f32 [tilespmem:s19], [sflag:$0x3], $0x80, s24, s17, $0xb8;
	[tilespmem:$0x1E800] =	vst v63  }
0xaa: {  	_ =	swait.ge [sflag:s14], $0x4000  }
0xab: {  	[sflag:s14] =	ssyncset.done $0x0  }
0xac: {  	s25 =	sadd.s32 $0x1, s25;
	[sflag:s14] =	ssyncadd.s32 $0xFFFFC000  }
0xad: {  	p0 =	sne.s32 s25, s12;
	[bflag:$0x0] =	sbarrier.arrive $0xFFFF  }
0xae: {  	[hbm:s11], [sflag:s6] =	dma.local [spmem:s13], $0x2800  }
.Ltmp2:
0xaf: {  	_ =	swait.ge [sflag:s14], $0x2800;
	(pc) =	sbr.rel @p0 .LBB2_1-.Ltmp2, $3  }
0xb0: {  	[sflag:s14] =	ssyncset.done $0x0  }
0xb1: {  	[sflag:s14] =	ssyncadd.s32 $0xFFFFD800  }
0xb2: {  	[bflag:$0x0] =	sbarrier.arrive $0xFFFF;
	_ =	sdelay $0x1  }
0xb3: {  	_ =	sfence.sel $0x180000  }
0xb4: {  	[bflag:$0x0] =	sbarrier.arrive $0xFFFF  }
0xb5: {  	p0 =	sne.s32 s3, $0x0;
	_ =	strace $0x90000053  }
0xb6: {  	s0 =	sadd.s32 @!p0 $0x100000, s0;
	[bflag:$0x2] =	sbarrier.arrive $0xFFFF  }
0xb7: {  	[sflag:s0] =	ssyncadd.tile.s32 @!p0 $0x1;
	_ =	shalt  }
.Lfunc_end2:
_tile_overlayer_lowered:
.L_overlay_start_2:
0xb8: {  	(tag) =	ssettag $0x2  }
0xb9: {  	s0 =	rddreg [dreg:$0x0];
	s2 =	stileid.u32  }
0xba: {  	s1 =	rddreg [dreg:$0x1];
	p0 =	sne.s32 s2, $0x0  }
0xbb: {  	s3 =	rddreg [dreg:$0x2];
	[bflag:$0x3] =	sbarrier.arrive $0xFFFF;
	s2 =	simm.s32 @!p0 $0x1C03  }
0xbc: {  	[timem:s3], [sflag:s2] =	dma.local @!p0 [hbm:s0], s1  }
0xbd: {  	s0 =	simm.s32 @!p0 $0x3  }
0xbe: {  	_ =	swait.ge @!p0 [sflag:s0], s1  }
0xbf: {  	s1 =	ssub.s32 @!p0 $0x0, s1;
	[sflag:s0] =	ssyncset.done @!p0 $0x0  }
0xc0: {  	[sflag:s0] =	ssyncadd.s32 @!p0 s1  }
0xc1: {  	[bflag:$0x3] =	sbarrier.arrive $0xFFFF  }
0xc2: {  	_ =	shalt  }

// kernel: kernel.23.cloned.1.call-start
scs
__scs_entry_jumppad:
0x0: {  	(pc) =	sbr.rel $0x88, $3  }
0x1: {  	(tag) =	ssettag $0x0;
	lr =	simm.s32 $0x1  }
0x2: {  	[smem:$0x3F91] =	sst lr;
	_ =	strace $0xD0000000  }
0x3: {  	_ = 	snop  }
0x4: {  	_ = 	snop  }
0x5: {  	_ = 	snop  }
0x6: {  	_ = 	snop  }
0x7: {  	_ = 	snop  }
__scs_overlays_trampoline_lowered:
0x8: {  	[smem:$0x3FA0] =	sst s0  }
0x9: {  	[smem:$0x3FA1] =	sst s1  }
0xa: {  	[smem:$0x3FA2] =	sst s2  }
0xb: {  	[smem:$0x3FA3] =	sst s3  }
0xc: {  	[smem:$0x3FA4] =	sst s4  }
0xd: {  	[smem:$0x3FA5] =	sst s5  }
0xe: {  	[smem:$0x3FA6] =	sst s6  }
0xf: {  	[smem:$0x3FA7] =	sst s7  }
0x10: {  	[smem:$0x3FA8] =	sst s8  }
0x11: {  	[smem:$0x3FA9] =	sst s9;
	s0 =	simm.s32 @!p0 $0x0  }
0x12: {  	s1 =	sld [smem:$0x3F8F];
	s0 =	simm.s32 @p0 $0x1  }
0x13: {  	[smem:$0x3FAA] =	sst s0;
	s0 =	simm.s32 @!p1 $0x0  }
0x14: {  	s2 =	sld [smem:$0x3F8E];
	s0 =	simm.s32 @p1 $0x1  }
0x15: {  	[smem:$0x3FAB] =	sst s0;
	s0 =	simm.s32 @!p2 $0x0  }
0x16: {  	s3 =	sld [smem:$0x3FDB];
	s0 =	simm.s32 @p2 $0x1  }
0x17: {  	s4 =	simm.s32 $0x1BF5;
	[smem:$0x3FAD] =	sst s0  }
0x18: {  	s0 =	sld [smem:$0x3F90];
	_ =	swait.ge [sflag:s4], $0x0  }
0x19: {  	s7 =	sld [smem:$0x3F91]  }
0x1a: {  	s8 =	sadd.s32 $0xFFFFE003, lr  }
0x1b: {  	s9 =	sadd.s32 $0xFFFFFEF7, lr;
	s5 =	simm.s32 $0xFFFFFFFF;
	p2 =	slt.u32 s8, $0xFFFFF086  }
0x1c: {  	p1 =	slt.u32 s9, $0xF7A;
	s5 =	simm.s32 @!p2 $0x0  }
0x1d: {  	s5 =	simm.s32 @p1 $0x1;
	p0 =	seq.s32 s7, s2  }
0x1e: {  	s7 =	smul.u32 @!p0 $0xF7A, s2;
	p2 =	seq.s32 @!p0 s5, $0x0  }
0x1f: {  	s9 =	smul.u32 $0xF7A, s1;
	s8 =	simm.s32 @!p0 $0x1BF5;
	p2 =	por !p2, p0  }
0x20: {  	[sflag:s8] =	ssyncset.s32 @!p0 $0xFFFFF086;
	s6 =	sadd.s32 @!p0 s3, s7;
	s7 =	simm.s32 @!p0 $0x108  }
0x21: {  	s3 =	sadd.s32 s3, s9;
	s6 =	sadd.s32 @!p0 $0x88, s6;
	s7 =	simm.s32 @p2 $0x1082  }
0x22: {  	[simem:s7], [sflag:s8] =	dma.local @!p0 [hbm:s6], $0xF7A  }
0x23: {  	s9 =	sor.u32 $0xD0000000, s2;
	s6 =	simm.s32 $0x108;
	_ =	swait.ge @!p0 [sflag:s8], $0x0  }
0x24: {  	s3 =	sadd.s32 $0x88, s3;
	s6 =	simm.s32 @!p1 $0x1082;
	[sflag:s4] =	ssyncset.s32 $0xFFFFF086  }
0x25: {  	[simem:s6], [sflag:s4] =	dma.local [hbm:s3], $0xF7A  }
0x26: {  	[smem:$0x3F91] =	sst s1;
	(tag) =	ssettag s2;
	_ =	strace s9  }
0x27: {  	s1 =	sld [smem:$0x3FA1]  }
0x28: {  	s2 =	sld [smem:$0x3FA2]  }
0x29: {  	s4 =	sld [smem:$0x3FA4]  }
0x2a: {  	p0 =	seq.s32 s5, $0x0;
	s5 =	sld [smem:$0x3FA5]  }
0x2b: {  	s6 =	sld [smem:$0x3FA6]  }
0x2c: {  	s7 =	sld [smem:$0x3FA7]  }
0x2d: {  	s3 =	simm.s32 $0x108;
	s8 =	sld [smem:$0x3FA8]  }
0x2e: {  	s3 =	simm.s32 @!p0 $0x1082;
	s9 =	sld [smem:$0x3FA9]  }
0x2f: {  	lr =	sadd.s32 s0, s3;
	s0 =	sld [smem:$0x3FA0]  }
0x30: {  	s3 =	sld [smem:$0x3FA3]  }
0x31: {  	[smem:$0x3FAC] =	sst s10  }
0x32: {  	s10 =	sld [smem:$0x3FAA];
	_ =	sdelay $0x3  }
0x33: {  	p0 =	seq.s32 s10, $0x1;
	s10 =	sld [smem:$0x3FAC];
	_ =	sdelay $0x3  }
0x34: {  	[smem:$0x3FAC] =	sst s10  }
0x35: {  	s10 =	sld [smem:$0x3FAB];
	_ =	sdelay $0x3  }
0x36: {  	p1 =	seq.s32 s10, $0x1;
	s10 =	sld [smem:$0x3FAC];
	_ =	sdelay $0x3  }
0x37: {  	[smem:$0x3FAC] =	sst s10  }
0x38: {  	s10 =	sld [smem:$0x3FAD]  }
0x39: {  	_ = 	snop;
	(pc) =	sbr.ind lr, $3  }
0x3a: {  	_ = 	snop  }
0x3b: {  	_ = 	snop  }
0x3c: {  	p2 =	seq.s32 s10, $0x1;
	s10 =	sld [smem:$0x3FAC]  }
0x3d: {  	_ =	shalt  }
0x3e: {  	_ =	shalt  }
0x3f: {  	_ =	shalt  }
0x40: {  	_ =	shalt  }
0x41: {  	_ =	shalt  }
0x42: {  	_ =	shalt  }
0x43: {  	_ =	shalt  }
0x44: {  	_ =	shalt  }
0x45: {  	_ =	shalt  }
0x46: {  	_ =	shalt  }
0x47: {  	_ =	shalt  }
0x48: {  	_ =	shalt  }
0x49: {  	_ =	shalt  }
0x4a: {  	_ =	shalt  }
0x4b: {  	_ =	shalt  }
0x4c: {  	_ =	shalt  }
0x4d: {  	_ =	shalt  }
0x4e: {  	_ =	shalt  }
0x4f: {  	_ =	shalt  }
0x50: {  	_ =	shalt  }
0x51: {  	_ =	shalt  }
0x52: {  	_ =	shalt  }
0x53: {  	_ =	shalt  }
0x54: {  	_ =	shalt  }
0x55: {  	_ =	shalt  }
0x56: {  	_ =	shalt  }
0x57: {  	_ =	shalt  }
0x58: {  	_ =	shalt  }
0x59: {  	_ =	shalt  }
0x5a: {  	_ =	shalt  }
0x5b: {  	_ =	shalt  }
0x5c: {  	_ =	shalt  }
0x5d: {  	_ =	shalt  }
0x5e: {  	_ =	shalt  }
0x5f: {  	_ =	shalt  }
0x60: {  	_ =	shalt  }
0x61: {  	_ =	shalt  }
0x62: {  	_ =	shalt  }
0x63: {  	_ =	shalt  }
0x64: {  	_ =	shalt  }
0x65: {  	_ =	shalt  }
0x66: {  	_ =	shalt  }
0x67: {  	_ =	shalt  }
0x68: {  	_ =	shalt  }
0x69: {  	_ =	shalt  }
0x6a: {  	_ =	shalt  }
0x6b: {  	_ =	shalt  }
0x6c: {  	_ =	shalt  }
0x6d: {  	_ =	shalt  }
0x6e: {  	_ =	shalt  }
0x6f: {  	_ =	shalt  }
0x70: {  	_ =	shalt  }
0x71: {  	_ =	shalt  }
0x72: {  	_ =	shalt  }
0x73: {  	_ =	shalt  }
0x74: {  	_ =	shalt  }
0x75: {  	_ =	shalt  }
0x76: {  	_ =	shalt  }
0x77: {  	_ =	shalt  }
0x78: {  	_ =	shalt  }
0x79: {  	_ =	shalt  }
0x7a: {  	_ =	shalt  }
0x7b: {  	_ =	shalt  }
0x7c: {  	_ =	shalt  }
0x7d: {  	_ =	shalt  }
0x7e: {  	_ =	shalt  }
0x7f: {  	_ =	shalt  }
0x80: {  	_ =	shalt  }
0x81: {  	_ =	shalt  }
0x82: {  	_ =	shalt  }
0x83: {  	_ =	shalt  }
0x84: {  	_ =	shalt  }
0x85: {  	_ =	shalt  }
0x86: {  	_ =	shalt  }
0x87: {  	_ =	shalt  }
.Lfunc_end0:
.L_simem_size_0:
called_computation.3_lowered:
.L_overlay_start_0:
0x88: {  	s2 =	sld [smem:$0x3FD9]  }
0x89: {  	s3 =	sld [smem:$0x3FFE];
	_ =	sdelay $0x1  }
0x8a: {  	s1 =	srdreg.scid  }
0x8b: {  	s0 =	sand.u32 $0x1, s1  }
0x8c: {  	s16 =	sshll.u32 s0, $0xA;
	s2 =	sadd.s32 s3, s2  }
0x8d: {  	s2 =	sadd.s32 s2, s16  }
0x8e: {  	[smem:$0x3FB8] =	sst s2  }
0x8f: {  	_ = 	snop  }
0x90: {  	(tm) =	ssettm $0x1  }
0x91: {  	s17 =	sld [smem:$0x3FFB];
	_ =	sdelay $0x3  }
0x92: {  	_ =	strace s17  }
0x93: {  	s2 =	sld [smem:$0x3FFC];
	_ =	sdelay $0x3  }
0x94: {  	_ =	strace s2  }
0x95: {  	s2 =	sld [smem:$0x3FFD];
	_ =	sdelay $0x3  }
0x96: {  	_ =	strace s2  }
0x97: {  	_ =	strace $0x8FFFFFFF  }
0x98: {  	s18 =	sld [smem:$0x3FDB];
	_ =	sdelay $0x1  }
0x99: {  	s19 =	simm.s32 $_scs_section_size  }
0x9a: {  	s4 =	simm.s32 $_size__tile_overlayer_lowered;
	s5 =	simm.s32 $_tile_overlayer_lowered  }
0x9b: {  	s22 =	simm.s32 $0x1BFF;
	s21 =	sshll.u32 s5, $0x1;
	s2 =	sadd.s32 s19, s18  }
0x9c: {  	s6 =	simm.s32 $0x0;
	s20 =	sshll.u32 s4, $0x1;
	s4 =	sadd.s32 s21, s2  }
0x9d: {  	[timem:s6], [sflag:s22] =	dma.local [hbm:s4], s20  }
0x9e: {  	_ =	swait.ge [sflag:s22], s20  }
0x9f: {  	s3 =	ssub.s32 $0x0, s20;
	[sflag:s22] =	ssyncset.done $0x0  }
0xa0: {  	[sflag:s22] =	ssyncadd.s32 s3;
	_ =	sdelay $0x1  }
0xa1: {  	s23 =	simm.s32 $0x1B8B  }
0xa2: {  	_ =	swait.ge [sflag:s23], $0x1  }
0xa3: {  	[sflag:s23] =	ssyncset.done $0x0  }
0xa4: {  	s25 =	simm.s32 $0x1B8E;
	s24 =	sld [smem:$0x3FFE];
	[sflag:s23] =	ssyncadd.s32 $0xFFFFFFFF  }
0xa5: {  	s26 =	simm.s32 $execute0_lowered;
	[smem:$0x3FD2] =	sst s25  }
0xa6: {  	s4 =	sshll.u32 s26, $0x1;
	_ =	strace $0x80000049;
	[dreg:$0x1] =	wrdreg $0xFFFFFFFF  }
0xa7: {  	s28 =	simm.s32 $_size_execute0_lowered;
	s2 =	sadd.s32 s2, s4;
	[dreg:$0x0] =	wrdreg $0x0  }
0xa8: {  	s4 =	sshll.u32 s28, $0x1;
	[dreg:$0x2] =	wrdreg s2  }
0xa9: {  	[dreg:$0x3] =	wrdreg s4  }
0xaa: {  	[dreg:$0x4] =	wrdreg $0xC0  }
0xab: {  	_ =	task [dreg:s6], $0x5FFFF  }
0xac: {  	[dreg:$0x1] =	wrdreg $0xFFFFFFFF  }
0xad: {  	[dreg:$0x0] =	wrdreg $0x60  }
0xae: {  	[dreg:$0x2] =	wrdreg s24  }
0xaf: {  	[dreg:$0x3] =	wrdreg $0x0  }
0xb0: {  	[dreg:$0x4] =	wrdreg $0xA  }
0xb1: {  	_ =	task.clear_ibuf [dreg:s6], $0x5FFFF;
	_ =	strace $0x90000049  }
0xb2: {  	s29 =	simm.s32 $0xA;
	_ =	strace $0x8000004B  }
0xb3: {  	_ =	swait.ge [sflag:s29], $0x1  }
0xb4: {  	[sflag:s29] =	ssyncadd.s32 $0xFFFFFFFF  }
0xb5: {  	_ =	strace $0x9000004B  }
0xb6: {  	_ =	sfence  }
0xb7: {  	s30 =	sld [smem:$0x0];
	_ =	sdelay $0x2  }
0xb8: {  	s31 =	sshll.u32 s1, $0xD;
	s1 =	sshrl.u32 s1, $0x2  }
0xb9: {  	s3 =	sand.u32 $0x4000, s31;
	s1 =	sadd.s32 s1, s30  }
0xba: {  	s0 =	sor.u32 s3, s0;
	s1 =	sshll.u32 s1, $0x11  }
0xbb: {  	s0 =	sor.u32 s1, s0  }
0xbc: {  	s0 =	sadd.s32 $0x8F2B, s0  }
0xbd: {  	[sflag:s0] =	ssyncadd.remote.s32 $0x1  }
0xbe: {  	_ =	sfence.sel $0xFFFF  }
0xbf: {  	[dreg:$0x0] =	wrdreg $0xFFFFFFFF;
	(pc) =	sbr.abs _section_cstart, $3  }
0xc0: {  	[dreg:$0x1] =	wrdreg $0xFFFFFFFF  }
0xc1: {  	_ =	task.clear_ibuf [dreg:s6], $0x2FFFF;
	_ =	strace $0x9FFFFFFF  }
0xc2: {  	(tm) =	ssettm $0x7FFFFFFF  }
0xc3: {  	_ =	shalt  }
tec
execute0_lowered:
.L_overlay_start_1:
0x0: {  	(tag) =	ssettag $0x1  }
0x1: {  	s7 =	rddreg [dreg:$0x0]  }
0x2: {  	s1 =	rddreg [dreg:$0x1];
	s2 =	srdreg.scid  }
0x3: {  	s3 =	simm.s32 $0x0;
	s0 =	stileid.u32;
	s17 =	simm.s32 $0x14000  }
0x4: {  	s18 =	simm.s32 $0x15400;
	s19 =	simm.s32 $0x80;
	s20 =	simm.s32 $0x16800  }
0x5: {  	s21 =	simm.s32 $0x1A800;
	s22 =	simm.s32 $0x1;
	s23 =	simm.s32 $0x2  }
0x6: {  	s24 =	simm.s32 $0x15380;
	s28 =	simm.s32 $0x0;
	s8 =	sand.u32 $0x1, s2  }
0x7: {  	[smem:$0x7FF] =	sst s3;
	s9 =	smul.u32 $0x14000, s0;
	s4 =	sadd.s32 $0xF4600, s7  }
0x8: {  	s5 =	sadd.s32 $0xCD400, s7;
	s10 =	sadd.s32 $0x11200, s7;
	s11 =	sadd.s32 $0x7200, s7  }
0x9: {  	s12 =	sshll.u32 s0, $0x1;
	s25 =	smul.u32 $0x50000, s0;
	s30 =	sshll.u32 s0, $0x6  }
0xa: {  	s6 =	smul.u32 $0x140000, s8;
	s13 =	ssub.s32 $0x2, s8;
	s8 =	sor.u32 s8, s12  }
0xb: {  	_ =	strace $0x8000004A;
	s26 =	sshrl.u32 s13, $0x1;
	s8 =	smul.u32 $0x2800, s8  }
0xc: {  	s29 =	sshrl.u32 s25, $0x2;
	s25 =	simm.s32 $0x16700;
	s9 =	sadd.s32 s9, s6  }
0xd: {  	s6 =	sadd.s32 $0x11B800, s7;
	s15 =	ssub.s32 s13, s26;
	s16 =	sadd.s32 s29, s1  }
0xe: {  	s26 =	simm.s32 $0x16780;
	s9 =	sshrl.u32 s9, $0x3;
	s31 =	sshrl.u32 s8, $0x3  }
0xf: {  	s14 =	sadd.s32 s9, s7;
	s7 =	sor.u32 $0x1C03, s30;
	s12 =	sadd.s32 $0x280, s31  }
0x10: {  	s8 =	sadd.s32 s10, s31;
	s9 =	sadd.s32 s11, s31;
	s10 =	sadd.s32 s10, s12  }
0x11: {  	s11 =	sadd.s32 s11, s12;
	s12 =	sadd.s32 $0x11E000, s14;
	s13 =	sadd.s32 $0x16E000, s14  }
0x12: {  	s14 =	smax.u32 s15, $0x1;
	s15 =	sshrl.u32 s16, $0x3;
	s16 =	simm.s32 $0x3  }
.LBB2_1:
0x13: {  	[spmem:s15], [sflag:s7] =	dma.local [hbm:s6], $0x2800  }
0x14: {  	_ =	swait.ge [sflag:s16], $0x2800  }
0x15: {  	[sflag:s16] =	ssyncset.done $0x0  }
0x16: {  	[sflag:s16] =	ssyncadd.s32 $0xFFFFD800  }
0x17: {  	[bflag:$0x0] =	sbarrier.arrive $0xFFFF  }
0x18: {  	[tilespmem:s17], [sflag:$0x3] =	stream.linear.gather [hbm4b:s8+s3], $0x1400, $0x38;
	[tilespmem:$0x1E800] =	vst v63  }
0x19: {  	_ =	swait.ge [sflag:s16], $0x1400  }
0x1a: {  	[sflag:s16] =	ssyncset.done $0x0  }
0x1b: {  	[sflag:s16] =	ssyncadd.s32 $0xFFFFEC00  }
0x1c: {  	[tilespmem:s18], [sflag:$0x3] =	stream.linear.gather [hbm4b:s9+s3], $0x1400, $0x38;
	[tilespmem:$0x1E800] =	vst v63  }
0x1d: {  	_ =	swait.ge [sflag:s16], $0x1400  }
0x1e: {  	[sflag:s16] =	ssyncset.done $0x0  }
0x1f: {  	[sflag:s16] =	ssyncadd.s32 $0xFFFFEC00  }
0x20: {  	[tilespmem:s20], [sflag:$0x1] =	stream.indirect.gather [hbm4b:s4+s19], $0x80, s17, s19, $0xb8;
	[tilespmem:$0x1E800] =	vst v63  }
0x21: {  	s29 =	simm.s32 $0x14080  }
0x22: {  	[tilespmem:s21], [sflag:$0x2] =	stream.indirect.gather [hbm4b:s4+s19], $0x80, s29, s19, $0xb8;
	[tilespmem:$0x1E800] =	vst v63  }
0x23: {  	_ =	swait.ge [sflag:s22], $0x4000  }
0x24: {  	[sflag:s22] =	ssyncset.done $0x0  }
0x25: {  	s29 =	simm.s32 $0x15400;
	[sflag:s22] =	ssyncadd.s32 $0xFFFFC000  }
0x26: {  	[spmem:s1] =	stream.indirect.scatter.add.f32 [tilespmem:s20], [sflag:$0x3], $0x80, s29, s19, $0xb8;
	[tilespmem:$0x1E800] =	vst v63  }
0x27: {  	_ =	swait.ge [sflag:s16], $0x4000  }
0x28: {  	[sflag:s16] =	ssyncset.done $0x0  }
0x29: {  	s29 =	simm.s32 $0x14100;
	[sflag:s16] =	ssyncadd.s32 $0xFFFFC000  }
0x2a: {  	[tilespmem:s20], [sflag:$0x1] =	stream.indirect.gather [hbm4b:s4+s19], $0x80, s29, s19, $0xb8;
	[tilespmem:$0x1E800] =	vst v63  }
0x2b: {  	_ =	swait.ge [sflag:s23], $0x4000  }
0x2c: {  	[sflag:s23] =	ssyncset.done $0x0  }
0x2d: {  	s29 =	simm.s32 $0x15480;
	[sflag:s23] =	ssyncadd.s32 $0xFFFFC000  }
0x2e: {  	[spmem:s1] =	stream.indirect.scatter.add.f32 [tilespmem:s21], [sflag:$0x3], $0x80, s29, s19, $0xb8;
	[tilespmem:$0x1E800] =	vst v63  }
0x2f: {  	_ =	swait.ge [sflag:s16], $0x4000  }
0x30: {  	s30 =	simm.s32 $0x800;
	s29 =	simm.s32 $0x100;
	[sflag:s16] =	ssyncset.done $0x0  }
.LBB2_2:
0x31: {  	s31 =	sadd.s32 $0x14080, s29  }
0x32: {  	[sflag:s16] =	ssyncadd.s32 $0xFFFFC000;
	s0 =	smov.u32 s30;
	s2 =	sadd.s32 $0x400, s30  }
0x33: {  	[tilespmem:s21], [sflag:$0x2] =	stream.indirect.gather [hbm4b:s4+s19], $0x80, s31, s19, $0xb8;
	[tilespmem:$0x1E800] =	vst v63  }
0x34: {  	p0 =	sne.s32 s30, $0x4800;
	_ =	swait.ge [sflag:s22], $0x4000  }
0x35: {  	[sflag:s22] =	ssyncset.done $0x0  }
0x36: {  	s30 =	sadd.s32 $0x15400, s29;
	[sflag:s22] =	ssyncadd.s32 $0xFFFFC000  }
0x37: {  	[spmem:s1] =	stream.indirect.scatter.add.f32 [tilespmem:s20], [sflag:$0x3], $0x80, s30, s19, $0xb8;
	[tilespmem:$0x1E800] =	vst v63  }
0x38: {  	_ =	swait.ge [sflag:s16], $0x4000  }
0x39: {  	[sflag:s16] =	ssyncset.done $0x0  }
0x3a: {  	s30 =	sadd.s32 $0x14100, s29;
	[sflag:s16] =	ssyncadd.s32 $0xFFFFC000  }
0x3b: {  	[tilespmem:s20], [sflag:$0x1] =	stream.indirect.gather [hbm4b:s4+s19], $0x80, s30, s19, $0xb8;
	[tilespmem:$0x1E800] =	vst v63  }
0x3c: {  	_ =	swait.ge [sflag:s23], $0x4000  }
.Ltmp0:
0x3d: {  	[sflag:s23] =	ssyncset.done $0x0;
	(pc) =	sbr.rel @p0 .LBB2_2-.Ltmp0, $4  }
0x3e: {  	s29 =	sadd.s32 $0x15480, s29;
	[sflag:s23] =	ssyncadd.s32 $0xFFFFC000  }
0x3f: {  	[spmem:s1] =	stream.indirect.scatter.add.f32 [tilespmem:s21], [sflag:$0x3], $0x80, s29, s19, $0xb8;
	[tilespmem:$0x1E800] =	vst v63  }
0x40: {  	_ =	swait.ge [sflag:s16], $0x4000  }
0x41: {  	s30 =	smov.u32 s2;
	s29 =	sshra.s32 s0, $0x2;
	[sflag:s16] =	ssyncset.done $0x0  }
0x42: {  	s0 =	sadd.s32 $0x14080, s29;
	[sflag:s16] =	ssyncadd.s32 $0xFFFFC000  }
0x43: {  	[tilespmem:s21], [sflag:$0x2] =	stream.indirect.gather [hbm4b:s4+s19], $0x80, s0, s19, $0xb8;
	[tilespmem:$0x1E800] =	vst v63  }
0x44: {  	_ =	swait.ge [sflag:s22], $0x4000  }
0x45: {  	[sflag:s22] =	ssyncset.done $0x0  }
0x46: {  	s2 =	sadd.s32 $0x15400, s29;
	[sflag:s22] =	ssyncadd.s32 $0xFFFFC000  }
0x47: {  	[spmem:s1] =	stream.indirect.scatter.add.f32 [tilespmem:s20], [sflag:$0x3], $0x80, s2, s19, $0xb8;
	[tilespmem:$0x1E800] =	vst v63  }
0x48: {  	_ =	swait.ge [sflag:s16], $0x4000  }
0x49: {  	[sflag:s16] =	ssyncset.done $0x0  }
0x4a: {  	s31 =	sadd.s32 $0x14100, s29;
	[sflag:s16] =	ssyncadd.s32 $0xFFFFC000  }
0x4b: {  	[tilespmem:s20], [sflag:$0x1] =	stream.indirect.gather [hbm4b:s4+s19], $0x80, s31, s19, $0xb8;
	[tilespmem:$0x1E800] =	vst v63  }
0x4c: {  	_ =	swait.ge [sflag:s23], $0x4000  }
0x4d: {  	[sflag:s23] =	ssyncset.done $0x0  }
0x4e: {  	s2 =	sadd.s32 $0x15480, s29;
	[sflag:s23] =	ssyncadd.s32 $0xFFFFC000  }
0x4f: {  	[spmem:s1] =	stream.indirect.scatter.add.f32 [tilespmem:s21], [sflag:$0x3], $0x80, s2, s19, $0xb8;
	[tilespmem:$0x1E800] =	vst v63  }
0x50: {  	_ =	swait.ge [sflag:s16], $0x4000  }
0x51: {  	[sflag:s16] =	ssyncset.done $0x0  }
0x52: {  	[sflag:s16] =	ssyncadd.s32 $0xFFFFC000  }
0x53: {  	[tilespmem:s21], [sflag:$0x2] =	stream.indirect.gather [hbm4b:s4+s19], $0x80, s24, s19, $0xb8;
	[tilespmem:$0x1E800] =	vst v63  }
0x54: {  	_ =	swait.ge [sflag:s22], $0x4000  }
0x55: {  	[sflag:s22] =	ssyncset.done $0x0  }
0x56: {  	[sflag:s22] =	ssyncadd.s32 $0xFFFFC000  }
0x57: {  	[spmem:s1] =	stream.indirect.scatter.add.f32 [tilespmem:s20], [sflag:$0x3], $0x80, s25, s19, $0xb8;
	[tilespmem:$0x1E800] =	vst v63  }
0x58: {  	_ =	swait.ge [sflag:s16], $0x4000  }
0x59: {  	[sflag:s16] =	ssyncset.done $0x0  }
0x5a: {  	[sflag:s16] =	ssyncadd.s32 $0xFFFFC000  }
0x5b: {  	_ =	swait.ge [sflag:s23], $0x4000  }
0x5c: {  	[sflag:s23] =	ssyncset.done $0x0  }
0x5d: {  	[sflag:s23] =	ssyncadd.s32 $0xFFFFC000  }
0x5e: {  	[spmem:s1] =	stream.indirect.scatter.add.f32 [tilespmem:s21], [sflag:$0x3], $0x80, s26, s19, $0xb8;
	[tilespmem:$0x1E800] =	vst v63  }
0x5f: {  	_ =	swait.ge [sflag:s16], $0x4000  }
0x60: {  	[sflag:s16] =	ssyncset.done $0x0  }
0x61: {  	s31 =	simm.s32 $0x0;
	[sflag:s16] =	ssyncadd.s32 $0xFFFFC000  }
0x62: {  	[tilespmem:s17], [sflag:$0x3] =	stream.linear.gather [hbm4b:s10+s31], $0x1400, $0x38;
	[tilespmem:$0x1E800] =	vst v63  }
0x63: {  	_ =	swait.ge [sflag:s16], $0x1400  }
0x64: {  	[sflag:s16] =	ssyncset.done $0x0  }
0x65: {  	[sflag:s16] =	ssyncadd.s32 $0xFFFFEC00  }
0x66: {  	[tilespmem:s18], [sflag:$0x3] =	stream.linear.gather [hbm4b:s11+s31], $0x1400, $0x38;
	[tilespmem:$0x1E800] =	vst v63  }
0x67: {  	_ =	swait.ge [sflag:s16], $0x1400  }
0x68: {  	[sflag:s16] =	ssyncset.done $0x0  }
0x69: {  	[sflag:s16] =	ssyncadd.s32 $0xFFFFEC00  }
0x6a: {  	[tilespmem:s20], [sflag:$0x1] =	stream.indirect.gather [hbm4b:s4+s19], $0x80, s17, s19, $0xb8;
	[tilespmem:$0x1E800] =	vst v63  }
0x6b: {  	s2 =	simm.s32 $0x14080  }
0x6c: {  	[tilespmem:s21], [sflag:$0x2] =	stream.indirect.gather [hbm4b:s4+s19], $0x80, s2, s19, $0xb8;
	[tilespmem:$0x1E800] =	vst v63  }
0x6d: {  	_ =	swait.ge [sflag:s22], $0x4000  }
0x6e: {  	[sflag:s22] =	ssyncset.done $0x0  }
0x6f: {  	s31 =	simm.s32 $0x15400;
	[sflag:s22] =	ssyncadd.s32 $0xFFFFC000  }
0x70: {  	[spmem:s1] =	stream.indirect.scatter.add.f32 [tilespmem:s20], [sflag:$0x3], $0x80, s31, s19, $0xb8;
	[tilespmem:$0x1E800] =	vst v63  }
0x71: {  	_ =	swait.ge [sflag:s16], $0x4000  }
0x72: {  	[sflag:s16] =	ssyncset.done $0x0  }
0x73: {  	s2 =	simm.s32 $0x14100;
	[sflag:s16] =	ssyncadd.s32 $0xFFFFC000  }
0x74: {  	[tilespmem:s20], [sflag:$0x1] =	stream.indirect.gather [hbm4b:s4+s19], $0x80, s2, s19, $0xb8;
	[tilespmem:$0x1E800] =	vst v63  }
0x75: {  	_ =	swait.ge [sflag:s23], $0x4000  }
0x76: {  	[sflag:s23] =	ssyncset.done $0x0  }
0x77: {  	s31 =	simm.s32 $0x15480;
	[sflag:s23] =	ssyncadd.s32 $0xFFFFC000  }
0x78: {  	[spmem:s1] =	stream.indirect.scatter.add.f32 [tilespmem:s21], [sflag:$0x3], $0x80, s31, s19, $0xb8;
	[tilespmem:$0x1E800] =	vst v63  }
0x79: {  	_ =	swait.ge [sflag:s16], $0x4000  }
0x7a: {  	s30 =	simm.s32 $0x800;
	s29 =	simm.s32 $0x100;
	[sflag:s16] =	ssyncset.done $0x0  }
.LBB2_4:
0x7b: {  	s0 =	sadd.s32 $0x14080, s29  }
0x7c: {  	[sflag:s16] =	ssyncadd.s32 $0xFFFFC000;
	s2 =	smov.u32 s30;
	s31 =	sadd.s32 $0x400, s30  }
0x7d: {  	[tilespmem:s21], [sflag:$0x2] =	stream.indirect.gather [hbm4b:s4+s19], $0x80, s0, s19, $0xb8;
	[tilespmem:$0x1E800] =	vst v63  }
0x7e: {  	p0 =	sne.s32 s30, $0x4800;
	_ =	swait.ge [sflag:s22], $0x4000  }
0x7f: {  	[sflag:s22] =	ssyncset.done $0x0  }
0x80: {  	s0 =	sadd.s32 $0x15400, s29;
	[sflag:s22] =	ssyncadd.s32 $0xFFFFC000  }
0x81: {  	[spmem:s1] =	stream.indirect.scatter.add.f32 [tilespmem:s20], [sflag:$0x3], $0x80, s0, s19, $0xb8;
	[tilespmem:$0x1E800] =	vst v63  }
0x82: {  	_ =	swait.ge [sflag:s16], $0x4000  }
0x83: {  	[sflag:s16] =	ssyncset.done $0x0  }
0x84: {  	s0 =	sadd.s32 $0x14100, s29;
	[sflag:s16] =	ssyncadd.s32 $0xFFFFC000  }
0x85: {  	[tilespmem:s20], [sflag:$0x1] =	stream.indirect.gather [hbm4b:s4+s19], $0x80, s0, s19, $0xb8;
	[tilespmem:$0x1E800] =	vst v63  }
0x86: {  	_ =	swait.ge [sflag:s23], $0x4000  }
.Ltmp1:
0x87: {  	[sflag:s23] =	ssyncset.done $0x0;
	(pc) =	sbr.rel @p0 .LBB2_4-.Ltmp1, $4  }
0x88: {  	s0 =	sadd.s32 $0x15480, s29;
	[sflag:s23] =	ssyncadd.s32 $0xFFFFC000  }
0x89: {  	[spmem:s1] =	stream.indirect.scatter.add.f32 [tilespmem:s21], [sflag:$0x3], $0x80, s0, s19, $0xb8;
	[tilespmem:$0x1E800] =	vst v63  }
0x8a: {  	_ =	swait.ge [sflag:s16], $0x4000  }
0x8b: {  	s30 =	smov.u32 s31;
	s29 =	sshra.s32 s2, $0x2;
	[sflag:s16] =	ssyncset.done $0x0  }
0x8c: {  	s0 =	sadd.s32 $0x14080, s29;
	[sflag:s16] =	ssyncadd.s32 $0xFFFFC000  }
0x8d: {  	[tilespmem:s21], [sflag:$0x2] =	stream.indirect.gather [hbm4b:s4+s19], $0x80, s0, s19, $0xb8;
	[tilespmem:$0x1E800] =	vst v63  }
0x8e: {  	_ =	swait.ge [sflag:s22], $0x4000  }
0x8f: {  	[sflag:s22] =	ssyncset.done $0x0  }
0x90: {  	s2 =	sadd.s32 $0x15400, s29;
	[sflag:s22] =	ssyncadd.s32 $0xFFFFC000  }
0x91: {  	[spmem:s1] =	stream.indirect.scatter.add.f32 [tilespmem:s20], [sflag:$0x3], $0x80, s2, s19, $0xb8;
	[tilespmem:$0x1E800] =	vst v63  }
0x92: {  	_ =	swait.ge [sflag:s16], $0x4000  }
0x93: {  	[sflag:s16] =	ssyncset.done $0x0  }
0x94: {  	s31 =	sadd.s32 $0x14100, s29;
	[sflag:s16] =	ssyncadd.s32 $0xFFFFC000  }
0x95: {  	[tilespmem:s20], [sflag:$0x1] =	stream.indirect.gather [hbm4b:s4+s19], $0x80, s31, s19, $0xb8;
	[tilespmem:$0x1E800] =	vst v63  }
0x96: {  	_ =	swait.ge [sflag:s23], $0x4000  }
0x97: {  	[sflag:s23] =	ssyncset.done $0x0  }
0x98: {  	s2 =	sadd.s32 $0x15480, s29;
	[sflag:s23] =	ssyncadd.s32 $0xFFFFC000  }
0x99: {  	[spmem:s1] =	stream.indirect.scatter.add.f32 [tilespmem:s21], [sflag:$0x3], $0x80, s2, s19, $0xb8;
	[tilespmem:$0x1E800] =	vst v63  }
0x9a: {  	_ =	swait.ge [sflag:s16], $0x4000  }
0x9b: {  	[sflag:s16] =	ssyncset.done $0x0  }
0x9c: {  	[sflag:s16] =	ssyncadd.s32 $0xFFFFC000  }
0x9d: {  	[tilespmem:s21], [sflag:$0x2] =	stream.indirect.gather [hbm4b:s4+s19], $0x80, s24, s19, $0xb8;
	[tilespmem:$0x1E800] =	vst v63  }
0x9e: {  	_ =	swait.ge [sflag:s22], $0x4000  }
0x9f: {  	[sflag:s22] =	ssyncset.done $0x0  }
0xa0: {  	[sflag:s22] =	ssyncadd.s32 $0xFFFFC000  }
0xa1: {  	[spmem:s1] =	stream.indirect.scatter.add.f32 [tilespmem:s20], [sflag:$0x3], $0x80, s25, s19, $0xb8;
	[tilespmem:$0x1E800] =	vst v63  }
0xa2: {  	_ =	swait.ge [sflag:s16], $0x4000  }
0xa3: {  	[sflag:s16] =	ssyncset.done $0x0  }
0xa4: {  	[sflag:s16] =	ssyncadd.s32 $0xFFFFC000  }
0xa5: {  	_ =	swait.ge [sflag:s23], $0x4000  }
0xa6: {  	[sflag:s23] =	ssyncset.done $0x0  }
0xa7: {  	[sflag:s23] =	ssyncadd.s32 $0xFFFFC000  }
0xa8: {  	[spmem:s1] =	stream.indirect.scatter.add.f32 [tilespmem:s21], [sflag:$0x3], $0x80, s26, s19, $0xb8;
	[tilespmem:$0x1E800] =	vst v63  }
0xa9: {  	_ =	swait.ge [sflag:s16], $0x4000  }
0xaa: {  	[sflag:s16] =	ssyncset.done $0x0  }
0xab: {  	[sflag:s16] =	ssyncadd.s32 $0xFFFFC000  }
0xac: {  	[bflag:$0x0] =	sbarrier.arrive $0xFFFF  }
0xad: {  	[hbm:s12], [sflag:s7] =	dma.local [spmem:s15], $0x2800  }
0xae: {  	_ =	swait.ge [sflag:s16], $0x2800  }
0xaf: {  	[sflag:s16] =	ssyncset.done $0x0  }
0xb0: {  	[sflag:s16] =	ssyncadd.s32 $0xFFFFD800  }
0xb1: {  	[spmem:s15], [sflag:s7] =	dma.local [hbm:s6], $0x2800  }
0xb2: {  	_ =	swait.ge [sflag:s16], $0x2800  }
0xb3: {  	[sflag:s16] =	ssyncset.done $0x0  }
0xb4: {  	[sflag:s16] =	ssyncadd.s32 $0xFFFFD800  }
0xb5: {  	s31 =	simm.s32 $0x0;
	[bflag:$0x0] =	sbarrier.arrive $0xFFFF  }
0xb6: {  	[tilespmem:s17], [sflag:$0x3] =	stream.linear.gather [hbm4b:s8+s31], $0x1400, $0x38;
	[tilespmem:$0x1E800] =	vst v63  }
0xb7: {  	_ =	swait.ge [sflag:s16], $0x1400  }
0xb8: {  	[sflag:s16] =	ssyncset.done $0x0  }
0xb9: {  	[sflag:s16] =	ssyncadd.s32 $0xFFFFEC00  }
0xba: {  	[tilespmem:s18], [sflag:$0x3] =	stream.linear.gather [hbm4b:s9+s31], $0x1400, $0x38;
	[tilespmem:$0x1E800] =	vst v63  }
0xbb: {  	_ =	swait.ge [sflag:s16], $0x1400  }
0xbc: {  	[sflag:s16] =	ssyncset.done $0x0  }
0xbd: {  	[sflag:s16] =	ssyncadd.s32 $0xFFFFEC00  }
0xbe: {  	[tilespmem:s20], [sflag:$0x1] =	stream.indirect.gather [hbm4b:s5+s19], $0x80, s17, s19, $0xb8;
	[tilespmem:$0x1E800] =	vst v63  }
0xbf: {  	s2 =	simm.s32 $0x14080  }
0xc0: {  	[tilespmem:s21], [sflag:$0x2] =	stream.indirect.gather [hbm4b:s5+s19], $0x80, s2, s19, $0xb8;
	[tilespmem:$0x1E800] =	vst v63  }
0xc1: {  	_ =	swait.ge [sflag:s22], $0x4000  }
0xc2: {  	[sflag:s22] =	ssyncset.done $0x0  }
0xc3: {  	s31 =	simm.s32 $0x15400;
	[sflag:s22] =	ssyncadd.s32 $0xFFFFC000  }
0xc4: {  	[spmem:s1] =	stream.indirect.scatter.add.f32 [tilespmem:s20], [sflag:$0x3], $0x80, s31, s19, $0xb8;
	[tilespmem:$0x1E800] =	vst v63  }
0xc5: {  	_ =	swait.ge [sflag:s16], $0x4000  }
0xc6: {  	[sflag:s16] =	ssyncset.done $0x0  }
0xc7: {  	s2 =	simm.s32 $0x14100;
	[sflag:s16] =	ssyncadd.s32 $0xFFFFC000  }
0xc8: {  	[tilespmem:s20], [sflag:$0x1] =	stream.indirect.gather [hbm4b:s5+s19], $0x80, s2, s19, $0xb8;
	[tilespmem:$0x1E800] =	vst v63  }
0xc9: {  	_ =	swait.ge [sflag:s23], $0x4000  }
0xca: {  	[sflag:s23] =	ssyncset.done $0x0  }
0xcb: {  	s31 =	simm.s32 $0x15480;
	[sflag:s23] =	ssyncadd.s32 $0xFFFFC000  }
0xcc: {  	[spmem:s1] =	stream.indirect.scatter.add.f32 [tilespmem:s21], [sflag:$0x3], $0x80, s31, s19, $0xb8;
	[tilespmem:$0x1E800] =	vst v63  }
0xcd: {  	_ =	swait.ge [sflag:s16], $0x4000  }
0xce: {  	s30 =	simm.s32 $0x800;
	s29 =	simm.s32 $0x100;
	[sflag:s16] =	ssyncset.done $0x0  }
.LBB2_6:
0xcf: {  	s0 =	sadd.s32 $0x14080, s29  }
0xd0: {  	[sflag:s16] =	ssyncadd.s32 $0xFFFFC000;
	s2 =	smov.u32 s30;
	s31 =	sadd.s32 $0x400, s30  }
0xd1: {  	[tilespmem:s21], [sflag:$0x2] =	stream.indirect.gather [hbm4b:s5+s19], $0x80, s0, s19, $0xb8;
	[tilespmem:$0x1E800] =	vst v63  }
0xd2: {  	p0 =	sne.s32 s30, $0x4800;
	_ =	swait.ge [sflag:s22], $0x4000  }
0xd3: {  	[sflag:s22] =	ssyncset.done $0x0  }
0xd4: {  	s0 =	sadd.s32 $0x15400, s29;
	[sflag:s22] =	ssyncadd.s32 $0xFFFFC000  }
0xd5: {  	[spmem:s1] =	stream.indirect.scatter.add.f32 [tilespmem:s20], [sflag:$0x3], $0x80, s0, s19, $0xb8;
	[tilespmem:$0x1E800] =	vst v63  }
0xd6: {  	_ =	swait.ge [sflag:s16], $0x4000  }
0xd7: {  	[sflag:s16] =	ssyncset.done $0x0  }
0xd8: {  	s0 =	sadd.s32 $0x14100, s29;
	[sflag:s16] =	ssyncadd.s32 $0xFFFFC000  }
0xd9: {  	[tilespmem:s20], [sflag:$0x1] =	stream.indirect.gather [hbm4b:s5+s19], $0x80, s0, s19, $0xb8;
	[tilespmem:$0x1E800] =	vst v63  }
0xda: {  	_ =	swait.ge [sflag:s23], $0x4000  }
.Ltmp2:
0xdb: {  	[sflag:s23] =	ssyncset.done $0x0;
	(pc) =	sbr.rel @p0 .LBB2_6-.Ltmp2, $4  }
0xdc: {  	s0 =	sadd.s32 $0x15480, s29;
	[sflag:s23] =	ssyncadd.s32 $0xFFFFC000  }
0xdd: {  	[spmem:s1] =	stream.indirect.scatter.add.f32 [tilespmem:s21], [sflag:$0x3], $0x80, s0, s19, $0xb8;
	[tilespmem:$0x1E800] =	vst v63  }
0xde: {  	_ =	swait.ge [sflag:s16], $0x4000  }
0xdf: {  	s30 =	smov.u32 s31;
	s29 =	sshra.s32 s2, $0x2;
	[sflag:s16] =	ssyncset.done $0x0  }
0xe0: {  	s0 =	sadd.s32 $0x14080, s29;
	[sflag:s16] =	ssyncadd.s32 $0xFFFFC000  }
0xe1: {  	[tilespmem:s21], [sflag:$0x2] =	stream.indirect.gather [hbm4b:s5+s19], $0x80, s0, s19, $0xb8;
	[tilespmem:$0x1E800] =	vst v63  }
0xe2: {  	_ =	swait.ge [sflag:s22], $0x4000  }
0xe3: {  	[sflag:s22] =	ssyncset.done $0x0  }
0xe4: {  	s2 =	sadd.s32 $0x15400, s29;
	[sflag:s22] =	ssyncadd.s32 $0xFFFFC000  }
0xe5: {  	[spmem:s1] =	stream.indirect.scatter.add.f32 [tilespmem:s20], [sflag:$0x3], $0x80, s2, s19, $0xb8;
	[tilespmem:$0x1E800] =	vst v63  }
0xe6: {  	_ =	swait.ge [sflag:s16], $0x4000  }
0xe7: {  	[sflag:s16] =	ssyncset.done $0x0  }
0xe8: {  	s31 =	sadd.s32 $0x14100, s29;
	[sflag:s16] =	ssyncadd.s32 $0xFFFFC000  }
0xe9: {  	[tilespmem:s20], [sflag:$0x1] =	stream.indirect.gather [hbm4b:s5+s19], $0x80, s31, s19, $0xb8;
	[tilespmem:$0x1E800] =	vst v63  }
0xea: {  	_ =	swait.ge [sflag:s23], $0x4000  }
0xeb: {  	[sflag:s23] =	ssyncset.done $0x0  }
0xec: {  	s2 =	sadd.s32 $0x15480, s29;
	[sflag:s23] =	ssyncadd.s32 $0xFFFFC000  }
0xed: {  	[spmem:s1] =	stream.indirect.scatter.add.f32 [tilespmem:s21], [sflag:$0x3], $0x80, s2, s19, $0xb8;
	[tilespmem:$0x1E800] =	vst v63  }
0xee: {  	_ =	swait.ge [sflag:s16], $0x4000  }
0xef: {  	[sflag:s16] =	ssyncset.done $0x0  }
0xf0: {  	[sflag:s16] =	ssyncadd.s32 $0xFFFFC000  }
0xf1: {  	[tilespmem:s21], [sflag:$0x2] =	stream.indirect.gather [hbm4b:s5+s19], $0x80, s24, s19, $0xb8;
	[tilespmem:$0x1E800] =	vst v63  }
0xf2: {  	_ =	swait.ge [sflag:s22], $0x4000  }
0xf3: {  	[sflag:s22] =	ssyncset.done $0x0  }
0xf4: {  	[sflag:s22] =	ssyncadd.s32 $0xFFFFC000  }
0xf5: {  	[spmem:s1] =	stream.indirect.scatter.add.f32 [tilespmem:s20], [sflag:$0x3], $0x80, s25, s19, $0xb8;
	[tilespmem:$0x1E800] =	vst v63  }
0xf6: {  	_ =	swait.ge [sflag:s16], $0x4000  }
0xf7: {  	[sflag:s16] =	ssyncset.done $0x0  }
0xf8: {  	[sflag:s16] =	ssyncadd.s32 $0xFFFFC000  }
0xf9: {  	_ =	swait.ge [sflag:s23], $0x4000  }
0xfa: {  	[sflag:s23] =	ssyncset.done $0x0  }
0xfb: {  	[sflag:s23] =	ssyncadd.s32 $0xFFFFC000  }
0xfc: {  	[spmem:s1] =	stream.indirect.scatter.add.f32 [tilespmem:s21], [sflag:$0x3], $0x80, s26, s19, $0xb8;
	[tilespmem:$0x1E800] =	vst v63  }
0xfd: {  	_ =	swait.ge [sflag:s16], $0x4000  }
0xfe: {  	[sflag:s16] =	ssyncset.done $0x0  }
0xff: {  	s31 =	simm.s32 $0x0;
	[sflag:s16] =	ssyncadd.s32 $0xFFFFC000  }
0x100: {  	[tilespmem:s17], [sflag:$0x3] =	stream.linear.gather [hbm4b:s10+s31], $0x1400, $0x38;
	[tilespmem:$0x1E800] =	vst v63  }
0x101: {  	_ =	swait.ge [sflag:s16], $0x1400  }
0x102: {  	[sflag:s16] =	ssyncset.done $0x0  }
0x103: {  	[sflag:s16] =	ssyncadd.s32 $0xFFFFEC00  }
0x104: {  	[tilespmem:s18], [sflag:$0x3] =	stream.linear.gather [hbm4b:s11+s31], $0x1400, $0x38;
	[tilespmem:$0x1E800] =	vst v63  }
0x105: {  	_ =	swait.ge [sflag:s16], $0x1400  }
0x106: {  	[sflag:s16] =	ssyncset.done $0x0  }
0x107: {  	[sflag:s16] =	ssyncadd.s32 $0xFFFFEC00  }
0x108: {  	[tilespmem:s20], [sflag:$0x1] =	stream.indirect.gather [hbm4b:s5+s19], $0x80, s17, s19, $0xb8;
	[tilespmem:$0x1E800] =	vst v63  }
0x109: {  	s2 =	simm.s32 $0x14080  }
0x10a: {  	[tilespmem:s21], [sflag:$0x2] =	stream.indirect.gather [hbm4b:s5+s19], $0x80, s2, s19, $0xb8;
	[tilespmem:$0x1E800] =	vst v63  }
0x10b: {  	_ =	swait.ge [sflag:s22], $0x4000  }
0x10c: {  	[sflag:s22] =	ssyncset.done $0x0  }
0x10d: {  	s31 =	simm.s32 $0x15400;
	[sflag:s22] =	ssyncadd.s32 $0xFFFFC000  }
0x10e: {  	[spmem:s1] =	stream.indirect.scatter.add.f32 [tilespmem:s20], [sflag:$0x3], $0x80, s31, s19, $0xb8;
	[tilespmem:$0x1E800] =	vst v63  }
0x10f: {  	_ =	swait.ge [sflag:s16], $0x4000  }
0x110: {  	[sflag:s16] =	ssyncset.done $0x0  }
0x111: {  	s2 =	simm.s32 $0x14100;
	[sflag:s16] =	ssyncadd.s32 $0xFFFFC000  }
0x112: {  	[tilespmem:s20], [sflag:$0x1] =	stream.indirect.gather [hbm4b:s5+s19], $0x80, s2, s19, $0xb8;
	[tilespmem:$0x1E800] =	vst v63  }
0x113: {  	_ =	swait.ge [sflag:s23], $0x4000  }
0x114: {  	[sflag:s23] =	ssyncset.done $0x0  }
0x115: {  	s31 =	simm.s32 $0x15480;
	[sflag:s23] =	ssyncadd.s32 $0xFFFFC000  }
0x116: {  	[spmem:s1] =	stream.indirect.scatter.add.f32 [tilespmem:s21], [sflag:$0x3], $0x80, s31, s19, $0xb8;
	[tilespmem:$0x1E800] =	vst v63  }
0x117: {  	_ =	swait.ge [sflag:s16], $0x4000  }
0x118: {  	s30 =	simm.s32 $0x800;
	s29 =	simm.s32 $0x100;
	[sflag:s16] =	ssyncset.done $0x0  }
.LBB2_8:
0x119: {  	s0 =	sadd.s32 $0x14080, s29  }
0x11a: {  	[sflag:s16] =	ssyncadd.s32 $0xFFFFC000;
	s2 =	smov.u32 s30;
	s31 =	sadd.s32 $0x400, s30  }
0x11b: {  	[tilespmem:s21], [sflag:$0x2] =	stream.indirect.gather [hbm4b:s5+s19], $0x80, s0, s19, $0xb8;
	[tilespmem:$0x1E800] =	vst v63  }
0x11c: {  	p0 =	sne.s32 s30, $0x4800;
	_ =	swait.ge [sflag:s22], $0x4000  }
0x11d: {  	[sflag:s22] =	ssyncset.done $0x0  }
0x11e: {  	s0 =	sadd.s32 $0x15400, s29;
	[sflag:s22] =	ssyncadd.s32 $0xFFFFC000  }
0x11f: {  	[spmem:s1] =	stream.indirect.scatter.add.f32 [tilespmem:s20], [sflag:$0x3], $0x80, s0, s19, $0xb8;
	[tilespmem:$0x1E800] =	vst v63  }
0x120: {  	_ =	swait.ge [sflag:s16], $0x4000  }
0x121: {  	[sflag:s16] =	ssyncset.done $0x0  }
0x122: {  	s0 =	sadd.s32 $0x14100, s29;
	[sflag:s16] =	ssyncadd.s32 $0xFFFFC000  }
0x123: {  	[tilespmem:s20], [sflag:$0x1] =	stream.indirect.gather [hbm4b:s5+s19], $0x80, s0, s19, $0xb8;
	[tilespmem:$0x1E800] =	vst v63  }
0x124: {  	_ =	swait.ge [sflag:s23], $0x4000  }
.Ltmp3:
0x125: {  	[sflag:s23] =	ssyncset.done $0x0;
	(pc) =	sbr.rel @p0 .LBB2_8-.Ltmp3, $4  }
0x126: {  	s0 =	sadd.s32 $0x15480, s29;
	[sflag:s23] =	ssyncadd.s32 $0xFFFFC000  }
0x127: {  	[spmem:s1] =	stream.indirect.scatter.add.f32 [tilespmem:s21], [sflag:$0x3], $0x80, s0, s19, $0xb8;
	[tilespmem:$0x1E800] =	vst v63  }
0x128: {  	_ =	swait.ge [sflag:s16], $0x4000  }
0x129: {  	s30 =	smov.u32 s31;
	s29 =	sshra.s32 s2, $0x2;
	[sflag:s16] =	ssyncset.done $0x0  }
0x12a: {  	s0 =	sadd.s32 $0x14080, s29;
	[sflag:s16] =	ssyncadd.s32 $0xFFFFC000  }
0x12b: {  	[tilespmem:s21], [sflag:$0x2] =	stream.indirect.gather [hbm4b:s5+s19], $0x80, s0, s19, $0xb8;
	[tilespmem:$0x1E800] =	vst v63  }
0x12c: {  	_ =	swait.ge [sflag:s22], $0x4000  }
0x12d: {  	[sflag:s22] =	ssyncset.done $0x0  }
0x12e: {  	s2 =	sadd.s32 $0x15400, s29;
	[sflag:s22] =	ssyncadd.s32 $0xFFFFC000  }
0x12f: {  	[spmem:s1] =	stream.indirect.scatter.add.f32 [tilespmem:s20], [sflag:$0x3], $0x80, s2, s19, $0xb8;
	[tilespmem:$0x1E800] =	vst v63  }
0x130: {  	_ =	swait.ge [sflag:s16], $0x4000  }
0x131: {  	[sflag:s16] =	ssyncset.done $0x0  }
0x132: {  	s30 =	sadd.s32 $0x14100, s29;
	[sflag:s16] =	ssyncadd.s32 $0xFFFFC000  }
0x133: {  	[tilespmem:s20], [sflag:$0x1] =	stream.indirect.gather [hbm4b:s5+s19], $0x80, s30, s19, $0xb8;
	[tilespmem:$0x1E800] =	vst v63  }
0x134: {  	_ =	swait.ge [sflag:s23], $0x4000  }
0x135: {  	[sflag:s23] =	ssyncset.done $0x0  }
0x136: {  	s31 =	sadd.s32 $0x15480, s29;
	[sflag:s23] =	ssyncadd.s32 $0xFFFFC000  }
0x137: {  	[spmem:s1] =	stream.indirect.scatter.add.f32 [tilespmem:s21], [sflag:$0x3], $0x80, s31, s19, $0xb8;
	[tilespmem:$0x1E800] =	vst v63  }
0x138: {  	_ =	swait.ge [sflag:s16], $0x4000  }
0x139: {  	[sflag:s16] =	ssyncset.done $0x0  }
0x13a: {  	[sflag:s16] =	ssyncadd.s32 $0xFFFFC000  }
0x13b: {  	[tilespmem:s21], [sflag:$0x2] =	stream.indirect.gather [hbm4b:s5+s19], $0x80, s24, s19, $0xb8;
	[tilespmem:$0x1E800] =	vst v63  }
0x13c: {  	_ =	swait.ge [sflag:s22], $0x4000  }
0x13d: {  	[sflag:s22] =	ssyncset.done $0x0  }
0x13e: {  	[sflag:s22] =	ssyncadd.s32 $0xFFFFC000  }
0x13f: {  	[spmem:s1] =	stream.indirect.scatter.add.f32 [tilespmem:s20], [sflag:$0x3], $0x80, s25, s19, $0xb8;
	[tilespmem:$0x1E800] =	vst v63  }
0x140: {  	_ =	swait.ge [sflag:s16], $0x4000  }
0x141: {  	[sflag:s16] =	ssyncset.done $0x0  }
0x142: {  	[sflag:s16] =	ssyncadd.s32 $0xFFFFC000  }
0x143: {  	_ =	swait.ge [sflag:s23], $0x4000  }
0x144: {  	[sflag:s23] =	ssyncset.done $0x0  }
0x145: {  	[sflag:s23] =	ssyncadd.s32 $0xFFFFC000  }
0x146: {  	[spmem:s1] =	stream.indirect.scatter.add.f32 [tilespmem:s21], [sflag:$0x3], $0x80, s26, s19, $0xb8;
	[tilespmem:$0x1E800] =	vst v63  }
0x147: {  	_ =	swait.ge [sflag:s16], $0x4000  }
0x148: {  	[sflag:s16] =	ssyncset.done $0x0  }
0x149: {  	s28 =	sadd.s32 $0x1, s28;
	[sflag:s16] =	ssyncadd.s32 $0xFFFFC000  }
0x14a: {  	p0 =	sne.s32 s28, s14;
	[bflag:$0x0] =	sbarrier.arrive $0xFFFF  }
0x14b: {  	[hbm:s13], [sflag:s7] =	dma.local [spmem:s15], $0x2800  }
.Ltmp4:
0x14c: {  	_ =	swait.ge [sflag:s16], $0x2800;
	(pc) =	sbr.rel @p0 .LBB2_1-.Ltmp4, $3  }
0x14d: {  	[sflag:s16] =	ssyncset.done $0x0  }
0x14e: {  	[sflag:s16] =	ssyncadd.s32 $0xFFFFD800  }
0x14f: {  	[bflag:$0x0] =	sbarrier.arrive $0xFFFF;
	_ =	sdelay $0x1  }
0x150: {  	_ =	sfence.sel $0x180000  }
0x151: {  	[bflag:$0x0] =	sbarrier.arrive $0xFFFF  }
0x152: {  	_ =	strace $0x9000004A  }
0x153: {  	s0 =	stileid.u32;
	[bflag:$0x2] =	sbarrier.arrive $0xFFFF  }
0x154: {  	p0 =	sne.s32 s0, $0x0;
	s0 =	rddreg [dreg:$0x2]  }
0x155: {  	s0 =	sadd.s32 @!p0 $0x100000, s0  }
0x156: {  	[sflag:s0] =	ssyncadd.tile.s32 @!p0 $0x1;
	_ =	shalt  }
.Lfunc_end2:
_tile_overlayer_lowered:
.L_overlay_start_2:
0x157: {  	(tag) =	ssettag $0x2  }
0x158: {  	s0 =	rddreg [dreg:$0x0];
	s2 =	stileid.u32  }
0x159: {  	s1 =	rddreg [dreg:$0x1];
	p0 =	sne.s32 s2, $0x0  }
0x15a: {  	s3 =	rddreg [dreg:$0x2];
	[bflag:$0x3] =	sbarrier.arrive $0xFFFF;
	s2 =	simm.s32 @!p0 $0x1C03  }
0x15b: {  	[timem:s3], [sflag:s2] =	dma.local @!p0 [hbm:s0], s1  }
0x15c: {  	s0 =	simm.s32 @!p0 $0x3  }
0x15d: {  	_ =	swait.ge @!p0 [sflag:s0], s1  }
0x15e: {  	s1 =	ssub.s32 @!p0 $0x0, s1;
	[sflag:s0] =	ssyncset.done @!p0 $0x0  }
0x15f: {  	[sflag:s0] =	ssyncadd.s32 @!p0 s1  }
0x160: {  	[bflag:$0x3] =	sbarrier.arrive $0xFFFF  }
0x161: {  	_ =	shalt  }

// kernel: kernel.26.cloned.1.call-start
scs
__scs_entry_jumppad:
0x0: {  	(pc) =	sbr.rel $0x88, $3  }
0x1: {  	(tag) =	ssettag $0x0;
	lr =	simm.s32 $0x1  }
0x2: {  	[smem:$0x3F91] =	sst lr;
	_ =	strace $0xD0000000  }
0x3: {  	_ = 	snop  }
0x4: {  	_ = 	snop  }
0x5: {  	_ = 	snop  }
0x6: {  	_ = 	snop  }
0x7: {  	_ = 	snop  }
__scs_overlays_trampoline_lowered:
0x8: {  	[smem:$0x3FA0] =	sst s0  }
0x9: {  	[smem:$0x3FA1] =	sst s1  }
0xa: {  	[smem:$0x3FA2] =	sst s2  }
0xb: {  	[smem:$0x3FA3] =	sst s3  }
0xc: {  	[smem:$0x3FA4] =	sst s4  }
0xd: {  	[smem:$0x3FA5] =	sst s5  }
0xe: {  	[smem:$0x3FA6] =	sst s6  }
0xf: {  	[smem:$0x3FA7] =	sst s7  }
0x10: {  	[smem:$0x3FA8] =	sst s8  }
0x11: {  	[smem:$0x3FA9] =	sst s9;
	s0 =	simm.s32 @!p0 $0x0  }
0x12: {  	s1 =	sld [smem:$0x3F8F];
	s0 =	simm.s32 @p0 $0x1  }
0x13: {  	[smem:$0x3FAA] =	sst s0;
	s0 =	simm.s32 @!p1 $0x0  }
0x14: {  	s2 =	sld [smem:$0x3F8E];
	s0 =	simm.s32 @p1 $0x1  }
0x15: {  	[smem:$0x3FAB] =	sst s0;
	s0 =	simm.s32 @!p2 $0x0  }
0x16: {  	s3 =	sld [smem:$0x3FDB];
	s0 =	simm.s32 @p2 $0x1  }
0x17: {  	s4 =	simm.s32 $0x1BF5;
	[smem:$0x3FAD] =	sst s0  }
0x18: {  	s0 =	sld [smem:$0x3F90];
	_ =	swait.ge [sflag:s4], $0x0  }
0x19: {  	s7 =	sld [smem:$0x3F91]  }
0x1a: {  	s8 =	sadd.s32 $0xFFFFE003, lr  }
0x1b: {  	s9 =	sadd.s32 $0xFFFFFEF7, lr;
	s5 =	simm.s32 $0xFFFFFFFF;
	p2 =	slt.u32 s8, $0xFFFFF086  }
0x1c: {  	p1 =	slt.u32 s9, $0xF7A;
	s5 =	simm.s32 @!p2 $0x0  }
0x1d: {  	s5 =	simm.s32 @p1 $0x1;
	p0 =	seq.s32 s7, s2  }
0x1e: {  	s7 =	smul.u32 @!p0 $0xF7A, s2;
	p2 =	seq.s32 @!p0 s5, $0x0  }
0x1f: {  	s9 =	smul.u32 $0xF7A, s1;
	s8 =	simm.s32 @!p0 $0x1BF5;
	p2 =	por !p2, p0  }
0x20: {  	[sflag:s8] =	ssyncset.s32 @!p0 $0xFFFFF086;
	s6 =	sadd.s32 @!p0 s3, s7;
	s7 =	simm.s32 @!p0 $0x108  }
0x21: {  	s3 =	sadd.s32 s3, s9;
	s6 =	sadd.s32 @!p0 $0x88, s6;
	s7 =	simm.s32 @p2 $0x1082  }
0x22: {  	[simem:s7], [sflag:s8] =	dma.local @!p0 [hbm:s6], $0xF7A  }
0x23: {  	s9 =	sor.u32 $0xD0000000, s2;
	s6 =	simm.s32 $0x108;
	_ =	swait.ge @!p0 [sflag:s8], $0x0  }
0x24: {  	s3 =	sadd.s32 $0x88, s3;
	s6 =	simm.s32 @!p1 $0x1082;
	[sflag:s4] =	ssyncset.s32 $0xFFFFF086  }
0x25: {  	[simem:s6], [sflag:s4] =	dma.local [hbm:s3], $0xF7A  }
0x26: {  	[smem:$0x3F91] =	sst s1;
	(tag) =	ssettag s2;
	_ =	strace s9  }
0x27: {  	s1 =	sld [smem:$0x3FA1]  }
0x28: {  	s2 =	sld [smem:$0x3FA2]  }
0x29: {  	s4 =	sld [smem:$0x3FA4]  }
0x2a: {  	p0 =	seq.s32 s5, $0x0;
	s5 =	sld [smem:$0x3FA5]  }
0x2b: {  	s6 =	sld [smem:$0x3FA6]  }
0x2c: {  	s7 =	sld [smem:$0x3FA7]  }
0x2d: {  	s3 =	simm.s32 $0x108;
	s8 =	sld [smem:$0x3FA8]  }
0x2e: {  	s3 =	simm.s32 @!p0 $0x1082;
	s9 =	sld [smem:$0x3FA9]  }
0x2f: {  	lr =	sadd.s32 s0, s3;
	s0 =	sld [smem:$0x3FA0]  }
0x30: {  	s3 =	sld [smem:$0x3FA3]  }
0x31: {  	[smem:$0x3FAC] =	sst s10  }
0x32: {  	s10 =	sld [smem:$0x3FAA];
	_ =	sdelay $0x3  }
0x33: {  	p0 =	seq.s32 s10, $0x1;
	s10 =	sld [smem:$0x3FAC];
	_ =	sdelay $0x3  }
0x34: {  	[smem:$0x3FAC] =	sst s10  }
0x35: {  	s10 =	sld [smem:$0x3FAB];
	_ =	sdelay $0x3  }
0x36: {  	p1 =	seq.s32 s10, $0x1;
	s10 =	sld [smem:$0x3FAC];
	_ =	sdelay $0x3  }
0x37: {  	[smem:$0x3FAC] =	sst s10  }
0x38: {  	s10 =	sld [smem:$0x3FAD]  }
0x39: {  	_ = 	snop;
	(pc) =	sbr.ind lr, $3  }
0x3a: {  	_ = 	snop  }
0x3b: {  	_ = 	snop  }
0x3c: {  	p2 =	seq.s32 s10, $0x1;
	s10 =	sld [smem:$0x3FAC]  }
0x3d: {  	_ =	shalt  }
0x3e: {  	_ =	shalt  }
0x3f: {  	_ =	shalt  }
0x40: {  	_ =	shalt  }
0x41: {  	_ =	shalt  }
0x42: {  	_ =	shalt  }
0x43: {  	_ =	shalt  }
0x44: {  	_ =	shalt  }
0x45: {  	_ =	shalt  }
0x46: {  	_ =	shalt  }
0x47: {  	_ =	shalt  }
0x48: {  	_ =	shalt  }
0x49: {  	_ =	shalt  }
0x4a: {  	_ =	shalt  }
0x4b: {  	_ =	shalt  }
0x4c: {  	_ =	shalt  }
0x4d: {  	_ =	shalt  }
0x4e: {  	_ =	shalt  }
0x4f: {  	_ =	shalt  }
0x50: {  	_ =	shalt  }
0x51: {  	_ =	shalt  }
0x52: {  	_ =	shalt  }
0x53: {  	_ =	shalt  }
0x54: {  	_ =	shalt  }
0x55: {  	_ =	shalt  }
0x56: {  	_ =	shalt  }
0x57: {  	_ =	shalt  }
0x58: {  	_ =	shalt  }
0x59: {  	_ =	shalt  }
0x5a: {  	_ =	shalt  }
0x5b: {  	_ =	shalt  }
0x5c: {  	_ =	shalt  }
0x5d: {  	_ =	shalt  }
0x5e: {  	_ =	shalt  }
0x5f: {  	_ =	shalt  }
0x60: {  	_ =	shalt  }
0x61: {  	_ =	shalt  }
0x62: {  	_ =	shalt  }
0x63: {  	_ =	shalt  }
0x64: {  	_ =	shalt  }
0x65: {  	_ =	shalt  }
0x66: {  	_ =	shalt  }
0x67: {  	_ =	shalt  }
0x68: {  	_ =	shalt  }
0x69: {  	_ =	shalt  }
0x6a: {  	_ =	shalt  }
0x6b: {  	_ =	shalt  }
0x6c: {  	_ =	shalt  }
0x6d: {  	_ =	shalt  }
0x6e: {  	_ =	shalt  }
0x6f: {  	_ =	shalt  }
0x70: {  	_ =	shalt  }
0x71: {  	_ =	shalt  }
0x72: {  	_ =	shalt  }
0x73: {  	_ =	shalt  }
0x74: {  	_ =	shalt  }
0x75: {  	_ =	shalt  }
0x76: {  	_ =	shalt  }
0x77: {  	_ =	shalt  }
0x78: {  	_ =	shalt  }
0x79: {  	_ =	shalt  }
0x7a: {  	_ =	shalt  }
0x7b: {  	_ =	shalt  }
0x7c: {  	_ =	shalt  }
0x7d: {  	_ =	shalt  }
0x7e: {  	_ =	shalt  }
0x7f: {  	_ =	shalt  }
0x80: {  	_ =	shalt  }
0x81: {  	_ =	shalt  }
0x82: {  	_ =	shalt  }
0x83: {  	_ =	shalt  }
0x84: {  	_ =	shalt  }
0x85: {  	_ =	shalt  }
0x86: {  	_ =	shalt  }
0x87: {  	_ =	shalt  }
.Lfunc_end0:
.L_simem_size_0:
called_computation.4_lowered:
.L_overlay_start_0:
0x88: {  	s2 =	sld [smem:$0x3FD9]  }
0x89: {  	s3 =	sld [smem:$0x3FFE];
	_ =	sdelay $0x1  }
0x8a: {  	s1 =	srdreg.scid  }
0x8b: {  	s0 =	sand.u32 $0x1, s1  }
0x8c: {  	s17 =	sshll.u32 s0, $0xA;
	s2 =	sadd.s32 s3, s2  }
0x8d: {  	s2 =	sadd.s32 s2, s17  }
0x8e: {  	[smem:$0x3FB8] =	sst s2  }
0x8f: {  	_ = 	snop  }
0x90: {  	(tm) =	ssettm $0x1  }
0x91: {  	s18 =	sld [smem:$0x3FFB];
	_ =	sdelay $0x3  }
0x92: {  	_ =	strace s18  }
0x93: {  	s2 =	sld [smem:$0x3FFC];
	_ =	sdelay $0x3  }
0x94: {  	_ =	strace s2  }
0x95: {  	s2 =	sld [smem:$0x3FFD];
	_ =	sdelay $0x3  }
0x96: {  	_ =	strace s2  }
0x97: {  	_ =	strace $0x8FFFFFFF  }
0x98: {  	s19 =	sld [smem:$0x3FDB];
	_ =	sdelay $0x1  }
0x99: {  	s20 =	simm.s32 $_scs_section_size  }
0x9a: {  	s4 =	simm.s32 $_size__tile_overlayer_lowered;
	s5 =	simm.s32 $_tile_overlayer_lowered  }
0x9b: {  	s6 =	simm.s32 $0x1BFF;
	s21 =	sshll.u32 s5, $0x1;
	s3 =	sadd.s32 s20, s19  }
0x9c: {  	s22 =	simm.s32 $0x0;
	s4 =	sshll.u32 s4, $0x1;
	s5 =	sadd.s32 s21, s3  }
0x9d: {  	[timem:s22], [sflag:s6] =	dma.local [hbm:s5], s4  }
0x9e: {  	_ =	swait.ge [sflag:s6], s4  }
0x9f: {  	s4 =	ssub.s32 $0x0, s4;
	[sflag:s6] =	ssyncset.done $0x0  }
0xa0: {  	[sflag:s6] =	ssyncadd.s32 s4;
	_ =	sdelay $0x1  }
0xa1: {  	s23 =	simm.s32 $0x1B8B  }
0xa2: {  	_ =	swait.ge [sflag:s23], $0x1  }
0xa3: {  	[sflag:s23] =	ssyncset.done $0x0  }
0xa4: {  	[sflag:s23] =	ssyncadd.s32 $0xFFFFFFFF  }
0xa5: {  	s4 =	sld [smem:$0x0]  }
0xa6: {  	s5 =	sand.u32 $0xFFFFFFFE, s1  }
0xa7: {  	p0 =	sne.s32 s1, s5  }
0xa8: {  	s5 =	sshll.u32 @p0 s5, $0xE  }
0xa9: {  	s5 =	sadd.s32 @p0 $0x11B8D, s5;
	s6 =	sshll.u32 @p0 s4, $0x11  }
0xaa: {  	s5 =	sor.u32 @p0 s6, s5  }
0xab: {  	[sflag:s5] =	ssyncadd.remote.s32 @p0 $0x1;
	_ =	sdelay $0x1  }
0xac: {  	s5 =	simm.s32 @p0 $0x1B8D  }
0xad: {  	_ =	swait.eq @p0 [sflag:s5], $0x1  }
0xae: {  	[sflag:s5] =	ssyncadd.s32 @p0 $0xFFFFFFFF  }
0xaf: {  	s6 =	sshll.u32 @!p0 s1, $0xE  }
0xb0: {  	s6 =	sor.u32 @!p0 $0x4000, s6;
	s5 =	simm.s32 @!p0 $0x1B8D  }
0xb1: {  	s4 =	sshll.u32 @!p0 s4, $0x11;
	s6 =	sadd.s32 @!p0 $0x11B8D, s6;
	_ =	swait.eq @!p0 [sflag:s5], $0x1  }
0xb2: {  	s4 =	sor.u32 @!p0 s4, s6;
	[sflag:s5] =	ssyncadd.s32 @!p0 $0xFFFFFFFF  }
0xb3: {  	s25 =	simm.s32 $0x1B8E;
	s24 =	sld [smem:$0x3FFE];
	[sflag:s4] =	ssyncadd.remote.s32 @!p0 $0x1  }
0xb4: {  	s26 =	simm.s32 $execute0_lowered;
	[smem:$0x3FD2] =	sst s25  }
0xb5: {  	s5 =	sshll.u32 s26, $0x1;
	_ =	strace $0x8000004F;
	[dreg:$0x1] =	wrdreg $0xFFFFFFFF  }
0xb6: {  	s28 =	simm.s32 $_size_execute0_lowered;
	s3 =	sadd.s32 s3, s5;
	[dreg:$0x0] =	wrdreg $0x0  }
0xb7: {  	s5 =	sshll.u32 s28, $0x1;
	[dreg:$0x2] =	wrdreg s3  }
0xb8: {  	[dreg:$0x3] =	wrdreg s5  }
0xb9: {  	[dreg:$0x4] =	wrdreg $0xC0  }
0xba: {  	_ =	task [dreg:s22], $0x5FFFF  }
0xbb: {  	[dreg:$0x1] =	wrdreg $0xFFFFFFFF  }
0xbc: {  	[dreg:$0x0] =	wrdreg $0x60  }
0xbd: {  	[dreg:$0x2] =	wrdreg s24  }
0xbe: {  	[dreg:$0x3] =	wrdreg $0x0  }
0xbf: {  	[dreg:$0x4] =	wrdreg $0xA  }
0xc0: {  	_ =	task.clear_ibuf [dreg:s22], $0x5FFFF;
	_ =	strace $0x9000004F  }
0xc1: {  	s29 =	simm.s32 $0xA;
	_ =	strace $0x80000051  }
0xc2: {  	_ =	swait.ge [sflag:s29], $0x1  }
0xc3: {  	[sflag:s29] =	ssyncadd.s32 $0xFFFFFFFF  }
0xc4: {  	_ =	strace $0x90000051  }
0xc5: {  	_ =	sfence  }
0xc6: {  	s30 =	sld [smem:$0x0];
	_ =	sdelay $0x2  }
0xc7: {  	s31 =	sshll.u32 s1, $0xD;
	s1 =	sshrl.u32 s1, $0x2  }
0xc8: {  	s4 =	sand.u32 $0x4000, s31;
	s1 =	sadd.s32 s1, s30  }
0xc9: {  	s0 =	sor.u32 s4, s0;
	s1 =	sshll.u32 s1, $0x11  }
0xca: {  	s0 =	sor.u32 s1, s0  }
0xcb: {  	s0 =	sadd.s32 $0x8F2B, s0  }
0xcc: {  	[sflag:s0] =	ssyncadd.remote.s32 $0x1  }
0xcd: {  	_ =	sfence.sel $0xFFFF  }
0xce: {  	[dreg:$0x0] =	wrdreg $0xFFFFFFFF;
	(pc) =	sbr.abs _section_cstart, $3  }
0xcf: {  	[dreg:$0x1] =	wrdreg $0xFFFFFFFF  }
0xd0: {  	_ =	task.clear_ibuf [dreg:s22], $0x2FFFF;
	_ =	strace $0x9FFFFFFF  }
0xd1: {  	(tm) =	ssettm $0x7FFFFFFF  }
tec
execute0_lowered:
.L_overlay_start_1:
0x0: {  	(tag) =	ssettag $0x1  }
0x1: {  	s6 =	rddreg [dreg:$0x0]  }
0x2: {  	s1 =	rddreg [dreg:$0x1]  }
0x3: {  	s0 =	rddreg [dreg:$0x2];
	s3 =	simm.s32 $0x0;
	s2 =	srdreg.scid  }
0x4: {  	s16 =	simm.s32 $0x15400;
	s17 =	simm.s32 $0x80;
	s18 =	simm.s32 $0x16800  }
0x5: {  	s19 =	simm.s32 $0x1A800;
	s20 =	simm.s32 $0x1;
	s21 =	simm.s32 $0x2  }
0x6: {  	s22 =	simm.s32 $0x15380;
	s23 =	simm.s32 $0x16700;
	s24 =	simm.s32 $0x16780  }
0x7: {  	[smem:$0x7FF] =	sst s3;
	s7 =	sand.u32 $0x1, s2;
	s2 =	stileid.u32  }
0x8: {  	s4 =	sadd.s32 $0x7F200, s6;
	s10 =	sadd.s32 $0x11200, s6;
	s5 =	sadd.s32 $0x11B800, s6  }
0x9: {  	s11 =	sadd.s32 $0x7200, s6;
	s8 =	smul.u32 $0x140000, s7;
	_ =	strace $0x80000050  }
0xa: {  	s9 =	smul.u32 $0x14000, s2;
	s25 =	sshll.u32 s2, $0x1;
	s12 =	ssub.s32 $0x2, s7  }
0xb: {  	s26 =	smul.u32 $0x50000, s2;
	s30 =	sshll.u32 s2, $0x6;
	s7 =	sor.u32 s7, s25  }
0xc: {  	s13 =	sshrl.u32 s12, $0x1;
	s25 =	simm.s32 $0x0;
	s8 =	sadd.s32 s9, s8  }
0xd: {  	s7 =	smul.u32 $0x2800, s7;
	s12 =	ssub.s32 s12, s13;
	s28 =	sshrl.u32 s26, $0x2  }
0xe: {  	s8 =	sshrl.u32 s8, $0x3;
	s29 =	sadd.s32 s28, s1;
	s12 =	smax.u32 s12, $0x1  }
0xf: {  	s14 =	sadd.s32 s8, s6;
	s31 =	sshrl.u32 s7, $0x3;
	s6 =	sor.u32 $0x1C03, s30  }
0x10: {  	s13 =	sshrl.u32 s29, $0x3;
	s7 =	sadd.s32 s10, s31;
	s15 =	sadd.s32 $0x280, s31  }
0x11: {  	s8 =	sadd.s32 s11, s31;
	s9 =	sadd.s32 s10, s15;
	s10 =	sadd.s32 s11, s15  }
0x12: {  	s11 =	sadd.s32 $0xA6400, s14;
	s14 =	simm.s32 $0x3;
	s15 =	simm.s32 $0x14000  }
.LBB2_1:
0x13: {  	[spmem:s13], [sflag:s6] =	dma.local [hbm:s5], $0x2800  }
0x14: {  	_ =	swait.ge [sflag:s14], $0x2800  }
0x15: {  	[sflag:s14] =	ssyncset.done $0x0  }
0x16: {  	[sflag:s14] =	ssyncadd.s32 $0xFFFFD800  }
0x17: {  	[bflag:$0x0] =	sbarrier.arrive $0xFFFF  }
0x18: {  	[tilespmem:s15], [sflag:$0x3] =	stream.linear.gather [hbm4b:s7+s3], $0x1400, $0x38;
	[tilespmem:$0x1E800] =	vst v63  }
0x19: {  	_ =	swait.ge [sflag:s14], $0x1400  }
0x1a: {  	[sflag:s14] =	ssyncset.done $0x0  }
0x1b: {  	[sflag:s14] =	ssyncadd.s32 $0xFFFFEC00  }
0x1c: {  	[tilespmem:s16], [sflag:$0x3] =	stream.linear.gather [hbm4b:s8+s3], $0x1400, $0x38;
	[tilespmem:$0x1E800] =	vst v63  }
0x1d: {  	_ =	swait.ge [sflag:s14], $0x1400  }
0x1e: {  	[sflag:s14] =	ssyncset.done $0x0  }
0x1f: {  	[sflag:s14] =	ssyncadd.s32 $0xFFFFEC00  }
0x20: {  	[tilespmem:s18], [sflag:$0x1] =	stream.indirect.gather [hbm4b:s4+s17], $0x80, s15, s17, $0xb8;
	[tilespmem:$0x1E800] =	vst v63  }
0x21: {  	s26 =	simm.s32 $0x14080  }
0x22: {  	[tilespmem:s19], [sflag:$0x2] =	stream.indirect.gather [hbm4b:s4+s17], $0x80, s26, s17, $0xb8;
	[tilespmem:$0x1E800] =	vst v63  }
0x23: {  	_ =	swait.ge [sflag:s20], $0x4000  }
0x24: {  	[sflag:s20] =	ssyncset.done $0x0  }
0x25: {  	s29 =	simm.s32 $0x15400;
	[sflag:s20] =	ssyncadd.s32 $0xFFFFC000  }
0x26: {  	[spmem:s1] =	stream.indirect.scatter.add.f32 [tilespmem:s18], [sflag:$0x3], $0x80, s29, s17, $0xb8;
	[tilespmem:$0x1E800] =	vst v63  }
0x27: {  	_ =	swait.ge [sflag:s14], $0x4000  }
0x28: {  	[sflag:s14] =	ssyncset.done $0x0  }
0x29: {  	s30 =	simm.s32 $0x14100;
	[sflag:s14] =	ssyncadd.s32 $0xFFFFC000  }
0x2a: {  	[tilespmem:s18], [sflag:$0x1] =	stream.indirect.gather [hbm4b:s4+s17], $0x80, s30, s17, $0xb8;
	[tilespmem:$0x1E800] =	vst v63  }
0x2b: {  	_ =	swait.ge [sflag:s21], $0x4000  }
0x2c: {  	[sflag:s21] =	ssyncset.done $0x0  }
0x2d: {  	s31 =	simm.s32 $0x15480;
	[sflag:s21] =	ssyncadd.s32 $0xFFFFC000  }
0x2e: {  	[spmem:s1] =	stream.indirect.scatter.add.f32 [tilespmem:s19], [sflag:$0x3], $0x80, s31, s17, $0xb8;
	[tilespmem:$0x1E800] =	vst v63  }
0x2f: {  	_ =	swait.ge [sflag:s14], $0x4000  }
0x30: {  	s28 =	simm.s32 $0x800;
	s26 =	simm.s32 $0x100;
	[sflag:s14] =	ssyncset.done $0x0  }
.LBB2_2:
0x31: {  	s29 =	sadd.s32 $0x14080, s26  }
0x32: {  	[sflag:s14] =	ssyncadd.s32 $0xFFFFC000;
	s30 =	smov.u32 s28;
	s31 =	sadd.s32 $0x400, s28  }
0x33: {  	[tilespmem:s19], [sflag:$0x2] =	stream.indirect.gather [hbm4b:s4+s17], $0x80, s29, s17, $0xb8;
	[tilespmem:$0x1E800] =	vst v63  }
0x34: {  	p0 =	sne.s32 s28, $0x4800;
	_ =	swait.ge [sflag:s20], $0x4000  }
0x35: {  	[sflag:s20] =	ssyncset.done $0x0  }
0x36: {  	s28 =	sadd.s32 $0x15400, s26;
	[sflag:s20] =	ssyncadd.s32 $0xFFFFC000  }
0x37: {  	[spmem:s1] =	stream.indirect.scatter.add.f32 [tilespmem:s18], [sflag:$0x3], $0x80, s28, s17, $0xb8;
	[tilespmem:$0x1E800] =	vst v63  }
0x38: {  	_ =	swait.ge [sflag:s14], $0x4000  }
0x39: {  	[sflag:s14] =	ssyncset.done $0x0  }
0x3a: {  	s28 =	sadd.s32 $0x14100, s26;
	[sflag:s14] =	ssyncadd.s32 $0xFFFFC000  }
0x3b: {  	[tilespmem:s18], [sflag:$0x1] =	stream.indirect.gather [hbm4b:s4+s17], $0x80, s28, s17, $0xb8;
	[tilespmem:$0x1E800] =	vst v63  }
0x3c: {  	_ =	swait.ge [sflag:s21], $0x4000  }
.Ltmp0:
0x3d: {  	[sflag:s21] =	ssyncset.done $0x0;
	(pc) =	sbr.rel @p0 .LBB2_2-.Ltmp0, $4  }
0x3e: {  	s26 =	sadd.s32 $0x15480, s26;
	[sflag:s21] =	ssyncadd.s32 $0xFFFFC000  }
0x3f: {  	[spmem:s1] =	stream.indirect.scatter.add.f32 [tilespmem:s19], [sflag:$0x3], $0x80, s26, s17, $0xb8;
	[tilespmem:$0x1E800] =	vst v63  }
0x40: {  	_ =	swait.ge [sflag:s14], $0x4000  }
0x41: {  	s28 =	smov.u32 s31;
	s26 =	sshra.s32 s30, $0x2;
	[sflag:s14] =	ssyncset.done $0x0  }
0x42: {  	s28 =	sadd.s32 $0x14080, s26;
	[sflag:s14] =	ssyncadd.s32 $0xFFFFC000  }
0x43: {  	[tilespmem:s19], [sflag:$0x2] =	stream.indirect.gather [hbm4b:s4+s17], $0x80, s28, s17, $0xb8;
	[tilespmem:$0x1E800] =	vst v63  }
0x44: {  	_ =	swait.ge [sflag:s20], $0x4000  }
0x45: {  	[sflag:s20] =	ssyncset.done $0x0  }
0x46: {  	s28 =	sadd.s32 $0x15400, s26;
	[sflag:s20] =	ssyncadd.s32 $0xFFFFC000  }
0x47: {  	[spmem:s1] =	stream.indirect.scatter.add.f32 [tilespmem:s18], [sflag:$0x3], $0x80, s28, s17, $0xb8;
	[tilespmem:$0x1E800] =	vst v63  }
0x48: {  	_ =	swait.ge [sflag:s14], $0x4000  }
0x49: {  	[sflag:s14] =	ssyncset.done $0x0  }
0x4a: {  	s28 =	sadd.s32 $0x14100, s26;
	[sflag:s14] =	ssyncadd.s32 $0xFFFFC000  }
0x4b: {  	[tilespmem:s18], [sflag:$0x1] =	stream.indirect.gather [hbm4b:s4+s17], $0x80, s28, s17, $0xb8;
	[tilespmem:$0x1E800] =	vst v63  }
0x4c: {  	_ =	swait.ge [sflag:s21], $0x4000  }
0x4d: {  	[sflag:s21] =	ssyncset.done $0x0  }
0x4e: {  	s29 =	sadd.s32 $0x15480, s26;
	[sflag:s21] =	ssyncadd.s32 $0xFFFFC000  }
0x4f: {  	[spmem:s1] =	stream.indirect.scatter.add.f32 [tilespmem:s19], [sflag:$0x3], $0x80, s29, s17, $0xb8;
	[tilespmem:$0x1E800] =	vst v63  }
0x50: {  	_ =	swait.ge [sflag:s14], $0x4000  }
0x51: {  	[sflag:s14] =	ssyncset.done $0x0  }
0x52: {  	[sflag:s14] =	ssyncadd.s32 $0xFFFFC000  }
0x53: {  	[tilespmem:s19], [sflag:$0x2] =	stream.indirect.gather [hbm4b:s4+s17], $0x80, s22, s17, $0xb8;
	[tilespmem:$0x1E800] =	vst v63  }
0x54: {  	_ =	swait.ge [sflag:s20], $0x4000  }
0x55: {  	[sflag:s20] =	ssyncset.done $0x0  }
0x56: {  	[sflag:s20] =	ssyncadd.s32 $0xFFFFC000  }
0x57: {  	[spmem:s1] =	stream.indirect.scatter.add.f32 [tilespmem:s18], [sflag:$0x3], $0x80, s23, s17, $0xb8;
	[tilespmem:$0x1E800] =	vst v63  }
0x58: {  	_ =	swait.ge [sflag:s14], $0x4000  }
0x59: {  	[sflag:s14] =	ssyncset.done $0x0  }
0x5a: {  	[sflag:s14] =	ssyncadd.s32 $0xFFFFC000  }
0x5b: {  	_ =	swait.ge [sflag:s21], $0x4000  }
0x5c: {  	[sflag:s21] =	ssyncset.done $0x0  }
0x5d: {  	[sflag:s21] =	ssyncadd.s32 $0xFFFFC000  }
0x5e: {  	[spmem:s1] =	stream.indirect.scatter.add.f32 [tilespmem:s19], [sflag:$0x3], $0x80, s24, s17, $0xb8;
	[tilespmem:$0x1E800] =	vst v63  }
0x5f: {  	_ =	swait.ge [sflag:s14], $0x4000  }
0x60: {  	[sflag:s14] =	ssyncset.done $0x0  }
0x61: {  	s30 =	simm.s32 $0x0;
	[sflag:s14] =	ssyncadd.s32 $0xFFFFC000  }
0x62: {  	[tilespmem:s15], [sflag:$0x3] =	stream.linear.gather [hbm4b:s9+s30], $0x1400, $0x38;
	[tilespmem:$0x1E800] =	vst v63  }
0x63: {  	_ =	swait.ge [sflag:s14], $0x1400  }
0x64: {  	[sflag:s14] =	ssyncset.done $0x0  }
0x65: {  	[sflag:s14] =	ssyncadd.s32 $0xFFFFEC00  }
0x66: {  	[tilespmem:s16], [sflag:$0x3] =	stream.linear.gather [hbm4b:s10+s30], $0x1400, $0x38;
	[tilespmem:$0x1E800] =	vst v63  }
0x67: {  	_ =	swait.ge [sflag:s14], $0x1400  }
0x68: {  	[sflag:s14] =	ssyncset.done $0x0  }
0x69: {  	[sflag:s14] =	ssyncadd.s32 $0xFFFFEC00  }
0x6a: {  	[tilespmem:s18], [sflag:$0x1] =	stream.indirect.gather [hbm4b:s4+s17], $0x80, s15, s17, $0xb8;
	[tilespmem:$0x1E800] =	vst v63  }
0x6b: {  	s31 =	simm.s32 $0x14080  }
0x6c: {  	[tilespmem:s19], [sflag:$0x2] =	stream.indirect.gather [hbm4b:s4+s17], $0x80, s31, s17, $0xb8;
	[tilespmem:$0x1E800] =	vst v63  }
0x6d: {  	_ =	swait.ge [sflag:s20], $0x4000  }
0x6e: {  	[sflag:s20] =	ssyncset.done $0x0  }
0x6f: {  	s29 =	simm.s32 $0x15400;
	[sflag:s20] =	ssyncadd.s32 $0xFFFFC000  }
0x70: {  	[spmem:s1] =	stream.indirect.scatter.add.f32 [tilespmem:s18], [sflag:$0x3], $0x80, s29, s17, $0xb8;
	[tilespmem:$0x1E800] =	vst v63  }
0x71: {  	_ =	swait.ge [sflag:s14], $0x4000  }
0x72: {  	[sflag:s14] =	ssyncset.done $0x0  }
0x73: {  	s30 =	simm.s32 $0x14100;
	[sflag:s14] =	ssyncadd.s32 $0xFFFFC000  }
0x74: {  	[tilespmem:s18], [sflag:$0x1] =	stream.indirect.gather [hbm4b:s4+s17], $0x80, s30, s17, $0xb8;
	[tilespmem:$0x1E800] =	vst v63  }
0x75: {  	_ =	swait.ge [sflag:s21], $0x4000  }
0x76: {  	[sflag:s21] =	ssyncset.done $0x0  }
0x77: {  	s31 =	simm.s32 $0x15480;
	[sflag:s21] =	ssyncadd.s32 $0xFFFFC000  }
0x78: {  	[spmem:s1] =	stream.indirect.scatter.add.f32 [tilespmem:s19], [sflag:$0x3], $0x80, s31, s17, $0xb8;
	[tilespmem:$0x1E800] =	vst v63  }
0x79: {  	_ =	swait.ge [sflag:s14], $0x4000  }
0x7a: {  	s26 =	simm.s32 $0x100;
	s28 =	simm.s32 $0x800;
	[sflag:s14] =	ssyncset.done $0x0  }
.LBB2_4:
0x7b: {  	s29 =	sadd.s32 $0x14080, s26  }
0x7c: {  	[sflag:s14] =	ssyncadd.s32 $0xFFFFC000;
	s30 =	smov.u32 s28;
	s31 =	sadd.s32 $0x400, s28  }
0x7d: {  	[tilespmem:s19], [sflag:$0x2] =	stream.indirect.gather [hbm4b:s4+s17], $0x80, s29, s17, $0xb8;
	[tilespmem:$0x1E800] =	vst v63  }
0x7e: {  	p0 =	sne.s32 s28, $0x4800;
	_ =	swait.ge [sflag:s20], $0x4000  }
0x7f: {  	[sflag:s20] =	ssyncset.done $0x0  }
0x80: {  	s28 =	sadd.s32 $0x15400, s26;
	[sflag:s20] =	ssyncadd.s32 $0xFFFFC000  }
0x81: {  	[spmem:s1] =	stream.indirect.scatter.add.f32 [tilespmem:s18], [sflag:$0x3], $0x80, s28, s17, $0xb8;
	[tilespmem:$0x1E800] =	vst v63  }
0x82: {  	_ =	swait.ge [sflag:s14], $0x4000  }
0x83: {  	[sflag:s14] =	ssyncset.done $0x0  }
0x84: {  	s28 =	sadd.s32 $0x14100, s26;
	[sflag:s14] =	ssyncadd.s32 $0xFFFFC000  }
0x85: {  	[tilespmem:s18], [sflag:$0x1] =	stream.indirect.gather [hbm4b:s4+s17], $0x80, s28, s17, $0xb8;
	[tilespmem:$0x1E800] =	vst v63  }
0x86: {  	_ =	swait.ge [sflag:s21], $0x4000  }
.Ltmp1:
0x87: {  	[sflag:s21] =	ssyncset.done $0x0;
	(pc) =	sbr.rel @p0 .LBB2_4-.Ltmp1, $4  }
0x88: {  	s26 =	sadd.s32 $0x15480, s26;
	[sflag:s21] =	ssyncadd.s32 $0xFFFFC000  }
0x89: {  	[spmem:s1] =	stream.indirect.scatter.add.f32 [tilespmem:s19], [sflag:$0x3], $0x80, s26, s17, $0xb8;
	[tilespmem:$0x1E800] =	vst v63  }
0x8a: {  	_ =	swait.ge [sflag:s14], $0x4000  }
0x8b: {  	s28 =	smov.u32 s31;
	s26 =	sshra.s32 s30, $0x2;
	[sflag:s14] =	ssyncset.done $0x0  }
0x8c: {  	s28 =	sadd.s32 $0x14080, s26;
	[sflag:s14] =	ssyncadd.s32 $0xFFFFC000  }
0x8d: {  	[tilespmem:s19], [sflag:$0x2] =	stream.indirect.gather [hbm4b:s4+s17], $0x80, s28, s17, $0xb8;
	[tilespmem:$0x1E800] =	vst v63  }
0x8e: {  	_ =	swait.ge [sflag:s20], $0x4000  }
0x8f: {  	[sflag:s20] =	ssyncset.done $0x0  }
0x90: {  	s29 =	sadd.s32 $0x15400, s26;
	[sflag:s20] =	ssyncadd.s32 $0xFFFFC000  }
0x91: {  	[spmem:s1] =	stream.indirect.scatter.add.f32 [tilespmem:s18], [sflag:$0x3], $0x80, s29, s17, $0xb8;
	[tilespmem:$0x1E800] =	vst v63  }
0x92: {  	_ =	swait.ge [sflag:s14], $0x4000  }
0x93: {  	[sflag:s14] =	ssyncset.done $0x0  }
0x94: {  	s30 =	sadd.s32 $0x14100, s26;
	[sflag:s14] =	ssyncadd.s32 $0xFFFFC000  }
0x95: {  	[tilespmem:s18], [sflag:$0x1] =	stream.indirect.gather [hbm4b:s4+s17], $0x80, s30, s17, $0xb8;
	[tilespmem:$0x1E800] =	vst v63  }
0x96: {  	_ =	swait.ge [sflag:s21], $0x4000  }
0x97: {  	[sflag:s21] =	ssyncset.done $0x0  }
0x98: {  	s31 =	sadd.s32 $0x15480, s26;
	[sflag:s21] =	ssyncadd.s32 $0xFFFFC000  }
0x99: {  	[spmem:s1] =	stream.indirect.scatter.add.f32 [tilespmem:s19], [sflag:$0x3], $0x80, s31, s17, $0xb8;
	[tilespmem:$0x1E800] =	vst v63  }
0x9a: {  	_ =	swait.ge [sflag:s14], $0x4000  }
0x9b: {  	[sflag:s14] =	ssyncset.done $0x0  }
0x9c: {  	[sflag:s14] =	ssyncadd.s32 $0xFFFFC000  }
0x9d: {  	[tilespmem:s19], [sflag:$0x2] =	stream.indirect.gather [hbm4b:s4+s17], $0x80, s22, s17, $0xb8;
	[tilespmem:$0x1E800] =	vst v63  }
0x9e: {  	_ =	swait.ge [sflag:s20], $0x4000  }
0x9f: {  	[sflag:s20] =	ssyncset.done $0x0  }
0xa0: {  	[sflag:s20] =	ssyncadd.s32 $0xFFFFC000  }
0xa1: {  	[spmem:s1] =	stream.indirect.scatter.add.f32 [tilespmem:s18], [sflag:$0x3], $0x80, s23, s17, $0xb8;
	[tilespmem:$0x1E800] =	vst v63  }
0xa2: {  	_ =	swait.ge [sflag:s14], $0x4000  }
0xa3: {  	[sflag:s14] =	ssyncset.done $0x0  }
0xa4: {  	[sflag:s14] =	ssyncadd.s32 $0xFFFFC000  }
0xa5: {  	_ =	swait.ge [sflag:s21], $0x4000  }
0xa6: {  	[sflag:s21] =	ssyncset.done $0x0  }
0xa7: {  	[sflag:s21] =	ssyncadd.s32 $0xFFFFC000  }
0xa8: {  	[spmem:s1] =	stream.indirect.scatter.add.f32 [tilespmem:s19], [sflag:$0x3], $0x80, s24, s17, $0xb8;
	[tilespmem:$0x1E800] =	vst v63  }
0xa9: {  	_ =	swait.ge [sflag:s14], $0x4000  }
0xaa: {  	[sflag:s14] =	ssyncset.done $0x0  }
0xab: {  	s25 =	sadd.s32 $0x1, s25;
	[sflag:s14] =	ssyncadd.s32 $0xFFFFC000  }
0xac: {  	p0 =	sne.s32 s25, s12;
	[bflag:$0x0] =	sbarrier.arrive $0xFFFF  }
0xad: {  	[hbm:s11], [sflag:s6] =	dma.local [spmem:s13], $0x2800  }
.Ltmp2:
0xae: {  	_ =	swait.ge [sflag:s14], $0x2800;
	(pc) =	sbr.rel @p0 .LBB2_1-.Ltmp2, $3  }
0xaf: {  	[sflag:s14] =	ssyncset.done $0x0  }
0xb0: {  	[sflag:s14] =	ssyncadd.s32 $0xFFFFD800  }
0xb1: {  	[bflag:$0x0] =	sbarrier.arrive $0xFFFF;
	_ =	sdelay $0x1  }
0xb2: {  	_ =	sfence.sel $0x180000  }
0xb3: {  	[bflag:$0x0] =	sbarrier.arrive $0xFFFF  }
0xb4: {  	p0 =	sne.s32 s2, $0x0;
	_ =	strace $0x90000050  }
0xb5: {  	s0 =	sadd.s32 @!p0 $0x100000, s0;
	[bflag:$0x2] =	sbarrier.arrive $0xFFFF  }
0xb6: {  	[sflag:s0] =	ssyncadd.tile.s32 @!p0 $0x1;
	_ =	shalt  }
.Lfunc_end2:
_tile_overlayer_lowered:
.L_overlay_start_2:
0xb7: {  	(tag) =	ssettag $0x2  }
0xb8: {  	s0 =	rddreg [dreg:$0x0];
	s2 =	stileid.u32  }
0xb9: {  	s1 =	rddreg [dreg:$0x1];
	p0 =	sne.s32 s2, $0x0  }
0xba: {  	s3 =	rddreg [dreg:$0x2];
	[bflag:$0x3] =	sbarrier.arrive $0xFFFF;
	s2 =	simm.s32 @!p0 $0x1C03  }
0xbb: {  	[timem:s3], [sflag:s2] =	dma.local @!p0 [hbm:s0], s1  }
0xbc: {  	s0 =	simm.s32 @!p0 $0x3  }
0xbd: {  	_ =	swait.ge @!p0 [sflag:s0], s1  }
0xbe: {  	s1 =	ssub.s32 @!p0 $0x0, s1;
	[sflag:s0] =	ssyncset.done @!p0 $0x0  }
0xbf: {  	[sflag:s0] =	ssyncadd.s32 @!p0 s1  }
0xc0: {  	[bflag:$0x3] =	sbarrier.arrive $0xFFFF  }
0xc1: {  	_ =	shalt  }

</sc_bundles>
